<compile_context>
chip_gen: v7x
topology: tpu7x:2x2x1
jax: 0.10.2.dev20260603
libtpu: 0.0.44.dev20260713+nightly
codegen_flags: <defaults>
</compile_context>

<pallas_src>
import functools

import jax
import jax.numpy as jnp
from jax import lax
from jax.experimental import pallas as pl
from jax.experimental.pallas import tpu as pltpu
from jax.experimental.pallas import tpu_sc as plsc

_N = 100000
_OBS_D = 17
_ACT_D = 6
_NW = 32
_ROWS = 3136
_CHUNK = 112
_NCHUNK = _ROWS // _CHUNK
_NBUF = 3


def _sc_copy_body(obs_hbm, act_hbm, obs_out, act_out,
                  obs_v, act_v, sem_in, sem_out):
    c = lax.axis_index("c")
    s = lax.axis_index("s")
    wid = s * 2 + c
    base = jnp.minimum(wid * _ROWS, _N - _ROWS)

    def start_in(i):
        b = i % _NBUF
        lo = base + i * _CHUNK
        return (
            pltpu.async_copy(
                obs_hbm.at[pl.ds(lo, _CHUNK), :], obs_v.at[b], sem_in),
            pltpu.async_copy(
                act_hbm.at[pl.ds(lo, _CHUNK), :], act_v.at[b], sem_in),
        )

    def start_out(i):
        b = i % _NBUF
        lo = base + i * _CHUNK
        return (
            pltpu.async_copy(
                obs_v.at[b], obs_out.at[pl.ds(lo, _CHUNK), :], sem_out),
            pltpu.async_copy(
                act_v.at[b], act_out.at[pl.ds(lo, _CHUNK), :], sem_out),
        )

    ins = [None] * _NCHUNK
    outs = [None] * _NCHUNK
    ins[0] = start_in(0)
    for i in range(_NCHUNK):
        nxt = i + 1
        if nxt < _NCHUNK:
            if nxt >= _NBUF:
                for cp in outs[nxt - _NBUF]:
                    cp.wait()
            ins[nxt] = start_in(nxt)
        for cp in ins[i]:
            cp.wait()
        outs[i] = start_out(i)
    for i in range(_NCHUNK - _NBUF, _NCHUNK):
        for cp in outs[i]:
            cp.wait()


def kernel(obs_table, act_table):
    k = functools.partial(
        pl.kernel,
        out_type=(
            jax.ShapeDtypeStruct((_N, _OBS_D), jnp.float32),
            jax.ShapeDtypeStruct((_N, _ACT_D), jnp.float32),
        ),
        mesh=plsc.VectorSubcoreMesh(core_axis_name="c", subcore_axis_name="s"),
        scratch_types=[
            pltpu.VMEM((_NBUF, _CHUNK, _OBS_D), jnp.float32),
            pltpu.VMEM((_NBUF, _CHUNK, _ACT_D), jnp.float32),
            pltpu.SemaphoreType.DMA,
            pltpu.SemaphoreType.DMA,
        ],
    )(_sc_copy_body)
    return k(obs_table, act_table)

# --- scband reference (transcript-rebuilt; emitter-appended) ---
"""Pipeline reference for scband-net-9242769621044 (READ-ONLY COPY).

The authoritative reference and input builder live on the scoring server;
editing this copy changes nothing except your own understanding.
"""

import jax, jax.numpy as jnp
import numpy as np

SYN_DSET_SIZE = 100000
OBS_DIM = 17
ACT_DIM = 6


def setup_inputs(seed: int = 0) -> dict:
    key = jax.random.key(seed)
    k1, k2 = jax.random.split(key)
    # Learned parameters: the two nn.Embedding weight tables
    obs_table = jax.random.normal(k1, (SYN_DSET_SIZE, OBS_DIM), dtype=jnp.float32)
    act_table = jax.random.normal(k2, (SYN_DSET_SIZE, ACT_DIM), dtype=jnp.float32)
    return {"obs_table": obs_table, "act_table": act_table}


def reference(obs_table, act_table):
    # Faithful translation: Net.forward(placeholder=None) returns the two
    # embedding modules, i.e. the full synthetic-dataset weight tables.
    # In JAX this is materializing both full embedding tables.
    observations = obs_table
    actions = act_table
    return (observations, actions)

if __name__ == "__main__":
    import jax
    _d = setup_inputs()
    print(jax.jit(kernel)(*tuple(_d.values())))

</pallas_src>

<mosaic_0001>
#map = affine_map<(d0, d1) -> (0, 0)>
module attributes {stable_mosaic.version = 14 : i64} {
  func.func @_sc_copy_body(%arg0: i32, %arg1: i32, %arg2: memref<100000x17xf32, #tpu.memory_space<hbm>>, %arg3: memref<100000x6xf32, #tpu.memory_space<hbm>>, %arg4: memref<100000x17xf32, #tpu.memory_space<hbm>>, %arg5: memref<100000x6xf32, #tpu.memory_space<hbm>>, %arg6: memref<3x112x17xf32, #tpu.memory_space<vmem>>, %arg7: memref<3x112x6xf32, #tpu.memory_space<vmem>>, %arg8: memref<!tpu.dma_semaphore, #tpu.memory_space<semaphore_mem>>, %arg9: memref<!tpu.dma_semaphore, #tpu.memory_space<semaphore_mem>>) attributes {dimension_semantics = [#tpu.dimension_semantics<core_parallel>, #tpu.dimension_semantics<subcore_parallel>], iteration_bounds = array<i64: 2, 16>, scalar_prefetch = 0 : i64, scratch_operands = 4 : i64, tpu.core_type = #tpu.core_type<sc_vector_subcore>, window_params = [{transform_indices = #map}, {transform_indices = #map}, {transform_indices = #map}, {transform_indices = #map}]} {
    %mul3A = arith.constant 2 : i32
    %mul3A_0 = arith.muli %arg1, %mul3A : i32
    %add3A = arith.addi %mul3A_0, %arg0 : i32
    %mul3A_1 = arith.constant 3136 : i32
    %mul3A_2 = arith.muli %add3A, %mul3A_1 : i32
    %min3A = arith.constant 96864 : i32
    %min3A_3 = arith.minsi %mul3A_2, %min3A : i32
    %add3A_4 = arith.constant 0 : i32
    %add3A_5 = arith.addi %min3A_3, %add3A_4 : i32
    %dma_start3A = arith.constant 0 : i32
    %dma_start3A_6 = arith.constant 0 : i32
    %dma_start3A_7 = arith.constant 0 : i32
    %dma_start3A_8 = tpu.memref_slice %arg6[%dma_start3A, %dma_start3A_6, %dma_start3A_7] : memref<3x112x17xf32, #tpu.memory_space<vmem>> -> memref<1x112x17xf32, #tpu.memory_space<vmem>>
    %dma_start3A_9 = tpu.memref_squeeze %dma_start3A_8 : memref<1x112x17xf32, #tpu.memory_space<vmem>> -> memref<112x17xf32, #tpu.memory_space<vmem>>
    %dma_start3A_10 = arith.constant 0 : i32
    %dma_start3A_11 = tpu.memref_slice %arg2[%add3A_5, %dma_start3A_10] : memref<100000x17xf32, #tpu.memory_space<hbm>> -> memref<112x17xf32, #tpu.memory_space<hbm>>
    %dma_start3A_12 = arith.constant 0 : i32
    %dma_start3A_13 = arith.constant 0 : i32
    %dma_start3A_14 = tpu.memref_slice %arg6[%dma_start3A, %dma_start3A_12, %dma_start3A_13] : memref<3x112x17xf32, #tpu.memory_space<vmem>> -> memref<1x112x17xf32, #tpu.memory_space<vmem>>
    %dma_start3A_15 = tpu.memref_squeeze %dma_start3A_14 : memref<1x112x17xf32, #tpu.memory_space<vmem>> -> memref<112x17xf32, #tpu.memory_space<vmem>>
    %dma_start3A_16 = arith.constant 0 : i32
    %dma_start3A_17 = tpu.memref_slice %arg2[%add3A_5, %dma_start3A_16] : memref<100000x17xf32, #tpu.memory_space<hbm>> -> memref<112x17xf32, #tpu.memory_space<hbm>>
    tpu.enqueue_dma source(%dma_start3A_17 : memref<112x17xf32, #tpu.memory_space<hbm>>) target(%dma_start3A_15 : memref<112x17xf32, #tpu.memory_space<vmem>>) target_semaphore(%arg8 : memref<!tpu.dma_semaphore, #tpu.memory_space<semaphore_mem>>)
    %dma_start3A_18 = arith.constant 0 : i32
    %dma_start3A_19 = arith.constant 0 : i32
    %dma_start3A_20 = arith.constant 0 : i32
    %dma_start3A_21 = tpu.memref_slice %arg7[%dma_start3A_18, %dma_start3A_19, %dma_start3A_20] : memref<3x112x6xf32, #tpu.memory_space<vmem>> -> memref<1x112x6xf32, #tpu.memory_space<vmem>>
    %dma_start3A_22 = tpu.memref_squeeze %dma_start3A_21 : memref<1x112x6xf32, #tpu.memory_space<vmem>> -> memref<112x6xf32, #tpu.memory_space<vmem>>
    %dma_start3A_23 = arith.constant 0 : i32
    %dma_start3A_24 = tpu.memref_slice %arg3[%add3A_5, %dma_start3A_23] : memref<100000x6xf32, #tpu.memory_space<hbm>> -> memref<112x6xf32, #tpu.memory_space<hbm>>
    %dma_start3A_25 = arith.constant 0 : i32
    %dma_start3A_26 = arith.constant 0 : i32
    %dma_start3A_27 = tpu.memref_slice %arg7[%dma_start3A_18, %dma_start3A_25, %dma_start3A_26] : memref<3x112x6xf32, #tpu.memory_space<vmem>> -> memref<1x112x6xf32, #tpu.memory_space<vmem>>
    %dma_start3A_28 = tpu.memref_squeeze %dma_start3A_27 : memref<1x112x6xf32, #tpu.memory_space<vmem>> -> memref<112x6xf32, #tpu.memory_space<vmem>>
    %dma_start3A_29 = arith.constant 0 : i32
    %dma_start3A_30 = tpu.memref_slice %arg3[%add3A_5, %dma_start3A_29] : memref<100000x6xf32, #tpu.memory_space<hbm>> -> memref<112x6xf32, #tpu.memory_space<hbm>>
    tpu.enqueue_dma source(%dma_start3A_30 : memref<112x6xf32, #tpu.memory_space<hbm>>) target(%dma_start3A_28 : memref<112x6xf32, #tpu.memory_space<vmem>>) target_semaphore(%arg8 : memref<!tpu.dma_semaphore, #tpu.memory_space<semaphore_mem>>)
    %add3A_31 = arith.constant 112 : i32
    %add3A_32 = arith.addi %min3A_3, %add3A_31 : i32
    %dma_start3A_33 = arith.constant 1 : i32
    %dma_start3A_34 = arith.constant 0 : i32
    %dma_start3A_35 = arith.constant 0 : i32
    %dma_start3A_36 = tpu.memref_slice %arg6[%dma_start3A_33, %dma_start3A_34, %dma_start3A_35] : memref<3x112x17xf32, #tpu.memory_space<vmem>> -> memref<1x112x17xf32, #tpu.memory_space<vmem>>
    %dma_start3A_37 = tpu.memref_squeeze %dma_start3A_36 : memref<1x112x17xf32, #tpu.memory_space<vmem>> -> memref<112x17xf32, #tpu.memory_space<vmem>>
    %dma_start3A_38 = arith.constant 0 : i32
    %dma_start3A_39 = tpu.memref_slice %arg2[%add3A_32, %dma_start3A_38] : memref<100000x17xf32, #tpu.memory_space<hbm>> -> memref<112x17xf32, #tpu.memory_space<hbm>>
    %dma_start3A_40 = arith.constant 0 : i32
    %dma_start3A_41 = arith.constant 0 : i32
    %dma_start3A_42 = tpu.memref_slice %arg6[%dma_start3A_33, %dma_start3A_40, %dma_start3A_41] : memref<3x112x17xf32, #tpu.memory_space<vmem>> -> memref<1x112x17xf32, #tpu.memory_space<vmem>>
    %dma_start3A_43 = tpu.memref_squeeze %dma_start3A_42 : memref<1x112x17xf32, #tpu.memory_space<vmem>> -> memref<112x17xf32, #tpu.memory_space<vmem>>
    %dma_start3A_44 = arith.constant 0 : i32
    %dma_start3A_45 = tpu.memref_slice %arg2[%add3A_32, %dma_start3A_44] : memref<100000x17xf32, #tpu.memory_space<hbm>> -> memref<112x17xf32, #tpu.memory_space<hbm>>
    tpu.enqueue_dma source(%dma_start3A_45 : memref<112x17xf32, #tpu.memory_space<hbm>>) target(%dma_start3A_43 : memref<112x17xf32, #tpu.memory_space<vmem>>) target_semaphore(%arg8 : memref<!tpu.dma_semaphore, #tpu.memory_space<semaphore_mem>>)
    %dma_start3A_46 = arith.constant 1 : i32
    %dma_start3A_47 = arith.constant 0 : i32
    %dma_start3A_48 = arith.constant 0 : i32
    %dma_start3A_49 = tpu.memref_slice %arg7[%dma_start3A_46, %dma_start3A_47, %dma_start3A_48] : memref<3x112x6xf32, #tpu.memory_space<vmem>> -> memref<1x112x6xf32, #tpu.memory_space<vmem>>
    %dma_start3A_50 = tpu.memref_squeeze %dma_start3A_49 : memref<1x112x6xf32, #tpu.memory_space<vmem>> -> memref<112x6xf32, #tpu.memory_space<vmem>>
    %dma_start3A_51 = arith.constant 0 : i32
    %dma_start3A_52 = tpu.memref_slice %arg3[%add3A_32, %dma_start3A_51] : memref<100000x6xf32, #tpu.memory_space<hbm>> -> memref<112x6xf32, #tpu.memory_space<hbm>>
    %dma_start3A_53 = arith.constant 0 : i32
    %dma_start3A_54 = arith.constant 0 : i32
    %dma_start3A_55 = tpu.memref_slice %arg7[%dma_start3A_46, %dma_start3A_53, %dma_start3A_54] : memref<3x112x6xf32, #tpu.memory_space<vmem>> -> memref<1x112x6xf32, #tpu.memory_space<vmem>>
    %dma_start3A_56 = tpu.memref_squeeze %dma_start3A_55 : memref<1x112x6xf32, #tpu.memory_space<vmem>> -> memref<112x6xf32, #tpu.memory_space<vmem>>
    %dma_start3A_57 = arith.constant 0 : i32
    %dma_start3A_58 = tpu.memref_slice %arg3[%add3A_32, %dma_start3A_57] : memref<100000x6xf32, #tpu.memory_space<hbm>> -> memref<112x6xf32, #tpu.memory_space<hbm>>
    tpu.enqueue_dma source(%dma_start3A_58 : memref<112x6xf32, #tpu.memory_space<hbm>>) target(%dma_start3A_56 : memref<112x6xf32, #tpu.memory_space<vmem>>) target_semaphore(%arg8 : memref<!tpu.dma_semaphore, #tpu.memory_space<semaphore_mem>>)
    %dma_wait3A = arith.constant 0 : i32
    %dma_wait3A_59 = arith.constant 0 : i32
    %dma_wait3A_60 = arith.constant 0 : i32
    %dma_wait3A_61 = tpu.memref_slice %arg6[%dma_wait3A, %dma_wait3A_59, %dma_wait3A_60] : memref<3x112x17xf32, #tpu.memory_space<vmem>> -> memref<1x112x17xf32, #tpu.memory_space<vmem>>
    %dma_wait3A_62 = tpu.memref_squeeze %dma_wait3A_61 : memref<1x112x17xf32, #tpu.memory_space<vmem>> -> memref<112x17xf32, #tpu.memory_space<vmem>>
    %dma_wait3A_63 = arith.constant 0 : i32
    %dma_wait3A_64 = tpu.memref_slice %arg2[%add3A_5, %dma_wait3A_63] : memref<100000x17xf32, #tpu.memory_space<hbm>> -> memref<112x17xf32, #tpu.memory_space<hbm>>
    %dma_wait3A_65 = arith.constant 0 : i32
    %dma_wait3A_66 = arith.constant 0 : i32
    %dma_wait3A_67 = tpu.memref_slice %arg6[%dma_wait3A, %dma_wait3A_65, %dma_wait3A_66] : memref<3x112x17xf32, #tpu.memory_space<vmem>> -> memref<1x112x17xf32, #tpu.memory_space<vmem>>
    %dma_wait3A_68 = tpu.memref_squeeze %dma_wait3A_67 : memref<1x112x17xf32, #tpu.memory_space<vmem>> -> memref<112x17xf32, #tpu.memory_space<vmem>>
    %dma_wait3A_69 = arith.constant 0 : i32
    %dma_wait3A_70 = tpu.memref_slice %arg2[%add3A_5, %dma_wait3A_69] : memref<100000x17xf32, #tpu.memory_space<hbm>> -> memref<112x17xf32, #tpu.memory_space<hbm>>
    tpu.wait_dma2 semaphore(%arg8 : memref<!tpu.dma_semaphore, #tpu.memory_space<semaphore_mem>>) src(%dma_wait3A_70 : memref<112x17xf32, #tpu.memory_space<hbm>>) dst(%dma_wait3A_68 : memref<112x17xf32, #tpu.memory_space<vmem>>)
    %dma_wait3A_71 = arith.constant 0 : i32
    %dma_wait3A_72 = arith.constant 0 : i32
    %dma_wait3A_73 = arith.constant 0 : i32
    %dma_wait3A_74 = tpu.memref_slice %arg7[%dma_wait3A_71, %dma_wait3A_72, %dma_wait3A_73] : memref<3x112x6xf32, #tpu.memory_space<vmem>> -> memref<1x112x6xf32, #tpu.memory_space<vmem>>
    %dma_wait3A_75 = tpu.memref_squeeze %dma_wait3A_74 : memref<1x112x6xf32, #tpu.memory_space<vmem>> -> memref<112x6xf32, #tpu.memory_space<vmem>>
    %dma_wait3A_76 = arith.constant 0 : i32
    %dma_wait3A_77 = tpu.memref_slice %arg3[%add3A_5, %dma_wait3A_76] : memref<100000x6xf32, #tpu.memory_space<hbm>> -> memref<112x6xf32, #tpu.memory_space<hbm>>
    %dma_wait3A_78 = arith.constant 0 : i32
    %dma_wait3A_79 = arith.constant 0 : i32
    %dma_wait3A_80 = tpu.memref_slice %arg7[%dma_wait3A_71, %dma_wait3A_78, %dma_wait3A_79] : memref<3x112x6xf32, #tpu.memory_space<vmem>> -> memref<1x112x6xf32, #tpu.memory_space<vmem>>
    %dma_wait3A_81 = tpu.memref_squeeze %dma_wait3A_80 : memref<1x112x6xf32, #tpu.memory_space<vmem>> -> memref<112x6xf32, #tpu.memory_space<vmem>>
    %dma_wait3A_82 = arith.constant 0 : i32
    %dma_wait3A_83 = tpu.memref_slice %arg3[%add3A_5, %dma_wait3A_82] : memref<100000x6xf32, #tpu.memory_space<hbm>> -> memref<112x6xf32, #tpu.memory_space<hbm>>
    tpu.wait_dma2 semaphore(%arg8 : memref<!tpu.dma_semaphore, #tpu.memory_space<semaphore_mem>>) src(%dma_wait3A_83 : memref<112x6xf32, #tpu.memory_space<hbm>>) dst(%dma_wait3A_81 : memref<112x6xf32, #tpu.memory_space<vmem>>)
    %add3A_84 = arith.constant 0 : i32
    %add3A_85 = arith.addi %min3A_3, %add3A_84 : i32
    %dma_start3A_86 = arith.constant 0 : i32
    %dma_start3A_87 = arith.constant 0 : i32
    %dma_start3A_88 = arith.constant 0 : i32
    %dma_start3A_89 = tpu.memref_slice %arg6[%dma_start3A_86, %dma_start3A_87, %dma_start3A_88] : memref<3x112x17xf32, #tpu.memory_space<vmem>> -> memref<1x112x17xf32, #tpu.memory_space<vmem>>
    %dma_start3A_90 = tpu.memref_squeeze %dma_start3A_89 : memref<1x112x17xf32, #tpu.memory_space<vmem>> -> memref<112x17xf32, #tpu.memory_space<vmem>>
    %dma_start3A_91 = arith.constant 0 : i32
    %dma_start3A_92 = tpu.memref_slice %arg4[%add3A_85, %dma_start3A_91] : memref<100000x17xf32, #tpu.memory_space<hbm>> -> memref<112x17xf32, #tpu.memory_space<hbm>>
    %dma_start3A_93 = arith.constant 0 : i32
    %dma_start3A_94 = tpu.memref_slice %arg4[%add3A_85, %dma_start3A_93] : memref<100000x17xf32, #tpu.memory_space<hbm>> -> memref<112x17xf32, #tpu.memory_space<hbm>>
    %dma_start3A_95 = arith.constant 0 : i32
    %dma_start3A_96 = arith.constant 0 : i32
    %dma_start3A_97 = tpu.memref_slice %arg6[%dma_start3A_86, %dma_start3A_95, %dma_start3A_96] : memref<3x112x17xf32, #tpu.memory_space<vmem>> -> memref<1x112x17xf32, #tpu.memory_space<vmem>>
    %dma_start3A_98 = tpu.memref_squeeze %dma_start3A_97 : memref<1x112x17xf32, #tpu.memory_space<vmem>> -> memref<112x17xf32, #tpu.memory_space<vmem>>
    tpu.enqueue_dma source(%dma_start3A_98 : memref<112x17xf32, #tpu.memory_space<vmem>>) target(%dma_start3A_94 : memref<112x17xf32, #tpu.memory_space<hbm>>) target_semaphore(%arg9 : memref<!tpu.dma_semaphore, #tpu.memory_space<semaphore_mem>>)
    %dma_start3A_99 = arith.constant 0 : i32
    %dma_start3A_100 = arith.constant 0 : i32
    %dma_start3A_101 = arith.constant 0 : i32
    %dma_start3A_102 = tpu.memref_slice %arg7[%dma_start3A_99, %dma_start3A_100, %dma_start3A_101] : memref<3x112x6xf32, #tpu.memory_space<vmem>> -> memref<1x112x6xf32, #tpu.memory_space<vmem>>
    %dma_start3A_103 = tpu.memref_squeeze %dma_start3A_102 : memref<1x112x6xf32, #tpu.memory_space<vmem>> -> memref<112x6xf32, #tpu.memory_space<vmem>>
    %dma_start3A_104 = arith.constant 0 : i32
    %dma_start3A_105 = tpu.memref_slice %arg5[%add3A_85, %dma_start3A_104] : memref<100000x6xf32, #tpu.memory_space<hbm>> -> memref<112x6xf32, #tpu.memory_space<hbm>>
    %dma_start3A_106 = arith.constant 0 : i32
    %dma_start3A_107 = tpu.memref_slice %arg5[%add3A_85, %dma_start3A_106] : memref<100000x6xf32, #tpu.memory_space<hbm>> -> memref<112x6xf32, #tpu.memory_space<hbm>>
    %dma_start3A_108 = arith.constant 0 : i32
    %dma_start3A_109 = arith.constant 0 : i32
    %dma_start3A_110 = tpu.memref_slice %arg7[%dma_start3A_99, %dma_start3A_108, %dma_start3A_109] : memref<3x112x6xf32, #tpu.memory_space<vmem>> -> memref<1x112x6xf32, #tpu.memory_space<vmem>>
    %dma_start3A_111 = tpu.memref_squeeze %dma_start3A_110 : memref<1x112x6xf32, #tpu.memory_space<vmem>> -> memref<112x6xf32, #tpu.memory_space<vmem>>
    tpu.enqueue_dma source(%dma_start3A_111 : memref<112x6xf32, #tpu.memory_space<vmem>>) target(%dma_start3A_107 : memref<112x6xf32, #tpu.memory_space<hbm>>) target_semaphore(%arg9 : memref<!tpu.dma_semaphore, #tpu.memory_space<semaphore_mem>>)
    %add3A_112 = arith.constant 224 : i32
    %add3A_113 = arith.addi %min3A_3, %add3A_112 : i32
    %dma_start3A_114 = arith.constant 2 : i32
    %dma_start3A_115 = arith.constant 0 : i32
    %dma_start3A_116 = arith.constant 0 : i32
    %dma_start3A_117 = tpu.memref_slice %arg6[%dma_start3A_114, %dma_start3A_115, %dma_start3A_116] : memref<3x112x17xf32, #tpu.memory_space<vmem>> -> memref<1x112x17xf32, #tpu.memory_space<vmem>>
    %dma_start3A_118 = tpu.memref_squeeze %dma_start3A_117 : memref<1x112x17xf32, #tpu.memory_space<vmem>> -> memref<112x17xf32, #tpu.memory_space<vmem>>
    %dma_start3A_119 = arith.constant 0 : i32
    %dma_start3A_120 = tpu.memref_slice %arg2[%add3A_113, %dma_start3A_119] : memref<100000x17xf32, #tpu.memory_space<hbm>> -> memref<112x17xf32, #tpu.memory_space<hbm>>
    %dma_start3A_121 = arith.constant 0 : i32
    %dma_start3A_122 = arith.constant 0 : i32
    %dma_start3A_123 = tpu.memref_slice %arg6[%dma_start3A_114, %dma_start3A_121, %dma_start3A_122] : memref<3x112x17xf32, #tpu.memory_space<vmem>> -> memref<1x112x17xf32, #tpu.memory_space<vmem>>
    %dma_start3A_124 = tpu.memref_squeeze %dma_start3A_123 : memref<1x112x17xf32, #tpu.memory_space<vmem>> -> memref<112x17xf32, #tpu.memory_space<vmem>>
    %dma_start3A_125 = arith.constant 0 : i32
    %dma_start3A_126 = tpu.memref_slice %arg2[%add3A_113, %dma_start3A_125] : memref<100000x17xf32, #tpu.memory_space<hbm>> -> memref<112x17xf32, #tpu.memory_space<hbm>>
    tpu.enqueue_dma source(%dma_start3A_126 : memref<112x17xf32, #tpu.memory_space<hbm>>) target(%dma_start3A_124 : memref<112x17xf32, #tpu.memory_space<vmem>>) target_semaphore(%arg8 : memref<!tpu.dma_semaphore, #tpu.memory_space<semaphore_mem>>)
    %dma_start3A_127 = arith.constant 2 : i32
    %dma_start3A_128 = arith.constant 0 : i32
    %dma_start3A_129 = arith.constant 0 : i32
    %dma_start3A_130 = tpu.memref_slice %arg7[%dma_start3A_127, %dma_start3A_128, %dma_start3A_129] : memref<3x112x6xf32, #tpu.memory_space<vmem>> -> memref<1x112x6xf32, #tpu.memory_space<vmem>>
    %dma_start3A_131 = tpu.memref_squeeze %dma_start3A_130 : memref<1x112x6xf32, #tpu.memory_space<vmem>> -> memref<112x6xf32, #tpu.memory_space<vmem>>
    %dma_start3A_132 = arith.constant 0 : i32
    %dma_start3A_133 = tpu.memref_slice %arg3[%add3A_113, %dma_start3A_132] : memref<100000x6xf32, #tpu.memory_space<hbm>> -> memref<112x6xf32, #tpu.memory_space<hbm>>
    %dma_start3A_134 = arith.constant 0 : i32
    %dma_start3A_135 = arith.constant 0 : i32
    %dma_start3A_136 = tpu.memref_slice %arg7[%dma_start3A_127, %dma_start3A_134, %dma_start3A_135] : memref<3x112x6xf32, #tpu.memory_space<vmem>> -> memref<1x112x6xf32, #tpu.memory_space<vmem>>
    %dma_start3A_137 = tpu.memref_squeeze %dma_start3A_136 : memref<1x112x6xf32, #tpu.memory_space<vmem>> -> memref<112x6xf32, #tpu.memory_space<vmem>>
    %dma_start3A_138 = arith.constant 0 : i32
    %dma_start3A_139 = tpu.memref_slice %arg3[%add3A_113, %dma_start3A_138] : memref<100000x6xf32, #tpu.memory_space<hbm>> -> memref<112x6xf32, #tpu.memory_space<hbm>>
    tpu.enqueue_dma source(%dma_start3A_139 : memref<112x6xf32, #tpu.memory_space<hbm>>) target(%dma_start3A_137 : memref<112x6xf32, #tpu.memory_space<vmem>>) target_semaphore(%arg8 : memref<!tpu.dma_semaphore, #tpu.memory_space<semaphore_mem>>)
    %dma_wait3A_140 = arith.constant 1 : i32
    %dma_wait3A_141 = arith.constant 0 : i32
    %dma_wait3A_142 = arith.constant 0 : i32
    %dma_wait3A_143 = tpu.memref_slice %arg6[%dma_wait3A_140, %dma_wait3A_141, %dma_wait3A_142] : memref<3x112x17xf32, #tpu.memory_space<vmem>> -> memref<1x112x17xf32, #tpu.memory_space<vmem>>
    %dma_wait3A_144 = tpu.memref_squeeze %dma_wait3A_143 : memref<1x112x17xf32, #tpu.memory_space<vmem>> -> memref<112x17xf32, #tpu.memory_space<vmem>>
    %dma_wait3A_145 = arith.constant 0 : i32
    %dma_wait3A_146 = tpu.memref_slice %arg2[%add3A_32, %dma_wait3A_145] : memref<100000x17xf32, #tpu.memory_space<hbm>> -> memref<112x17xf32, #tpu.memory_space<hbm>>
    %dma_wait3A_147 = arith.constant 0 : i32
    %dma_wait3A_148 = arith.constant 0 : i32
    %dma_wait3A_149 = tpu.memref_slice %arg6[%dma_wait3A_140, %dma_wait3A_147, %dma_wait3A_148] : memref<3x112x17xf32, #tpu.memory_space<vmem>> -> memref<1x112x17xf32, #tpu.memory_space<vmem>>
    %dma_wait3A_150 = tpu.memref_squeeze %dma_wait3A_149 : memref<1x112x17xf32, #tpu.memory_space<vmem>> -> memref<112x17xf32, #tpu.memory_space<vmem>>
    %dma_wait3A_151 = arith.constant 0 : i32
    %dma_wait3A_152 = tpu.memref_slice %arg2[%add3A_32, %dma_wait3A_151] : memref<100000x17xf32, #tpu.memory_space<hbm>> -> memref<112x17xf32, #tpu.memory_space<hbm>>
    tpu.wait_dma2 semaphore(%arg8 : memref<!tpu.dma_semaphore, #tpu.memory_space<semaphore_mem>>) src(%dma_wait3A_152 : memref<112x17xf32, #tpu.memory_space<hbm>>) dst(%dma_wait3A_150 : memref<112x17xf32, #tpu.memory_space<vmem>>)
    %dma_wait3A_153 = arith.constant 1 : i32
    %dma_wait3A_154 = arith.constant 0 : i32
    %dma_wait3A_155 = arith.constant 0 : i32
    %dma_wait3A_156 = tpu.memref_slice %arg7[%dma_wait3A_153, %dma_wait3A_154, %dma_wait3A_155] : memref<3x112x6xf32, #tpu.memory_space<vmem>> -> memref<1x112x6xf32, #tpu.memory_space<vmem>>
    %dma_wait3A_157 = tpu.memref_squeeze %dma_wait3A_156 : memref<1x112x6xf32, #tpu.memory_space<vmem>> -> memref<112x6xf32, #tpu.memory_space<vmem>>
    %dma_wait3A_158 = arith.constant 0 : i32
    %dma_wait3A_159 = tpu.memref_slice %arg3[%add3A_32, %dma_wait3A_158] : memref<100000x6xf32, #tpu.memory_space<hbm>> -> memref<112x6xf32, #tpu.memory_space<hbm>>
    %dma_wait3A_160 = arith.constant 0 : i32
    %dma_wait3A_161 = arith.constant 0 : i32
    %dma_wait3A_162 = tpu.memref_slice %arg7[%dma_wait3A_153, %dma_wait3A_160, %dma_wait3A_161] : memref<3x112x6xf32, #tpu.memory_space<vmem>> -> memref<1x112x6xf32, #tpu.memory_space<vmem>>
    %dma_wait3A_163 = tpu.memref_squeeze %dma_wait3A_162 : memref<1x112x6xf32, #tpu.memory_space<vmem>> -> memref<112x6xf32, #tpu.memory_space<vmem>>
    %dma_wait3A_164 = arith.constant 0 : i32
    %dma_wait3A_165 = tpu.memref_slice %arg3[%add3A_32, %dma_wait3A_164] : memref<100000x6xf32, #tpu.memory_space<hbm>> -> memref<112x6xf32, #tpu.memory_space<hbm>>
    tpu.wait_dma2 semaphore(%arg8 : memref<!tpu.dma_semaphore, #tpu.memory_space<semaphore_mem>>) src(%dma_wait3A_165 : memref<112x6xf32, #tpu.memory_space<hbm>>) dst(%dma_wait3A_163 : memref<112x6xf32, #tpu.memory_space<vmem>>)
    %add3A_166 = arith.constant 112 : i32
    %add3A_167 = arith.addi %min3A_3, %add3A_166 : i32
    %dma_start3A_168 = arith.constant 1 : i32
    %dma_start3A_169 = arith.constant 0 : i32
    %dma_start3A_170 = arith.constant 0 : i32
    %dma_start3A_171 = tpu.memref_slice %arg6[%dma_start3A_168, %dma_start3A_169, %dma_start3A_170] : memref<3x112x17xf32, #tpu.memory_space<vmem>> -> memref<1x112x17xf32, #tpu.memory_space<vmem>>
    %dma_start3A_172 = tpu.memref_squeeze %dma_start3A_171 : memref<1x112x17xf32, #tpu.memory_space<vmem>> -> memref<112x17xf32, #tpu.memory_space<vmem>>
    %dma_start3A_173 = arith.constant 0 : i32
    %dma_start3A_174 = tpu.memref_slice %arg4[%add3A_167, %dma_start3A_173] : memref<100000x17xf32, #tpu.memory_space<hbm>> -> memref<112x17xf32, #tpu.memory_space<hbm>>
    %dma_start3A_175 = arith.constant 0 : i32
    %dma_start3A_176 = tpu.memref_slice %arg4[%add3A_167, %dma_start3A_175] : memref<100000x17xf32, #tpu.memory_space<hbm>> -> memref<112x17xf32, #tpu.memory_space<hbm>>
    %dma_start3A_177 = arith.constant 0 : i32
    %dma_start3A_178 = arith.constant 0 : i32
    %dma_start3A_179 = tpu.memref_slice %arg6[%dma_start3A_168, %dma_start3A_177, %dma_start3A_178] : memref<3x112x17xf32, #tpu.memory_space<vmem>> -> memref<1x112x17xf32, #tpu.memory_space<vmem>>
    %dma_start3A_180 = tpu.memref_squeeze %dma_start3A_179 : memref<1x112x17xf32, #tpu.memory_space<vmem>> -> memref<112x17xf32, #tpu.memory_space<vmem>>
    tpu.enqueue_dma source(%dma_start3A_180 : memref<112x17xf32, #tpu.memory_space<vmem>>) target(%dma_start3A_176 : memref<112x17xf32, #tpu.memory_space<hbm>>) target_semaphore(%arg9 : memref<!tpu.dma_semaphore, #tpu.memory_space<semaphore_mem>>)
    %dma_start3A_181 = arith.constant 1 : i32
    %dma_start3A_182 = arith.constant 0 : i32
    %dma_start3A_183 = arith.constant 0 : i32
    %dma_start3A_184 = tpu.memref_slice %arg7[%dma_start3A_181, %dma_start3A_182, %dma_start3A_183] : memref<3x112x6xf32, #tpu.memory_space<vmem>> -> memref<1x112x6xf32, #tpu.memory_space<vmem>>
    %dma_start3A_185 = tpu.memref_squeeze %dma_start3A_184 : memref<1x112x6xf32, #tpu.memory_space<vmem>> -> memref<112x6xf32, #tpu.memory_space<vmem>>
    %dma_start3A_186 = arith.constant 0 : i32
    %dma_start3A_187 = tpu.memref_slice %arg5[%add3A_167, %dma_start3A_186] : memref<100000x6xf32, #tpu.memory_space<hbm>> -> memref<112x6xf32, #tpu.memory_space<hbm>>
    %dma_start3A_188 = arith.constant 0 : i32
    %dma_start3A_189 = tpu.memref_slice %arg5[%add3A_167, %dma_start3A_188] : memref<100000x6xf32, #tpu.memory_space<hbm>> -> memref<112x6xf32, #tpu.memory_space<hbm>>
    %dma_start3A_190 = arith.constant 0 : i32
    %dma_start3A_191 = arith.constant 0 : i32
    %dma_start3A_192 = tpu.memref_slice %arg7[%dma_start3A_181, %dma_start3A_190, %dma_start3A_191] : memref<3x112x6xf32, #tpu.memory_space<vmem>> -> memref<1x112x6xf32, #tpu.memory_space<vmem>>
    %dma_start3A_193 = tpu.memref_squeeze %dma_start3A_192 : memref<1x112x6xf32, #tpu.memory_space<vmem>> -> memref<112x6xf32, #tpu.memory_space<vmem>>
    tpu.enqueue_dma source(%dma_start3A_193 : memref<112x6xf32, #tpu.memory_space<vmem>>) target(%dma_start3A_189 : memref<112x6xf32, #tpu.memory_space<hbm>>) target_semaphore(%arg9 : memref<!tpu.dma_semaphore, #tpu.memory_space<semaphore_mem>>)
    %dma_wait3A_194 = arith.constant 0 : i32
    %dma_wait3A_195 = arith.constant 0 : i32
    %dma_wait3A_196 = arith.constant 0 : i32
    %dma_wait3A_197 = tpu.memref_slice %arg6[%dma_wait3A_194, %dma_wait3A_195, %dma_wait3A_196] : memref<3x112x17xf32, #tpu.memory_space<vmem>> -> memref<1x112x17xf32, #tpu.memory_space<vmem>>
    %dma_wait3A_198 = tpu.memref_squeeze %dma_wait3A_197 : memref<1x112x17xf32, #tpu.memory_space<vmem>> -> memref<112x17xf32, #tpu.memory_space<vmem>>
    %dma_wait3A_199 = arith.constant 0 : i32
    %dma_wait3A_200 = tpu.memref_slice %arg4[%add3A_85, %dma_wait3A_199] : memref<100000x17xf32, #tpu.memory_space<hbm>> -> memref<112x17xf32, #tpu.memory_space<hbm>>
    %dma_wait3A_201 = arith.constant 0 : i32
    %dma_wait3A_202 = tpu.memref_slice %arg4[%add3A_85, %dma_wait3A_201] : memref<100000x17xf32, #tpu.memory_space<hbm>> -> memref<112x17xf32, #tpu.memory_space<hbm>>
    %dma_wait3A_203 = arith.constant 0 : i32
    %dma_wait3A_204 = arith.constant 0 : i32
    %dma_wait3A_205 = tpu.memref_slice %arg6[%dma_wait3A_194, %dma_wait3A_203, %dma_wait3A_204] : memref<3x112x17xf32, #tpu.memory_space<vmem>> -> memref<1x112x17xf32, #tpu.memory_space<vmem>>
    %dma_wait3A_206 = tpu.memref_squeeze %dma_wait3A_205 : memref<1x112x17xf32, #tpu.memory_space<vmem>> -> memref<112x17xf32, #tpu.memory_space<vmem>>
    tpu.wait_dma2 semaphore(%arg9 : memref<!tpu.dma_semaphore, #tpu.memory_space<semaphore_mem>>) src(%dma_wait3A_206 : memref<112x17xf32, #tpu.memory_space<vmem>>) dst(%dma_wait3A_202 : memref<112x17xf32, #tpu.memory_space<hbm>>)
    %dma_wait3A_207 = arith.constant 0 : i32
    %dma_wait3A_208 = arith.constant 0 : i32
    %dma_wait3A_209 = arith.constant 0 : i32
    %dma_wait3A_210 = tpu.memref_slice %arg7[%dma_wait3A_207, %dma_wait3A_208, %dma_wait3A_209] : memref<3x112x6xf32, #tpu.memory_space<vmem>> -> memref<1x112x6xf32, #tpu.memory_space<vmem>>
    %dma_wait3A_211 = tpu.memref_squeeze %dma_wait3A_210 : memref<1x112x6xf32, #tpu.memory_space<vmem>> -> memref<112x6xf32, #tpu.memory_space<vmem>>
    %dma_wait3A_212 = arith.constant 0 : i32
    %dma_wait3A_213 = tpu.memref_slice %arg5[%add3A_85, %dma_wait3A_212] : memref<100000x6xf32, #tpu.memory_space<hbm>> -> memref<112x6xf32, #tpu.memory_space<hbm>>
    %dma_wait3A_214 = arith.constant 0 : i32
    %dma_wait3A_215 = tpu.memref_slice %arg5[%add3A_85, %dma_wait3A_214] : memref<100000x6xf32, #tpu.memory_space<hbm>> -> memref<112x6xf32, #tpu.memory_space<hbm>>
    %dma_wait3A_216 = arith.constant 0 : i32
    %dma_wait3A_217 = arith.constant 0 : i32
    %dma_wait3A_218 = tpu.memref_slice %arg7[%dma_wait3A_207, %dma_wait3A_216, %dma_wait3A_217] : memref<3x112x6xf32, #tpu.memory_space<vmem>> -> memref<1x112x6xf32, #tpu.memory_space<vmem>>
    %dma_wait3A_219 = tpu.memref_squeeze %dma_wait3A_218 : memref<1x112x6xf32, #tpu.memory_space<vmem>> -> memref<112x6xf32, #tpu.memory_space<vmem>>
    tpu.wait_dma2 semaphore(%arg9 : memref<!tpu.dma_semaphore, #tpu.memory_space<semaphore_mem>>) src(%dma_wait3A_219 : memref<112x6xf32, #tpu.memory_space<vmem>>) dst(%dma_wait3A_215 : memref<112x6xf32, #tpu.memory_space<hbm>>)
    %add3A_220 = arith.constant 336 : i32
    %add3A_221 = arith.addi %min3A_3, %add3A_220 : i32
    %dma_start3A_222 = arith.constant 0 : i32
    %dma_start3A_223 = arith.constant 0 : i32
    %dma_start3A_224 = arith.constant 0 : i32
    %dma_start3A_225 = tpu.memref_slice %arg6[%dma_start3A_222, %dma_start3A_223, %dma_start3A_224] : memref<3x112x17xf32, #tpu.memory_space<vmem>> -> memref<1x112x17xf32, #tpu.memory_space<vmem>>
    %dma_start3A_226 = tpu.memref_squeeze %dma_start3A_225 : memref<1x112x17xf32, #tpu.memory_space<vmem>> -> memref<112x17xf32, #tpu.memory_space<vmem>>
    %dma_start3A_227 = arith.constant 0 : i32
    %dma_start3A_228 = tpu.memref_slice %arg2[%add3A_221, %dma_start3A_227] : memref<100000x17xf32, #tpu.memory_space<hbm>> -> memref<112x17xf32, #tpu.memory_space<hbm>>
    %dma_start3A_229 = arith.constant 0 : i32
    %dma_start3A_230 = arith.constant 0 : i32
    %dma_start3A_231 = tpu.memref_slice %arg6[%dma_start3A_222, %dma_start3A_229, %dma_start3A_230] : memref<3x112x17xf32, #tpu.memory_space<vmem>> -> memref<1x112x17xf32, #tpu.memory_space<vmem>>
    %dma_start3A_232 = tpu.memref_squeeze %dma_start3A_231 : memref<1x112x17xf32, #tpu.memory_space<vmem>> -> memref<112x17xf32, #tpu.memory_space<vmem>>
    %dma_start3A_233 = arith.constant 0 : i32
    %dma_start3A_234 = tpu.memref_slice %arg2[%add3A_221, %dma_start3A_233] : memref<100000x17xf32, #tpu.memory_space<hbm>> -> memref<112x17xf32, #tpu.memory_space<hbm>>
    tpu.enqueue_dma source(%dma_start3A_234 : memref<112x17xf32, #tpu.memory_space<hbm>>) target(%dma_start3A_232 : memref<112x17xf32, #tpu.memory_space<vmem>>) target_semaphore(%arg8 : memref<!tpu.dma_semaphore, #tpu.memory_space<semaphore_mem>>)
    %dma_start3A_235 = arith.constant 0 : i32
    %dma_start3A_236 = arith.constant 0 : i32
    %dma_start3A_237 = arith.constant 0 : i32
    %dma_start3A_238 = tpu.memref_slice %arg7[%dma_start3A_235, %dma_start3A_236, %dma_start3A_237] : memref<3x112x6xf32, #tpu.memory_space<vmem>> -> memref<1x112x6xf32, #tpu.memory_space<vmem>>
    %dma_start3A_239 = tpu.memref_squeeze %dma_start3A_238 : memref<1x112x6xf32, #tpu.memory_space<vmem>> -> memref<112x6xf32, #tpu.memory_space<vmem>>
    %dma_start3A_240 = arith.constant 0 : i32
    %dma_start3A_241 = tpu.memref_slice %arg3[%add3A_221, %dma_start3A_240] : memref<100000x6xf32, #tpu.memory_space<hbm>> -> memref<112x6xf32, #tpu.memory_space<hbm>>
    %dma_start3A_242 = arith.constant 0 : i32
    %dma_start3A_243 = arith.constant 0 : i32
    %dma_start3A_244 = tpu.memref_slice %arg7[%dma_start3A_235, %dma_start3A_242, %dma_start3A_243] : memref<3x112x6xf32, #tpu.memory_space<vmem>> -> memref<1x112x6xf32, #tpu.memory_space<vmem>>
    %dma_start3A_245 = tpu.memref_squeeze %dma_start3A_244 : memref<1x112x6xf32, #tpu.memory_space<vmem>> -> memref<112x6xf32, #tpu.memory_space<vmem>>
    %dma_start3A_246 = arith.constant 0 : i32
    %dma_start3A_247 = tpu.memref_slice %arg3[%add3A_221, %dma_start3A_246] : memref<100000x6xf32, #tpu.memory_space<hbm>> -> memref<112x6xf32, #tpu.memory_space<hbm>>
    tpu.enqueue_dma source(%dma_start3A_247 : memref<112x6xf32, #tpu.memory_space<hbm>>) target(%dma_start3A_245 : memref<112x6xf32, #tpu.memory_space<vmem>>) target_semaphore(%arg8 : memref<!tpu.dma_semaphore, #tpu.memory_space<semaphore_mem>>)
    %dma_wait3A_248 = arith.constant 2 : i32
    %dma_wait3A_249 = arith.constant 0 : i32
    %dma_wait3A_250 = arith.constant 0 : i32
    %dma_wait3A_251 = tpu.memref_slice %arg6[%dma_wait3A_248, %dma_wait3A_249, %dma_wait3A_250] : memref<3x112x17xf32, #tpu.memory_space<vmem>> -> memref<1x112x17xf32, #tpu.memory_space<vmem>>
    %dma_wait3A_252 = tpu.memref_squeeze %dma_wait3A_251 : memref<1x112x17xf32, #tpu.memory_space<vmem>> -> memref<112x17xf32, #tpu.memory_space<vmem>>
    %dma_wait3A_253 = arith.constant 0 : i32
    %dma_wait3A_254 = tpu.memref_slice %arg2[%add3A_113, %dma_wait3A_253] : memref<100000x17xf32, #tpu.memory_space<hbm>> -> memref<112x17xf32, #tpu.memory_space<hbm>>
    %dma_wait3A_255 = arith.constant 0 : i32
    %dma_wait3A_256 = arith.constant 0 : i32
    %dma_wait3A_257 = tpu.memref_slice %arg6[%dma_wait3A_248, %dma_wait3A_255, %dma_wait3A_256] : memref<3x112x17xf32, #tpu.memory_space<vmem>> -> memref<1x112x17xf32, #tpu.memory_space<vmem>>
    %dma_wait3A_258 = tpu.memref_squeeze %dma_wait3A_257 : memref<1x112x17xf32, #tpu.memory_space<vmem>> -> memref<112x17xf32, #tpu.memory_space<vmem>>
    %dma_wait3A_259 = arith.constant 0 : i32
    %dma_wait3A_260 = tpu.memref_slice %arg2[%add3A_113, %dma_wait3A_259] : memref<100000x17xf32, #tpu.memory_space<hbm>> -> memref<112x17xf32, #tpu.memory_space<hbm>>
    tpu.wait_dma2 semaphore(%arg8 : memref<!tpu.dma_semaphore, #tpu.memory_space<semaphore_mem>>) src(%dma_wait3A_260 : memref<112x17xf32, #tpu.memory_space<hbm>>) dst(%dma_wait3A_258 : memref<112x17xf32, #tpu.memory_space<vmem>>)
    %dma_wait3A_261 = arith.constant 2 : i32
    %dma_wait3A_262 = arith.constant 0 : i32
    %dma_wait3A_263 = arith.constant 0 : i32
    %dma_wait3A_264 = tpu.memref_slice %arg7[%dma_wait3A_261, %dma_wait3A_262, %dma_wait3A_263] : memref<3x112x6xf32, #tpu.memory_space<vmem>> -> memref<1x112x6xf32, #tpu.memory_space<vmem>>
    %dma_wait3A_265 = tpu.memref_squeeze %dma_wait3A_264 : memref<1x112x6xf32, #tpu.memory_space<vmem>> -> memref<112x6xf32, #tpu.memory_space<vmem>>
    %dma_wait3A_266 = arith.constant 0 : i32
    %dma_wait3A_267 = tpu.memref_slice %arg3[%add3A_113, %dma_wait3A_266] : memref<100000x6xf32, #tpu.memory_space<hbm>> -> memref<112x6xf32, #tpu.memory_space<hbm>>
    %dma_wait3A_268 = arith.constant 0 : i32
    %dma_wait3A_269 = arith.constant 0 : i32
    %dma_wait3A_270 = tpu.memref_slice %arg7[%dma_wait3A_261, %dma_wait3A_268, %dma_wait3A_269] : memref<3x112x6xf32, #tpu.memory_space<vmem>> -> memref<1x112x6xf32, #tpu.memory_space<vmem>>
    %dma_wait3A_271 = tpu.memref_squeeze %dma_wait3A_270 : memref<1x112x6xf32, #tpu.memory_space<vmem>> -> memref<112x6xf32, #tpu.memory_space<vmem>>
    %dma_wait3A_272 = arith.constant 0 : i32
    %dma_wait3A_273 = tpu.memref_slice %arg3[%add3A_113, %dma_wait3A_272] : memref<100000x6xf32, #tpu.memory_space<hbm>> -> memref<112x6xf32, #tpu.memory_space<hbm>>
    tpu.wait_dma2 semaphore(%arg8 : memref<!tpu.dma_semaphore, #tpu.memory_space<semaphore_mem>>) src(%dma_wait3A_273 : memref<112x6xf32, #tpu.memory_space<hbm>>) dst(%dma_wait3A_271 : memref<112x6xf32, #tpu.memory_space<vmem>>)
    %add3A_274 = arith.constant 224 : i32
    %add3A_275 = arith.addi %min3A_3, %add3A_274 : i32
    %dma_start3A_276 = arith.constant 2 : i32
    %dma_start3A_277 = arith.constant 0 : i32
    %dma_start3A_278 = arith.constant 0 : i32
    %dma_start3A_279 = tpu.memref_slice %arg6[%dma_start3A_276, %dma_start3A_277, %dma_start3A_278] : memref<3x112x17xf32, #tpu.memory_space<vmem>> -> memref<1x112x17xf32, #tpu.memory_space<vmem>>
    %dma_start3A_280 = tpu.memref_squeeze %dma_start3A_279 : memref<1x112x17xf32, #tpu.memory_space<vmem>> -> memref<112x17xf32, #tpu.memory_space<vmem>>
    %dma_start3A_281 = arith.constant 0 : i32
    %dma_start3A_282 = tpu.memref_slice %arg4[%add3A_275, %dma_start3A_281] : memref<100000x17xf32, #tpu.memory_space<hbm>> -> memref<112x17xf32, #tpu.memory_space<hbm>>
    %dma_start3A_283 = arith.constant 0 : i32
    %dma_start3A_284 = tpu.memref_slice %arg4[%add3A_275, %dma_start3A_283] : memref<100000x17xf32, #tpu.memory_space<hbm>> -> memref<112x17xf32, #tpu.memory_space<hbm>>
    %dma_start3A_285 = arith.constant 0 : i32
    %dma_start3A_286 = arith.constant 0 : i32
    %dma_start3A_287 = tpu.memref_slice %arg6[%dma_start3A_276, %dma_start3A_285, %dma_start3A_286] : memref<3x112x17xf32, #tpu.memory_space<vmem>> -> memref<1x112x17xf32, #tpu.memory_space<vmem>>
    %dma_start3A_288 = tpu.memref_squeeze %dma_start3A_287 : memref<1x112x17xf32, #tpu.memory_space<vmem>> -> memref<112x17xf32, #tpu.memory_space<vmem>>
    tpu.enqueue_dma source(%dma_start3A_288 : memref<112x17xf32, #tpu.memory_space<vmem>>) target(%dma_start3A_284 : memref<112x17xf32, #tpu.memory_space<hbm>>) target_semaphore(%arg9 : memref<!tpu.dma_semaphore, #tpu.memory_space<semaphore_mem>>)
    %dma_start3A_289 = arith.constant 2 : i32
    %dma_start3A_290 = arith.constant 0 : i32
    %dma_start3A_291 = arith.constant 0 : i32
    %dma_start3A_292 = tpu.memref_slice %arg7[%dma_start3A_289, %dma_start3A_290, %dma_start3A_291] : memref<3x112x6xf32, #tpu.memory_space<vmem>> -> memref<1x112x6xf32, #tpu.memory_space<vmem>>
    %dma_start3A_293 = tpu.memref_squeeze %dma_start3A_292 : memref<1x112x6xf32, #tpu.memory_space<vmem>> -> memref<112x6xf32, #tpu.memory_space<vmem>>
    %dma_start3A_294 = arith.constant 0 : i32
    %dma_start3A_295 = tpu.memref_slice %arg5[%add3A_275, %dma_start3A_294] : memref<100000x6xf32, #tpu.memory_space<hbm>> -> memref<112x6xf32, #tpu.memory_space<hbm>>
    %dma_start3A_296 = arith.constant 0 : i32
    %dma_start3A_297 = tpu.memref_slice %arg5[%add3A_275, %dma_start3A_296] : memref<100000x6xf32, #tpu.memory_space<hbm>> -> memref<112x6xf32, #tpu.memory_space<hbm>>
    %dma_start3A_298 = arith.constant 0 : i32
    %dma_start3A_299 = arith.constant 0 : i32
    %dma_start3A_300 = tpu.memref_slice %arg7[%dma_start3A_289, %dma_start3A_298, %dma_start3A_299] : memref<3x112x6xf32, #tpu.memory_space<vmem>> -> memref<1x112x6xf32, #tpu.memory_space<vmem>>
    %dma_start3A_301 = tpu.memref_squeeze %dma_start3A_300 : memref<1x112x6xf32, #tpu.memory_space<vmem>> -> memref<112x6xf32, #tpu.memory_space<vmem>>
    tpu.enqueue_dma source(%dma_start3A_301 : memref<112x6xf32, #tpu.memory_space<vmem>>) target(%dma_start3A_297 : memref<112x6xf32, #tpu.memory_space<hbm>>) target_semaphore(%arg9 : memref<!tpu.dma_semaphore, #tpu.memory_space<semaphore_mem>>)
    %dma_wait3A_302 = arith.constant 1 : i32
    %dma_wait3A_303 = arith.constant 0 : i32
    %dma_wait3A_304 = arith.constant 0 : i32
    %dma_wait3A_305 = tpu.memref_slice %arg6[%dma_wait3A_302, %dma_wait3A_303, %dma_wait3A_304] : memref<3x112x17xf32, #tpu.memory_space<vmem>> -> memref<1x112x17xf32, #tpu.memory_space<vmem>>
    %dma_wait3A_306 = tpu.memref_squeeze %dma_wait3A_305 : memref<1x112x17xf32, #tpu.memory_space<vmem>> -> memref<112x17xf32, #tpu.memory_space<vmem>>
    %dma_wait3A_307 = arith.constant 0 : i32
    %dma_wait3A_308 = tpu.memref_slice %arg4[%add3A_167, %dma_wait3A_307] : memref<100000x17xf32, #tpu.memory_space<hbm>> -> memref<112x17xf32, #tpu.memory_space<hbm>>
    %dma_wait3A_309 = arith.constant 0 : i32
    %dma_wait3A_310 = tpu.memref_slice %arg4[%add3A_167, %dma_wait3A_309] : memref<100000x17xf32, #tpu.memory_space<hbm>> -> memref<112x17xf32, #tpu.memory_space<hbm>>
    %dma_wait3A_311 = arith.constant 0 : i32
    %dma_wait3A_312 = arith.constant 0 : i32
    %dma_wait3A_313 = tpu.memref_slice %arg6[%dma_wait3A_302, %dma_wait3A_311, %dma_wait3A_312] : memref<3x112x17xf32, #tpu.memory_space<vmem>> -> memref<1x112x17xf32, #tpu.memory_space<vmem>>
    %dma_wait3A_314 = tpu.memref_squeeze %dma_wait3A_313 : memref<1x112x17xf32, #tpu.memory_space<vmem>> -> memref<112x17xf32, #tpu.memory_space<vmem>>
    tpu.wait_dma2 semaphore(%arg9 : memref<!tpu.dma_semaphore, #tpu.memory_space<semaphore_mem>>) src(%dma_wait3A_314 : memref<112x17xf32, #tpu.memory_space<vmem>>) dst(%dma_wait3A_310 : memref<112x17xf32, #tpu.memory_space<hbm>>)
    %dma_wait3A_315 = arith.constant 1 : i32
    %dma_wait3A_316 = arith.constant 0 : i32
    %dma_wait3A_317 = arith.constant 0 : i32
    %dma_wait3A_318 = tpu.memref_slice %arg7[%dma_wait3A_315, %dma_wait3A_316, %dma_wait3A_317] : memref<3x112x6xf32, #tpu.memory_space<vmem>> -> memref<1x112x6xf32, #tpu.memory_space<vmem>>
    %dma_wait3A_319 = tpu.memref_squeeze %dma_wait3A_318 : memref<1x112x6xf32, #tpu.memory_space<vmem>> -> memref<112x6xf32, #tpu.memory_space<vmem>>
    %dma_wait3A_320 = arith.constant 0 : i32
    %dma_wait3A_321 = tpu.memref_slice %arg5[%add3A_167, %dma_wait3A_320] : memref<100000x6xf32, #tpu.memory_space<hbm>> -> memref<112x6xf32, #tpu.memory_space<hbm>>
    %dma_wait3A_322 = arith.constant 0 : i32
    %dma_wait3A_323 = tpu.memref_slice %arg5[%add3A_167, %dma_wait3A_322] : memref<100000x6xf32, #tpu.memory_space<hbm>> -> memref<112x6xf32, #tpu.memory_space<hbm>>
    %dma_wait3A_324 = arith.constant 0 : i32
    %dma_wait3A_325 = arith.constant 0 : i32
    %dma_wait3A_326 = tpu.memref_slice %arg7[%dma_wait3A_315, %dma_wait3A_324, %dma_wait3A_325] : memref<3x112x6xf32, #tpu.memory_space<vmem>> -> memref<1x112x6xf32, #tpu.memory_space<vmem>>
    %dma_wait3A_327 = tpu.memref_squeeze %dma_wait3A_326 : memref<1x112x6xf32, #tpu.memory_space<vmem>> -> memref<112x6xf32, #tpu.memory_space<vmem>>
    tpu.wait_dma2 semaphore(%arg9 : memref<!tpu.dma_semaphore, #tpu.memory_space<semaphore_mem>>) src(%dma_wait3A_327 : memref<112x6xf32, #tpu.memory_space<vmem>>) dst(%dma_wait3A_323 : memref<112x6xf32, #tpu.memory_space<hbm>>)
    %add3A_328 = arith.constant 448 : i32
    %add3A_329 = arith.addi %min3A_3, %add3A_328 : i32
    %dma_start3A_330 = arith.constant 1 : i32
    %dma_start3A_331 = arith.constant 0 : i32
    %dma_start3A_332 = arith.constant 0 : i32
    %dma_start3A_333 = tpu.memref_slice %arg6[%dma_start3A_330, %dma_start3A_331, %dma_start3A_332] : memref<3x112x17xf32, #tpu.memory_space<vmem>> -> memref<1x112x17xf32, #tpu.memory_space<vmem>>
    %dma_start3A_334 = tpu.memref_squeeze %dma_start3A_333 : memref<1x112x17xf32, #tpu.memory_space<vmem>> -> memref<112x17xf32, #tpu.memory_space<vmem>>
    %dma_start3A_335 = arith.constant 0 : i32
    %dma_start3A_336 = tpu.memref_slice %arg2[%add3A_329, %dma_start3A_335] : memref<100000x17xf32, #tpu.memory_space<hbm>> -> memref<112x17xf32, #tpu.memory_space<hbm>>
    %dma_start3A_337 = arith.constant 0 : i32
    %dma_start3A_338 = arith.constant 0 : i32
    %dma_start3A_339 = tpu.memref_slice %arg6[%dma_start3A_330, %dma_start3A_337, %dma_start3A_338] : memref<3x112x17xf32, #tpu.memory_space<vmem>> -> memref<1x112x17xf32, #tpu.memory_space<vmem>>
    %dma_start3A_340 = tpu.memref_squeeze %dma_start3A_339 : memref<1x112x17xf32, #tpu.memory_space<vmem>> -> memref<112x17xf32, #tpu.memory_space<vmem>>
    %dma_start3A_341 = arith.constant 0 : i32
    %dma_start3A_342 = tpu.memref_slice %arg2[%add3A_329, %dma_start3A_341] : memref<100000x17xf32, #tpu.memory_space<hbm>> -> memref<112x17xf32, #tpu.memory_space<hbm>>
    tpu.enqueue_dma source(%dma_start3A_342 : memref<112x17xf32, #tpu.memory_space<hbm>>) target(%dma_start3A_340 : memref<112x17xf32, #tpu.memory_space<vmem>>) target_semaphore(%arg8 : memref<!tpu.dma_semaphore, #tpu.memory_space<semaphore_mem>>)
    %dma_start3A_343 = arith.constant 1 : i32
    %dma_start3A_344 = arith.constant 0 : i32
    %dma_start3A_345 = arith.constant 0 : i32
    %dma_start3A_346 = tpu.memref_slice %arg7[%dma_start3A_343, %dma_start3A_344, %dma_start3A_345] : memref<3x112x6xf32, #tpu.memory_space<vmem>> -> memref<1x112x6xf32, #tpu.memory_space<vmem>>
    %dma_start3A_347 = tpu.memref_squeeze %dma_start3A_346 : memref<1x112x6xf32, #tpu.memory_space<vmem>> -> memref<112x6xf32, #tpu.memory_space<vmem>>
    %dma_start3A_348 = arith.constant 0 : i32
    %dma_start3A_349 = tpu.memref_slice %arg3[%add3A_329, %dma_start3A_348] : memref<100000x6xf32, #tpu.memory_space<hbm>> -> memref<112x6xf32, #tpu.memory_space<hbm>>
    %dma_start3A_350 = arith.constant 0 : i32
    %dma_start3A_351 = arith.constant 0 : i32
    %dma_start3A_352 = tpu.memref_slice %arg7[%dma_start3A_343, %dma_start3A_350, %dma_start3A_351] : memref<3x112x6xf32, #tpu.memory_space<vmem>> -> memref<1x112x6xf32, #tpu.memory_space<vmem>>
    %dma_start3A_353 = tpu.memref_squeeze %dma_start3A_352 : memref<1x112x6xf32, #tpu.memory_space<vmem>> -> memref<112x6xf32, #tpu.memory_space<vmem>>
    %dma_start3A_354 = arith.constant 0 : i32
    %dma_start3A_355 = tpu.memref_slice %arg3[%add3A_329, %dma_start3A_354] : memref<100000x6xf32, #tpu.memory_space<hbm>> -> memref<112x6xf32, #tpu.memory_space<hbm>>
    tpu.enqueue_dma source(%dma_start3A_355 : memref<112x6xf32, #tpu.memory_space<hbm>>) target(%dma_start3A_353 : memref<112x6xf32, #tpu.memory_space<vmem>>) target_semaphore(%arg8 : memref<!tpu.dma_semaphore, #tpu.memory_space<semaphore_mem>>)
    %dma_wait3A_356 = arith.constant 0 : i32
    %dma_wait3A_357 = arith.constant 0 : i32
    %dma_wait3A_358 = arith.constant 0 : i32
    %dma_wait3A_359 = tpu.memref_slice %arg6[%dma_wait3A_356, %dma_wait3A_357, %dma_wait3A_358] : memref<3x112x17xf32, #tpu.memory_space<vmem>> -> memref<1x112x17xf32, #tpu.memory_space<vmem>>
    %dma_wait3A_360 = tpu.memref_squeeze %dma_wait3A_359 : memref<1x112x17xf32, #tpu.memory_space<vmem>> -> memref<112x17xf32, #tpu.memory_space<vmem>>
    %dma_wait3A_361 = arith.constant 0 : i32
    %dma_wait3A_362 = tpu.memref_slice %arg2[%add3A_221, %dma_wait3A_361] : memref<100000x17xf32, #tpu.memory_space<hbm>> -> memref<112x17xf32, #tpu.memory_space<hbm>>
    %dma_wait3A_363 = arith.constant 0 : i32
    %dma_wait3A_364 = arith.constant 0 : i32
    %dma_wait3A_365 = tpu.memref_slice %arg6[%dma_wait3A_356, %dma_wait3A_363, %dma_wait3A_364] : memref<3x112x17xf32, #tpu.memory_space<vmem>> -> memref<1x112x17xf32, #tpu.memory_space<vmem>>
    %dma_wait3A_366 = tpu.memref_squeeze %dma_wait3A_365 : memref<1x112x17xf32, #tpu.memory_space<vmem>> -> memref<112x17xf32, #tpu.memory_space<vmem>>
    %dma_wait3A_367 = arith.constant 0 : i32
    %dma_wait3A_368 = tpu.memref_slice %arg2[%add3A_221, %dma_wait3A_367] : memref<100000x17xf32, #tpu.memory_space<hbm>> -> memref<112x17xf32, #tpu.memory_space<hbm>>
    tpu.wait_dma2 semaphore(%arg8 : memref<!tpu.dma_semaphore, #tpu.memory_space<semaphore_mem>>) src(%dma_wait3A_368 : memref<112x17xf32, #tpu.memory_space<hbm>>) dst(%dma_wait3A_366 : memref<112x17xf32, #tpu.memory_space<vmem>>)
    %dma_wait3A_369 = arith.constant 0 : i32
    %dma_wait3A_370 = arith.constant 0 : i32
    %dma_wait3A_371 = arith.constant 0 : i32
    %dma_wait3A_372 = tpu.memref_slice %arg7[%dma_wait3A_369, %dma_wait3A_370, %dma_wait3A_371] : memref<3x112x6xf32, #tpu.memory_space<vmem>> -> memref<1x112x6xf32, #tpu.memory_space<vmem>>
    %dma_wait3A_373 = tpu.memref_squeeze %dma_wait3A_372 : memref<1x112x6xf32, #tpu.memory_space<vmem>> -> memref<112x6xf32, #tpu.memory_space<vmem>>
    %dma_wait3A_374 = arith.constant 0 : i32
    %dma_wait3A_375 = tpu.memref_slice %arg3[%add3A_221, %dma_wait3A_374] : memref<100000x6xf32, #tpu.memory_space<hbm>> -> memref<112x6xf32, #tpu.memory_space<hbm>>
    %dma_wait3A_376 = arith.constant 0 : i32
    %dma_wait3A_377 = arith.constant 0 : i32
    %dma_wait3A_378 = tpu.memref_slice %arg7[%dma_wait3A_369, %dma_wait3A_376, %dma_wait3A_377] : memref<3x112x6xf32, #tpu.memory_space<vmem>> -> memref<1x112x6xf32, #tpu.memory_space<vmem>>
    %dma_wait3A_379 = tpu.memref_squeeze %dma_wait3A_378 : memref<1x112x6xf32, #tpu.memory_space<vmem>> -> memref<112x6xf32, #tpu.memory_space<vmem>>
    %dma_wait3A_380 = arith.constant 0 : i32
    %dma_wait3A_381 = tpu.memref_slice %arg3[%add3A_221, %dma_wait3A_380] : memref<100000x6xf32, #tpu.memory_space<hbm>> -> memref<112x6xf32, #tpu.memory_space<hbm>>
    tpu.wait_dma2 semaphore(%arg8 : memref<!tpu.dma_semaphore, #tpu.memory_space<semaphore_mem>>) src(%dma_wait3A_381 : memref<112x6xf32, #tpu.memory_space<hbm>>) dst(%dma_wait3A_379 : memref<112x6xf32, #tpu.memory_space<vmem>>)
    %add3A_382 = arith.constant 336 : i32
    %add3A_383 = arith.addi %min3A_3, %add3A_382 : i32
    %dma_start3A_384 = arith.constant 0 : i32
    %dma_start3A_385 = arith.constant 0 : i32
    %dma_start3A_386 = arith.constant 0 : i32
    %dma_start3A_387 = tpu.memref_slice %arg6[%dma_start3A_384, %dma_start3A_385, %dma_start3A_386] : memref<3x112x17xf32, #tpu.memory_space<vmem>> -> memref<1x112x17xf32, #tpu.memory_space<vmem>>
    %dma_start3A_388 = tpu.memref_squeeze %dma_start3A_387 : memref<1x112x17xf32, #tpu.memory_space<vmem>> -> memref<112x17xf32, #tpu.memory_space<vmem>>
    %dma_start3A_389 = arith.constant 0 : i32
    %dma_start3A_390 = tpu.memref_slice %arg4[%add3A_383, %dma_start3A_389] : memref<100000x17xf32, #tpu.memory_space<hbm>> -> memref<112x17xf32, #tpu.memory_space<hbm>>
    %dma_start3A_391 = arith.constant 0 : i32
    %dma_start3A_392 = tpu.memref_slice %arg4[%add3A_383, %dma_start3A_391] : memref<100000x17xf32, #tpu.memory_space<hbm>> -> memref<112x17xf32, #tpu.memory_space<hbm>>
    %dma_start3A_393 = arith.constant 0 : i32
    %dma_start3A_394 = arith.constant 0 : i32
    %dma_start3A_395 = tpu.memref_slice %arg6[%dma_start3A_384, %dma_start3A_393, %dma_start3A_394] : memref<3x112x17xf32, #tpu.memory_space<vmem>> -> memref<1x112x17xf32, #tpu.memory_space<vmem>>
    %dma_start3A_396 = tpu.memref_squeeze %dma_start3A_395 : memref<1x112x17xf32, #tpu.memory_space<vmem>> -> memref<112x17xf32, #tpu.memory_space<vmem>>
    tpu.enqueue_dma source(%dma_start3A_396 : memref<112x17xf32, #tpu.memory_space<vmem>>) target(%dma_start3A_392 : memref<112x17xf32, #tpu.memory_space<hbm>>) target_semaphore(%arg9 : memref<!tpu.dma_semaphore, #tpu.memory_space<semaphore_mem>>)
    %dma_start3A_397 = arith.constant 0 : i32
    %dma_start3A_398 = arith.constant 0 : i32
    %dma_start3A_399 = arith.constant 0 : i32
    %dma_start3A_400 = tpu.memref_slice %arg7[%dma_start3A_397, %dma_start3A_398, %dma_start3A_399] : memref<3x112x6xf32, #tpu.memory_space<vmem>> -> memref<1x112x6xf32, #tpu.memory_space<vmem>>
    %dma_start3A_401 = tpu.memref_squeeze %dma_start3A_400 : memref<1x112x6xf32, #tpu.memory_space<vmem>> -> memref<112x6xf32, #tpu.memory_space<vmem>>
    %dma_start3A_402 = arith.constant 0 : i32
    %dma_start3A_403 = tpu.memref_slice %arg5[%add3A_383, %dma_start3A_402] : memref<100000x6xf32, #tpu.memory_space<hbm>> -> memref<112x6xf32, #tpu.memory_space<hbm>>
    %dma_start3A_404 = arith.constant 0 : i32
    %dma_start3A_405 = tpu.memref_slice %arg5[%add3A_383, %dma_start3A_404] : memref<100000x6xf32, #tpu.memory_space<hbm>> -> memref<112x6xf32, #tpu.memory_space<hbm>>
    %dma_start3A_406 = arith.constant 0 : i32
    %dma_start3A_407 = arith.constant 0 : i32
    %dma_start3A_408 = tpu.memref_slice %arg7[%dma_start3A_397, %dma_start3A_406, %dma_start3A_407] : memref<3x112x6xf32, #tpu.memory_space<vmem>> -> memref<1x112x6xf32, #tpu.memory_space<vmem>>
    %dma_start3A_409 = tpu.memref_squeeze %dma_start3A_408 : memref<1x112x6xf32, #tpu.memory_space<vmem>> -> memref<112x6xf32, #tpu.memory_space<vmem>>
    tpu.enqueue_dma source(%dma_start3A_409 : memref<112x6xf32, #tpu.memory_space<vmem>>) target(%dma_start3A_405 : memref<112x6xf32, #tpu.memory_space<hbm>>) target_semaphore(%arg9 : memref<!tpu.dma_semaphore, #tpu.memory_space<semaphore_mem>>)
    %dma_wait3A_410 = arith.constant 2 : i32
    %dma_wait3A_411 = arith.constant 0 : i32
    %dma_wait3A_412 = arith.constant 0 : i32
    %dma_wait3A_413 = tpu.memref_slice %arg6[%dma_wait3A_410, %dma_wait3A_411, %dma_wait3A_412] : memref<3x112x17xf32, #tpu.memory_space<vmem>> -> memref<1x112x17xf32, #tpu.memory_space<vmem>>
    %dma_wait3A_414 = tpu.memref_squeeze %dma_wait3A_413 : memref<1x112x17xf32, #tpu.memory_space<vmem>> -> memref<112x17xf32, #tpu.memory_space<vmem>>
    %dma_wait3A_415 = arith.constant 0 : i32
    %dma_wait3A_416 = tpu.memref_slice %arg4[%add3A_275, %dma_wait3A_415] : memref<100000x17xf32, #tpu.memory_space<hbm>> -> memref<112x17xf32, #tpu.memory_space<hbm>>
    %dma_wait3A_417 = arith.constant 0 : i32
    %dma_wait3A_418 = tpu.memref_slice %arg4[%add3A_275, %dma_wait3A_417] : memref<100000x17xf32, #tpu.memory_space<hbm>> -> memref<112x17xf32, #tpu.memory_space<hbm>>
    %dma_wait3A_419 = arith.constant 0 : i32
    %dma_wait3A_420 = arith.constant 0 : i32
    %dma_wait3A_421 = tpu.memref_slice %arg6[%dma_wait3A_410, %dma_wait3A_419, %dma_wait3A_420] : memref<3x112x17xf32, #tpu.memory_space<vmem>> -> memref<1x112x17xf32, #tpu.memory_space<vmem>>
    %dma_wait3A_422 = tpu.memref_squeeze %dma_wait3A_421 : memref<1x112x17xf32, #tpu.memory_space<vmem>> -> memref<112x17xf32, #tpu.memory_space<vmem>>
    tpu.wait_dma2 semaphore(%arg9 : memref<!tpu.dma_semaphore, #tpu.memory_space<semaphore_mem>>) src(%dma_wait3A_422 : memref<112x17xf32, #tpu.memory_space<vmem>>) dst(%dma_wait3A_418 : memref<112x17xf32, #tpu.memory_space<hbm>>)
    %dma_wait3A_423 = arith.constant 2 : i32
    %dma_wait3A_424 = arith.constant 0 : i32
    %dma_wait3A_425 = arith.constant 0 : i32
    %dma_wait3A_426 = tpu.memref_slice %arg7[%dma_wait3A_423, %dma_wait3A_424, %dma_wait3A_425] : memref<3x112x6xf32, #tpu.memory_space<vmem>> -> memref<1x112x6xf32, #tpu.memory_space<vmem>>
    %dma_wait3A_427 = tpu.memref_squeeze %dma_wait3A_426 : memref<1x112x6xf32, #tpu.memory_space<vmem>> -> memref<112x6xf32, #tpu.memory_space<vmem>>
    %dma_wait3A_428 = arith.constant 0 : i32
    %dma_wait3A_429 = tpu.memref_slice %arg5[%add3A_275, %dma_wait3A_428] : memref<100000x6xf32, #tpu.memory_space<hbm>> -> memref<112x6xf32, #tpu.memory_space<hbm>>
    %dma_wait3A_430 = arith.constant 0 : i32
    %dma_wait3A_431 = tpu.memref_slice %arg5[%add3A_275, %dma_wait3A_430] : memref<100000x6xf32, #tpu.memory_space<hbm>> -> memref<112x6xf32, #tpu.memory_space<hbm>>
    %dma_wait3A_432 = arith.constant 0 : i32
    %dma_wait3A_433 = arith.constant 0 : i32
    %dma_wait3A_434 = tpu.memref_slice %arg7[%dma_wait3A_423, %dma_wait3A_432, %dma_wait3A_433] : memref<3x112x6xf32, #tpu.memory_space<vmem>> -> memref<1x112x6xf32, #tpu.memory_space<vmem>>
    %dma_wait3A_435 = tpu.memref_squeeze %dma_wait3A_434 : memref<1x112x6xf32, #tpu.memory_space<vmem>> -> memref<112x6xf32, #tpu.memory_space<vmem>>
    tpu.wait_dma2 semaphore(%arg9 : memref<!tpu.dma_semaphore, #tpu.memory_space<semaphore_mem>>) src(%dma_wait3A_435 : memref<112x6xf32, #tpu.memory_space<vmem>>) dst(%dma_wait3A_431 : memref<112x6xf32, #tpu.memory_space<hbm>>)
    %add3A_436 = arith.constant 560 : i32
    %add3A_437 = arith.addi %min3A_3, %add3A_436 : i32
    %dma_start3A_438 = arith.constant 2 : i32
    %dma_start3A_439 = arith.constant 0 : i32
    %dma_start3A_440 = arith.constant 0 : i32
    %dma_start3A_441 = tpu.memref_slice %arg6[%dma_start3A_438, %dma_start3A_439, %dma_start3A_440] : memref<3x112x17xf32, #tpu.memory_space<vmem>> -> memref<1x112x17xf32, #tpu.memory_space<vmem>>
    %dma_start3A_442 = tpu.memref_squeeze %dma_start3A_441 : memref<1x112x17xf32, #tpu.memory_space<vmem>> -> memref<112x17xf32, #tpu.memory_space<vmem>>
    %dma_start3A_443 = arith.constant 0 : i32
    %dma_start3A_444 = tpu.memref_slice %arg2[%add3A_437, %dma_start3A_443] : memref<100000x17xf32, #tpu.memory_space<hbm>> -> memref<112x17xf32, #tpu.memory_space<hbm>>
    %dma_start3A_445 = arith.constant 0 : i32
    %dma_start3A_446 = arith.constant 0 : i32
    %dma_start3A_447 = tpu.memref_slice %arg6[%dma_start3A_438, %dma_start3A_445, %dma_start3A_446] : memref<3x112x17xf32, #tpu.memory_space<vmem>> -> memref<1x112x17xf32, #tpu.memory_space<vmem>>
    %dma_start3A_448 = tpu.memref_squeeze %dma_start3A_447 : memref<1x112x17xf32, #tpu.memory_space<vmem>> -> memref<112x17xf32, #tpu.memory_space<vmem>>
    %dma_start3A_449 = arith.constant 0 : i32
    %dma_start3A_450 = tpu.memref_slice %arg2[%add3A_437, %dma_start3A_449] : memref<100000x17xf32, #tpu.memory_space<hbm>> -> memref<112x17xf32, #tpu.memory_space<hbm>>
    tpu.enqueue_dma source(%dma_start3A_450 : memref<112x17xf32, #tpu.memory_space<hbm>>) target(%dma_start3A_448 : memref<112x17xf32, #tpu.memory_space<vmem>>) target_semaphore(%arg8 : memref<!tpu.dma_semaphore, #tpu.memory_space<semaphore_mem>>)
    %dma_start3A_451 = arith.constant 2 : i32
    %dma_start3A_452 = arith.constant 0 : i32
    %dma_start3A_453 = arith.constant 0 : i32
    %dma_start3A_454 = tpu.memref_slice %arg7[%dma_start3A_451, %dma_start3A_452, %dma_start3A_453] : memref<3x112x6xf32, #tpu.memory_space<vmem>> -> memref<1x112x6xf32, #tpu.memory_space<vmem>>
    %dma_start3A_455 = tpu.memref_squeeze %dma_start3A_454 : memref<1x112x6xf32, #tpu.memory_space<vmem>> -> memref<112x6xf32, #tpu.memory_space<vmem>>
    %dma_start3A_456 = arith.constant 0 : i32
    %dma_start3A_457 = tpu.memref_slice %arg3[%add3A_437, %dma_start3A_456] : memref<100000x6xf32, #tpu.memory_space<hbm>> -> memref<112x6xf32, #tpu.memory_space<hbm>>
    %dma_start3A_458 = arith.constant 0 : i32
    %dma_start3A_459 = arith.constant 0 : i32
    %dma_start3A_460 = tpu.memref_slice %arg7[%dma_start3A_451, %dma_start3A_458, %dma_start3A_459] : memref<3x112x6xf32, #tpu.memory_space<vmem>> -> memref<1x112x6xf32, #tpu.memory_space<vmem>>
    %dma_start3A_461 = tpu.memref_squeeze %dma_start3A_460 : memref<1x112x6xf32, #tpu.memory_space<vmem>> -> memref<112x6xf32, #tpu.memory_space<vmem>>
    %dma_start3A_462 = arith.constant 0 : i32
    %dma_start3A_463 = tpu.memref_slice %arg3[%add3A_437, %dma_start3A_462] : memref<100000x6xf32, #tpu.memory_space<hbm>> -> memref<112x6xf32, #tpu.memory_space<hbm>>
    tpu.enqueue_dma source(%dma_start3A_463 : memref<112x6xf32, #tpu.memory_space<hbm>>) target(%dma_start3A_461 : memref<112x6xf32, #tpu.memory_space<vmem>>) target_semaphore(%arg8 : memref<!tpu.dma_semaphore, #tpu.memory_space<semaphore_mem>>)
    %dma_wait3A_464 = arith.constant 1 : i32
    %dma_wait3A_465 = arith.constant 0 : i32
    %dma_wait3A_466 = arith.constant 0 : i32
    %dma_wait3A_467 = tpu.memref_slice %arg6[%dma_wait3A_464, %dma_wait3A_465, %dma_wait3A_466] : memref<3x112x17xf32, #tpu.memory_space<vmem>> -> memref<1x112x17xf32, #tpu.memory_space<vmem>>
    %dma_wait3A_468 = tpu.memref_squeeze %dma_wait3A_467 : memref<1x112x17xf32, #tpu.memory_space<vmem>> -> memref<112x17xf32, #tpu.memory_space<vmem>>
    %dma_wait3A_469 = arith.constant 0 : i32
    %dma_wait3A_470 = tpu.memref_slice %arg2[%add3A_329, %dma_wait3A_469] : memref<100000x17xf32, #tpu.memory_space<hbm>> -> memref<112x17xf32, #tpu.memory_space<hbm>>
    %dma_wait3A_471 = arith.constant 0 : i32
    %dma_wait3A_472 = arith.constant 0 : i32
    %dma_wait3A_473 = tpu.memref_slice %arg6[%dma_wait3A_464, %dma_wait3A_471, %dma_wait3A_472] : memref<3x112x17xf32, #tpu.memory_space<vmem>> -> memref<1x112x17xf32, #tpu.memory_space<vmem>>
    %dma_wait3A_474 = tpu.memref_squeeze %dma_wait3A_473 : memref<1x112x17xf32, #tpu.memory_space<vmem>> -> memref<112x17xf32, #tpu.memory_space<vmem>>
    %dma_wait3A_475 = arith.constant 0 : i32
    %dma_wait3A_476 = tpu.memref_slice %arg2[%add3A_329, %dma_wait3A_475] : memref<100000x17xf32, #tpu.memory_space<hbm>> -> memref<112x17xf32, #tpu.memory_space<hbm>>
    tpu.wait_dma2 semaphore(%arg8 : memref<!tpu.dma_semaphore, #tpu.memory_space<semaphore_mem>>) src(%dma_wait3A_476 : memref<112x17xf32, #tpu.memory_space<hbm>>) dst(%dma_wait3A_474 : memref<112x17xf32, #tpu.memory_space<vmem>>)
    %dma_wait3A_477 = arith.constant 1 : i32
    %dma_wait3A_478 = arith.constant 0 : i32
    %dma_wait3A_479 = arith.constant 0 : i32
    %dma_wait3A_480 = tpu.memref_slice %arg7[%dma_wait3A_477, %dma_wait3A_478, %dma_wait3A_479] : memref<3x112x6xf32, #tpu.memory_space<vmem>> -> memref<1x112x6xf32, #tpu.memory_space<vmem>>
    %dma_wait3A_481 = tpu.memref_squeeze %dma_wait3A_480 : memref<1x112x6xf32, #tpu.memory_space<vmem>> -> memref<112x6xf32, #tpu.memory_space<vmem>>
    %dma_wait3A_482 = arith.constant 0 : i32
    %dma_wait3A_483 = tpu.memref_slice %arg3[%add3A_329, %dma_wait3A_482] : memref<100000x6xf32, #tpu.memory_space<hbm>> -> memref<112x6xf32, #tpu.memory_space<hbm>>
    %dma_wait3A_484 = arith.constant 0 : i32
    %dma_wait3A_485 = arith.constant 0 : i32
    %dma_wait3A_486 = tpu.memref_slice %arg7[%dma_wait3A_477, %dma_wait3A_484, %dma_wait3A_485] : memref<3x112x6xf32, #tpu.memory_space<vmem>> -> memref<1x112x6xf32, #tpu.memory_space<vmem>>
    %dma_wait3A_487 = tpu.memref_squeeze %dma_wait3A_486 : memref<1x112x6xf32, #tpu.memory_space<vmem>> -> memref<112x6xf32, #tpu.memory_space<vmem>>
    %dma_wait3A_488 = arith.constant 0 : i32
    %dma_wait3A_489 = tpu.memref_slice %arg3[%add3A_329, %dma_wait3A_488] : memref<100000x6xf32, #tpu.memory_space<hbm>> -> memref<112x6xf32, #tpu.memory_space<hbm>>
    tpu.wait_dma2 semaphore(%arg8 : memref<!tpu.dma_semaphore, #tpu.memory_space<semaphore_mem>>) src(%dma_wait3A_489 : memref<112x6xf32, #tpu.memory_space<hbm>>) dst(%dma_wait3A_487 : memref<112x6xf32, #tpu.memory_space<vmem>>)
    %add3A_490 = arith.constant 448 : i32
    %add3A_491 = arith.addi %min3A_3, %add3A_490 : i32
    %dma_start3A_492 = arith.constant 1 : i32
    %dma_start3A_493 = arith.constant 0 : i32
    %dma_start3A_494 = arith.constant 0 : i32
    %dma_start3A_495 = tpu.memref_slice %arg6[%dma_start3A_492, %dma_start3A_493, %dma_start3A_494] : memref<3x112x17xf32, #tpu.memory_space<vmem>> -> memref<1x112x17xf32, #tpu.memory_space<vmem>>
    %dma_start3A_496 = tpu.memref_squeeze %dma_start3A_495 : memref<1x112x17xf32, #tpu.memory_space<vmem>> -> memref<112x17xf32, #tpu.memory_space<vmem>>
    %dma_start3A_497 = arith.constant 0 : i32
    %dma_start3A_498 = tpu.memref_slice %arg4[%add3A_491, %dma_start3A_497] : memref<100000x17xf32, #tpu.memory_space<hbm>> -> memref<112x17xf32, #tpu.memory_space<hbm>>
    %dma_start3A_499 = arith.constant 0 : i32
    %dma_start3A_500 = tpu.memref_slice %arg4[%add3A_491, %dma_start3A_499] : memref<100000x17xf32, #tpu.memory_space<hbm>> -> memref<112x17xf32, #tpu.memory_space<hbm>>
    %dma_start3A_501 = arith.constant 0 : i32
    %dma_start3A_502 = arith.constant 0 : i32
    %dma_start3A_503 = tpu.memref_slice %arg6[%dma_start3A_492, %dma_start3A_501, %dma_start3A_502] : memref<3x112x17xf32, #tpu.memory_space<vmem>> -> memref<1x112x17xf32, #tpu.memory_space<vmem>>
    %dma_start3A_504 = tpu.memref_squeeze %dma_start3A_503 : memref<1x112x17xf32, #tpu.memory_space<vmem>> -> memref<112x17xf32, #tpu.memory_space<vmem>>
    tpu.enqueue_dma source(%dma_start3A_504 : memref<112x17xf32, #tpu.memory_space<vmem>>) target(%dma_start3A_500 : memref<112x17xf32, #tpu.memory_space<hbm>>) target_semaphore(%arg9 : memref<!tpu.dma_semaphore, #tpu.memory_space<semaphore_mem>>)
    %dma_start3A_505 = arith.constant 1 : i32
    %dma_start3A_506 = arith.constant 0 : i32
    %dma_start3A_507 = arith.constant 0 : i32
    %dma_start3A_508 = tpu.memref_slice %arg7[%dma_start3A_505, %dma_start3A_506, %dma_start3A_507] : memref<3x112x6xf32, #tpu.memory_space<vmem>> -> memref<1x112x6xf32, #tpu.memory_space<vmem>>
    %dma_start3A_509 = tpu.memref_squeeze %dma_start3A_508 : memref<1x112x6xf32, #tpu.memory_space<vmem>> -> memref<112x6xf32, #tpu.memory_space<vmem>>
    %dma_start3A_510 = arith.constant 0 : i32
    %dma_start3A_511 = tpu.memref_slice %arg5[%add3A_491, %dma_start3A_510] : memref<100000x6xf32, #tpu.memory_space<hbm>> -> memref<112x6xf32, #tpu.memory_space<hbm>>
    %dma_start3A_512 = arith.constant 0 : i32
    %dma_start3A_513 = tpu.memref_slice %arg5[%add3A_491, %dma_start3A_512] : memref<100000x6xf32, #tpu.memory_space<hbm>> -> memref<112x6xf32, #tpu.memory_space<hbm>>
    %dma_start3A_514 = arith.constant 0 : i32
    %dma_start3A_515 = arith.constant 0 : i32
    %dma_start3A_516 = tpu.memref_slice %arg7[%dma_start3A_505, %dma_start3A_514, %dma_start3A_515] : memref<3x112x6xf32, #tpu.memory_space<vmem>> -> memref<1x112x6xf32, #tpu.memory_space<vmem>>
    %dma_start3A_517 = tpu.memref_squeeze %dma_start3A_516 : memref<1x112x6xf32, #tpu.memory_space<vmem>> -> memref<112x6xf32, #tpu.memory_space<vmem>>
    tpu.enqueue_dma source(%dma_start3A_517 : memref<112x6xf32, #tpu.memory_space<vmem>>) target(%dma_start3A_513 : memref<112x6xf32, #tpu.memory_space<hbm>>) target_semaphore(%arg9 : memref<!tpu.dma_semaphore, #tpu.memory_space<semaphore_mem>>)
    %dma_wait3A_518 = arith.constant 0 : i32
    %dma_wait3A_519 = arith.constant 0 : i32
    %dma_wait3A_520 = arith.constant 0 : i32
    %dma_wait3A_521 = tpu.memref_slice %arg6[%dma_wait3A_518, %dma_wait3A_519, %dma_wait3A_520] : memref<3x112x17xf32, #tpu.memory_space<vmem>> -> memref<1x112x17xf32, #tpu.memory_space<vmem>>
    %dma_wait3A_522 = tpu.memref_squeeze %dma_wait3A_521 : memref<1x112x17xf32, #tpu.memory_space<vmem>> -> memref<112x17xf32, #tpu.memory_space<vmem>>
    %dma_wait3A_523 = arith.constant 0 : i32
    %dma_wait3A_524 = tpu.memref_slice %arg4[%add3A_383, %dma_wait3A_523] : memref<100000x17xf32, #tpu.memory_space<hbm>> -> memref<112x17xf32, #tpu.memory_space<hbm>>
    %dma_wait3A_525 = arith.constant 0 : i32
    %dma_wait3A_526 = tpu.memref_slice %arg4[%add3A_383, %dma_wait3A_525] : memref<100000x17xf32, #tpu.memory_space<hbm>> -> memref<112x17xf32, #tpu.memory_space<hbm>>
    %dma_wait3A_527 = arith.constant 0 : i32
    %dma_wait3A_528 = arith.constant 0 : i32
    %dma_wait3A_529 = tpu.memref_slice %arg6[%dma_wait3A_518, %dma_wait3A_527, %dma_wait3A_528] : memref<3x112x17xf32, #tpu.memory_space<vmem>> -> memref<1x112x17xf32, #tpu.memory_space<vmem>>
    %dma_wait3A_530 = tpu.memref_squeeze %dma_wait3A_529 : memref<1x112x17xf32, #tpu.memory_space<vmem>> -> memref<112x17xf32, #tpu.memory_space<vmem>>
    tpu.wait_dma2 semaphore(%arg9 : memref<!tpu.dma_semaphore, #tpu.memory_space<semaphore_mem>>) src(%dma_wait3A_530 : memref<112x17xf32, #tpu.memory_space<vmem>>) dst(%dma_wait3A_526 : memref<112x17xf32, #tpu.memory_space<hbm>>)
    %dma_wait3A_531 = arith.constant 0 : i32
    %dma_wait3A_532 = arith.constant 0 : i32
    %dma_wait3A_533 = arith.constant 0 : i32
    %dma_wait3A_534 = tpu.memref_slice %arg7[%dma_wait3A_531, %dma_wait3A_532, %dma_wait3A_533] : memref<3x112x6xf32, #tpu.memory_space<vmem>> -> memref<1x112x6xf32, #tpu.memory_space<vmem>>
    %dma_wait3A_535 = tpu.memref_squeeze %dma_wait3A_534 : memref<1x112x6xf32, #tpu.memory_space<vmem>> -> memref<112x6xf32, #tpu.memory_space<vmem>>
    %dma_wait3A_536 = arith.constant 0 : i32
    %dma_wait3A_537 = tpu.memref_slice %arg5[%add3A_383, %dma_wait3A_536] : memref<100000x6xf32, #tpu.memory_space<hbm>> -> memref<112x6xf32, #tpu.memory_space<hbm>>
    %dma_wait3A_538 = arith.constant 0 : i32
    %dma_wait3A_539 = tpu.memref_slice %arg5[%add3A_383, %dma_wait3A_538] : memref<100000x6xf32, #tpu.memory_space<hbm>> -> memref<112x6xf32, #tpu.memory_space<hbm>>
    %dma_wait3A_540 = arith.constant 0 : i32
    %dma_wait3A_541 = arith.constant 0 : i32
    %dma_wait3A_542 = tpu.memref_slice %arg7[%dma_wait3A_531, %dma_wait3A_540, %dma_wait3A_541] : memref<3x112x6xf32, #tpu.memory_space<vmem>> -> memref<1x112x6xf32, #tpu.memory_space<vmem>>
    %dma_wait3A_543 = tpu.memref_squeeze %dma_wait3A_542 : memref<1x112x6xf32, #tpu.memory_space<vmem>> -> memref<112x6xf32, #tpu.memory_space<vmem>>
    tpu.wait_dma2 semaphore(%arg9 : memref<!tpu.dma_semaphore, #tpu.memory_space<semaphore_mem>>) src(%dma_wait3A_543 : memref<112x6xf32, #tpu.memory_space<vmem>>) dst(%dma_wait3A_539 : memref<112x6xf32, #tpu.memory_space<hbm>>)
    %add3A_544 = arith.constant 672 : i32
    %add3A_545 = arith.addi %min3A_3, %add3A_544 : i32
    %dma_start3A_546 = arith.constant 0 : i32
    %dma_start3A_547 = arith.constant 0 : i32
    %dma_start3A_548 = arith.constant 0 : i32
    %dma_start3A_549 = tpu.memref_slice %arg6[%dma_start3A_546, %dma_start3A_547, %dma_start3A_548] : memref<3x112x17xf32, #tpu.memory_space<vmem>> -> memref<1x112x17xf32, #tpu.memory_space<vmem>>
    %dma_start3A_550 = tpu.memref_squeeze %dma_start3A_549 : memref<1x112x17xf32, #tpu.memory_space<vmem>> -> memref<112x17xf32, #tpu.memory_space<vmem>>
    %dma_start3A_551 = arith.constant 0 : i32
    %dma_start3A_552 = tpu.memref_slice %arg2[%add3A_545, %dma_start3A_551] : memref<100000x17xf32, #tpu.memory_space<hbm>> -> memref<112x17xf32, #tpu.memory_space<hbm>>
    %dma_start3A_553 = arith.constant 0 : i32
    %dma_start3A_554 = arith.constant 0 : i32
    %dma_start3A_555 = tpu.memref_slice %arg6[%dma_start3A_546, %dma_start3A_553, %dma_start3A_554] : memref<3x112x17xf32, #tpu.memory_space<vmem>> -> memref<1x112x17xf32, #tpu.memory_space<vmem>>
    %dma_start3A_556 = tpu.memref_squeeze %dma_start3A_555 : memref<1x112x17xf32, #tpu.memory_space<vmem>> -> memref<112x17xf32, #tpu.memory_space<vmem>>
    %dma_start3A_557 = arith.constant 0 : i32
    %dma_start3A_558 = tpu.memref_slice %arg2[%add3A_545, %dma_start3A_557] : memref<100000x17xf32, #tpu.memory_space<hbm>> -> memref<112x17xf32, #tpu.memory_space<hbm>>
    tpu.enqueue_dma source(%dma_start3A_558 : memref<112x17xf32, #tpu.memory_space<hbm>>) target(%dma_start3A_556 : memref<112x17xf32, #tpu.memory_space<vmem>>) target_semaphore(%arg8 : memref<!tpu.dma_semaphore, #tpu.memory_space<semaphore_mem>>)
    %dma_start3A_559 = arith.constant 0 : i32
    %dma_start3A_560 = arith.constant 0 : i32
    %dma_start3A_561 = arith.constant 0 : i32
    %dma_start3A_562 = tpu.memref_slice %arg7[%dma_start3A_559, %dma_start3A_560, %dma_start3A_561] : memref<3x112x6xf32, #tpu.memory_space<vmem>> -> memref<1x112x6xf32, #tpu.memory_space<vmem>>
    %dma_start3A_563 = tpu.memref_squeeze %dma_start3A_562 : memref<1x112x6xf32, #tpu.memory_space<vmem>> -> memref<112x6xf32, #tpu.memory_space<vmem>>
    %dma_start3A_564 = arith.constant 0 : i32
    %dma_start3A_565 = tpu.memref_slice %arg3[%add3A_545, %dma_start3A_564] : memref<100000x6xf32, #tpu.memory_space<hbm>> -> memref<112x6xf32, #tpu.memory_space<hbm>>
    %dma_start3A_566 = arith.constant 0 : i32
    %dma_start3A_567 = arith.constant 0 : i32
    %dma_start3A_568 = tpu.memref_slice %arg7[%dma_start3A_559, %dma_start3A_566, %dma_start3A_567] : memref<3x112x6xf32, #tpu.memory_space<vmem>> -> memref<1x112x6xf32, #tpu.memory_space<vmem>>
    %dma_start3A_569 = tpu.memref_squeeze %dma_start3A_568 : memref<1x112x6xf32, #tpu.memory_space<vmem>> -> memref<112x6xf32, #tpu.memory_space<vmem>>
    %dma_start3A_570 = arith.constant 0 : i32
    %dma_start3A_571 = tpu.memref_slice %arg3[%add3A_545, %dma_start3A_570] : memref<100000x6xf32, #tpu.memory_space<hbm>> -> memref<112x6xf32, #tpu.memory_space<hbm>>
    tpu.enqueue_dma source(%dma_start3A_571 : memref<112x6xf32, #tpu.memory_space<hbm>>) target(%dma_start3A_569 : memref<112x6xf32, #tpu.memory_space<vmem>>) target_semaphore(%arg8 : memref<!tpu.dma_semaphore, #tpu.memory_space<semaphore_mem>>)
    %dma_wait3A_572 = arith.constant 2 : i32
    %dma_wait3A_573 = arith.constant 0 : i32
    %dma_wait3A_574 = arith.constant 0 : i32
    %dma_wait3A_575 = tpu.memref_slice %arg6[%dma_wait3A_572, %dma_wait3A_573, %dma_wait3A_574] : memref<3x112x17xf32, #tpu.memory_space<vmem>> -> memref<1x112x17xf32, #tpu.memory_space<vmem>>
    %dma_wait3A_576 = tpu.memref_squeeze %dma_wait3A_575 : memref<1x112x17xf32, #tpu.memory_space<vmem>> -> memref<112x17xf32, #tpu.memory_space<vmem>>
    %dma_wait3A_577 = arith.constant 0 : i32
    %dma_wait3A_578 = tpu.memref_slice %arg2[%add3A_437, %dma_wait3A_577] : memref<100000x17xf32, #tpu.memory_space<hbm>> -> memref<112x17xf32, #tpu.memory_space<hbm>>
    %dma_wait3A_579 = arith.constant 0 : i32
    %dma_wait3A_580 = arith.constant 0 : i32
    %dma_wait3A_581 = tpu.memref_slice %arg6[%dma_wait3A_572, %dma_wait3A_579, %dma_wait3A_580] : memref<3x112x17xf32, #tpu.memory_space<vmem>> -> memref<1x112x17xf32, #tpu.memory_space<vmem>>
    %dma_wait3A_582 = tpu.memref_squeeze %dma_wait3A_581 : memref<1x112x17xf32, #tpu.memory_space<vmem>> -> memref<112x17xf32, #tpu.memory_space<vmem>>
    %dma_wait3A_583 = arith.constant 0 : i32
    %dma_wait3A_584 = tpu.memref_slice %arg2[%add3A_437, %dma_wait3A_583] : memref<100000x17xf32, #tpu.memory_space<hbm>> -> memref<112x17xf32, #tpu.memory_space<hbm>>
    tpu.wait_dma2 semaphore(%arg8 : memref<!tpu.dma_semaphore, #tpu.memory_space<semaphore_mem>>) src(%dma_wait3A_584 : memref<112x17xf32, #tpu.memory_space<hbm>>) dst(%dma_wait3A_582 : memref<112x17xf32, #tpu.memory_space<vmem>>)
    %dma_wait3A_585 = arith.constant 2 : i32
    %dma_wait3A_586 = arith.constant 0 : i32
    %dma_wait3A_587 = arith.constant 0 : i32
    %dma_wait3A_588 = tpu.memref_slice %arg7[%dma_wait3A_585, %dma_wait3A_586, %dma_wait3A_587] : memref<3x112x6xf32, #tpu.memory_space<vmem>> -> memref<1x112x6xf32, #tpu.memory_space<vmem>>
    %dma_wait3A_589 = tpu.memref_squeeze %dma_wait3A_588 : memref<1x112x6xf32, #tpu.memory_space<vmem>> -> memref<112x6xf32, #tpu.memory_space<vmem>>
    %dma_wait3A_590 = arith.constant 0 : i32
    %dma_wait3A_591 = tpu.memref_slice %arg3[%add3A_437, %dma_wait3A_590] : memref<100000x6xf32, #tpu.memory_space<hbm>> -> memref<112x6xf32, #tpu.memory_space<hbm>>
    %dma_wait3A_592 = arith.constant 0 : i32
    %dma_wait3A_593 = arith.constant 0 : i32
    %dma_wait3A_594 = tpu.memref_slice %arg7[%dma_wait3A_585, %dma_wait3A_592, %dma_wait3A_593] : memref<3x112x6xf32, #tpu.memory_space<vmem>> -> memref<1x112x6xf32, #tpu.memory_space<vmem>>
    %dma_wait3A_595 = tpu.memref_squeeze %dma_wait3A_594 : memref<1x112x6xf32, #tpu.memory_space<vmem>> -> memref<112x6xf32, #tpu.memory_space<vmem>>
    %dma_wait3A_596 = arith.constant 0 : i32
    %dma_wait3A_597 = tpu.memref_slice %arg3[%add3A_437, %dma_wait3A_596] : memref<100000x6xf32, #tpu.memory_space<hbm>> -> memref<112x6xf32, #tpu.memory_space<hbm>>
    tpu.wait_dma2 semaphore(%arg8 : memref<!tpu.dma_semaphore, #tpu.memory_space<semaphore_mem>>) src(%dma_wait3A_597 : memref<112x6xf32, #tpu.memory_space<hbm>>) dst(%dma_wait3A_595 : memref<112x6xf32, #tpu.memory_space<vmem>>)
    %add3A_598 = arith.constant 560 : i32
    %add3A_599 = arith.addi %min3A_3, %add3A_598 : i32
    %dma_start3A_600 = arith.constant 2 : i32
    %dma_start3A_601 = arith.constant 0 : i32
    %dma_start3A_602 = arith.constant 0 : i32
    %dma_start3A_603 = tpu.memref_slice %arg6[%dma_start3A_600, %dma_start3A_601, %dma_start3A_602] : memref<3x112x17xf32, #tpu.memory_space<vmem>> -> memref<1x112x17xf32, #tpu.memory_space<vmem>>
    %dma_start3A_604 = tpu.memref_squeeze %dma_start3A_603 : memref<1x112x17xf32, #tpu.memory_space<vmem>> -> memref<112x17xf32, #tpu.memory_space<vmem>>
    %dma_start3A_605 = arith.constant 0 : i32
    %dma_start3A_606 = tpu.memref_slice %arg4[%add3A_599, %dma_start3A_605] : memref<100000x17xf32, #tpu.memory_space<hbm>> -> memref<112x17xf32, #tpu.memory_space<hbm>>
    %dma_start3A_607 = arith.constant 0 : i32
    %dma_start3A_608 = tpu.memref_slice %arg4[%add3A_599, %dma_start3A_607] : memref<100000x17xf32, #tpu.memory_space<hbm>> -> memref<112x17xf32, #tpu.memory_space<hbm>>
    %dma_start3A_609 = arith.constant 0 : i32
    %dma_start3A_610 = arith.constant 0 : i32
    %dma_start3A_611 = tpu.memref_slice %arg6[%dma_start3A_600, %dma_start3A_609, %dma_start3A_610] : memref<3x112x17xf32, #tpu.memory_space<vmem>> -> memref<1x112x17xf32, #tpu.memory_space<vmem>>
    %dma_start3A_612 = tpu.memref_squeeze %dma_start3A_611 : memref<1x112x17xf32, #tpu.memory_space<vmem>> -> memref<112x17xf32, #tpu.memory_space<vmem>>
    tpu.enqueue_dma source(%dma_start3A_612 : memref<112x17xf32, #tpu.memory_space<vmem>>) target(%dma_start3A_608 : memref<112x17xf32, #tpu.memory_space<hbm>>) target_semaphore(%arg9 : memref<!tpu.dma_semaphore, #tpu.memory_space<semaphore_mem>>)
    %dma_start3A_613 = arith.constant 2 : i32
    %dma_start3A_614 = arith.constant 0 : i32
    %dma_start3A_615 = arith.constant 0 : i32
    %dma_start3A_616 = tpu.memref_slice %arg7[%dma_start3A_613, %dma_start3A_614, %dma_start3A_615] : memref<3x112x6xf32, #tpu.memory_space<vmem>> -> memref<1x112x6xf32, #tpu.memory_space<vmem>>
    %dma_start3A_617 = tpu.memref_squeeze %dma_start3A_616 : memref<1x112x6xf32, #tpu.memory_space<vmem>> -> memref<112x6xf32, #tpu.memory_space<vmem>>
    %dma_start3A_618 = arith.constant 0 : i32
    %dma_start3A_619 = tpu.memref_slice %arg5[%add3A_599, %dma_start3A_618] : memref<100000x6xf32, #tpu.memory_space<hbm>> -> memref<112x6xf32, #tpu.memory_space<hbm>>
    %dma_start3A_620 = arith.constant 0 : i32
    %dma_start3A_621 = tpu.memref_slice %arg5[%add3A_599, %dma_start3A_620] : memref<100000x6xf32, #tpu.memory_space<hbm>> -> memref<112x6xf32, #tpu.memory_space<hbm>>
    %dma_start3A_622 = arith.constant 0 : i32
    %dma_start3A_623 = arith.constant 0 : i32
    %dma_start3A_624 = tpu.memref_slice %arg7[%dma_start3A_613, %dma_start3A_622, %dma_start3A_623] : memref<3x112x6xf32, #tpu.memory_space<vmem>> -> memref<1x112x6xf32, #tpu.memory_space<vmem>>
    %dma_start3A_625 = tpu.memref_squeeze %dma_start3A_624 : memref<1x112x6xf32, #tpu.memory_space<vmem>> -> memref<112x6xf32, #tpu.memory_space<vmem>>
    tpu.enqueue_dma source(%dma_start3A_625 : memref<112x6xf32, #tpu.memory_space<vmem>>) target(%dma_start3A_621 : memref<112x6xf32, #tpu.memory_space<hbm>>) target_semaphore(%arg9 : memref<!tpu.dma_semaphore, #tpu.memory_space<semaphore_mem>>)
    %dma_wait3A_626 = arith.constant 1 : i32
    %dma_wait3A_627 = arith.constant 0 : i32
    %dma_wait3A_628 = arith.constant 0 : i32
    %dma_wait3A_629 = tpu.memref_slice %arg6[%dma_wait3A_626, %dma_wait3A_627, %dma_wait3A_628] : memref<3x112x17xf32, #tpu.memory_space<vmem>> -> memref<1x112x17xf32, #tpu.memory_space<vmem>>
    %dma_wait3A_630 = tpu.memref_squeeze %dma_wait3A_629 : memref<1x112x17xf32, #tpu.memory_space<vmem>> -> memref<112x17xf32, #tpu.memory_space<vmem>>
    %dma_wait3A_631 = arith.constant 0 : i32
    %dma_wait3A_632 = tpu.memref_slice %arg4[%add3A_491, %dma_wait3A_631] : memref<100000x17xf32, #tpu.memory_space<hbm>> -> memref<112x17xf32, #tpu.memory_space<hbm>>
    %dma_wait3A_633 = arith.constant 0 : i32
    %dma_wait3A_634 = tpu.memref_slice %arg4[%add3A_491, %dma_wait3A_633] : memref<100000x17xf32, #tpu.memory_space<hbm>> -> memref<112x17xf32, #tpu.memory_space<hbm>>
    %dma_wait3A_635 = arith.constant 0 : i32
    %dma_wait3A_636 = arith.constant 0 : i32
    %dma_wait3A_637 = tpu.memref_slice %arg6[%dma_wait3A_626, %dma_wait3A_635, %dma_wait3A_636] : memref<3x112x17xf32, #tpu.memory_space<vmem>> -> memref<1x112x17xf32, #tpu.memory_space<vmem>>
    %dma_wait3A_638 = tpu.memref_squeeze %dma_wait3A_637 : memref<1x112x17xf32, #tpu.memory_space<vmem>> -> memref<112x17xf32, #tpu.memory_space<vmem>>
    tpu.wait_dma2 semaphore(%arg9 : memref<!tpu.dma_semaphore, #tpu.memory_space<semaphore_mem>>) src(%dma_wait3A_638 : memref<112x17xf32, #tpu.memory_space<vmem>>) dst(%dma_wait3A_634 : memref<112x17xf32, #tpu.memory_space<hbm>>)
    %dma_wait3A_639 = arith.constant 1 : i32
    %dma_wait3A_640 = arith.constant 0 : i32
    %dma_wait3A_641 = arith.constant 0 : i32
    %dma_wait3A_642 = tpu.memref_slice %arg7[%dma_wait3A_639, %dma_wait3A_640, %dma_wait3A_641] : memref<3x112x6xf32, #tpu.memory_space<vmem>> -> memref<1x112x6xf32, #tpu.memory_space<vmem>>
    %dma_wait3A_643 = tpu.memref_squeeze %dma_wait3A_642 : memref<1x112x6xf32, #tpu.memory_space<vmem>> -> memref<112x6xf32, #tpu.memory_space<vmem>>
    %dma_wait3A_644 = arith.constant 0 : i32
    %dma_wait3A_645 = tpu.memref_slice %arg5[%add3A_491, %dma_wait3A_644] : memref<100000x6xf32, #tpu.memory_space<hbm>> -> memref<112x6xf32, #tpu.memory_space<hbm>>
    %dma_wait3A_646 = arith.constant 0 : i32
    %dma_wait3A_647 = tpu.memref_slice %arg5[%add3A_491, %dma_wait3A_646] : memref<100000x6xf32, #tpu.memory_space<hbm>> -> memref<112x6xf32, #tpu.memory_space<hbm>>
    %dma_wait3A_648 = arith.constant 0 : i32
    %dma_wait3A_649 = arith.constant 0 : i32
    %dma_wait3A_650 = tpu.memref_slice %arg7[%dma_wait3A_639, %dma_wait3A_648, %dma_wait3A_649] : memref<3x112x6xf32, #tpu.memory_space<vmem>> -> memref<1x112x6xf32, #tpu.memory_space<vmem>>
    %dma_wait3A_651 = tpu.memref_squeeze %dma_wait3A_650 : memref<1x112x6xf32, #tpu.memory_space<vmem>> -> memref<112x6xf32, #tpu.memory_space<vmem>>
    tpu.wait_dma2 semaphore(%arg9 : memref<!tpu.dma_semaphore, #tpu.memory_space<semaphore_mem>>) src(%dma_wait3A_651 : memref<112x6xf32, #tpu.memory_space<vmem>>) dst(%dma_wait3A_647 : memref<112x6xf32, #tpu.memory_space<hbm>>)
    %add3A_652 = arith.constant 784 : i32
    %add3A_653 = arith.addi %min3A_3, %add3A_652 : i32
    %dma_start3A_654 = arith.constant 1 : i32
    %dma_start3A_655 = arith.constant 0 : i32
    %dma_start3A_656 = arith.constant 0 : i32
    %dma_start3A_657 = tpu.memref_slice %arg6[%dma_start3A_654, %dma_start3A_655, %dma_start3A_656] : memref<3x112x17xf32, #tpu.memory_space<vmem>> -> memref<1x112x17xf32, #tpu.memory_space<vmem>>
    %dma_start3A_658 = tpu.memref_squeeze %dma_start3A_657 : memref<1x112x17xf32, #tpu.memory_space<vmem>> -> memref<112x17xf32, #tpu.memory_space<vmem>>
    %dma_start3A_659 = arith.constant 0 : i32
    %dma_start3A_660 = tpu.memref_slice %arg2[%add3A_653, %dma_start3A_659] : memref<100000x17xf32, #tpu.memory_space<hbm>> -> memref<112x17xf32, #tpu.memory_space<hbm>>
    %dma_start3A_661 = arith.constant 0 : i32
    %dma_start3A_662 = arith.constant 0 : i32
    %dma_start3A_663 = tpu.memref_slice %arg6[%dma_start3A_654, %dma_start3A_661, %dma_start3A_662] : memref<3x112x17xf32, #tpu.memory_space<vmem>> -> memref<1x112x17xf32, #tpu.memory_space<vmem>>
    %dma_start3A_664 = tpu.memref_squeeze %dma_start3A_663 : memref<1x112x17xf32, #tpu.memory_space<vmem>> -> memref<112x17xf32, #tpu.memory_space<vmem>>
    %dma_start3A_665 = arith.constant 0 : i32
    %dma_start3A_666 = tpu.memref_slice %arg2[%add3A_653, %dma_start3A_665] : memref<100000x17xf32, #tpu.memory_space<hbm>> -> memref<112x17xf32, #tpu.memory_space<hbm>>
    tpu.enqueue_dma source(%dma_start3A_666 : memref<112x17xf32, #tpu.memory_space<hbm>>) target(%dma_start3A_664 : memref<112x17xf32, #tpu.memory_space<vmem>>) target_semaphore(%arg8 : memref<!tpu.dma_semaphore, #tpu.memory_space<semaphore_mem>>)
    %dma_start3A_667 = arith.constant 1 : i32
    %dma_start3A_668 = arith.constant 0 : i32
    %dma_start3A_669 = arith.constant 0 : i32
    %dma_start3A_670 = tpu.memref_slice %arg7[%dma_start3A_667, %dma_start3A_668, %dma_start3A_669] : memref<3x112x6xf32, #tpu.memory_space<vmem>> -> memref<1x112x6xf32, #tpu.memory_space<vmem>>
    %dma_start3A_671 = tpu.memref_squeeze %dma_start3A_670 : memref<1x112x6xf32, #tpu.memory_space<vmem>> -> memref<112x6xf32, #tpu.memory_space<vmem>>
    %dma_start3A_672 = arith.constant 0 : i32
    %dma_start3A_673 = tpu.memref_slice %arg3[%add3A_653, %dma_start3A_672] : memref<100000x6xf32, #tpu.memory_space<hbm>> -> memref<112x6xf32, #tpu.memory_space<hbm>>
    %dma_start3A_674 = arith.constant 0 : i32
    %dma_start3A_675 = arith.constant 0 : i32
    %dma_start3A_676 = tpu.memref_slice %arg7[%dma_start3A_667, %dma_start3A_674, %dma_start3A_675] : memref<3x112x6xf32, #tpu.memory_space<vmem>> -> memref<1x112x6xf32, #tpu.memory_space<vmem>>
    %dma_start3A_677 = tpu.memref_squeeze %dma_start3A_676 : memref<1x112x6xf32, #tpu.memory_space<vmem>> -> memref<112x6xf32, #tpu.memory_space<vmem>>
    %dma_start3A_678 = arith.constant 0 : i32
    %dma_start3A_679 = tpu.memref_slice %arg3[%add3A_653, %dma_start3A_678] : memref<100000x6xf32, #tpu.memory_space<hbm>> -> memref<112x6xf32, #tpu.memory_space<hbm>>
    tpu.enqueue_dma source(%dma_start3A_679 : memref<112x6xf32, #tpu.memory_space<hbm>>) target(%dma_start3A_677 : memref<112x6xf32, #tpu.memory_space<vmem>>) target_semaphore(%arg8 : memref<!tpu.dma_semaphore, #tpu.memory_space<semaphore_mem>>)
    %dma_wait3A_680 = arith.constant 0 : i32
    %dma_wait3A_681 = arith.constant 0 : i32
    %dma_wait3A_682 = arith.constant 0 : i32
    %dma_wait3A_683 = tpu.memref_slice %arg6[%dma_wait3A_680, %dma_wait3A_681, %dma_wait3A_682] : memref<3x112x17xf32, #tpu.memory_space<vmem>> -> memref<1x112x17xf32, #tpu.memory_space<vmem>>
    %dma_wait3A_684 = tpu.memref_squeeze %dma_wait3A_683 : memref<1x112x17xf32, #tpu.memory_space<vmem>> -> memref<112x17xf32, #tpu.memory_space<vmem>>
    %dma_wait3A_685 = arith.constant 0 : i32
    %dma_wait3A_686 = tpu.memref_slice %arg2[%add3A_545, %dma_wait3A_685] : memref<100000x17xf32, #tpu.memory_space<hbm>> -> memref<112x17xf32, #tpu.memory_space<hbm>>
    %dma_wait3A_687 = arith.constant 0 : i32
    %dma_wait3A_688 = arith.constant 0 : i32
    %dma_wait3A_689 = tpu.memref_slice %arg6[%dma_wait3A_680, %dma_wait3A_687, %dma_wait3A_688] : memref<3x112x17xf32, #tpu.memory_space<vmem>> -> memref<1x112x17xf32, #tpu.memory_space<vmem>>
    %dma_wait3A_690 = tpu.memref_squeeze %dma_wait3A_689 : memref<1x112x17xf32, #tpu.memory_space<vmem>> -> memref<112x17xf32, #tpu.memory_space<vmem>>
    %dma_wait3A_691 = arith.constant 0 : i32
    %dma_wait3A_692 = tpu.memref_slice %arg2[%add3A_545, %dma_wait3A_691] : memref<100000x17xf32, #tpu.memory_space<hbm>> -> memref<112x17xf32, #tpu.memory_space<hbm>>
    tpu.wait_dma2 semaphore(%arg8 : memref<!tpu.dma_semaphore, #tpu.memory_space<semaphore_mem>>) src(%dma_wait3A_692 : memref<112x17xf32, #tpu.memory_space<hbm>>) dst(%dma_wait3A_690 : memref<112x17xf32, #tpu.memory_space<vmem>>)
    %dma_wait3A_693 = arith.constant 0 : i32
    %dma_wait3A_694 = arith.constant 0 : i32
    %dma_wait3A_695 = arith.constant 0 : i32
    %dma_wait3A_696 = tpu.memref_slice %arg7[%dma_wait3A_693, %dma_wait3A_694, %dma_wait3A_695] : memref<3x112x6xf32, #tpu.memory_space<vmem>> -> memref<1x112x6xf32, #tpu.memory_space<vmem>>
    %dma_wait3A_697 = tpu.memref_squeeze %dma_wait3A_696 : memref<1x112x6xf32, #tpu.memory_space<vmem>> -> memref<112x6xf32, #tpu.memory_space<vmem>>
    %dma_wait3A_698 = arith.constant 0 : i32
    %dma_wait3A_699 = tpu.memref_slice %arg3[%add3A_545, %dma_wait3A_698] : memref<100000x6xf32, #tpu.memory_space<hbm>> -> memref<112x6xf32, #tpu.memory_space<hbm>>
    %dma_wait3A_700 = arith.constant 0 : i32
    %dma_wait3A_701 = arith.constant 0 : i32
    %dma_wait3A_702 = tpu.memref_slice %arg7[%dma_wait3A_693, %dma_wait3A_700, %dma_wait3A_701] : memref<3x112x6xf32, #tpu.memory_space<vmem>> -> memref<1x112x6xf32, #tpu.memory_space<vmem>>
    %dma_wait3A_703 = tpu.memref_squeeze %dma_wait3A_702 : memref<1x112x6xf32, #tpu.memory_space<vmem>> -> memref<112x6xf32, #tpu.memory_space<vmem>>
    %dma_wait3A_704 = arith.constant 0 : i32
    %dma_wait3A_705 = tpu.memref_slice %arg3[%add3A_545, %dma_wait3A_704] : memref<100000x6xf32, #tpu.memory_space<hbm>> -> memref<112x6xf32, #tpu.memory_space<hbm>>
    tpu.wait_dma2 semaphore(%arg8 : memref<!tpu.dma_semaphore, #tpu.memory_space<semaphore_mem>>) src(%dma_wait3A_705 : memref<112x6xf32, #tpu.memory_space<hbm>>) dst(%dma_wait3A_703 : memref<112x6xf32, #tpu.memory_space<vmem>>)
    %add3A_706 = arith.constant 672 : i32
    %add3A_707 = arith.addi %min3A_3, %add3A_706 : i32
    %dma_start3A_708 = arith.constant 0 : i32
    %dma_start3A_709 = arith.constant 0 : i32
    %dma_start3A_710 = arith.constant 0 : i32
    %dma_start3A_711 = tpu.memref_slice %arg6[%dma_start3A_708, %dma_start3A_709, %dma_start3A_710] : memref<3x112x17xf32, #tpu.memory_space<vmem>> -> memref<1x112x17xf32, #tpu.memory_space<vmem>>
    %dma_start3A_712 = tpu.memref_squeeze %dma_start3A_711 : memref<1x112x17xf32, #tpu.memory_space<vmem>> -> memref<112x17xf32, #tpu.memory_space<vmem>>
    %dma_start3A_713 = arith.constant 0 : i32
    %dma_start3A_714 = tpu.memref_slice %arg4[%add3A_707, %dma_start3A_713] : memref<100000x17xf32, #tpu.memory_space<hbm>> -> memref<112x17xf32, #tpu.memory_space<hbm>>
    %dma_start3A_715 = arith.constant 0 : i32
    %dma_start3A_716 = tpu.memref_slice %arg4[%add3A_707, %dma_start3A_715] : memref<100000x17xf32, #tpu.memory_space<hbm>> -> memref<112x17xf32, #tpu.memory_space<hbm>>
    %dma_start3A_717 = arith.constant 0 : i32
    %dma_start3A_718 = arith.constant 0 : i32
    %dma_start3A_719 = tpu.memref_slice %arg6[%dma_start3A_708, %dma_start3A_717, %dma_start3A_718] : memref<3x112x17xf32, #tpu.memory_space<vmem>> -> memref<1x112x17xf32, #tpu.memory_space<vmem>>
    %dma_start3A_720 = tpu.memref_squeeze %dma_start3A_719 : memref<1x112x17xf32, #tpu.memory_space<vmem>> -> memref<112x17xf32, #tpu.memory_space<vmem>>
    tpu.enqueue_dma source(%dma_start3A_720 : memref<112x17xf32, #tpu.memory_space<vmem>>) target(%dma_start3A_716 : memref<112x17xf32, #tpu.memory_space<hbm>>) target_semaphore(%arg9 : memref<!tpu.dma_semaphore, #tpu.memory_space<semaphore_mem>>)
    %dma_start3A_721 = arith.constant 0 : i32
    %dma_start3A_722 = arith.constant 0 : i32
    %dma_start3A_723 = arith.constant 0 : i32
    %dma_start3A_724 = tpu.memref_slice %arg7[%dma_start3A_721, %dma_start3A_722, %dma_start3A_723] : memref<3x112x6xf32, #tpu.memory_space<vmem>> -> memref<1x112x6xf32, #tpu.memory_space<vmem>>
    %dma_start3A_725 = tpu.memref_squeeze %dma_start3A_724 : memref<1x112x6xf32, #tpu.memory_space<vmem>> -> memref<112x6xf32, #tpu.memory_space<vmem>>
    %dma_start3A_726 = arith.constant 0 : i32
    %dma_start3A_727 = tpu.memref_slice %arg5[%add3A_707, %dma_start3A_726] : memref<100000x6xf32, #tpu.memory_space<hbm>> -> memref<112x6xf32, #tpu.memory_space<hbm>>
    %dma_start3A_728 = arith.constant 0 : i32
    %dma_start3A_729 = tpu.memref_slice %arg5[%add3A_707, %dma_start3A_728] : memref<100000x6xf32, #tpu.memory_space<hbm>> -> memref<112x6xf32, #tpu.memory_space<hbm>>
    %dma_start3A_730 = arith.constant 0 : i32
    %dma_start3A_731 = arith.constant 0 : i32
    %dma_start3A_732 = tpu.memref_slice %arg7[%dma_start3A_721, %dma_start3A_730, %dma_start3A_731] : memref<3x112x6xf32, #tpu.memory_space<vmem>> -> memref<1x112x6xf32, #tpu.memory_space<vmem>>
    %dma_start3A_733 = tpu.memref_squeeze %dma_start3A_732 : memref<1x112x6xf32, #tpu.memory_space<vmem>> -> memref<112x6xf32, #tpu.memory_space<vmem>>
    tpu.enqueue_dma source(%dma_start3A_733 : memref<112x6xf32, #tpu.memory_space<vmem>>) target(%dma_start3A_729 : memref<112x6xf32, #tpu.memory_space<hbm>>) target_semaphore(%arg9 : memref<!tpu.dma_semaphore, #tpu.memory_space<semaphore_mem>>)
    %dma_wait3A_734 = arith.constant 2 : i32
    %dma_wait3A_735 = arith.constant 0 : i32
    %dma_wait3A_736 = arith.constant 0 : i32
    %dma_wait3A_737 = tpu.memref_slice %arg6[%dma_wait3A_734, %dma_wait3A_735, %dma_wait3A_736] : memref<3x112x17xf32, #tpu.memory_space<vmem>> -> memref<1x112x17xf32, #tpu.memory_space<vmem>>
    %dma_wait3A_738 = tpu.memref_squeeze %dma_wait3A_737 : memref<1x112x17xf32, #tpu.memory_space<vmem>> -> memref<112x17xf32, #tpu.memory_space<vmem>>
    %dma_wait3A_739 = arith.constant 0 : i32
    %dma_wait3A_740 = tpu.memref_slice %arg4[%add3A_599, %dma_wait3A_739] : memref<100000x17xf32, #tpu.memory_space<hbm>> -> memref<112x17xf32, #tpu.memory_space<hbm>>
    %dma_wait3A_741 = arith.constant 0 : i32
    %dma_wait3A_742 = tpu.memref_slice %arg4[%add3A_599, %dma_wait3A_741] : memref<100000x17xf32, #tpu.memory_space<hbm>> -> memref<112x17xf32, #tpu.memory_space<hbm>>
    %dma_wait3A_743 = arith.constant 0 : i32
    %dma_wait3A_744 = arith.constant 0 : i32
    %dma_wait3A_745 = tpu.memref_slice %arg6[%dma_wait3A_734, %dma_wait3A_743, %dma_wait3A_744] : memref<3x112x17xf32, #tpu.memory_space<vmem>> -> memref<1x112x17xf32, #tpu.memory_space<vmem>>
    %dma_wait3A_746 = tpu.memref_squeeze %dma_wait3A_745 : memref<1x112x17xf32, #tpu.memory_space<vmem>> -> memref<112x17xf32, #tpu.memory_space<vmem>>
    tpu.wait_dma2 semaphore(%arg9 : memref<!tpu.dma_semaphore, #tpu.memory_space<semaphore_mem>>) src(%dma_wait3A_746 : memref<112x17xf32, #tpu.memory_space<vmem>>) dst(%dma_wait3A_742 : memref<112x17xf32, #tpu.memory_space<hbm>>)
    %dma_wait3A_747 = arith.constant 2 : i32
    %dma_wait3A_748 = arith.constant 0 : i32
    %dma_wait3A_749 = arith.constant 0 : i32
    %dma_wait3A_750 = tpu.memref_slice %arg7[%dma_wait3A_747, %dma_wait3A_748, %dma_wait3A_749] : memref<3x112x6xf32, #tpu.memory_space<vmem>> -> memref<1x112x6xf32, #tpu.memory_space<vmem>>
    %dma_wait3A_751 = tpu.memref_squeeze %dma_wait3A_750 : memref<1x112x6xf32, #tpu.memory_space<vmem>> -> memref<112x6xf32, #tpu.memory_space<vmem>>
    %dma_wait3A_752 = arith.constant 0 : i32
    %dma_wait3A_753 = tpu.memref_slice %arg5[%add3A_599, %dma_wait3A_752] : memref<100000x6xf32, #tpu.memory_space<hbm>> -> memref<112x6xf32, #tpu.memory_space<hbm>>
    %dma_wait3A_754 = arith.constant 0 : i32
    %dma_wait3A_755 = tpu.memref_slice %arg5[%add3A_599, %dma_wait3A_754] : memref<100000x6xf32, #tpu.memory_space<hbm>> -> memref<112x6xf32, #tpu.memory_space<hbm>>
    %dma_wait3A_756 = arith.constant 0 : i32
    %dma_wait3A_757 = arith.constant 0 : i32
    %dma_wait3A_758 = tpu.memref_slice %arg7[%dma_wait3A_747, %dma_wait3A_756, %dma_wait3A_757] : memref<3x112x6xf32, #tpu.memory_space<vmem>> -> memref<1x112x6xf32, #tpu.memory_space<vmem>>
    %dma_wait3A_759 = tpu.memref_squeeze %dma_wait3A_758 : memref<1x112x6xf32, #tpu.memory_space<vmem>> -> memref<112x6xf32, #tpu.memory_space<vmem>>
    tpu.wait_dma2 semaphore(%arg9 : memref<!tpu.dma_semaphore, #tpu.memory_space<semaphore_mem>>) src(%dma_wait3A_759 : memref<112x6xf32, #tpu.memory_space<vmem>>) dst(%dma_wait3A_755 : memref<112x6xf32, #tpu.memory_space<hbm>>)
    %add3A_760 = arith.constant 896 : i32
    %add3A_761 = arith.addi %min3A_3, %add3A_760 : i32
    %dma_start3A_762 = arith.constant 2 : i32
    %dma_start3A_763 = arith.constant 0 : i32
    %dma_start3A_764 = arith.constant 0 : i32
    %dma_start3A_765 = tpu.memref_slice %arg6[%dma_start3A_762, %dma_start3A_763, %dma_start3A_764] : memref<3x112x17xf32, #tpu.memory_space<vmem>> -> memref<1x112x17xf32, #tpu.memory_space<vmem>>
    %dma_start3A_766 = tpu.memref_squeeze %dma_start3A_765 : memref<1x112x17xf32, #tpu.memory_space<vmem>> -> memref<112x17xf32, #tpu.memory_space<vmem>>
    %dma_start3A_767 = arith.constant 0 : i32
    %dma_start3A_768 = tpu.memref_slice %arg2[%add3A_761, %dma_start3A_767] : memref<100000x17xf32, #tpu.memory_space<hbm>> -> memref<112x17xf32, #tpu.memory_space<hbm>>
    %dma_start3A_769 = arith.constant 0 : i32
    %dma_start3A_770 = arith.constant 0 : i32
    %dma_start3A_771 = tpu.memref_slice %arg6[%dma_start3A_762, %dma_start3A_769, %dma_start3A_770] : memref<3x112x17xf32, #tpu.memory_space<vmem>> -> memref<1x112x17xf32, #tpu.memory_space<vmem>>
    %dma_start3A_772 = tpu.memref_squeeze %dma_start3A_771 : memref<1x112x17xf32, #tpu.memory_space<vmem>> -> memref<112x17xf32, #tpu.memory_space<vmem>>
    %dma_start3A_773 = arith.constant 0 : i32
    %dma_start3A_774 = tpu.memref_slice %arg2[%add3A_761, %dma_start3A_773] : memref<100000x17xf32, #tpu.memory_space<hbm>> -> memref<112x17xf32, #tpu.memory_space<hbm>>
    tpu.enqueue_dma source(%dma_start3A_774 : memref<112x17xf32, #tpu.memory_space<hbm>>) target(%dma_start3A_772 : memref<112x17xf32, #tpu.memory_space<vmem>>) target_semaphore(%arg8 : memref<!tpu.dma_semaphore, #tpu.memory_space<semaphore_mem>>)
    %dma_start3A_775 = arith.constant 2 : i32
    %dma_start3A_776 = arith.constant 0 : i32
    %dma_start3A_777 = arith.constant 0 : i32
    %dma_start3A_778 = tpu.memref_slice %arg7[%dma_start3A_775, %dma_start3A_776, %dma_start3A_777] : memref<3x112x6xf32, #tpu.memory_space<vmem>> -> memref<1x112x6xf32, #tpu.memory_space<vmem>>
    %dma_start3A_779 = tpu.memref_squeeze %dma_start3A_778 : memref<1x112x6xf32, #tpu.memory_space<vmem>> -> memref<112x6xf32, #tpu.memory_space<vmem>>
    %dma_start3A_780 = arith.constant 0 : i32
    %dma_start3A_781 = tpu.memref_slice %arg3[%add3A_761, %dma_start3A_780] : memref<100000x6xf32, #tpu.memory_space<hbm>> -> memref<112x6xf32, #tpu.memory_space<hbm>>
    %dma_start3A_782 = arith.constant 0 : i32
    %dma_start3A_783 = arith.constant 0 : i32
    %dma_start3A_784 = tpu.memref_slice %arg7[%dma_start3A_775, %dma_start3A_782, %dma_start3A_783] : memref<3x112x6xf32, #tpu.memory_space<vmem>> -> memref<1x112x6xf32, #tpu.memory_space<vmem>>
    %dma_start3A_785 = tpu.memref_squeeze %dma_start3A_784 : memref<1x112x6xf32, #tpu.memory_space<vmem>> -> memref<112x6xf32, #tpu.memory_space<vmem>>
    %dma_start3A_786 = arith.constant 0 : i32
    %dma_start3A_787 = tpu.memref_slice %arg3[%add3A_761, %dma_start3A_786] : memref<100000x6xf32, #tpu.memory_space<hbm>> -> memref<112x6xf32, #tpu.memory_space<hbm>>
    tpu.enqueue_dma source(%dma_start3A_787 : memref<112x6xf32, #tpu.memory_space<hbm>>) target(%dma_start3A_785 : memref<112x6xf32, #tpu.memory_space<vmem>>) target_semaphore(%arg8 : memref<!tpu.dma_semaphore, #tpu.memory_space<semaphore_mem>>)
    %dma_wait3A_788 = arith.constant 1 : i32
    %dma_wait3A_789 = arith.constant 0 : i32
    %dma_wait3A_790 = arith.constant 0 : i32
    %dma_wait3A_791 = tpu.memref_slice %arg6[%dma_wait3A_788, %dma_wait3A_789, %dma_wait3A_790] : memref<3x112x17xf32, #tpu.memory_space<vmem>> -> memref<1x112x17xf32, #tpu.memory_space<vmem>>
    %dma_wait3A_792 = tpu.memref_squeeze %dma_wait3A_791 : memref<1x112x17xf32, #tpu.memory_space<vmem>> -> memref<112x17xf32, #tpu.memory_space<vmem>>
    %dma_wait3A_793 = arith.constant 0 : i32
    %dma_wait3A_794 = tpu.memref_slice %arg2[%add3A_653, %dma_wait3A_793] : memref<100000x17xf32, #tpu.memory_space<hbm>> -> memref<112x17xf32, #tpu.memory_space<hbm>>
    %dma_wait3A_795 = arith.constant 0 : i32
    %dma_wait3A_796 = arith.constant 0 : i32
    %dma_wait3A_797 = tpu.memref_slice %arg6[%dma_wait3A_788, %dma_wait3A_795, %dma_wait3A_796] : memref<3x112x17xf32, #tpu.memory_space<vmem>> -> memref<1x112x17xf32, #tpu.memory_space<vmem>>
    %dma_wait3A_798 = tpu.memref_squeeze %dma_wait3A_797 : memref<1x112x17xf32, #tpu.memory_space<vmem>> -> memref<112x17xf32, #tpu.memory_space<vmem>>
    %dma_wait3A_799 = arith.constant 0 : i32
    %dma_wait3A_800 = tpu.memref_slice %arg2[%add3A_653, %dma_wait3A_799] : memref<100000x17xf32, #tpu.memory_space<hbm>> -> memref<112x17xf32, #tpu.memory_space<hbm>>
    tpu.wait_dma2 semaphore(%arg8 : memref<!tpu.dma_semaphore, #tpu.memory_space<semaphore_mem>>) src(%dma_wait3A_800 : memref<112x17xf32, #tpu.memory_space<hbm>>) dst(%dma_wait3A_798 : memref<112x17xf32, #tpu.memory_space<vmem>>)
    %dma_wait3A_801 = arith.constant 1 : i32
    %dma_wait3A_802 = arith.constant 0 : i32
    %dma_wait3A_803 = arith.constant 0 : i32
    %dma_wait3A_804 = tpu.memref_slice %arg7[%dma_wait3A_801, %dma_wait3A_802, %dma_wait3A_803] : memref<3x112x6xf32, #tpu.memory_space<vmem>> -> memref<1x112x6xf32, #tpu.memory_space<vmem>>
    %dma_wait3A_805 = tpu.memref_squeeze %dma_wait3A_804 : memref<1x112x6xf32, #tpu.memory_space<vmem>> -> memref<112x6xf32, #tpu.memory_space<vmem>>
    %dma_wait3A_806 = arith.constant 0 : i32
    %dma_wait3A_807 = tpu.memref_slice %arg3[%add3A_653, %dma_wait3A_806] : memref<100000x6xf32, #tpu.memory_space<hbm>> -> memref<112x6xf32, #tpu.memory_space<hbm>>
    %dma_wait3A_808 = arith.constant 0 : i32
    %dma_wait3A_809 = arith.constant 0 : i32
    %dma_wait3A_810 = tpu.memref_slice %arg7[%dma_wait3A_801, %dma_wait3A_808, %dma_wait3A_809] : memref<3x112x6xf32, #tpu.memory_space<vmem>> -> memref<1x112x6xf32, #tpu.memory_space<vmem>>
    %dma_wait3A_811 = tpu.memref_squeeze %dma_wait3A_810 : memref<1x112x6xf32, #tpu.memory_space<vmem>> -> memref<112x6xf32, #tpu.memory_space<vmem>>
    %dma_wait3A_812 = arith.constant 0 : i32
    %dma_wait3A_813 = tpu.memref_slice %arg3[%add3A_653, %dma_wait3A_812] : memref<100000x6xf32, #tpu.memory_space<hbm>> -> memref<112x6xf32, #tpu.memory_space<hbm>>
    tpu.wait_dma2 semaphore(%arg8 : memref<!tpu.dma_semaphore, #tpu.memory_space<semaphore_mem>>) src(%dma_wait3A_813 : memref<112x6xf32, #tpu.memory_space<hbm>>) dst(%dma_wait3A_811 : memref<112x6xf32, #tpu.memory_space<vmem>>)
    %add3A_814 = arith.constant 784 : i32
    %add3A_815 = arith.addi %min3A_3, %add3A_814 : i32
    %dma_start3A_816 = arith.constant 1 : i32
    %dma_start3A_817 = arith.constant 0 : i32
    %dma_start3A_818 = arith.constant 0 : i32
    %dma_start3A_819 = tpu.memref_slice %arg6[%dma_start3A_816, %dma_start3A_817, %dma_start3A_818] : memref<3x112x17xf32, #tpu.memory_space<vmem>> -> memref<1x112x17xf32, #tpu.memory_space<vmem>>
    %dma_start3A_820 = tpu.memref_squeeze %dma_start3A_819 : memref<1x112x17xf32, #tpu.memory_space<vmem>> -> memref<112x17xf32, #tpu.memory_space<vmem>>
    %dma_start3A_821 = arith.constant 0 : i32
    %dma_start3A_822 = tpu.memref_slice %arg4[%add3A_815, %dma_start3A_821] : memref<100000x17xf32, #tpu.memory_space<hbm>> -> memref<112x17xf32, #tpu.memory_space<hbm>>
    %dma_start3A_823 = arith.constant 0 : i32
    %dma_start3A_824 = tpu.memref_slice %arg4[%add3A_815, %dma_start3A_823] : memref<100000x17xf32, #tpu.memory_space<hbm>> -> memref<112x17xf32, #tpu.memory_space<hbm>>
    %dma_start3A_825 = arith.constant 0 : i32
    %dma_start3A_826 = arith.constant 0 : i32
    %dma_start3A_827 = tpu.memref_slice %arg6[%dma_start3A_816, %dma_start3A_825, %dma_start3A_826] : memref<3x112x17xf32, #tpu.memory_space<vmem>> -> memref<1x112x17xf32, #tpu.memory_space<vmem>>
    %dma_start3A_828 = tpu.memref_squeeze %dma_start3A_827 : memref<1x112x17xf32, #tpu.memory_space<vmem>> -> memref<112x17xf32, #tpu.memory_space<vmem>>
    tpu.enqueue_dma source(%dma_start3A_828 : memref<112x17xf32, #tpu.memory_space<vmem>>) target(%dma_start3A_824 : memref<112x17xf32, #tpu.memory_space<hbm>>) target_semaphore(%arg9 : memref<!tpu.dma_semaphore, #tpu.memory_space<semaphore_mem>>)
    %dma_start3A_829 = arith.constant 1 : i32
    %dma_start3A_830 = arith.constant 0 : i32
    %dma_start3A_831 = arith.constant 0 : i32
    %dma_start3A_832 = tpu.memref_slice %arg7[%dma_start3A_829, %dma_start3A_830, %dma_start3A_831] : memref<3x112x6xf32, #tpu.memory_space<vmem>> -> memref<1x112x6xf32, #tpu.memory_space<vmem>>
    %dma_start3A_833 = tpu.memref_squeeze %dma_start3A_832 : memref<1x112x6xf32, #tpu.memory_space<vmem>> -> memref<112x6xf32, #tpu.memory_space<vmem>>
    %dma_start3A_834 = arith.constant 0 : i32
    %dma_start3A_835 = tpu.memref_slice %arg5[%add3A_815, %dma_start3A_834] : memref<100000x6xf32, #tpu.memory_space<hbm>> -> memref<112x6xf32, #tpu.memory_space<hbm>>
    %dma_start3A_836 = arith.constant 0 : i32
    %dma_start3A_837 = tpu.memref_slice %arg5[%add3A_815, %dma_start3A_836] : memref<100000x6xf32, #tpu.memory_space<hbm>> -> memref<112x6xf32, #tpu.memory_space<hbm>>
    %dma_start3A_838 = arith.constant 0 : i32
    %dma_start3A_839 = arith.constant 0 : i32
    %dma_start3A_840 = tpu.memref_slice %arg7[%dma_start3A_829, %dma_start3A_838, %dma_start3A_839] : memref<3x112x6xf32, #tpu.memory_space<vmem>> -> memref<1x112x6xf32, #tpu.memory_space<vmem>>
    %dma_start3A_841 = tpu.memref_squeeze %dma_start3A_840 : memref<1x112x6xf32, #tpu.memory_space<vmem>> -> memref<112x6xf32, #tpu.memory_space<vmem>>
    tpu.enqueue_dma source(%dma_start3A_841 : memref<112x6xf32, #tpu.memory_space<vmem>>) target(%dma_start3A_837 : memref<112x6xf32, #tpu.memory_space<hbm>>) target_semaphore(%arg9 : memref<!tpu.dma_semaphore, #tpu.memory_space<semaphore_mem>>)
    %dma_wait3A_842 = arith.constant 0 : i32
    %dma_wait3A_843 = arith.constant 0 : i32
    %dma_wait3A_844 = arith.constant 0 : i32
    %dma_wait3A_845 = tpu.memref_slice %arg6[%dma_wait3A_842, %dma_wait3A_843, %dma_wait3A_844] : memref<3x112x17xf32, #tpu.memory_space<vmem>> -> memref<1x112x17xf32, #tpu.memory_space<vmem>>
    %dma_wait3A_846 = tpu.memref_squeeze %dma_wait3A_845 : memref<1x112x17xf32, #tpu.memory_space<vmem>> -> memref<112x17xf32, #tpu.memory_space<vmem>>
    %dma_wait3A_847 = arith.constant 0 : i32
    %dma_wait3A_848 = tpu.memref_slice %arg4[%add3A_707, %dma_wait3A_847] : memref<100000x17xf32, #tpu.memory_space<hbm>> -> memref<112x17xf32, #tpu.memory_space<hbm>>
    %dma_wait3A_849 = arith.constant 0 : i32
    %dma_wait3A_850 = tpu.memref_slice %arg4[%add3A_707, %dma_wait3A_849] : memref<100000x17xf32, #tpu.memory_space<hbm>> -> memref<112x17xf32, #tpu.memory_space<hbm>>
    %dma_wait3A_851 = arith.constant 0 : i32
    %dma_wait3A_852 = arith.constant 0 : i32
    %dma_wait3A_853 = tpu.memref_slice %arg6[%dma_wait3A_842, %dma_wait3A_851, %dma_wait3A_852] : memref<3x112x17xf32, #tpu.memory_space<vmem>> -> memref<1x112x17xf32, #tpu.memory_space<vmem>>
    %dma_wait3A_854 = tpu.memref_squeeze %dma_wait3A_853 : memref<1x112x17xf32, #tpu.memory_space<vmem>> -> memref<112x17xf32, #tpu.memory_space<vmem>>
    tpu.wait_dma2 semaphore(%arg9 : memref<!tpu.dma_semaphore, #tpu.memory_space<semaphore_mem>>) src(%dma_wait3A_854 : memref<112x17xf32, #tpu.memory_space<vmem>>) dst(%dma_wait3A_850 : memref<112x17xf32, #tpu.memory_space<hbm>>)
    %dma_wait3A_855 = arith.constant 0 : i32
    %dma_wait3A_856 = arith.constant 0 : i32
    %dma_wait3A_857 = arith.constant 0 : i32
    %dma_wait3A_858 = tpu.memref_slice %arg7[%dma_wait3A_855, %dma_wait3A_856, %dma_wait3A_857] : memref<3x112x6xf32, #tpu.memory_space<vmem>> -> memref<1x112x6xf32, #tpu.memory_space<vmem>>
    %dma_wait3A_859 = tpu.memref_squeeze %dma_wait3A_858 : memref<1x112x6xf32, #tpu.memory_space<vmem>> -> memref<112x6xf32, #tpu.memory_space<vmem>>
    %dma_wait3A_860 = arith.constant 0 : i32
    %dma_wait3A_861 = tpu.memref_slice %arg5[%add3A_707, %dma_wait3A_860] : memref<100000x6xf32, #tpu.memory_space<hbm>> -> memref<112x6xf32, #tpu.memory_space<hbm>>
    %dma_wait3A_862 = arith.constant 0 : i32
    %dma_wait3A_863 = tpu.memref_slice %arg5[%add3A_707, %dma_wait3A_862] : memref<100000x6xf32, #tpu.memory_space<hbm>> -> memref<112x6xf32, #tpu.memory_space<hbm>>
    %dma_wait3A_864 = arith.constant 0 : i32
    %dma_wait3A_865 = arith.constant 0 : i32
    %dma_wait3A_866 = tpu.memref_slice %arg7[%dma_wait3A_855, %dma_wait3A_864, %dma_wait3A_865] : memref<3x112x6xf32, #tpu.memory_space<vmem>> -> memref<1x112x6xf32, #tpu.memory_space<vmem>>
    %dma_wait3A_867 = tpu.memref_squeeze %dma_wait3A_866 : memref<1x112x6xf32, #tpu.memory_space<vmem>> -> memref<112x6xf32, #tpu.memory_space<vmem>>
    tpu.wait_dma2 semaphore(%arg9 : memref<!tpu.dma_semaphore, #tpu.memory_space<semaphore_mem>>) src(%dma_wait3A_867 : memref<112x6xf32, #tpu.memory_space<vmem>>) dst(%dma_wait3A_863 : memref<112x6xf32, #tpu.memory_space<hbm>>)
    %add3A_868 = arith.constant 1008 : i32
    %add3A_869 = arith.addi %min3A_3, %add3A_868 : i32
    %dma_start3A_870 = arith.constant 0 : i32
    %dma_start3A_871 = arith.constant 0 : i32
    %dma_start3A_872 = arith.constant 0 : i32
    %dma_start3A_873 = tpu.memref_slice %arg6[%dma_start3A_870, %dma_start3A_871, %dma_start3A_872] : memref<3x112x17xf32, #tpu.memory_space<vmem>> -> memref<1x112x17xf32, #tpu.memory_space<vmem>>
    %dma_start3A_874 = tpu.memref_squeeze %dma_start3A_873 : memref<1x112x17xf32, #tpu.memory_space<vmem>> -> memref<112x17xf32, #tpu.memory_space<vmem>>
    %dma_start3A_875 = arith.constant 0 : i32
    %dma_start3A_876 = tpu.memref_slice %arg2[%add3A_869, %dma_start3A_875] : memref<100000x17xf32, #tpu.memory_space<hbm>> -> memref<112x17xf32, #tpu.memory_space<hbm>>
    %dma_start3A_877 = arith.constant 0 : i32
    %dma_start3A_878 = arith.constant 0 : i32
    %dma_start3A_879 = tpu.memref_slice %arg6[%dma_start3A_870, %dma_start3A_877, %dma_start3A_878] : memref<3x112x17xf32, #tpu.memory_space<vmem>> -> memref<1x112x17xf32, #tpu.memory_space<vmem>>
    %dma_start3A_880 = tpu.memref_squeeze %dma_start3A_879 : memref<1x112x17xf32, #tpu.memory_space<vmem>> -> memref<112x17xf32, #tpu.memory_space<vmem>>
    %dma_start3A_881 = arith.constant 0 : i32
    %dma_start3A_882 = tpu.memref_slice %arg2[%add3A_869, %dma_start3A_881] : memref<100000x17xf32, #tpu.memory_space<hbm>> -> memref<112x17xf32, #tpu.memory_space<hbm>>
    tpu.enqueue_dma source(%dma_start3A_882 : memref<112x17xf32, #tpu.memory_space<hbm>>) target(%dma_start3A_880 : memref<112x17xf32, #tpu.memory_space<vmem>>) target_semaphore(%arg8 : memref<!tpu.dma_semaphore, #tpu.memory_space<semaphore_mem>>)
    %dma_start3A_883 = arith.constant 0 : i32
    %dma_start3A_884 = arith.constant 0 : i32
    %dma_start3A_885 = arith.constant 0 : i32
    %dma_start3A_886 = tpu.memref_slice %arg7[%dma_start3A_883, %dma_start3A_884, %dma_start3A_885] : memref<3x112x6xf32, #tpu.memory_space<vmem>> -> memref<1x112x6xf32, #tpu.memory_space<vmem>>
    %dma_start3A_887 = tpu.memref_squeeze %dma_start3A_886 : memref<1x112x6xf32, #tpu.memory_space<vmem>> -> memref<112x6xf32, #tpu.memory_space<vmem>>
    %dma_start3A_888 = arith.constant 0 : i32
    %dma_start3A_889 = tpu.memref_slice %arg3[%add3A_869, %dma_start3A_888] : memref<100000x6xf32, #tpu.memory_space<hbm>> -> memref<112x6xf32, #tpu.memory_space<hbm>>
    %dma_start3A_890 = arith.constant 0 : i32
    %dma_start3A_891 = arith.constant 0 : i32
    %dma_start3A_892 = tpu.memref_slice %arg7[%dma_start3A_883, %dma_start3A_890, %dma_start3A_891] : memref<3x112x6xf32, #tpu.memory_space<vmem>> -> memref<1x112x6xf32, #tpu.memory_space<vmem>>
    %dma_start3A_893 = tpu.memref_squeeze %dma_start3A_892 : memref<1x112x6xf32, #tpu.memory_space<vmem>> -> memref<112x6xf32, #tpu.memory_space<vmem>>
    %dma_start3A_894 = arith.constant 0 : i32
    %dma_start3A_895 = tpu.memref_slice %arg3[%add3A_869, %dma_start3A_894] : memref<100000x6xf32, #tpu.memory_space<hbm>> -> memref<112x6xf32, #tpu.memory_space<hbm>>
    tpu.enqueue_dma source(%dma_start3A_895 : memref<112x6xf32, #tpu.memory_space<hbm>>) target(%dma_start3A_893 : memref<112x6xf32, #tpu.memory_space<vmem>>) target_semaphore(%arg8 : memref<!tpu.dma_semaphore, #tpu.memory_space<semaphore_mem>>)
    %dma_wait3A_896 = arith.constant 2 : i32
    %dma_wait3A_897 = arith.constant 0 : i32
    %dma_wait3A_898 = arith.constant 0 : i32
    %dma_wait3A_899 = tpu.memref_slice %arg6[%dma_wait3A_896, %dma_wait3A_897, %dma_wait3A_898] : memref<3x112x17xf32, #tpu.memory_space<vmem>> -> memref<1x112x17xf32, #tpu.memory_space<vmem>>
    %dma_wait3A_900 = tpu.memref_squeeze %dma_wait3A_899 : memref<1x112x17xf32, #tpu.memory_space<vmem>> -> memref<112x17xf32, #tpu.memory_space<vmem>>
    %dma_wait3A_901 = arith.constant 0 : i32
    %dma_wait3A_902 = tpu.memref_slice %arg2[%add3A_761, %dma_wait3A_901] : memref<100000x17xf32, #tpu.memory_space<hbm>> -> memref<112x17xf32, #tpu.memory_space<hbm>>
    %dma_wait3A_903 = arith.constant 0 : i32
    %dma_wait3A_904 = arith.constant 0 : i32
    %dma_wait3A_905 = tpu.memref_slice %arg6[%dma_wait3A_896, %dma_wait3A_903, %dma_wait3A_904] : memref<3x112x17xf32, #tpu.memory_space<vmem>> -> memref<1x112x17xf32, #tpu.memory_space<vmem>>
    %dma_wait3A_906 = tpu.memref_squeeze %dma_wait3A_905 : memref<1x112x17xf32, #tpu.memory_space<vmem>> -> memref<112x17xf32, #tpu.memory_space<vmem>>
    %dma_wait3A_907 = arith.constant 0 : i32
    %dma_wait3A_908 = tpu.memref_slice %arg2[%add3A_761, %dma_wait3A_907] : memref<100000x17xf32, #tpu.memory_space<hbm>> -> memref<112x17xf32, #tpu.memory_space<hbm>>
    tpu.wait_dma2 semaphore(%arg8 : memref<!tpu.dma_semaphore, #tpu.memory_space<semaphore_mem>>) src(%dma_wait3A_908 : memref<112x17xf32, #tpu.memory_space<hbm>>) dst(%dma_wait3A_906 : memref<112x17xf32, #tpu.memory_space<vmem>>)
    %dma_wait3A_909 = arith.constant 2 : i32
    %dma_wait3A_910 = arith.constant 0 : i32
    %dma_wait3A_911 = arith.constant 0 : i32
    %dma_wait3A_912 = tpu.memref_slice %arg7[%dma_wait3A_909, %dma_wait3A_910, %dma_wait3A_911] : memref<3x112x6xf32, #tpu.memory_space<vmem>> -> memref<1x112x6xf32, #tpu.memory_space<vmem>>
    %dma_wait3A_913 = tpu.memref_squeeze %dma_wait3A_912 : memref<1x112x6xf32, #tpu.memory_space<vmem>> -> memref<112x6xf32, #tpu.memory_space<vmem>>
    %dma_wait3A_914 = arith.constant 0 : i32
    %dma_wait3A_915 = tpu.memref_slice %arg3[%add3A_761, %dma_wait3A_914] : memref<100000x6xf32, #tpu.memory_space<hbm>> -> memref<112x6xf32, #tpu.memory_space<hbm>>
    %dma_wait3A_916 = arith.constant 0 : i32
    %dma_wait3A_917 = arith.constant 0 : i32
    %dma_wait3A_918 = tpu.memref_slice %arg7[%dma_wait3A_909, %dma_wait3A_916, %dma_wait3A_917] : memref<3x112x6xf32, #tpu.memory_space<vmem>> -> memref<1x112x6xf32, #tpu.memory_space<vmem>>
    %dma_wait3A_919 = tpu.memref_squeeze %dma_wait3A_918 : memref<1x112x6xf32, #tpu.memory_space<vmem>> -> memref<112x6xf32, #tpu.memory_space<vmem>>
    %dma_wait3A_920 = arith.constant 0 : i32
    %dma_wait3A_921 = tpu.memref_slice %arg3[%add3A_761, %dma_wait3A_920] : memref<100000x6xf32, #tpu.memory_space<hbm>> -> memref<112x6xf32, #tpu.memory_space<hbm>>
    tpu.wait_dma2 semaphore(%arg8 : memref<!tpu.dma_semaphore, #tpu.memory_space<semaphore_mem>>) src(%dma_wait3A_921 : memref<112x6xf32, #tpu.memory_space<hbm>>) dst(%dma_wait3A_919 : memref<112x6xf32, #tpu.memory_space<vmem>>)
    %add3A_922 = arith.constant 896 : i32
    %add3A_923 = arith.addi %min3A_3, %add3A_922 : i32
    %dma_start3A_924 = arith.constant 2 : i32
    %dma_start3A_925 = arith.constant 0 : i32
    %dma_start3A_926 = arith.constant 0 : i32
    %dma_start3A_927 = tpu.memref_slice %arg6[%dma_start3A_924, %dma_start3A_925, %dma_start3A_926] : memref<3x112x17xf32, #tpu.memory_space<vmem>> -> memref<1x112x17xf32, #tpu.memory_space<vmem>>
    %dma_start3A_928 = tpu.memref_squeeze %dma_start3A_927 : memref<1x112x17xf32, #tpu.memory_space<vmem>> -> memref<112x17xf32, #tpu.memory_space<vmem>>
    %dma_start3A_929 = arith.constant 0 : i32
    %dma_start3A_930 = tpu.memref_slice %arg4[%add3A_923, %dma_start3A_929] : memref<100000x17xf32, #tpu.memory_space<hbm>> -> memref<112x17xf32, #tpu.memory_space<hbm>>
    %dma_start3A_931 = arith.constant 0 : i32
    %dma_start3A_932 = tpu.memref_slice %arg4[%add3A_923, %dma_start3A_931] : memref<100000x17xf32, #tpu.memory_space<hbm>> -> memref<112x17xf32, #tpu.memory_space<hbm>>
    %dma_start3A_933 = arith.constant 0 : i32
    %dma_start3A_934 = arith.constant 0 : i32
    %dma_start3A_935 = tpu.memref_slice %arg6[%dma_start3A_924, %dma_start3A_933, %dma_start3A_934] : memref<3x112x17xf32, #tpu.memory_space<vmem>> -> memref<1x112x17xf32, #tpu.memory_space<vmem>>
    %dma_start3A_936 = tpu.memref_squeeze %dma_start3A_935 : memref<1x112x17xf32, #tpu.memory_space<vmem>> -> memref<112x17xf32, #tpu.memory_space<vmem>>
    tpu.enqueue_dma source(%dma_start3A_936 : memref<112x17xf32, #tpu.memory_space<vmem>>) target(%dma_start3A_932 : memref<112x17xf32, #tpu.memory_space<hbm>>) target_semaphore(%arg9 : memref<!tpu.dma_semaphore, #tpu.memory_space<semaphore_mem>>)
    %dma_start3A_937 = arith.constant 2 : i32
    %dma_start3A_938 = arith.constant 0 : i32
    %dma_start3A_939 = arith.constant 0 : i32
    %dma_start3A_940 = tpu.memref_slice %arg7[%dma_start3A_937, %dma_start3A_938, %dma_start3A_939] : memref<3x112x6xf32, #tpu.memory_space<vmem>> -> memref<1x112x6xf32, #tpu.memory_space<vmem>>
    %dma_start3A_941 = tpu.memref_squeeze %dma_start3A_940 : memref<1x112x6xf32, #tpu.memory_space<vmem>> -> memref<112x6xf32, #tpu.memory_space<vmem>>
    %dma_start3A_942 = arith.constant 0 : i32
    %dma_start3A_943 = tpu.memref_slice %arg5[%add3A_923, %dma_start3A_942] : memref<100000x6xf32, #tpu.memory_space<hbm>> -> memref<112x6xf32, #tpu.memory_space<hbm>>
    %dma_start3A_944 = arith.constant 0 : i32
    %dma_start3A_945 = tpu.memref_slice %arg5[%add3A_923, %dma_start3A_944] : memref<100000x6xf32, #tpu.memory_space<hbm>> -> memref<112x6xf32, #tpu.memory_space<hbm>>
    %dma_start3A_946 = arith.constant 0 : i32
    %dma_start3A_947 = arith.constant 0 : i32
    %dma_start3A_948 = tpu.memref_slice %arg7[%dma_start3A_937, %dma_start3A_946, %dma_start3A_947] : memref<3x112x6xf32, #tpu.memory_space<vmem>> -> memref<1x112x6xf32, #tpu.memory_space<vmem>>
    %dma_start3A_949 = tpu.memref_squeeze %dma_start3A_948 : memref<1x112x6xf32, #tpu.memory_space<vmem>> -> memref<112x6xf32, #tpu.memory_space<vmem>>
    tpu.enqueue_dma source(%dma_start3A_949 : memref<112x6xf32, #tpu.memory_space<vmem>>) target(%dma_start3A_945 : memref<112x6xf32, #tpu.memory_space<hbm>>) target_semaphore(%arg9 : memref<!tpu.dma_semaphore, #tpu.memory_space<semaphore_mem>>)
    %dma_wait3A_950 = arith.constant 1 : i32
    %dma_wait3A_951 = arith.constant 0 : i32
    %dma_wait3A_952 = arith.constant 0 : i32
    %dma_wait3A_953 = tpu.memref_slice %arg6[%dma_wait3A_950, %dma_wait3A_951, %dma_wait3A_952] : memref<3x112x17xf32, #tpu.memory_space<vmem>> -> memref<1x112x17xf32, #tpu.memory_space<vmem>>
    %dma_wait3A_954 = tpu.memref_squeeze %dma_wait3A_953 : memref<1x112x17xf32, #tpu.memory_space<vmem>> -> memref<112x17xf32, #tpu.memory_space<vmem>>
    %dma_wait3A_955 = arith.constant 0 : i32
    %dma_wait3A_956 = tpu.memref_slice %arg4[%add3A_815, %dma_wait3A_955] : memref<100000x17xf32, #tpu.memory_space<hbm>> -> memref<112x17xf32, #tpu.memory_space<hbm>>
    %dma_wait3A_957 = arith.constant 0 : i32
    %dma_wait3A_958 = tpu.memref_slice %arg4[%add3A_815, %dma_wait3A_957] : memref<100000x17xf32, #tpu.memory_space<hbm>> -> memref<112x17xf32, #tpu.memory_space<hbm>>
    %dma_wait3A_959 = arith.constant 0 : i32
    %dma_wait3A_960 = arith.constant 0 : i32
    %dma_wait3A_961 = tpu.memref_slice %arg6[%dma_wait3A_950, %dma_wait3A_959, %dma_wait3A_960] : memref<3x112x17xf32, #tpu.memory_space<vmem>> -> memref<1x112x17xf32, #tpu.memory_space<vmem>>
    %dma_wait3A_962 = tpu.memref_squeeze %dma_wait3A_961 : memref<1x112x17xf32, #tpu.memory_space<vmem>> -> memref<112x17xf32, #tpu.memory_space<vmem>>
    tpu.wait_dma2 semaphore(%arg9 : memref<!tpu.dma_semaphore, #tpu.memory_space<semaphore_mem>>) src(%dma_wait3A_962 : memref<112x17xf32, #tpu.memory_space<vmem>>) dst(%dma_wait3A_958 : memref<112x17xf32, #tpu.memory_space<hbm>>)
    %dma_wait3A_963 = arith.constant 1 : i32
    %dma_wait3A_964 = arith.constant 0 : i32
    %dma_wait3A_965 = arith.constant 0 : i32
    %dma_wait3A_966 = tpu.memref_slice %arg7[%dma_wait3A_963, %dma_wait3A_964, %dma_wait3A_965] : memref<3x112x6xf32, #tpu.memory_space<vmem>> -> memref<1x112x6xf32, #tpu.memory_space<vmem>>
    %dma_wait3A_967 = tpu.memref_squeeze %dma_wait3A_966 : memref<1x112x6xf32, #tpu.memory_space<vmem>> -> memref<112x6xf32, #tpu.memory_space<vmem>>
    %dma_wait3A_968 = arith.constant 0 : i32
    %dma_wait3A_969 = tpu.memref_slice %arg5[%add3A_815, %dma_wait3A_968] : memref<100000x6xf32, #tpu.memory_space<hbm>> -> memref<112x6xf32, #tpu.memory_space<hbm>>
    %dma_wait3A_970 = arith.constant 0 : i32
    %dma_wait3A_971 = tpu.memref_slice %arg5[%add3A_815, %dma_wait3A_970] : memref<100000x6xf32, #tpu.memory_space<hbm>> -> memref<112x6xf32, #tpu.memory_space<hbm>>
    %dma_wait3A_972 = arith.constant 0 : i32
    %dma_wait3A_973 = arith.constant 0 : i32
    %dma_wait3A_974 = tpu.memref_slice %arg7[%dma_wait3A_963, %dma_wait3A_972, %dma_wait3A_973] : memref<3x112x6xf32, #tpu.memory_space<vmem>> -> memref<1x112x6xf32, #tpu.memory_space<vmem>>
    %dma_wait3A_975 = tpu.memref_squeeze %dma_wait3A_974 : memref<1x112x6xf32, #tpu.memory_space<vmem>> -> memref<112x6xf32, #tpu.memory_space<vmem>>
    tpu.wait_dma2 semaphore(%arg9 : memref<!tpu.dma_semaphore, #tpu.memory_space<semaphore_mem>>) src(%dma_wait3A_975 : memref<112x6xf32, #tpu.memory_space<vmem>>) dst(%dma_wait3A_971 : memref<112x6xf32, #tpu.memory_space<hbm>>)
    %add3A_976 = arith.constant 1120 : i32
    %add3A_977 = arith.addi %min3A_3, %add3A_976 : i32
    %dma_start3A_978 = arith.constant 1 : i32
    %dma_start3A_979 = arith.constant 0 : i32
    %dma_start3A_980 = arith.constant 0 : i32
    %dma_start3A_981 = tpu.memref_slice %arg6[%dma_start3A_978, %dma_start3A_979, %dma_start3A_980] : memref<3x112x17xf32, #tpu.memory_space<vmem>> -> memref<1x112x17xf32, #tpu.memory_space<vmem>>
    %dma_start3A_982 = tpu.memref_squeeze %dma_start3A_981 : memref<1x112x17xf32, #tpu.memory_space<vmem>> -> memref<112x17xf32, #tpu.memory_space<vmem>>
    %dma_start3A_983 = arith.constant 0 : i32
    %dma_start3A_984 = tpu.memref_slice %arg2[%add3A_977, %dma_start3A_983] : memref<100000x17xf32, #tpu.memory_space<hbm>> -> memref<112x17xf32, #tpu.memory_space<hbm>>
    %dma_start3A_985 = arith.constant 0 : i32
    %dma_start3A_986 = arith.constant 0 : i32
    %dma_start3A_987 = tpu.memref_slice %arg6[%dma_start3A_978, %dma_start3A_985, %dma_start3A_986] : memref<3x112x17xf32, #tpu.memory_space<vmem>> -> memref<1x112x17xf32, #tpu.memory_space<vmem>>
    %dma_start3A_988 = tpu.memref_squeeze %dma_start3A_987 : memref<1x112x17xf32, #tpu.memory_space<vmem>> -> memref<112x17xf32, #tpu.memory_space<vmem>>
    %dma_start3A_989 = arith.constant 0 : i32
    %dma_start3A_990 = tpu.memref_slice %arg2[%add3A_977, %dma_start3A_989] : memref<100000x17xf32, #tpu.memory_space<hbm>> -> memref<112x17xf32, #tpu.memory_space<hbm>>
    tpu.enqueue_dma source(%dma_start3A_990 : memref<112x17xf32, #tpu.memory_space<hbm>>) target(%dma_start3A_988 : memref<112x17xf32, #tpu.memory_space<vmem>>) target_semaphore(%arg8 : memref<!tpu.dma_semaphore, #tpu.memory_space<semaphore_mem>>)
    %dma_start3A_991 = arith.constant 1 : i32
    %dma_start3A_992 = arith.constant 0 : i32
    %dma_start3A_993 = arith.constant 0 : i32
    %dma_start3A_994 = tpu.memref_slice %arg7[%dma_start3A_991, %dma_start3A_992, %dma_start3A_993] : memref<3x112x6xf32, #tpu.memory_space<vmem>> -> memref<1x112x6xf32, #tpu.memory_space<vmem>>
    %dma_start3A_995 = tpu.memref_squeeze %dma_start3A_994 : memref<1x112x6xf32, #tpu.memory_space<vmem>> -> memref<112x6xf32, #tpu.memory_space<vmem>>
    %dma_start3A_996 = arith.constant 0 : i32
    %dma_start3A_997 = tpu.memref_slice %arg3[%add3A_977, %dma_start3A_996] : memref<100000x6xf32, #tpu.memory_space<hbm>> -> memref<112x6xf32, #tpu.memory_space<hbm>>
    %dma_start3A_998 = arith.constant 0 : i32
    %dma_start3A_999 = arith.constant 0 : i32
    %dma_start3A_1000 = tpu.memref_slice %arg7[%dma_start3A_991, %dma_start3A_998, %dma_start3A_999] : memref<3x112x6xf32, #tpu.memory_space<vmem>> -> memref<1x112x6xf32, #tpu.memory_space<vmem>>
    %dma_start3A_1001 = tpu.memref_squeeze %dma_start3A_1000 : memref<1x112x6xf32, #tpu.memory_space<vmem>> -> memref<112x6xf32, #tpu.memory_space<vmem>>
    %dma_start3A_1002 = arith.constant 0 : i32
    %dma_start3A_1003 = tpu.memref_slice %arg3[%add3A_977, %dma_start3A_1002] : memref<100000x6xf32, #tpu.memory_space<hbm>> -> memref<112x6xf32, #tpu.memory_space<hbm>>
    tpu.enqueue_dma source(%dma_start3A_1003 : memref<112x6xf32, #tpu.memory_space<hbm>>) target(%dma_start3A_1001 : memref<112x6xf32, #tpu.memory_space<vmem>>) target_semaphore(%arg8 : memref<!tpu.dma_semaphore, #tpu.memory_space<semaphore_mem>>)
    %dma_wait3A_1004 = arith.constant 0 : i32
    %dma_wait3A_1005 = arith.constant 0 : i32
    %dma_wait3A_1006 = arith.constant 0 : i32
    %dma_wait3A_1007 = tpu.memref_slice %arg6[%dma_wait3A_1004, %dma_wait3A_1005, %dma_wait3A_1006] : memref<3x112x17xf32, #tpu.memory_space<vmem>> -> memref<1x112x17xf32, #tpu.memory_space<vmem>>
    %dma_wait3A_1008 = tpu.memref_squeeze %dma_wait3A_1007 : memref<1x112x17xf32, #tpu.memory_space<vmem>> -> memref<112x17xf32, #tpu.memory_space<vmem>>
    %dma_wait3A_1009 = arith.constant 0 : i32
    %dma_wait3A_1010 = tpu.memref_slice %arg2[%add3A_869, %dma_wait3A_1009] : memref<100000x17xf32, #tpu.memory_space<hbm>> -> memref<112x17xf32, #tpu.memory_space<hbm>>
    %dma_wait3A_1011 = arith.constant 0 : i32
    %dma_wait3A_1012 = arith.constant 0 : i32
    %dma_wait3A_1013 = tpu.memref_slice %arg6[%dma_wait3A_1004, %dma_wait3A_1011, %dma_wait3A_1012] : memref<3x112x17xf32, #tpu.memory_space<vmem>> -> memref<1x112x17xf32, #tpu.memory_space<vmem>>
    %dma_wait3A_1014 = tpu.memref_squeeze %dma_wait3A_1013 : memref<1x112x17xf32, #tpu.memory_space<vmem>> -> memref<112x17xf32, #tpu.memory_space<vmem>>
    %dma_wait3A_1015 = arith.constant 0 : i32
    %dma_wait3A_1016 = tpu.memref_slice %arg2[%add3A_869, %dma_wait3A_1015] : memref<100000x17xf32, #tpu.memory_space<hbm>> -> memref<112x17xf32, #tpu.memory_space<hbm>>
    tpu.wait_dma2 semaphore(%arg8 : memref<!tpu.dma_semaphore, #tpu.memory_space<semaphore_mem>>) src(%dma_wait3A_1016 : memref<112x17xf32, #tpu.memory_space<hbm>>) dst(%dma_wait3A_1014 : memref<112x17xf32, #tpu.memory_space<vmem>>)
    %dma_wait3A_1017 = arith.constant 0 : i32
    %dma_wait3A_1018 = arith.constant 0 : i32
    %dma_wait3A_1019 = arith.constant 0 : i32
    %dma_wait3A_1020 = tpu.memref_slice %arg7[%dma_wait3A_1017, %dma_wait3A_1018, %dma_wait3A_1019] : memref<3x112x6xf32, #tpu.memory_space<vmem>> -> memref<1x112x6xf32, #tpu.memory_space<vmem>>
    %dma_wait3A_1021 = tpu.memref_squeeze %dma_wait3A_1020 : memref<1x112x6xf32, #tpu.memory_space<vmem>> -> memref<112x6xf32, #tpu.memory_space<vmem>>
    %dma_wait3A_1022 = arith.constant 0 : i32
    %dma_wait3A_1023 = tpu.memref_slice %arg3[%add3A_869, %dma_wait3A_1022] : memref<100000x6xf32, #tpu.memory_space<hbm>> -> memref<112x6xf32, #tpu.memory_space<hbm>>
    %dma_wait3A_1024 = arith.constant 0 : i32
    %dma_wait3A_1025 = arith.constant 0 : i32
    %dma_wait3A_1026 = tpu.memref_slice %arg7[%dma_wait3A_1017, %dma_wait3A_1024, %dma_wait3A_1025] : memref<3x112x6xf32, #tpu.memory_space<vmem>> -> memref<1x112x6xf32, #tpu.memory_space<vmem>>
    %dma_wait3A_1027 = tpu.memref_squeeze %dma_wait3A_1026 : memref<1x112x6xf32, #tpu.memory_space<vmem>> -> memref<112x6xf32, #tpu.memory_space<vmem>>
    %dma_wait3A_1028 = arith.constant 0 : i32
    %dma_wait3A_1029 = tpu.memref_slice %arg3[%add3A_869, %dma_wait3A_1028] : memref<100000x6xf32, #tpu.memory_space<hbm>> -> memref<112x6xf32, #tpu.memory_space<hbm>>
    tpu.wait_dma2 semaphore(%arg8 : memref<!tpu.dma_semaphore, #tpu.memory_space<semaphore_mem>>) src(%dma_wait3A_1029 : memref<112x6xf32, #tpu.memory_space<hbm>>) dst(%dma_wait3A_1027 : memref<112x6xf32, #tpu.memory_space<vmem>>)
    %add3A_1030 = arith.constant 1008 : i32
    %add3A_1031 = arith.addi %min3A_3, %add3A_1030 : i32
    %dma_start3A_1032 = arith.constant 0 : i32
    %dma_start3A_1033 = arith.constant 0 : i32
    %dma_start3A_1034 = arith.constant 0 : i32
    %dma_start3A_1035 = tpu.memref_slice %arg6[%dma_start3A_1032, %dma_start3A_1033, %dma_start3A_1034] : memref<3x112x17xf32, #tpu.memory_space<vmem>> -> memref<1x112x17xf32, #tpu.memory_space<vmem>>
    %dma_start3A_1036 = tpu.memref_squeeze %dma_start3A_1035 : memref<1x112x17xf32, #tpu.memory_space<vmem>> -> memref<112x17xf32, #tpu.memory_space<vmem>>
    %dma_start3A_1037 = arith.constant 0 : i32
    %dma_start3A_1038 = tpu.memref_slice %arg4[%add3A_1031, %dma_start3A_1037] : memref<100000x17xf32, #tpu.memory_space<hbm>> -> memref<112x17xf32, #tpu.memory_space<hbm>>
    %dma_start3A_1039 = arith.constant 0 : i32
    %dma_start3A_1040 = tpu.memref_slice %arg4[%add3A_1031, %dma_start3A_1039] : memref<100000x17xf32, #tpu.memory_space<hbm>> -> memref<112x17xf32, #tpu.memory_space<hbm>>
    %dma_start3A_1041 = arith.constant 0 : i32
    %dma_start3A_1042 = arith.constant 0 : i32
    %dma_start3A_1043 = tpu.memref_slice %arg6[%dma_start3A_1032, %dma_start3A_1041, %dma_start3A_1042] : memref<3x112x17xf32, #tpu.memory_space<vmem>> -> memref<1x112x17xf32, #tpu.memory_space<vmem>>
    %dma_start3A_1044 = tpu.memref_squeeze %dma_start3A_1043 : memref<1x112x17xf32, #tpu.memory_space<vmem>> -> memref<112x17xf32, #tpu.memory_space<vmem>>
    tpu.enqueue_dma source(%dma_start3A_1044 : memref<112x17xf32, #tpu.memory_space<vmem>>) target(%dma_start3A_1040 : memref<112x17xf32, #tpu.memory_space<hbm>>) target_semaphore(%arg9 : memref<!tpu.dma_semaphore, #tpu.memory_space<semaphore_mem>>)
    %dma_start3A_1045 = arith.constant 0 : i32
    %dma_start3A_1046 = arith.constant 0 : i32
    %dma_start3A_1047 = arith.constant 0 : i32
    %dma_start3A_1048 = tpu.memref_slice %arg7[%dma_start3A_1045, %dma_start3A_1046, %dma_start3A_1047] : memref<3x112x6xf32, #tpu.memory_space<vmem>> -> memref<1x112x6xf32, #tpu.memory_space<vmem>>
    %dma_start3A_1049 = tpu.memref_squeeze %dma_start3A_1048 : memref<1x112x6xf32, #tpu.memory_space<vmem>> -> memref<112x6xf32, #tpu.memory_space<vmem>>
    %dma_start3A_1050 = arith.constant 0 : i32
    %dma_start3A_1051 = tpu.memref_slice %arg5[%add3A_1031, %dma_start3A_1050] : memref<100000x6xf32, #tpu.memory_space<hbm>> -> memref<112x6xf32, #tpu.memory_space<hbm>>
    %dma_start3A_1052 = arith.constant 0 : i32
    %dma_start3A_1053 = tpu.memref_slice %arg5[%add3A_1031, %dma_start3A_1052] : memref<100000x6xf32, #tpu.memory_space<hbm>> -> memref<112x6xf32, #tpu.memory_space<hbm>>
    %dma_start3A_1054 = arith.constant 0 : i32
    %dma_start3A_1055 = arith.constant 0 : i32
    %dma_start3A_1056 = tpu.memref_slice %arg7[%dma_start3A_1045, %dma_start3A_1054, %dma_start3A_1055] : memref<3x112x6xf32, #tpu.memory_space<vmem>> -> memref<1x112x6xf32, #tpu.memory_space<vmem>>
    %dma_start3A_1057 = tpu.memref_squeeze %dma_start3A_1056 : memref<1x112x6xf32, #tpu.memory_space<vmem>> -> memref<112x6xf32, #tpu.memory_space<vmem>>
    tpu.enqueue_dma source(%dma_start3A_1057 : memref<112x6xf32, #tpu.memory_space<vmem>>) target(%dma_start3A_1053 : memref<112x6xf32, #tpu.memory_space<hbm>>) target_semaphore(%arg9 : memref<!tpu.dma_semaphore, #tpu.memory_space<semaphore_mem>>)
    %dma_wait3A_1058 = arith.constant 2 : i32
    %dma_wait3A_1059 = arith.constant 0 : i32
    %dma_wait3A_1060 = arith.constant 0 : i32
    %dma_wait3A_1061 = tpu.memref_slice %arg6[%dma_wait3A_1058, %dma_wait3A_1059, %dma_wait3A_1060] : memref<3x112x17xf32, #tpu.memory_space<vmem>> -> memref<1x112x17xf32, #tpu.memory_space<vmem>>
    %dma_wait3A_1062 = tpu.memref_squeeze %dma_wait3A_1061 : memref<1x112x17xf32, #tpu.memory_space<vmem>> -> memref<112x17xf32, #tpu.memory_space<vmem>>
    %dma_wait3A_1063 = arith.constant 0 : i32
    %dma_wait3A_1064 = tpu.memref_slice %arg4[%add3A_923, %dma_wait3A_1063] : memref<100000x17xf32, #tpu.memory_space<hbm>> -> memref<112x17xf32, #tpu.memory_space<hbm>>
    %dma_wait3A_1065 = arith.constant 0 : i32
    %dma_wait3A_1066 = tpu.memref_slice %arg4[%add3A_923, %dma_wait3A_1065] : memref<100000x17xf32, #tpu.memory_space<hbm>> -> memref<112x17xf32, #tpu.memory_space<hbm>>
    %dma_wait3A_1067 = arith.constant 0 : i32
    %dma_wait3A_1068 = arith.constant 0 : i32
    %dma_wait3A_1069 = tpu.memref_slice %arg6[%dma_wait3A_1058, %dma_wait3A_1067, %dma_wait3A_1068] : memref<3x112x17xf32, #tpu.memory_space<vmem>> -> memref<1x112x17xf32, #tpu.memory_space<vmem>>
    %dma_wait3A_1070 = tpu.memref_squeeze %dma_wait3A_1069 : memref<1x112x17xf32, #tpu.memory_space<vmem>> -> memref<112x17xf32, #tpu.memory_space<vmem>>
    tpu.wait_dma2 semaphore(%arg9 : memref<!tpu.dma_semaphore, #tpu.memory_space<semaphore_mem>>) src(%dma_wait3A_1070 : memref<112x17xf32, #tpu.memory_space<vmem>>) dst(%dma_wait3A_1066 : memref<112x17xf32, #tpu.memory_space<hbm>>)
    %dma_wait3A_1071 = arith.constant 2 : i32
    %dma_wait3A_1072 = arith.constant 0 : i32
    %dma_wait3A_1073 = arith.constant 0 : i32
    %dma_wait3A_1074 = tpu.memref_slice %arg7[%dma_wait3A_1071, %dma_wait3A_1072, %dma_wait3A_1073] : memref<3x112x6xf32, #tpu.memory_space<vmem>> -> memref<1x112x6xf32, #tpu.memory_space<vmem>>
    %dma_wait3A_1075 = tpu.memref_squeeze %dma_wait3A_1074 : memref<1x112x6xf32, #tpu.memory_space<vmem>> -> memref<112x6xf32, #tpu.memory_space<vmem>>
    %dma_wait3A_1076 = arith.constant 0 : i32
    %dma_wait3A_1077 = tpu.memref_slice %arg5[%add3A_923, %dma_wait3A_1076] : memref<100000x6xf32, #tpu.memory_space<hbm>> -> memref<112x6xf32, #tpu.memory_space<hbm>>
    %dma_wait3A_1078 = arith.constant 0 : i32
    %dma_wait3A_1079 = tpu.memref_slice %arg5[%add3A_923, %dma_wait3A_1078] : memref<100000x6xf32, #tpu.memory_space<hbm>> -> memref<112x6xf32, #tpu.memory_space<hbm>>
    %dma_wait3A_1080 = arith.constant 0 : i32
    %dma_wait3A_1081 = arith.constant 0 : i32
    %dma_wait3A_1082 = tpu.memref_slice %arg7[%dma_wait3A_1071, %dma_wait3A_1080, %dma_wait3A_1081] : memref<3x112x6xf32, #tpu.memory_space<vmem>> -> memref<1x112x6xf32, #tpu.memory_space<vmem>>
    %dma_wait3A_1083 = tpu.memref_squeeze %dma_wait3A_1082 : memref<1x112x6xf32, #tpu.memory_space<vmem>> -> memref<112x6xf32, #tpu.memory_space<vmem>>
    tpu.wait_dma2 semaphore(%arg9 : memref<!tpu.dma_semaphore, #tpu.memory_space<semaphore_mem>>) src(%dma_wait3A_1083 : memref<112x6xf32, #tpu.memory_space<vmem>>) dst(%dma_wait3A_1079 : memref<112x6xf32, #tpu.memory_space<hbm>>)
    %add3A_1084 = arith.constant 1232 : i32
    %add3A_1085 = arith.addi %min3A_3, %add3A_1084 : i32
    %dma_start3A_1086 = arith.constant 2 : i32
    %dma_start3A_1087 = arith.constant 0 : i32
    %dma_start3A_1088 = arith.constant 0 : i32
    %dma_start3A_1089 = tpu.memref_slice %arg6[%dma_start3A_1086, %dma_start3A_1087, %dma_start3A_1088] : memref<3x112x17xf32, #tpu.memory_space<vmem>> -> memref<1x112x17xf32, #tpu.memory_space<vmem>>
    %dma_start3A_1090 = tpu.memref_squeeze %dma_start3A_1089 : memref<1x112x17xf32, #tpu.memory_space<vmem>> -> memref<112x17xf32, #tpu.memory_space<vmem>>
    %dma_start3A_1091 = arith.constant 0 : i32
    %dma_start3A_1092 = tpu.memref_slice %arg2[%add3A_1085, %dma_start3A_1091] : memref<100000x17xf32, #tpu.memory_space<hbm>> -> memref<112x17xf32, #tpu.memory_space<hbm>>
    %dma_start3A_1093 = arith.constant 0 : i32
    %dma_start3A_1094 = arith.constant 0 : i32
    %dma_start3A_1095 = tpu.memref_slice %arg6[%dma_start3A_1086, %dma_start3A_1093, %dma_start3A_1094] : memref<3x112x17xf32, #tpu.memory_space<vmem>> -> memref<1x112x17xf32, #tpu.memory_space<vmem>>
    %dma_start3A_1096 = tpu.memref_squeeze %dma_start3A_1095 : memref<1x112x17xf32, #tpu.memory_space<vmem>> -> memref<112x17xf32, #tpu.memory_space<vmem>>
    %dma_start3A_1097 = arith.constant 0 : i32
    %dma_start3A_1098 = tpu.memref_slice %arg2[%add3A_1085, %dma_start3A_1097] : memref<100000x17xf32, #tpu.memory_space<hbm>> -> memref<112x17xf32, #tpu.memory_space<hbm>>
    tpu.enqueue_dma source(%dma_start3A_1098 : memref<112x17xf32, #tpu.memory_space<hbm>>) target(%dma_start3A_1096 : memref<112x17xf32, #tpu.memory_space<vmem>>) target_semaphore(%arg8 : memref<!tpu.dma_semaphore, #tpu.memory_space<semaphore_mem>>)
    %dma_start3A_1099 = arith.constant 2 : i32
    %dma_start3A_1100 = arith.constant 0 : i32
    %dma_start3A_1101 = arith.constant 0 : i32
    %dma_start3A_1102 = tpu.memref_slice %arg7[%dma_start3A_1099, %dma_start3A_1100, %dma_start3A_1101] : memref<3x112x6xf32, #tpu.memory_space<vmem>> -> memref<1x112x6xf32, #tpu.memory_space<vmem>>
    %dma_start3A_1103 = tpu.memref_squeeze %dma_start3A_1102 : memref<1x112x6xf32, #tpu.memory_space<vmem>> -> memref<112x6xf32, #tpu.memory_space<vmem>>
    %dma_start3A_1104 = arith.constant 0 : i32
    %dma_start3A_1105 = tpu.memref_slice %arg3[%add3A_1085, %dma_start3A_1104] : memref<100000x6xf32, #tpu.memory_space<hbm>> -> memref<112x6xf32, #tpu.memory_space<hbm>>
    %dma_start3A_1106 = arith.constant 0 : i32
    %dma_start3A_1107 = arith.constant 0 : i32
    %dma_start3A_1108 = tpu.memref_slice %arg7[%dma_start3A_1099, %dma_start3A_1106, %dma_start3A_1107] : memref<3x112x6xf32, #tpu.memory_space<vmem>> -> memref<1x112x6xf32, #tpu.memory_space<vmem>>
    %dma_start3A_1109 = tpu.memref_squeeze %dma_start3A_1108 : memref<1x112x6xf32, #tpu.memory_space<vmem>> -> memref<112x6xf32, #tpu.memory_space<vmem>>
    %dma_start3A_1110 = arith.constant 0 : i32
    %dma_start3A_1111 = tpu.memref_slice %arg3[%add3A_1085, %dma_start3A_1110] : memref<100000x6xf32, #tpu.memory_space<hbm>> -> memref<112x6xf32, #tpu.memory_space<hbm>>
    tpu.enqueue_dma source(%dma_start3A_1111 : memref<112x6xf32, #tpu.memory_space<hbm>>) target(%dma_start3A_1109 : memref<112x6xf32, #tpu.memory_space<vmem>>) target_semaphore(%arg8 : memref<!tpu.dma_semaphore, #tpu.memory_space<semaphore_mem>>)
    %dma_wait3A_1112 = arith.constant 1 : i32
    %dma_wait3A_1113 = arith.constant 0 : i32
    %dma_wait3A_1114 = arith.constant 0 : i32
    %dma_wait3A_1115 = tpu.memref_slice %arg6[%dma_wait3A_1112, %dma_wait3A_1113, %dma_wait3A_1114] : memref<3x112x17xf32, #tpu.memory_space<vmem>> -> memref<1x112x17xf32, #tpu.memory_space<vmem>>
    %dma_wait3A_1116 = tpu.memref_squeeze %dma_wait3A_1115 : memref<1x112x17xf32, #tpu.memory_space<vmem>> -> memref<112x17xf32, #tpu.memory_space<vmem>>
    %dma_wait3A_1117 = arith.constant 0 : i32
    %dma_wait3A_1118 = tpu.memref_slice %arg2[%add3A_977, %dma_wait3A_1117] : memref<100000x17xf32, #tpu.memory_space<hbm>> -> memref<112x17xf32, #tpu.memory_space<hbm>>
    %dma_wait3A_1119 = arith.constant 0 : i32
    %dma_wait3A_1120 = arith.constant 0 : i32
    %dma_wait3A_1121 = tpu.memref_slice %arg6[%dma_wait3A_1112, %dma_wait3A_1119, %dma_wait3A_1120] : memref<3x112x17xf32, #tpu.memory_space<vmem>> -> memref<1x112x17xf32, #tpu.memory_space<vmem>>
    %dma_wait3A_1122 = tpu.memref_squeeze %dma_wait3A_1121 : memref<1x112x17xf32, #tpu.memory_space<vmem>> -> memref<112x17xf32, #tpu.memory_space<vmem>>
    %dma_wait3A_1123 = arith.constant 0 : i32
    %dma_wait3A_1124 = tpu.memref_slice %arg2[%add3A_977, %dma_wait3A_1123] : memref<100000x17xf32, #tpu.memory_space<hbm>> -> memref<112x17xf32, #tpu.memory_space<hbm>>
    tpu.wait_dma2 semaphore(%arg8 : memref<!tpu.dma_semaphore, #tpu.memory_space<semaphore_mem>>) src(%dma_wait3A_1124 : memref<112x17xf32, #tpu.memory_space<hbm>>) dst(%dma_wait3A_1122 : memref<112x17xf32, #tpu.memory_space<vmem>>)
    %dma_wait3A_1125 = arith.constant 1 : i32
    %dma_wait3A_1126 = arith.constant 0 : i32
    %dma_wait3A_1127 = arith.constant 0 : i32
    %dma_wait3A_1128 = tpu.memref_slice %arg7[%dma_wait3A_1125, %dma_wait3A_1126, %dma_wait3A_1127] : memref<3x112x6xf32, #tpu.memory_space<vmem>> -> memref<1x112x6xf32, #tpu.memory_space<vmem>>
    %dma_wait3A_1129 = tpu.memref_squeeze %dma_wait3A_1128 : memref<1x112x6xf32, #tpu.memory_space<vmem>> -> memref<112x6xf32, #tpu.memory_space<vmem>>
    %dma_wait3A_1130 = arith.constant 0 : i32
    %dma_wait3A_1131 = tpu.memref_slice %arg3[%add3A_977, %dma_wait3A_1130] : memref<100000x6xf32, #tpu.memory_space<hbm>> -> memref<112x6xf32, #tpu.memory_space<hbm>>
    %dma_wait3A_1132 = arith.constant 0 : i32
    %dma_wait3A_1133 = arith.constant 0 : i32
    %dma_wait3A_1134 = tpu.memref_slice %arg7[%dma_wait3A_1125, %dma_wait3A_1132, %dma_wait3A_1133] : memref<3x112x6xf32, #tpu.memory_space<vmem>> -> memref<1x112x6xf32, #tpu.memory_space<vmem>>
    %dma_wait3A_1135 = tpu.memref_squeeze %dma_wait3A_1134 : memref<1x112x6xf32, #tpu.memory_space<vmem>> -> memref<112x6xf32, #tpu.memory_space<vmem>>
    %dma_wait3A_1136 = arith.constant 0 : i32
    %dma_wait3A_1137 = tpu.memref_slice %arg3[%add3A_977, %dma_wait3A_1136] : memref<100000x6xf32, #tpu.memory_space<hbm>> -> memref<112x6xf32, #tpu.memory_space<hbm>>
    tpu.wait_dma2 semaphore(%arg8 : memref<!tpu.dma_semaphore, #tpu.memory_space<semaphore_mem>>) src(%dma_wait3A_1137 : memref<112x6xf32, #tpu.memory_space<hbm>>) dst(%dma_wait3A_1135 : memref<112x6xf32, #tpu.memory_space<vmem>>)
    %add3A_1138 = arith.constant 1120 : i32
    %add3A_1139 = arith.addi %min3A_3, %add3A_1138 : i32
    %dma_start3A_1140 = arith.constant 1 : i32
    %dma_start3A_1141 = arith.constant 0 : i32
    %dma_start3A_1142 = arith.constant 0 : i32
    %dma_start3A_1143 = tpu.memref_slice %arg6[%dma_start3A_1140, %dma_start3A_1141, %dma_start3A_1142] : memref<3x112x17xf32, #tpu.memory_space<vmem>> -> memref<1x112x17xf32, #tpu.memory_space<vmem>>
    %dma_start3A_1144 = tpu.memref_squeeze %dma_start3A_1143 : memref<1x112x17xf32, #tpu.memory_space<vmem>> -> memref<112x17xf32, #tpu.memory_space<vmem>>
    %dma_start3A_1145 = arith.constant 0 : i32
    %dma_start3A_1146 = tpu.memref_slice %arg4[%add3A_1139, %dma_start3A_1145] : memref<100000x17xf32, #tpu.memory_space<hbm>> -> memref<112x17xf32, #tpu.memory_space<hbm>>
    %dma_start3A_1147 = arith.constant 0 : i32
    %dma_start3A_1148 = tpu.memref_slice %arg4[%add3A_1139, %dma_start3A_1147] : memref<100000x17xf32, #tpu.memory_space<hbm>> -> memref<112x17xf32, #tpu.memory_space<hbm>>
    %dma_start3A_1149 = arith.constant 0 : i32
    %dma_start3A_1150 = arith.constant 0 : i32
    %dma_start3A_1151 = tpu.memref_slice %arg6[%dma_start3A_1140, %dma_start3A_1149, %dma_start3A_1150] : memref<3x112x17xf32, #tpu.memory_space<vmem>> -> memref<1x112x17xf32, #tpu.memory_space<vmem>>
    %dma_start3A_1152 = tpu.memref_squeeze %dma_start3A_1151 : memref<1x112x17xf32, #tpu.memory_space<vmem>> -> memref<112x17xf32, #tpu.memory_space<vmem>>
    tpu.enqueue_dma source(%dma_start3A_1152 : memref<112x17xf32, #tpu.memory_space<vmem>>) target(%dma_start3A_1148 : memref<112x17xf32, #tpu.memory_space<hbm>>) target_semaphore(%arg9 : memref<!tpu.dma_semaphore, #tpu.memory_space<semaphore_mem>>)
    %dma_start3A_1153 = arith.constant 1 : i32
    %dma_start3A_1154 = arith.constant 0 : i32
    %dma_start3A_1155 = arith.constant 0 : i32
    %dma_start3A_1156 = tpu.memref_slice %arg7[%dma_start3A_1153, %dma_start3A_1154, %dma_start3A_1155] : memref<3x112x6xf32, #tpu.memory_space<vmem>> -> memref<1x112x6xf32, #tpu.memory_space<vmem>>
    %dma_start3A_1157 = tpu.memref_squeeze %dma_start3A_1156 : memref<1x112x6xf32, #tpu.memory_space<vmem>> -> memref<112x6xf32, #tpu.memory_space<vmem>>
    %dma_start3A_1158 = arith.constant 0 : i32
    %dma_start3A_1159 = tpu.memref_slice %arg5[%add3A_1139, %dma_start3A_1158] : memref<100000x6xf32, #tpu.memory_space<hbm>> -> memref<112x6xf32, #tpu.memory_space<hbm>>
    %dma_start3A_1160 = arith.constant 0 : i32
    %dma_start3A_1161 = tpu.memref_slice %arg5[%add3A_1139, %dma_start3A_1160] : memref<100000x6xf32, #tpu.memory_space<hbm>> -> memref<112x6xf32, #tpu.memory_space<hbm>>
    %dma_start3A_1162 = arith.constant 0 : i32
    %dma_start3A_1163 = arith.constant 0 : i32
    %dma_start3A_1164 = tpu.memref_slice %arg7[%dma_start3A_1153, %dma_start3A_1162, %dma_start3A_1163] : memref<3x112x6xf32, #tpu.memory_space<vmem>> -> memref<1x112x6xf32, #tpu.memory_space<vmem>>
    %dma_start3A_1165 = tpu.memref_squeeze %dma_start3A_1164 : memref<1x112x6xf32, #tpu.memory_space<vmem>> -> memref<112x6xf32, #tpu.memory_space<vmem>>
    tpu.enqueue_dma source(%dma_start3A_1165 : memref<112x6xf32, #tpu.memory_space<vmem>>) target(%dma_start3A_1161 : memref<112x6xf32, #tpu.memory_space<hbm>>) target_semaphore(%arg9 : memref<!tpu.dma_semaphore, #tpu.memory_space<semaphore_mem>>)
    %dma_wait3A_1166 = arith.constant 0 : i32
    %dma_wait3A_1167 = arith.constant 0 : i32
    %dma_wait3A_1168 = arith.constant 0 : i32
    %dma_wait3A_1169 = tpu.memref_slice %arg6[%dma_wait3A_1166, %dma_wait3A_1167, %dma_wait3A_1168] : memref<3x112x17xf32, #tpu.memory_space<vmem>> -> memref<1x112x17xf32, #tpu.memory_space<vmem>>
    %dma_wait3A_1170 = tpu.memref_squeeze %dma_wait3A_1169 : memref<1x112x17xf32, #tpu.memory_space<vmem>> -> memref<112x17xf32, #tpu.memory_space<vmem>>
    %dma_wait3A_1171 = arith.constant 0 : i32
    %dma_wait3A_1172 = tpu.memref_slice %arg4[%add3A_1031, %dma_wait3A_1171] : memref<100000x17xf32, #tpu.memory_space<hbm>> -> memref<112x17xf32, #tpu.memory_space<hbm>>
    %dma_wait3A_1173 = arith.constant 0 : i32
    %dma_wait3A_1174 = tpu.memref_slice %arg4[%add3A_1031, %dma_wait3A_1173] : memref<100000x17xf32, #tpu.memory_space<hbm>> -> memref<112x17xf32, #tpu.memory_space<hbm>>
    %dma_wait3A_1175 = arith.constant 0 : i32
    %dma_wait3A_1176 = arith.constant 0 : i32
    %dma_wait3A_1177 = tpu.memref_slice %arg6[%dma_wait3A_1166, %dma_wait3A_1175, %dma_wait3A_1176] : memref<3x112x17xf32, #tpu.memory_space<vmem>> -> memref<1x112x17xf32, #tpu.memory_space<vmem>>
    %dma_wait3A_1178 = tpu.memref_squeeze %dma_wait3A_1177 : memref<1x112x17xf32, #tpu.memory_space<vmem>> -> memref<112x17xf32, #tpu.memory_space<vmem>>
    tpu.wait_dma2 semaphore(%arg9 : memref<!tpu.dma_semaphore, #tpu.memory_space<semaphore_mem>>) src(%dma_wait3A_1178 : memref<112x17xf32, #tpu.memory_space<vmem>>) dst(%dma_wait3A_1174 : memref<112x17xf32, #tpu.memory_space<hbm>>)
    %dma_wait3A_1179 = arith.constant 0 : i32
    %dma_wait3A_1180 = arith.constant 0 : i32
    %dma_wait3A_1181 = arith.constant 0 : i32
    %dma_wait3A_1182 = tpu.memref_slice %arg7[%dma_wait3A_1179, %dma_wait3A_1180, %dma_wait3A_1181] : memref<3x112x6xf32, #tpu.memory_space<vmem>> -> memref<1x112x6xf32, #tpu.memory_space<vmem>>
    %dma_wait3A_1183 = tpu.memref_squeeze %dma_wait3A_1182 : memref<1x112x6xf32, #tpu.memory_space<vmem>> -> memref<112x6xf32, #tpu.memory_space<vmem>>
    %dma_wait3A_1184 = arith.constant 0 : i32
    %dma_wait3A_1185 = tpu.memref_slice %arg5[%add3A_1031, %dma_wait3A_1184] : memref<100000x6xf32, #tpu.memory_space<hbm>> -> memref<112x6xf32, #tpu.memory_space<hbm>>
    %dma_wait3A_1186 = arith.constant 0 : i32
    %dma_wait3A_1187 = tpu.memref_slice %arg5[%add3A_1031, %dma_wait3A_1186] : memref<100000x6xf32, #tpu.memory_space<hbm>> -> memref<112x6xf32, #tpu.memory_space<hbm>>
    %dma_wait3A_1188 = arith.constant 0 : i32
    %dma_wait3A_1189 = arith.constant 0 : i32
    %dma_wait3A_1190 = tpu.memref_slice %arg7[%dma_wait3A_1179, %dma_wait3A_1188, %dma_wait3A_1189] : memref<3x112x6xf32, #tpu.memory_space<vmem>> -> memref<1x112x6xf32, #tpu.memory_space<vmem>>
    %dma_wait3A_1191 = tpu.memref_squeeze %dma_wait3A_1190 : memref<1x112x6xf32, #tpu.memory_space<vmem>> -> memref<112x6xf32, #tpu.memory_space<vmem>>
    tpu.wait_dma2 semaphore(%arg9 : memref<!tpu.dma_semaphore, #tpu.memory_space<semaphore_mem>>) src(%dma_wait3A_1191 : memref<112x6xf32, #tpu.memory_space<vmem>>) dst(%dma_wait3A_1187 : memref<112x6xf32, #tpu.memory_space<hbm>>)
    %add3A_1192 = arith.constant 1344 : i32
    %add3A_1193 = arith.addi %min3A_3, %add3A_1192 : i32
    %dma_start3A_1194 = arith.constant 0 : i32
    %dma_start3A_1195 = arith.constant 0 : i32
    %dma_start3A_1196 = arith.constant 0 : i32
    %dma_start3A_1197 = tpu.memref_slice %arg6[%dma_start3A_1194, %dma_start3A_1195, %dma_start3A_1196] : memref<3x112x17xf32, #tpu.memory_space<vmem>> -> memref<1x112x17xf32, #tpu.memory_space<vmem>>
    %dma_start3A_1198 = tpu.memref_squeeze %dma_start3A_1197 : memref<1x112x17xf32, #tpu.memory_space<vmem>> -> memref<112x17xf32, #tpu.memory_space<vmem>>
    %dma_start3A_1199 = arith.constant 0 : i32
    %dma_start3A_1200 = tpu.memref_slice %arg2[%add3A_1193, %dma_start3A_1199] : memref<100000x17xf32, #tpu.memory_space<hbm>> -> memref<112x17xf32, #tpu.memory_space<hbm>>
    %dma_start3A_1201 = arith.constant 0 : i32
    %dma_start3A_1202 = arith.constant 0 : i32
    %dma_start3A_1203 = tpu.memref_slice %arg6[%dma_start3A_1194, %dma_start3A_1201, %dma_start3A_1202] : memref<3x112x17xf32, #tpu.memory_space<vmem>> -> memref<1x112x17xf32, #tpu.memory_space<vmem>>
    %dma_start3A_1204 = tpu.memref_squeeze %dma_start3A_1203 : memref<1x112x17xf32, #tpu.memory_space<vmem>> -> memref<112x17xf32, #tpu.memory_space<vmem>>
    %dma_start3A_1205 = arith.constant 0 : i32
    %dma_start3A_1206 = tpu.memref_slice %arg2[%add3A_1193, %dma_start3A_1205] : memref<100000x17xf32, #tpu.memory_space<hbm>> -> memref<112x17xf32, #tpu.memory_space<hbm>>
    tpu.enqueue_dma source(%dma_start3A_1206 : memref<112x17xf32, #tpu.memory_space<hbm>>) target(%dma_start3A_1204 : memref<112x17xf32, #tpu.memory_space<vmem>>) target_semaphore(%arg8 : memref<!tpu.dma_semaphore, #tpu.memory_space<semaphore_mem>>)
    %dma_start3A_1207 = arith.constant 0 : i32
    %dma_start3A_1208 = arith.constant 0 : i32
    %dma_start3A_1209 = arith.constant 0 : i32
    %dma_start3A_1210 = tpu.memref_slice %arg7[%dma_start3A_1207, %dma_start3A_1208, %dma_start3A_1209] : memref<3x112x6xf32, #tpu.memory_space<vmem>> -> memref<1x112x6xf32, #tpu.memory_space<vmem>>
    %dma_start3A_1211 = tpu.memref_squeeze %dma_start3A_1210 : memref<1x112x6xf32, #tpu.memory_space<vmem>> -> memref<112x6xf32, #tpu.memory_space<vmem>>
    %dma_start3A_1212 = arith.constant 0 : i32
    %dma_start3A_1213 = tpu.memref_slice %arg3[%add3A_1193, %dma_start3A_1212] : memref<100000x6xf32, #tpu.memory_space<hbm>> -> memref<112x6xf32, #tpu.memory_space<hbm>>
    %dma_start3A_1214 = arith.constant 0 : i32
    %dma_start3A_1215 = arith.constant 0 : i32
    %dma_start3A_1216 = tpu.memref_slice %arg7[%dma_start3A_1207, %dma_start3A_1214, %dma_start3A_1215] : memref<3x112x6xf32, #tpu.memory_space<vmem>> -> memref<1x112x6xf32, #tpu.memory_space<vmem>>
    %dma_start3A_1217 = tpu.memref_squeeze %dma_start3A_1216 : memref<1x112x6xf32, #tpu.memory_space<vmem>> -> memref<112x6xf32, #tpu.memory_space<vmem>>
    %dma_start3A_1218 = arith.constant 0 : i32
    %dma_start3A_1219 = tpu.memref_slice %arg3[%add3A_1193, %dma_start3A_1218] : memref<100000x6xf32, #tpu.memory_space<hbm>> -> memref<112x6xf32, #tpu.memory_space<hbm>>
    tpu.enqueue_dma source(%dma_start3A_1219 : memref<112x6xf32, #tpu.memory_space<hbm>>) target(%dma_start3A_1217 : memref<112x6xf32, #tpu.memory_space<vmem>>) target_semaphore(%arg8 : memref<!tpu.dma_semaphore, #tpu.memory_space<semaphore_mem>>)
    %dma_wait3A_1220 = arith.constant 2 : i32
    %dma_wait3A_1221 = arith.constant 0 : i32
    %dma_wait3A_1222 = arith.constant 0 : i32
    %dma_wait3A_1223 = tpu.memref_slice %arg6[%dma_wait3A_1220, %dma_wait3A_1221, %dma_wait3A_1222] : memref<3x112x17xf32, #tpu.memory_space<vmem>> -> memref<1x112x17xf32, #tpu.memory_space<vmem>>
    %dma_wait3A_1224 = tpu.memref_squeeze %dma_wait3A_1223 : memref<1x112x17xf32, #tpu.memory_space<vmem>> -> memref<112x17xf32, #tpu.memory_space<vmem>>
    %dma_wait3A_1225 = arith.constant 0 : i32
    %dma_wait3A_1226 = tpu.memref_slice %arg2[%add3A_1085, %dma_wait3A_1225] : memref<100000x17xf32, #tpu.memory_space<hbm>> -> memref<112x17xf32, #tpu.memory_space<hbm>>
    %dma_wait3A_1227 = arith.constant 0 : i32
    %dma_wait3A_1228 = arith.constant 0 : i32
    %dma_wait3A_1229 = tpu.memref_slice %arg6[%dma_wait3A_1220, %dma_wait3A_1227, %dma_wait3A_1228] : memref<3x112x17xf32, #tpu.memory_space<vmem>> -> memref<1x112x17xf32, #tpu.memory_space<vmem>>
    %dma_wait3A_1230 = tpu.memref_squeeze %dma_wait3A_1229 : memref<1x112x17xf32, #tpu.memory_space<vmem>> -> memref<112x17xf32, #tpu.memory_space<vmem>>
    %dma_wait3A_1231 = arith.constant 0 : i32
    %dma_wait3A_1232 = tpu.memref_slice %arg2[%add3A_1085, %dma_wait3A_1231] : memref<100000x17xf32, #tpu.memory_space<hbm>> -> memref<112x17xf32, #tpu.memory_space<hbm>>
    tpu.wait_dma2 semaphore(%arg8 : memref<!tpu.dma_semaphore, #tpu.memory_space<semaphore_mem>>) src(%dma_wait3A_1232 : memref<112x17xf32, #tpu.memory_space<hbm>>) dst(%dma_wait3A_1230 : memref<112x17xf32, #tpu.memory_space<vmem>>)
    %dma_wait3A_1233 = arith.constant 2 : i32
    %dma_wait3A_1234 = arith.constant 0 : i32
    %dma_wait3A_1235 = arith.constant 0 : i32
    %dma_wait3A_1236 = tpu.memref_slice %arg7[%dma_wait3A_1233, %dma_wait3A_1234, %dma_wait3A_1235] : memref<3x112x6xf32, #tpu.memory_space<vmem>> -> memref<1x112x6xf32, #tpu.memory_space<vmem>>
    %dma_wait3A_1237 = tpu.memref_squeeze %dma_wait3A_1236 : memref<1x112x6xf32, #tpu.memory_space<vmem>> -> memref<112x6xf32, #tpu.memory_space<vmem>>
    %dma_wait3A_1238 = arith.constant 0 : i32
    %dma_wait3A_1239 = tpu.memref_slice %arg3[%add3A_1085, %dma_wait3A_1238] : memref<100000x6xf32, #tpu.memory_space<hbm>> -> memref<112x6xf32, #tpu.memory_space<hbm>>
    %dma_wait3A_1240 = arith.constant 0 : i32
    %dma_wait3A_1241 = arith.constant 0 : i32
    %dma_wait3A_1242 = tpu.memref_slice %arg7[%dma_wait3A_1233, %dma_wait3A_1240, %dma_wait3A_1241] : memref<3x112x6xf32, #tpu.memory_space<vmem>> -> memref<1x112x6xf32, #tpu.memory_space<vmem>>
    %dma_wait3A_1243 = tpu.memref_squeeze %dma_wait3A_1242 : memref<1x112x6xf32, #tpu.memory_space<vmem>> -> memref<112x6xf32, #tpu.memory_space<vmem>>
    %dma_wait3A_1244 = arith.constant 0 : i32
    %dma_wait3A_1245 = tpu.memref_slice %arg3[%add3A_1085, %dma_wait3A_1244] : memref<100000x6xf32, #tpu.memory_space<hbm>> -> memref<112x6xf32, #tpu.memory_space<hbm>>
    tpu.wait_dma2 semaphore(%arg8 : memref<!tpu.dma_semaphore, #tpu.memory_space<semaphore_mem>>) src(%dma_wait3A_1245 : memref<112x6xf32, #tpu.memory_space<hbm>>) dst(%dma_wait3A_1243 : memref<112x6xf32, #tpu.memory_space<vmem>>)
    %add3A_1246 = arith.constant 1232 : i32
    %add3A_1247 = arith.addi %min3A_3, %add3A_1246 : i32
    %dma_start3A_1248 = arith.constant 2 : i32
    %dma_start3A_1249 = arith.constant 0 : i32
    %dma_start3A_1250 = arith.constant 0 : i32
    %dma_start3A_1251 = tpu.memref_slice %arg6[%dma_start3A_1248, %dma_start3A_1249, %dma_start3A_1250] : memref<3x112x17xf32, #tpu.memory_space<vmem>> -> memref<1x112x17xf32, #tpu.memory_space<vmem>>
    %dma_start3A_1252 = tpu.memref_squeeze %dma_start3A_1251 : memref<1x112x17xf32, #tpu.memory_space<vmem>> -> memref<112x17xf32, #tpu.memory_space<vmem>>
    %dma_start3A_1253 = arith.constant 0 : i32
    %dma_start3A_1254 = tpu.memref_slice %arg4[%add3A_1247, %dma_start3A_1253] : memref<100000x17xf32, #tpu.memory_space<hbm>> -> memref<112x17xf32, #tpu.memory_space<hbm>>
    %dma_start3A_1255 = arith.constant 0 : i32
    %dma_start3A_1256 = tpu.memref_slice %arg4[%add3A_1247, %dma_start3A_1255] : memref<100000x17xf32, #tpu.memory_space<hbm>> -> memref<112x17xf32, #tpu.memory_space<hbm>>
    %dma_start3A_1257 = arith.constant 0 : i32
    %dma_start3A_1258 = arith.constant 0 : i32
    %dma_start3A_1259 = tpu.memref_slice %arg6[%dma_start3A_1248, %dma_start3A_1257, %dma_start3A_1258] : memref<3x112x17xf32, #tpu.memory_space<vmem>> -> memref<1x112x17xf32, #tpu.memory_space<vmem>>
    %dma_start3A_1260 = tpu.memref_squeeze %dma_start3A_1259 : memref<1x112x17xf32, #tpu.memory_space<vmem>> -> memref<112x17xf32, #tpu.memory_space<vmem>>
    tpu.enqueue_dma source(%dma_start3A_1260 : memref<112x17xf32, #tpu.memory_space<vmem>>) target(%dma_start3A_1256 : memref<112x17xf32, #tpu.memory_space<hbm>>) target_semaphore(%arg9 : memref<!tpu.dma_semaphore, #tpu.memory_space<semaphore_mem>>)
    %dma_start3A_1261 = arith.constant 2 : i32
    %dma_start3A_1262 = arith.constant 0 : i32
    %dma_start3A_1263 = arith.constant 0 : i32
    %dma_start3A_1264 = tpu.memref_slice %arg7[%dma_start3A_1261, %dma_start3A_1262, %dma_start3A_1263] : memref<3x112x6xf32, #tpu.memory_space<vmem>> -> memref<1x112x6xf32, #tpu.memory_space<vmem>>
    %dma_start3A_1265 = tpu.memref_squeeze %dma_start3A_1264 : memref<1x112x6xf32, #tpu.memory_space<vmem>> -> memref<112x6xf32, #tpu.memory_space<vmem>>
    %dma_start3A_1266 = arith.constant 0 : i32
    %dma_start3A_1267 = tpu.memref_slice %arg5[%add3A_1247, %dma_start3A_1266] : memref<100000x6xf32, #tpu.memory_space<hbm>> -> memref<112x6xf32, #tpu.memory_space<hbm>>
    %dma_start3A_1268 = arith.constant 0 : i32
    %dma_start3A_1269 = tpu.memref_slice %arg5[%add3A_1247, %dma_start3A_1268] : memref<100000x6xf32, #tpu.memory_space<hbm>> -> memref<112x6xf32, #tpu.memory_space<hbm>>
    %dma_start3A_1270 = arith.constant 0 : i32
    %dma_start3A_1271 = arith.constant 0 : i32
    %dma_start3A_1272 = tpu.memref_slice %arg7[%dma_start3A_1261, %dma_start3A_1270, %dma_start3A_1271] : memref<3x112x6xf32, #tpu.memory_space<vmem>> -> memref<1x112x6xf32, #tpu.memory_space<vmem>>
    %dma_start3A_1273 = tpu.memref_squeeze %dma_start3A_1272 : memref<1x112x6xf32, #tpu.memory_space<vmem>> -> memref<112x6xf32, #tpu.memory_space<vmem>>
    tpu.enqueue_dma source(%dma_start3A_1273 : memref<112x6xf32, #tpu.memory_space<vmem>>) target(%dma_start3A_1269 : memref<112x6xf32, #tpu.memory_space<hbm>>) target_semaphore(%arg9 : memref<!tpu.dma_semaphore, #tpu.memory_space<semaphore_mem>>)
    %dma_wait3A_1274 = arith.constant 1 : i32
    %dma_wait3A_1275 = arith.constant 0 : i32
    %dma_wait3A_1276 = arith.constant 0 : i32
    %dma_wait3A_1277 = tpu.memref_slice %arg6[%dma_wait3A_1274, %dma_wait3A_1275, %dma_wait3A_1276] : memref<3x112x17xf32, #tpu.memory_space<vmem>> -> memref<1x112x17xf32, #tpu.memory_space<vmem>>
    %dma_wait3A_1278 = tpu.memref_squeeze %dma_wait3A_1277 : memref<1x112x17xf32, #tpu.memory_space<vmem>> -> memref<112x17xf32, #tpu.memory_space<vmem>>
    %dma_wait3A_1279 = arith.constant 0 : i32
    %dma_wait3A_1280 = tpu.memref_slice %arg4[%add3A_1139, %dma_wait3A_1279] : memref<100000x17xf32, #tpu.memory_space<hbm>> -> memref<112x17xf32, #tpu.memory_space<hbm>>
    %dma_wait3A_1281 = arith.constant 0 : i32
    %dma_wait3A_1282 = tpu.memref_slice %arg4[%add3A_1139, %dma_wait3A_1281] : memref<100000x17xf32, #tpu.memory_space<hbm>> -> memref<112x17xf32, #tpu.memory_space<hbm>>
    %dma_wait3A_1283 = arith.constant 0 : i32
    %dma_wait3A_1284 = arith.constant 0 : i32
    %dma_wait3A_1285 = tpu.memref_slice %arg6[%dma_wait3A_1274, %dma_wait3A_1283, %dma_wait3A_1284] : memref<3x112x17xf32, #tpu.memory_space<vmem>> -> memref<1x112x17xf32, #tpu.memory_space<vmem>>
    %dma_wait3A_1286 = tpu.memref_squeeze %dma_wait3A_1285 : memref<1x112x17xf32, #tpu.memory_space<vmem>> -> memref<112x17xf32, #tpu.memory_space<vmem>>
    tpu.wait_dma2 semaphore(%arg9 : memref<!tpu.dma_semaphore, #tpu.memory_space<semaphore_mem>>) src(%dma_wait3A_1286 : memref<112x17xf32, #tpu.memory_space<vmem>>) dst(%dma_wait3A_1282 : memref<112x17xf32, #tpu.memory_space<hbm>>)
    %dma_wait3A_1287 = arith.constant 1 : i32
    %dma_wait3A_1288 = arith.constant 0 : i32
    %dma_wait3A_1289 = arith.constant 0 : i32
    %dma_wait3A_1290 = tpu.memref_slice %arg7[%dma_wait3A_1287, %dma_wait3A_1288, %dma_wait3A_1289] : memref<3x112x6xf32, #tpu.memory_space<vmem>> -> memref<1x112x6xf32, #tpu.memory_space<vmem>>
    %dma_wait3A_1291 = tpu.memref_squeeze %dma_wait3A_1290 : memref<1x112x6xf32, #tpu.memory_space<vmem>> -> memref<112x6xf32, #tpu.memory_space<vmem>>
    %dma_wait3A_1292 = arith.constant 0 : i32
    %dma_wait3A_1293 = tpu.memref_slice %arg5[%add3A_1139, %dma_wait3A_1292] : memref<100000x6xf32, #tpu.memory_space<hbm>> -> memref<112x6xf32, #tpu.memory_space<hbm>>
    %dma_wait3A_1294 = arith.constant 0 : i32
    %dma_wait3A_1295 = tpu.memref_slice %arg5[%add3A_1139, %dma_wait3A_1294] : memref<100000x6xf32, #tpu.memory_space<hbm>> -> memref<112x6xf32, #tpu.memory_space<hbm>>
    %dma_wait3A_1296 = arith.constant 0 : i32
    %dma_wait3A_1297 = arith.constant 0 : i32
    %dma_wait3A_1298 = tpu.memref_slice %arg7[%dma_wait3A_1287, %dma_wait3A_1296, %dma_wait3A_1297] : memref<3x112x6xf32, #tpu.memory_space<vmem>> -> memref<1x112x6xf32, #tpu.memory_space<vmem>>
    %dma_wait3A_1299 = tpu.memref_squeeze %dma_wait3A_1298 : memref<1x112x6xf32, #tpu.memory_space<vmem>> -> memref<112x6xf32, #tpu.memory_space<vmem>>
    tpu.wait_dma2 semaphore(%arg9 : memref<!tpu.dma_semaphore, #tpu.memory_space<semaphore_mem>>) src(%dma_wait3A_1299 : memref<112x6xf32, #tpu.memory_space<vmem>>) dst(%dma_wait3A_1295 : memref<112x6xf32, #tpu.memory_space<hbm>>)
    %add3A_1300 = arith.constant 1456 : i32
    %add3A_1301 = arith.addi %min3A_3, %add3A_1300 : i32
    %dma_start3A_1302 = arith.constant 1 : i32
    %dma_start3A_1303 = arith.constant 0 : i32
    %dma_start3A_1304 = arith.constant 0 : i32
    %dma_start3A_1305 = tpu.memref_slice %arg6[%dma_start3A_1302, %dma_start3A_1303, %dma_start3A_1304] : memref<3x112x17xf32, #tpu.memory_space<vmem>> -> memref<1x112x17xf32, #tpu.memory_space<vmem>>
    %dma_start3A_1306 = tpu.memref_squeeze %dma_start3A_1305 : memref<1x112x17xf32, #tpu.memory_space<vmem>> -> memref<112x17xf32, #tpu.memory_space<vmem>>
    %dma_start3A_1307 = arith.constant 0 : i32
    %dma_start3A_1308 = tpu.memref_slice %arg2[%add3A_1301, %dma_start3A_1307] : memref<100000x17xf32, #tpu.memory_space<hbm>> -> memref<112x17xf32, #tpu.memory_space<hbm>>
    %dma_start3A_1309 = arith.constant 0 : i32
    %dma_start3A_1310 = arith.constant 0 : i32
    %dma_start3A_1311 = tpu.memref_slice %arg6[%dma_start3A_1302, %dma_start3A_1309, %dma_start3A_1310] : memref<3x112x17xf32, #tpu.memory_space<vmem>> -> memref<1x112x17xf32, #tpu.memory_space<vmem>>
    %dma_start3A_1312 = tpu.memref_squeeze %dma_start3A_1311 : memref<1x112x17xf32, #tpu.memory_space<vmem>> -> memref<112x17xf32, #tpu.memory_space<vmem>>
    %dma_start3A_1313 = arith.constant 0 : i32
    %dma_start3A_1314 = tpu.memref_slice %arg2[%add3A_1301, %dma_start3A_1313] : memref<100000x17xf32, #tpu.memory_space<hbm>> -> memref<112x17xf32, #tpu.memory_space<hbm>>
    tpu.enqueue_dma source(%dma_start3A_1314 : memref<112x17xf32, #tpu.memory_space<hbm>>) target(%dma_start3A_1312 : memref<112x17xf32, #tpu.memory_space<vmem>>) target_semaphore(%arg8 : memref<!tpu.dma_semaphore, #tpu.memory_space<semaphore_mem>>)
    %dma_start3A_1315 = arith.constant 1 : i32
    %dma_start3A_1316 = arith.constant 0 : i32
    %dma_start3A_1317 = arith.constant 0 : i32
    %dma_start3A_1318 = tpu.memref_slice %arg7[%dma_start3A_1315, %dma_start3A_1316, %dma_start3A_1317] : memref<3x112x6xf32, #tpu.memory_space<vmem>> -> memref<1x112x6xf32, #tpu.memory_space<vmem>>
    %dma_start3A_1319 = tpu.memref_squeeze %dma_start3A_1318 : memref<1x112x6xf32, #tpu.memory_space<vmem>> -> memref<112x6xf32, #tpu.memory_space<vmem>>
    %dma_start3A_1320 = arith.constant 0 : i32
    %dma_start3A_1321 = tpu.memref_slice %arg3[%add3A_1301, %dma_start3A_1320] : memref<100000x6xf32, #tpu.memory_space<hbm>> -> memref<112x6xf32, #tpu.memory_space<hbm>>
    %dma_start3A_1322 = arith.constant 0 : i32
    %dma_start3A_1323 = arith.constant 0 : i32
    %dma_start3A_1324 = tpu.memref_slice %arg7[%dma_start3A_1315, %dma_start3A_1322, %dma_start3A_1323] : memref<3x112x6xf32, #tpu.memory_space<vmem>> -> memref<1x112x6xf32, #tpu.memory_space<vmem>>
    %dma_start3A_1325 = tpu.memref_squeeze %dma_start3A_1324 : memref<1x112x6xf32, #tpu.memory_space<vmem>> -> memref<112x6xf32, #tpu.memory_space<vmem>>
    %dma_start3A_1326 = arith.constant 0 : i32
    %dma_start3A_1327 = tpu.memref_slice %arg3[%add3A_1301, %dma_start3A_1326] : memref<100000x6xf32, #tpu.memory_space<hbm>> -> memref<112x6xf32, #tpu.memory_space<hbm>>
    tpu.enqueue_dma source(%dma_start3A_1327 : memref<112x6xf32, #tpu.memory_space<hbm>>) target(%dma_start3A_1325 : memref<112x6xf32, #tpu.memory_space<vmem>>) target_semaphore(%arg8 : memref<!tpu.dma_semaphore, #tpu.memory_space<semaphore_mem>>)
    %dma_wait3A_1328 = arith.constant 0 : i32
    %dma_wait3A_1329 = arith.constant 0 : i32
    %dma_wait3A_1330 = arith.constant 0 : i32
    %dma_wait3A_1331 = tpu.memref_slice %arg6[%dma_wait3A_1328, %dma_wait3A_1329, %dma_wait3A_1330] : memref<3x112x17xf32, #tpu.memory_space<vmem>> -> memref<1x112x17xf32, #tpu.memory_space<vmem>>
    %dma_wait3A_1332 = tpu.memref_squeeze %dma_wait3A_1331 : memref<1x112x17xf32, #tpu.memory_space<vmem>> -> memref<112x17xf32, #tpu.memory_space<vmem>>
    %dma_wait3A_1333 = arith.constant 0 : i32
    %dma_wait3A_1334 = tpu.memref_slice %arg2[%add3A_1193, %dma_wait3A_1333] : memref<100000x17xf32, #tpu.memory_space<hbm>> -> memref<112x17xf32, #tpu.memory_space<hbm>>
    %dma_wait3A_1335 = arith.constant 0 : i32
    %dma_wait3A_1336 = arith.constant 0 : i32
    %dma_wait3A_1337 = tpu.memref_slice %arg6[%dma_wait3A_1328, %dma_wait3A_1335, %dma_wait3A_1336] : memref<3x112x17xf32, #tpu.memory_space<vmem>> -> memref<1x112x17xf32, #tpu.memory_space<vmem>>
    %dma_wait3A_1338 = tpu.memref_squeeze %dma_wait3A_1337 : memref<1x112x17xf32, #tpu.memory_space<vmem>> -> memref<112x17xf32, #tpu.memory_space<vmem>>
    %dma_wait3A_1339 = arith.constant 0 : i32
    %dma_wait3A_1340 = tpu.memref_slice %arg2[%add3A_1193, %dma_wait3A_1339] : memref<100000x17xf32, #tpu.memory_space<hbm>> -> memref<112x17xf32, #tpu.memory_space<hbm>>
    tpu.wait_dma2 semaphore(%arg8 : memref<!tpu.dma_semaphore, #tpu.memory_space<semaphore_mem>>) src(%dma_wait3A_1340 : memref<112x17xf32, #tpu.memory_space<hbm>>) dst(%dma_wait3A_1338 : memref<112x17xf32, #tpu.memory_space<vmem>>)
    %dma_wait3A_1341 = arith.constant 0 : i32
    %dma_wait3A_1342 = arith.constant 0 : i32
    %dma_wait3A_1343 = arith.constant 0 : i32
    %dma_wait3A_1344 = tpu.memref_slice %arg7[%dma_wait3A_1341, %dma_wait3A_1342, %dma_wait3A_1343] : memref<3x112x6xf32, #tpu.memory_space<vmem>> -> memref<1x112x6xf32, #tpu.memory_space<vmem>>
    %dma_wait3A_1345 = tpu.memref_squeeze %dma_wait3A_1344 : memref<1x112x6xf32, #tpu.memory_space<vmem>> -> memref<112x6xf32, #tpu.memory_space<vmem>>
    %dma_wait3A_1346 = arith.constant 0 : i32
    %dma_wait3A_1347 = tpu.memref_slice %arg3[%add3A_1193, %dma_wait3A_1346] : memref<100000x6xf32, #tpu.memory_space<hbm>> -> memref<112x6xf32, #tpu.memory_space<hbm>>
    %dma_wait3A_1348 = arith.constant 0 : i32
    %dma_wait3A_1349 = arith.constant 0 : i32
    %dma_wait3A_1350 = tpu.memref_slice %arg7[%dma_wait3A_1341, %dma_wait3A_1348, %dma_wait3A_1349] : memref<3x112x6xf32, #tpu.memory_space<vmem>> -> memref<1x112x6xf32, #tpu.memory_space<vmem>>
    %dma_wait3A_1351 = tpu.memref_squeeze %dma_wait3A_1350 : memref<1x112x6xf32, #tpu.memory_space<vmem>> -> memref<112x6xf32, #tpu.memory_space<vmem>>
    %dma_wait3A_1352 = arith.constant 0 : i32
    %dma_wait3A_1353 = tpu.memref_slice %arg3[%add3A_1193, %dma_wait3A_1352] : memref<100000x6xf32, #tpu.memory_space<hbm>> -> memref<112x6xf32, #tpu.memory_space<hbm>>
    tpu.wait_dma2 semaphore(%arg8 : memref<!tpu.dma_semaphore, #tpu.memory_space<semaphore_mem>>) src(%dma_wait3A_1353 : memref<112x6xf32, #tpu.memory_space<hbm>>) dst(%dma_wait3A_1351 : memref<112x6xf32, #tpu.memory_space<vmem>>)
    %add3A_1354 = arith.constant 1344 : i32
    %add3A_1355 = arith.addi %min3A_3, %add3A_1354 : i32
    %dma_start3A_1356 = arith.constant 0 : i32
    %dma_start3A_1357 = arith.constant 0 : i32
    %dma_start3A_1358 = arith.constant 0 : i32
    %dma_start3A_1359 = tpu.memref_slice %arg6[%dma_start3A_1356, %dma_start3A_1357, %dma_start3A_1358] : memref<3x112x17xf32, #tpu.memory_space<vmem>> -> memref<1x112x17xf32, #tpu.memory_space<vmem>>
    %dma_start3A_1360 = tpu.memref_squeeze %dma_start3A_1359 : memref<1x112x17xf32, #tpu.memory_space<vmem>> -> memref<112x17xf32, #tpu.memory_space<vmem>>
    %dma_start3A_1361 = arith.constant 0 : i32
    %dma_start3A_1362 = tpu.memref_slice %arg4[%add3A_1355, %dma_start3A_1361] : memref<100000x17xf32, #tpu.memory_space<hbm>> -> memref<112x17xf32, #tpu.memory_space<hbm>>
    %dma_start3A_1363 = arith.constant 0 : i32
    %dma_start3A_1364 = tpu.memref_slice %arg4[%add3A_1355, %dma_start3A_1363] : memref<100000x17xf32, #tpu.memory_space<hbm>> -> memref<112x17xf32, #tpu.memory_space<hbm>>
    %dma_start3A_1365 = arith.constant 0 : i32
    %dma_start3A_1366 = arith.constant 0 : i32
    %dma_start3A_1367 = tpu.memref_slice %arg6[%dma_start3A_1356, %dma_start3A_1365, %dma_start3A_1366] : memref<3x112x17xf32, #tpu.memory_space<vmem>> -> memref<1x112x17xf32, #tpu.memory_space<vmem>>
    %dma_start3A_1368 = tpu.memref_squeeze %dma_start3A_1367 : memref<1x112x17xf32, #tpu.memory_space<vmem>> -> memref<112x17xf32, #tpu.memory_space<vmem>>
    tpu.enqueue_dma source(%dma_start3A_1368 : memref<112x17xf32, #tpu.memory_space<vmem>>) target(%dma_start3A_1364 : memref<112x17xf32, #tpu.memory_space<hbm>>) target_semaphore(%arg9 : memref<!tpu.dma_semaphore, #tpu.memory_space<semaphore_mem>>)
    %dma_start3A_1369 = arith.constant 0 : i32
    %dma_start3A_1370 = arith.constant 0 : i32
    %dma_start3A_1371 = arith.constant 0 : i32
    %dma_start3A_1372 = tpu.memref_slice %arg7[%dma_start3A_1369, %dma_start3A_1370, %dma_start3A_1371] : memref<3x112x6xf32, #tpu.memory_space<vmem>> -> memref<1x112x6xf32, #tpu.memory_space<vmem>>
    %dma_start3A_1373 = tpu.memref_squeeze %dma_start3A_1372 : memref<1x112x6xf32, #tpu.memory_space<vmem>> -> memref<112x6xf32, #tpu.memory_space<vmem>>
    %dma_start3A_1374 = arith.constant 0 : i32
    %dma_start3A_1375 = tpu.memref_slice %arg5[%add3A_1355, %dma_start3A_1374] : memref<100000x6xf32, #tpu.memory_space<hbm>> -> memref<112x6xf32, #tpu.memory_space<hbm>>
    %dma_start3A_1376 = arith.constant 0 : i32
    %dma_start3A_1377 = tpu.memref_slice %arg5[%add3A_1355, %dma_start3A_1376] : memref<100000x6xf32, #tpu.memory_space<hbm>> -> memref<112x6xf32, #tpu.memory_space<hbm>>
    %dma_start3A_1378 = arith.constant 0 : i32
    %dma_start3A_1379 = arith.constant 0 : i32
    %dma_start3A_1380 = tpu.memref_slice %arg7[%dma_start3A_1369, %dma_start3A_1378, %dma_start3A_1379] : memref<3x112x6xf32, #tpu.memory_space<vmem>> -> memref<1x112x6xf32, #tpu.memory_space<vmem>>
    %dma_start3A_1381 = tpu.memref_squeeze %dma_start3A_1380 : memref<1x112x6xf32, #tpu.memory_space<vmem>> -> memref<112x6xf32, #tpu.memory_space<vmem>>
    tpu.enqueue_dma source(%dma_start3A_1381 : memref<112x6xf32, #tpu.memory_space<vmem>>) target(%dma_start3A_1377 : memref<112x6xf32, #tpu.memory_space<hbm>>) target_semaphore(%arg9 : memref<!tpu.dma_semaphore, #tpu.memory_space<semaphore_mem>>)
    %dma_wait3A_1382 = arith.constant 2 : i32
    %dma_wait3A_1383 = arith.constant 0 : i32
    %dma_wait3A_1384 = arith.constant 0 : i32
    %dma_wait3A_1385 = tpu.memref_slice %arg6[%dma_wait3A_1382, %dma_wait3A_1383, %dma_wait3A_1384] : memref<3x112x17xf32, #tpu.memory_space<vmem>> -> memref<1x112x17xf32, #tpu.memory_space<vmem>>
    %dma_wait3A_1386 = tpu.memref_squeeze %dma_wait3A_1385 : memref<1x112x17xf32, #tpu.memory_space<vmem>> -> memref<112x17xf32, #tpu.memory_space<vmem>>
    %dma_wait3A_1387 = arith.constant 0 : i32
    %dma_wait3A_1388 = tpu.memref_slice %arg4[%add3A_1247, %dma_wait3A_1387] : memref<100000x17xf32, #tpu.memory_space<hbm>> -> memref<112x17xf32, #tpu.memory_space<hbm>>
    %dma_wait3A_1389 = arith.constant 0 : i32
    %dma_wait3A_1390 = tpu.memref_slice %arg4[%add3A_1247, %dma_wait3A_1389] : memref<100000x17xf32, #tpu.memory_space<hbm>> -> memref<112x17xf32, #tpu.memory_space<hbm>>
    %dma_wait3A_1391 = arith.constant 0 : i32
    %dma_wait3A_1392 = arith.constant 0 : i32
    %dma_wait3A_1393 = tpu.memref_slice %arg6[%dma_wait3A_1382, %dma_wait3A_1391, %dma_wait3A_1392] : memref<3x112x17xf32, #tpu.memory_space<vmem>> -> memref<1x112x17xf32, #tpu.memory_space<vmem>>
    %dma_wait3A_1394 = tpu.memref_squeeze %dma_wait3A_1393 : memref<1x112x17xf32, #tpu.memory_space<vmem>> -> memref<112x17xf32, #tpu.memory_space<vmem>>
    tpu.wait_dma2 semaphore(%arg9 : memref<!tpu.dma_semaphore, #tpu.memory_space<semaphore_mem>>) src(%dma_wait3A_1394 : memref<112x17xf32, #tpu.memory_space<vmem>>) dst(%dma_wait3A_1390 : memref<112x17xf32, #tpu.memory_space<hbm>>)
    %dma_wait3A_1395 = arith.constant 2 : i32
    %dma_wait3A_1396 = arith.constant 0 : i32
    %dma_wait3A_1397 = arith.constant 0 : i32
    %dma_wait3A_1398 = tpu.memref_slice %arg7[%dma_wait3A_1395, %dma_wait3A_1396, %dma_wait3A_1397] : memref<3x112x6xf32, #tpu.memory_space<vmem>> -> memref<1x112x6xf32, #tpu.memory_space<vmem>>
    %dma_wait3A_1399 = tpu.memref_squeeze %dma_wait3A_1398 : memref<1x112x6xf32, #tpu.memory_space<vmem>> -> memref<112x6xf32, #tpu.memory_space<vmem>>
    %dma_wait3A_1400 = arith.constant 0 : i32
    %dma_wait3A_1401 = tpu.memref_slice %arg5[%add3A_1247, %dma_wait3A_1400] : memref<100000x6xf32, #tpu.memory_space<hbm>> -> memref<112x6xf32, #tpu.memory_space<hbm>>
    %dma_wait3A_1402 = arith.constant 0 : i32
    %dma_wait3A_1403 = tpu.memref_slice %arg5[%add3A_1247, %dma_wait3A_1402] : memref<100000x6xf32, #tpu.memory_space<hbm>> -> memref<112x6xf32, #tpu.memory_space<hbm>>
    %dma_wait3A_1404 = arith.constant 0 : i32
    %dma_wait3A_1405 = arith.constant 0 : i32
    %dma_wait3A_1406 = tpu.memref_slice %arg7[%dma_wait3A_1395, %dma_wait3A_1404, %dma_wait3A_1405] : memref<3x112x6xf32, #tpu.memory_space<vmem>> -> memref<1x112x6xf32, #tpu.memory_space<vmem>>
    %dma_wait3A_1407 = tpu.memref_squeeze %dma_wait3A_1406 : memref<1x112x6xf32, #tpu.memory_space<vmem>> -> memref<112x6xf32, #tpu.memory_space<vmem>>
    tpu.wait_dma2 semaphore(%arg9 : memref<!tpu.dma_semaphore, #tpu.memory_space<semaphore_mem>>) src(%dma_wait3A_1407 : memref<112x6xf32, #tpu.memory_space<vmem>>) dst(%dma_wait3A_1403 : memref<112x6xf32, #tpu.memory_space<hbm>>)
    %add3A_1408 = arith.constant 1568 : i32
    %add3A_1409 = arith.addi %min3A_3, %add3A_1408 : i32
    %dma_start3A_1410 = arith.constant 2 : i32
    %dma_start3A_1411 = arith.constant 0 : i32
    %dma_start3A_1412 = arith.constant 0 : i32
    %dma_start3A_1413 = tpu.memref_slice %arg6[%dma_start3A_1410, %dma_start3A_1411, %dma_start3A_1412] : memref<3x112x17xf32, #tpu.memory_space<vmem>> -> memref<1x112x17xf32, #tpu.memory_space<vmem>>
    %dma_start3A_1414 = tpu.memref_squeeze %dma_start3A_1413 : memref<1x112x17xf32, #tpu.memory_space<vmem>> -> memref<112x17xf32, #tpu.memory_space<vmem>>
    %dma_start3A_1415 = arith.constant 0 : i32
    %dma_start3A_1416 = tpu.memref_slice %arg2[%add3A_1409, %dma_start3A_1415] : memref<100000x17xf32, #tpu.memory_space<hbm>> -> memref<112x17xf32, #tpu.memory_space<hbm>>
    %dma_start3A_1417 = arith.constant 0 : i32
    %dma_start3A_1418 = arith.constant 0 : i32
    %dma_start3A_1419 = tpu.memref_slice %arg6[%dma_start3A_1410, %dma_start3A_1417, %dma_start3A_1418] : memref<3x112x17xf32, #tpu.memory_space<vmem>> -> memref<1x112x17xf32, #tpu.memory_space<vmem>>
    %dma_start3A_1420 = tpu.memref_squeeze %dma_start3A_1419 : memref<1x112x17xf32, #tpu.memory_space<vmem>> -> memref<112x17xf32, #tpu.memory_space<vmem>>
    %dma_start3A_1421 = arith.constant 0 : i32
    %dma_start3A_1422 = tpu.memref_slice %arg2[%add3A_1409, %dma_start3A_1421] : memref<100000x17xf32, #tpu.memory_space<hbm>> -> memref<112x17xf32, #tpu.memory_space<hbm>>
    tpu.enqueue_dma source(%dma_start3A_1422 : memref<112x17xf32, #tpu.memory_space<hbm>>) target(%dma_start3A_1420 : memref<112x17xf32, #tpu.memory_space<vmem>>) target_semaphore(%arg8 : memref<!tpu.dma_semaphore, #tpu.memory_space<semaphore_mem>>)
    %dma_start3A_1423 = arith.constant 2 : i32
    %dma_start3A_1424 = arith.constant 0 : i32
    %dma_start3A_1425 = arith.constant 0 : i32
    %dma_start3A_1426 = tpu.memref_slice %arg7[%dma_start3A_1423, %dma_start3A_1424, %dma_start3A_1425] : memref<3x112x6xf32, #tpu.memory_space<vmem>> -> memref<1x112x6xf32, #tpu.memory_space<vmem>>
    %dma_start3A_1427 = tpu.memref_squeeze %dma_start3A_1426 : memref<1x112x6xf32, #tpu.memory_space<vmem>> -> memref<112x6xf32, #tpu.memory_space<vmem>>
    %dma_start3A_1428 = arith.constant 0 : i32
    %dma_start3A_1429 = tpu.memref_slice %arg3[%add3A_1409, %dma_start3A_1428] : memref<100000x6xf32, #tpu.memory_space<hbm>> -> memref<112x6xf32, #tpu.memory_space<hbm>>
    %dma_start3A_1430 = arith.constant 0 : i32
    %dma_start3A_1431 = arith.constant 0 : i32
    %dma_start3A_1432 = tpu.memref_slice %arg7[%dma_start3A_1423, %dma_start3A_1430, %dma_start3A_1431] : memref<3x112x6xf32, #tpu.memory_space<vmem>> -> memref<1x112x6xf32, #tpu.memory_space<vmem>>
    %dma_start3A_1433 = tpu.memref_squeeze %dma_start3A_1432 : memref<1x112x6xf32, #tpu.memory_space<vmem>> -> memref<112x6xf32, #tpu.memory_space<vmem>>
    %dma_start3A_1434 = arith.constant 0 : i32
    %dma_start3A_1435 = tpu.memref_slice %arg3[%add3A_1409, %dma_start3A_1434] : memref<100000x6xf32, #tpu.memory_space<hbm>> -> memref<112x6xf32, #tpu.memory_space<hbm>>
    tpu.enqueue_dma source(%dma_start3A_1435 : memref<112x6xf32, #tpu.memory_space<hbm>>) target(%dma_start3A_1433 : memref<112x6xf32, #tpu.memory_space<vmem>>) target_semaphore(%arg8 : memref<!tpu.dma_semaphore, #tpu.memory_space<semaphore_mem>>)
    %dma_wait3A_1436 = arith.constant 1 : i32
    %dma_wait3A_1437 = arith.constant 0 : i32
    %dma_wait3A_1438 = arith.constant 0 : i32
    %dma_wait3A_1439 = tpu.memref_slice %arg6[%dma_wait3A_1436, %dma_wait3A_1437, %dma_wait3A_1438] : memref<3x112x17xf32, #tpu.memory_space<vmem>> -> memref<1x112x17xf32, #tpu.memory_space<vmem>>
    %dma_wait3A_1440 = tpu.memref_squeeze %dma_wait3A_1439 : memref<1x112x17xf32, #tpu.memory_space<vmem>> -> memref<112x17xf32, #tpu.memory_space<vmem>>
    %dma_wait3A_1441 = arith.constant 0 : i32
    %dma_wait3A_1442 = tpu.memref_slice %arg2[%add3A_1301, %dma_wait3A_1441] : memref<100000x17xf32, #tpu.memory_space<hbm>> -> memref<112x17xf32, #tpu.memory_space<hbm>>
    %dma_wait3A_1443 = arith.constant 0 : i32
    %dma_wait3A_1444 = arith.constant 0 : i32
    %dma_wait3A_1445 = tpu.memref_slice %arg6[%dma_wait3A_1436, %dma_wait3A_1443, %dma_wait3A_1444] : memref<3x112x17xf32, #tpu.memory_space<vmem>> -> memref<1x112x17xf32, #tpu.memory_space<vmem>>
    %dma_wait3A_1446 = tpu.memref_squeeze %dma_wait3A_1445 : memref<1x112x17xf32, #tpu.memory_space<vmem>> -> memref<112x17xf32, #tpu.memory_space<vmem>>
    %dma_wait3A_1447 = arith.constant 0 : i32
    %dma_wait3A_1448 = tpu.memref_slice %arg2[%add3A_1301, %dma_wait3A_1447] : memref<100000x17xf32, #tpu.memory_space<hbm>> -> memref<112x17xf32, #tpu.memory_space<hbm>>
    tpu.wait_dma2 semaphore(%arg8 : memref<!tpu.dma_semaphore, #tpu.memory_space<semaphore_mem>>) src(%dma_wait3A_1448 : memref<112x17xf32, #tpu.memory_space<hbm>>) dst(%dma_wait3A_1446 : memref<112x17xf32, #tpu.memory_space<vmem>>)
    %dma_wait3A_1449 = arith.constant 1 : i32
    %dma_wait3A_1450 = arith.constant 0 : i32
    %dma_wait3A_1451 = arith.constant 0 : i32
    %dma_wait3A_1452 = tpu.memref_slice %arg7[%dma_wait3A_1449, %dma_wait3A_1450, %dma_wait3A_1451] : memref<3x112x6xf32, #tpu.memory_space<vmem>> -> memref<1x112x6xf32, #tpu.memory_space<vmem>>
    %dma_wait3A_1453 = tpu.memref_squeeze %dma_wait3A_1452 : memref<1x112x6xf32, #tpu.memory_space<vmem>> -> memref<112x6xf32, #tpu.memory_space<vmem>>
    %dma_wait3A_1454 = arith.constant 0 : i32
    %dma_wait3A_1455 = tpu.memref_slice %arg3[%add3A_1301, %dma_wait3A_1454] : memref<100000x6xf32, #tpu.memory_space<hbm>> -> memref<112x6xf32, #tpu.memory_space<hbm>>
    %dma_wait3A_1456 = arith.constant 0 : i32
    %dma_wait3A_1457 = arith.constant 0 : i32
    %dma_wait3A_1458 = tpu.memref_slice %arg7[%dma_wait3A_1449, %dma_wait3A_1456, %dma_wait3A_1457] : memref<3x112x6xf32, #tpu.memory_space<vmem>> -> memref<1x112x6xf32, #tpu.memory_space<vmem>>
    %dma_wait3A_1459 = tpu.memref_squeeze %dma_wait3A_1458 : memref<1x112x6xf32, #tpu.memory_space<vmem>> -> memref<112x6xf32, #tpu.memory_space<vmem>>
    %dma_wait3A_1460 = arith.constant 0 : i32
    %dma_wait3A_1461 = tpu.memref_slice %arg3[%add3A_1301, %dma_wait3A_1460] : memref<100000x6xf32, #tpu.memory_space<hbm>> -> memref<112x6xf32, #tpu.memory_space<hbm>>
    tpu.wait_dma2 semaphore(%arg8 : memref<!tpu.dma_semaphore, #tpu.memory_space<semaphore_mem>>) src(%dma_wait3A_1461 : memref<112x6xf32, #tpu.memory_space<hbm>>) dst(%dma_wait3A_1459 : memref<112x6xf32, #tpu.memory_space<vmem>>)
    %add3A_1462 = arith.constant 1456 : i32
    %add3A_1463 = arith.addi %min3A_3, %add3A_1462 : i32
    %dma_start3A_1464 = arith.constant 1 : i32
    %dma_start3A_1465 = arith.constant 0 : i32
    %dma_start3A_1466 = arith.constant 0 : i32
    %dma_start3A_1467 = tpu.memref_slice %arg6[%dma_start3A_1464, %dma_start3A_1465, %dma_start3A_1466] : memref<3x112x17xf32, #tpu.memory_space<vmem>> -> memref<1x112x17xf32, #tpu.memory_space<vmem>>
    %dma_start3A_1468 = tpu.memref_squeeze %dma_start3A_1467 : memref<1x112x17xf32, #tpu.memory_space<vmem>> -> memref<112x17xf32, #tpu.memory_space<vmem>>
    %dma_start3A_1469 = arith.constant 0 : i32
    %dma_start3A_1470 = tpu.memref_slice %arg4[%add3A_1463, %dma_start3A_1469] : memref<100000x17xf32, #tpu.memory_space<hbm>> -> memref<112x17xf32, #tpu.memory_space<hbm>>
    %dma_start3A_1471 = arith.constant 0 : i32
    %dma_start3A_1472 = tpu.memref_slice %arg4[%add3A_1463, %dma_start3A_1471] : memref<100000x17xf32, #tpu.memory_space<hbm>> -> memref<112x17xf32, #tpu.memory_space<hbm>>
    %dma_start3A_1473 = arith.constant 0 : i32
    %dma_start3A_1474 = arith.constant 0 : i32
    %dma_start3A_1475 = tpu.memref_slice %arg6[%dma_start3A_1464, %dma_start3A_1473, %dma_start3A_1474] : memref<3x112x17xf32, #tpu.memory_space<vmem>> -> memref<1x112x17xf32, #tpu.memory_space<vmem>>
    %dma_start3A_1476 = tpu.memref_squeeze %dma_start3A_1475 : memref<1x112x17xf32, #tpu.memory_space<vmem>> -> memref<112x17xf32, #tpu.memory_space<vmem>>
    tpu.enqueue_dma source(%dma_start3A_1476 : memref<112x17xf32, #tpu.memory_space<vmem>>) target(%dma_start3A_1472 : memref<112x17xf32, #tpu.memory_space<hbm>>) target_semaphore(%arg9 : memref<!tpu.dma_semaphore, #tpu.memory_space<semaphore_mem>>)
    %dma_start3A_1477 = arith.constant 1 : i32
    %dma_start3A_1478 = arith.constant 0 : i32
    %dma_start3A_1479 = arith.constant 0 : i32
    %dma_start3A_1480 = tpu.memref_slice %arg7[%dma_start3A_1477, %dma_start3A_1478, %dma_start3A_1479] : memref<3x112x6xf32, #tpu.memory_space<vmem>> -> memref<1x112x6xf32, #tpu.memory_space<vmem>>
    %dma_start3A_1481 = tpu.memref_squeeze %dma_start3A_1480 : memref<1x112x6xf32, #tpu.memory_space<vmem>> -> memref<112x6xf32, #tpu.memory_space<vmem>>
    %dma_start3A_1482 = arith.constant 0 : i32
    %dma_start3A_1483 = tpu.memref_slice %arg5[%add3A_1463, %dma_start3A_1482] : memref<100000x6xf32, #tpu.memory_space<hbm>> -> memref<112x6xf32, #tpu.memory_space<hbm>>
    %dma_start3A_1484 = arith.constant 0 : i32
    %dma_start3A_1485 = tpu.memref_slice %arg5[%add3A_1463, %dma_start3A_1484] : memref<100000x6xf32, #tpu.memory_space<hbm>> -> memref<112x6xf32, #tpu.memory_space<hbm>>
    %dma_start3A_1486 = arith.constant 0 : i32
    %dma_start3A_1487 = arith.constant 0 : i32
    %dma_start3A_1488 = tpu.memref_slice %arg7[%dma_start3A_1477, %dma_start3A_1486, %dma_start3A_1487] : memref<3x112x6xf32, #tpu.memory_space<vmem>> -> memref<1x112x6xf32, #tpu.memory_space<vmem>>
    %dma_start3A_1489 = tpu.memref_squeeze %dma_start3A_1488 : memref<1x112x6xf32, #tpu.memory_space<vmem>> -> memref<112x6xf32, #tpu.memory_space<vmem>>
    tpu.enqueue_dma source(%dma_start3A_1489 : memref<112x6xf32, #tpu.memory_space<vmem>>) target(%dma_start3A_1485 : memref<112x6xf32, #tpu.memory_space<hbm>>) target_semaphore(%arg9 : memref<!tpu.dma_semaphore, #tpu.memory_space<semaphore_mem>>)
    %dma_wait3A_1490 = arith.constant 0 : i32
    %dma_wait3A_1491 = arith.constant 0 : i32
    %dma_wait3A_1492 = arith.constant 0 : i32
    %dma_wait3A_1493 = tpu.memref_slice %arg6[%dma_wait3A_1490, %dma_wait3A_1491, %dma_wait3A_1492] : memref<3x112x17xf32, #tpu.memory_space<vmem>> -> memref<1x112x17xf32, #tpu.memory_space<vmem>>
    %dma_wait3A_1494 = tpu.memref_squeeze %dma_wait3A_1493 : memref<1x112x17xf32, #tpu.memory_space<vmem>> -> memref<112x17xf32, #tpu.memory_space<vmem>>
    %dma_wait3A_1495 = arith.constant 0 : i32
    %dma_wait3A_1496 = tpu.memref_slice %arg4[%add3A_1355, %dma_wait3A_1495] : memref<100000x17xf32, #tpu.memory_space<hbm>> -> memref<112x17xf32, #tpu.memory_space<hbm>>
    %dma_wait3A_1497 = arith.constant 0 : i32
    %dma_wait3A_1498 = tpu.memref_slice %arg4[%add3A_1355, %dma_wait3A_1497] : memref<100000x17xf32, #tpu.memory_space<hbm>> -> memref<112x17xf32, #tpu.memory_space<hbm>>
    %dma_wait3A_1499 = arith.constant 0 : i32
    %dma_wait3A_1500 = arith.constant 0 : i32
    %dma_wait3A_1501 = tpu.memref_slice %arg6[%dma_wait3A_1490, %dma_wait3A_1499, %dma_wait3A_1500] : memref<3x112x17xf32, #tpu.memory_space<vmem>> -> memref<1x112x17xf32, #tpu.memory_space<vmem>>
    %dma_wait3A_1502 = tpu.memref_squeeze %dma_wait3A_1501 : memref<1x112x17xf32, #tpu.memory_space<vmem>> -> memref<112x17xf32, #tpu.memory_space<vmem>>
    tpu.wait_dma2 semaphore(%arg9 : memref<!tpu.dma_semaphore, #tpu.memory_space<semaphore_mem>>) src(%dma_wait3A_1502 : memref<112x17xf32, #tpu.memory_space<vmem>>) dst(%dma_wait3A_1498 : memref<112x17xf32, #tpu.memory_space<hbm>>)
    %dma_wait3A_1503 = arith.constant 0 : i32
    %dma_wait3A_1504 = arith.constant 0 : i32
    %dma_wait3A_1505 = arith.constant 0 : i32
    %dma_wait3A_1506 = tpu.memref_slice %arg7[%dma_wait3A_1503, %dma_wait3A_1504, %dma_wait3A_1505] : memref<3x112x6xf32, #tpu.memory_space<vmem>> -> memref<1x112x6xf32, #tpu.memory_space<vmem>>
    %dma_wait3A_1507 = tpu.memref_squeeze %dma_wait3A_1506 : memref<1x112x6xf32, #tpu.memory_space<vmem>> -> memref<112x6xf32, #tpu.memory_space<vmem>>
    %dma_wait3A_1508 = arith.constant 0 : i32
    %dma_wait3A_1509 = tpu.memref_slice %arg5[%add3A_1355, %dma_wait3A_1508] : memref<100000x6xf32, #tpu.memory_space<hbm>> -> memref<112x6xf32, #tpu.memory_space<hbm>>
    %dma_wait3A_1510 = arith.constant 0 : i32
    %dma_wait3A_1511 = tpu.memref_slice %arg5[%add3A_1355, %dma_wait3A_1510] : memref<100000x6xf32, #tpu.memory_space<hbm>> -> memref<112x6xf32, #tpu.memory_space<hbm>>
    %dma_wait3A_1512 = arith.constant 0 : i32
    %dma_wait3A_1513 = arith.constant 0 : i32
    %dma_wait3A_1514 = tpu.memref_slice %arg7[%dma_wait3A_1503, %dma_wait3A_1512, %dma_wait3A_1513] : memref<3x112x6xf32, #tpu.memory_space<vmem>> -> memref<1x112x6xf32, #tpu.memory_space<vmem>>
    %dma_wait3A_1515 = tpu.memref_squeeze %dma_wait3A_1514 : memref<1x112x6xf32, #tpu.memory_space<vmem>> -> memref<112x6xf32, #tpu.memory_space<vmem>>
    tpu.wait_dma2 semaphore(%arg9 : memref<!tpu.dma_semaphore, #tpu.memory_space<semaphore_mem>>) src(%dma_wait3A_1515 : memref<112x6xf32, #tpu.memory_space<vmem>>) dst(%dma_wait3A_1511 : memref<112x6xf32, #tpu.memory_space<hbm>>)
    %add3A_1516 = arith.constant 1680 : i32
    %add3A_1517 = arith.addi %min3A_3, %add3A_1516 : i32
    %dma_start3A_1518 = arith.constant 0 : i32
    %dma_start3A_1519 = arith.constant 0 : i32
    %dma_start3A_1520 = arith.constant 0 : i32
    %dma_start3A_1521 = tpu.memref_slice %arg6[%dma_start3A_1518, %dma_start3A_1519, %dma_start3A_1520] : memref<3x112x17xf32, #tpu.memory_space<vmem>> -> memref<1x112x17xf32, #tpu.memory_space<vmem>>
    %dma_start3A_1522 = tpu.memref_squeeze %dma_start3A_1521 : memref<1x112x17xf32, #tpu.memory_space<vmem>> -> memref<112x17xf32, #tpu.memory_space<vmem>>
    %dma_start3A_1523 = arith.constant 0 : i32
    %dma_start3A_1524 = tpu.memref_slice %arg2[%add3A_1517, %dma_start3A_1523] : memref<100000x17xf32, #tpu.memory_space<hbm>> -> memref<112x17xf32, #tpu.memory_space<hbm>>
    %dma_start3A_1525 = arith.constant 0 : i32
    %dma_start3A_1526 = arith.constant 0 : i32
    %dma_start3A_1527 = tpu.memref_slice %arg6[%dma_start3A_1518, %dma_start3A_1525, %dma_start3A_1526] : memref<3x112x17xf32, #tpu.memory_space<vmem>> -> memref<1x112x17xf32, #tpu.memory_space<vmem>>
    %dma_start3A_1528 = tpu.memref_squeeze %dma_start3A_1527 : memref<1x112x17xf32, #tpu.memory_space<vmem>> -> memref<112x17xf32, #tpu.memory_space<vmem>>
    %dma_start3A_1529 = arith.constant 0 : i32
    %dma_start3A_1530 = tpu.memref_slice %arg2[%add3A_1517, %dma_start3A_1529] : memref<100000x17xf32, #tpu.memory_space<hbm>> -> memref<112x17xf32, #tpu.memory_space<hbm>>
    tpu.enqueue_dma source(%dma_start3A_1530 : memref<112x17xf32, #tpu.memory_space<hbm>>) target(%dma_start3A_1528 : memref<112x17xf32, #tpu.memory_space<vmem>>) target_semaphore(%arg8 : memref<!tpu.dma_semaphore, #tpu.memory_space<semaphore_mem>>)
    %dma_start3A_1531 = arith.constant 0 : i32
    %dma_start3A_1532 = arith.constant 0 : i32
    %dma_start3A_1533 = arith.constant 0 : i32
    %dma_start3A_1534 = tpu.memref_slice %arg7[%dma_start3A_1531, %dma_start3A_1532, %dma_start3A_1533] : memref<3x112x6xf32, #tpu.memory_space<vmem>> -> memref<1x112x6xf32, #tpu.memory_space<vmem>>
    %dma_start3A_1535 = tpu.memref_squeeze %dma_start3A_1534 : memref<1x112x6xf32, #tpu.memory_space<vmem>> -> memref<112x6xf32, #tpu.memory_space<vmem>>
    %dma_start3A_1536 = arith.constant 0 : i32
    %dma_start3A_1537 = tpu.memref_slice %arg3[%add3A_1517, %dma_start3A_1536] : memref<100000x6xf32, #tpu.memory_space<hbm>> -> memref<112x6xf32, #tpu.memory_space<hbm>>
    %dma_start3A_1538 = arith.constant 0 : i32
    %dma_start3A_1539 = arith.constant 0 : i32
    %dma_start3A_1540 = tpu.memref_slice %arg7[%dma_start3A_1531, %dma_start3A_1538, %dma_start3A_1539] : memref<3x112x6xf32, #tpu.memory_space<vmem>> -> memref<1x112x6xf32, #tpu.memory_space<vmem>>
    %dma_start3A_1541 = tpu.memref_squeeze %dma_start3A_1540 : memref<1x112x6xf32, #tpu.memory_space<vmem>> -> memref<112x6xf32, #tpu.memory_space<vmem>>
    %dma_start3A_1542 = arith.constant 0 : i32
    %dma_start3A_1543 = tpu.memref_slice %arg3[%add3A_1517, %dma_start3A_1542] : memref<100000x6xf32, #tpu.memory_space<hbm>> -> memref<112x6xf32, #tpu.memory_space<hbm>>
    tpu.enqueue_dma source(%dma_start3A_1543 : memref<112x6xf32, #tpu.memory_space<hbm>>) target(%dma_start3A_1541 : memref<112x6xf32, #tpu.memory_space<vmem>>) target_semaphore(%arg8 : memref<!tpu.dma_semaphore, #tpu.memory_space<semaphore_mem>>)
    %dma_wait3A_1544 = arith.constant 2 : i32
    %dma_wait3A_1545 = arith.constant 0 : i32
    %dma_wait3A_1546 = arith.constant 0 : i32
    %dma_wait3A_1547 = tpu.memref_slice %arg6[%dma_wait3A_1544, %dma_wait3A_1545, %dma_wait3A_1546] : memref<3x112x17xf32, #tpu.memory_space<vmem>> -> memref<1x112x17xf32, #tpu.memory_space<vmem>>
    %dma_wait3A_1548 = tpu.memref_squeeze %dma_wait3A_1547 : memref<1x112x17xf32, #tpu.memory_space<vmem>> -> memref<112x17xf32, #tpu.memory_space<vmem>>
    %dma_wait3A_1549 = arith.constant 0 : i32
    %dma_wait3A_1550 = tpu.memref_slice %arg2[%add3A_1409, %dma_wait3A_1549] : memref<100000x17xf32, #tpu.memory_space<hbm>> -> memref<112x17xf32, #tpu.memory_space<hbm>>
    %dma_wait3A_1551 = arith.constant 0 : i32
    %dma_wait3A_1552 = arith.constant 0 : i32
    %dma_wait3A_1553 = tpu.memref_slice %arg6[%dma_wait3A_1544, %dma_wait3A_1551, %dma_wait3A_1552] : memref<3x112x17xf32, #tpu.memory_space<vmem>> -> memref<1x112x17xf32, #tpu.memory_space<vmem>>
    %dma_wait3A_1554 = tpu.memref_squeeze %dma_wait3A_1553 : memref<1x112x17xf32, #tpu.memory_space<vmem>> -> memref<112x17xf32, #tpu.memory_space<vmem>>
    %dma_wait3A_1555 = arith.constant 0 : i32
    %dma_wait3A_1556 = tpu.memref_slice %arg2[%add3A_1409, %dma_wait3A_1555] : memref<100000x17xf32, #tpu.memory_space<hbm>> -> memref<112x17xf32, #tpu.memory_space<hbm>>
    tpu.wait_dma2 semaphore(%arg8 : memref<!tpu.dma_semaphore, #tpu.memory_space<semaphore_mem>>) src(%dma_wait3A_1556 : memref<112x17xf32, #tpu.memory_space<hbm>>) dst(%dma_wait3A_1554 : memref<112x17xf32, #tpu.memory_space<vmem>>)
    %dma_wait3A_1557 = arith.constant 2 : i32
    %dma_wait3A_1558 = arith.constant 0 : i32
    %dma_wait3A_1559 = arith.constant 0 : i32
    %dma_wait3A_1560 = tpu.memref_slice %arg7[%dma_wait3A_1557, %dma_wait3A_1558, %dma_wait3A_1559] : memref<3x112x6xf32, #tpu.memory_space<vmem>> -> memref<1x112x6xf32, #tpu.memory_space<vmem>>
    %dma_wait3A_1561 = tpu.memref_squeeze %dma_wait3A_1560 : memref<1x112x6xf32, #tpu.memory_space<vmem>> -> memref<112x6xf32, #tpu.memory_space<vmem>>
    %dma_wait3A_1562 = arith.constant 0 : i32
    %dma_wait3A_1563 = tpu.memref_slice %arg3[%add3A_1409, %dma_wait3A_1562] : memref<100000x6xf32, #tpu.memory_space<hbm>> -> memref<112x6xf32, #tpu.memory_space<hbm>>
    %dma_wait3A_1564 = arith.constant 0 : i32
    %dma_wait3A_1565 = arith.constant 0 : i32
    %dma_wait3A_1566 = tpu.memref_slice %arg7[%dma_wait3A_1557, %dma_wait3A_1564, %dma_wait3A_1565] : memref<3x112x6xf32, #tpu.memory_space<vmem>> -> memref<1x112x6xf32, #tpu.memory_space<vmem>>
    %dma_wait3A_1567 = tpu.memref_squeeze %dma_wait3A_1566 : memref<1x112x6xf32, #tpu.memory_space<vmem>> -> memref<112x6xf32, #tpu.memory_space<vmem>>
    %dma_wait3A_1568 = arith.constant 0 : i32
    %dma_wait3A_1569 = tpu.memref_slice %arg3[%add3A_1409, %dma_wait3A_1568] : memref<100000x6xf32, #tpu.memory_space<hbm>> -> memref<112x6xf32, #tpu.memory_space<hbm>>
    tpu.wait_dma2 semaphore(%arg8 : memref<!tpu.dma_semaphore, #tpu.memory_space<semaphore_mem>>) src(%dma_wait3A_1569 : memref<112x6xf32, #tpu.memory_space<hbm>>) dst(%dma_wait3A_1567 : memref<112x6xf32, #tpu.memory_space<vmem>>)
    %add3A_1570 = arith.constant 1568 : i32
    %add3A_1571 = arith.addi %min3A_3, %add3A_1570 : i32
    %dma_start3A_1572 = arith.constant 2 : i32
    %dma_start3A_1573 = arith.constant 0 : i32
    %dma_start3A_1574 = arith.constant 0 : i32
    %dma_start3A_1575 = tpu.memref_slice %arg6[%dma_start3A_1572, %dma_start3A_1573, %dma_start3A_1574] : memref<3x112x17xf32, #tpu.memory_space<vmem>> -> memref<1x112x17xf32, #tpu.memory_space<vmem>>
    %dma_start3A_1576 = tpu.memref_squeeze %dma_start3A_1575 : memref<1x112x17xf32, #tpu.memory_space<vmem>> -> memref<112x17xf32, #tpu.memory_space<vmem>>
    %dma_start3A_1577 = arith.constant 0 : i32
    %dma_start3A_1578 = tpu.memref_slice %arg4[%add3A_1571, %dma_start3A_1577] : memref<100000x17xf32, #tpu.memory_space<hbm>> -> memref<112x17xf32, #tpu.memory_space<hbm>>
    %dma_start3A_1579 = arith.constant 0 : i32
    %dma_start3A_1580 = tpu.memref_slice %arg4[%add3A_1571, %dma_start3A_1579] : memref<100000x17xf32, #tpu.memory_space<hbm>> -> memref<112x17xf32, #tpu.memory_space<hbm>>
    %dma_start3A_1581 = arith.constant 0 : i32
    %dma_start3A_1582 = arith.constant 0 : i32
    %dma_start3A_1583 = tpu.memref_slice %arg6[%dma_start3A_1572, %dma_start3A_1581, %dma_start3A_1582] : memref<3x112x17xf32, #tpu.memory_space<vmem>> -> memref<1x112x17xf32, #tpu.memory_space<vmem>>
    %dma_start3A_1584 = tpu.memref_squeeze %dma_start3A_1583 : memref<1x112x17xf32, #tpu.memory_space<vmem>> -> memref<112x17xf32, #tpu.memory_space<vmem>>
    tpu.enqueue_dma source(%dma_start3A_1584 : memref<112x17xf32, #tpu.memory_space<vmem>>) target(%dma_start3A_1580 : memref<112x17xf32, #tpu.memory_space<hbm>>) target_semaphore(%arg9 : memref<!tpu.dma_semaphore, #tpu.memory_space<semaphore_mem>>)
    %dma_start3A_1585 = arith.constant 2 : i32
    %dma_start3A_1586 = arith.constant 0 : i32
    %dma_start3A_1587 = arith.constant 0 : i32
    %dma_start3A_1588 = tpu.memref_slice %arg7[%dma_start3A_1585, %dma_start3A_1586, %dma_start3A_1587] : memref<3x112x6xf32, #tpu.memory_space<vmem>> -> memref<1x112x6xf32, #tpu.memory_space<vmem>>
    %dma_start3A_1589 = tpu.memref_squeeze %dma_start3A_1588 : memref<1x112x6xf32, #tpu.memory_space<vmem>> -> memref<112x6xf32, #tpu.memory_space<vmem>>
    %dma_start3A_1590 = arith.constant 0 : i32
    %dma_start3A_1591 = tpu.memref_slice %arg5[%add3A_1571, %dma_start3A_1590] : memref<100000x6xf32, #tpu.memory_space<hbm>> -> memref<112x6xf32, #tpu.memory_space<hbm>>
    %dma_start3A_1592 = arith.constant 0 : i32
    %dma_start3A_1593 = tpu.memref_slice %arg5[%add3A_1571, %dma_start3A_1592] : memref<100000x6xf32, #tpu.memory_space<hbm>> -> memref<112x6xf32, #tpu.memory_space<hbm>>
    %dma_start3A_1594 = arith.constant 0 : i32
    %dma_start3A_1595 = arith.constant 0 : i32
    %dma_start3A_1596 = tpu.memref_slice %arg7[%dma_start3A_1585, %dma_start3A_1594, %dma_start3A_1595] : memref<3x112x6xf32, #tpu.memory_space<vmem>> -> memref<1x112x6xf32, #tpu.memory_space<vmem>>
    %dma_start3A_1597 = tpu.memref_squeeze %dma_start3A_1596 : memref<1x112x6xf32, #tpu.memory_space<vmem>> -> memref<112x6xf32, #tpu.memory_space<vmem>>
    tpu.enqueue_dma source(%dma_start3A_1597 : memref<112x6xf32, #tpu.memory_space<vmem>>) target(%dma_start3A_1593 : memref<112x6xf32, #tpu.memory_space<hbm>>) target_semaphore(%arg9 : memref<!tpu.dma_semaphore, #tpu.memory_space<semaphore_mem>>)
    %dma_wait3A_1598 = arith.constant 1 : i32
    %dma_wait3A_1599 = arith.constant 0 : i32
    %dma_wait3A_1600 = arith.constant 0 : i32
    %dma_wait3A_1601 = tpu.memref_slice %arg6[%dma_wait3A_1598, %dma_wait3A_1599, %dma_wait3A_1600] : memref<3x112x17xf32, #tpu.memory_space<vmem>> -> memref<1x112x17xf32, #tpu.memory_space<vmem>>
    %dma_wait3A_1602 = tpu.memref_squeeze %dma_wait3A_1601 : memref<1x112x17xf32, #tpu.memory_space<vmem>> -> memref<112x17xf32, #tpu.memory_space<vmem>>
    %dma_wait3A_1603 = arith.constant 0 : i32
    %dma_wait3A_1604 = tpu.memref_slice %arg4[%add3A_1463, %dma_wait3A_1603] : memref<100000x17xf32, #tpu.memory_space<hbm>> -> memref<112x17xf32, #tpu.memory_space<hbm>>
    %dma_wait3A_1605 = arith.constant 0 : i32
    %dma_wait3A_1606 = tpu.memref_slice %arg4[%add3A_1463, %dma_wait3A_1605] : memref<100000x17xf32, #tpu.memory_space<hbm>> -> memref<112x17xf32, #tpu.memory_space<hbm>>
    %dma_wait3A_1607 = arith.constant 0 : i32
    %dma_wait3A_1608 = arith.constant 0 : i32
    %dma_wait3A_1609 = tpu.memref_slice %arg6[%dma_wait3A_1598, %dma_wait3A_1607, %dma_wait3A_1608] : memref<3x112x17xf32, #tpu.memory_space<vmem>> -> memref<1x112x17xf32, #tpu.memory_space<vmem>>
    %dma_wait3A_1610 = tpu.memref_squeeze %dma_wait3A_1609 : memref<1x112x17xf32, #tpu.memory_space<vmem>> -> memref<112x17xf32, #tpu.memory_space<vmem>>
    tpu.wait_dma2 semaphore(%arg9 : memref<!tpu.dma_semaphore, #tpu.memory_space<semaphore_mem>>) src(%dma_wait3A_1610 : memref<112x17xf32, #tpu.memory_space<vmem>>) dst(%dma_wait3A_1606 : memref<112x17xf32, #tpu.memory_space<hbm>>)
    %dma_wait3A_1611 = arith.constant 1 : i32
    %dma_wait3A_1612 = arith.constant 0 : i32
    %dma_wait3A_1613 = arith.constant 0 : i32
    %dma_wait3A_1614 = tpu.memref_slice %arg7[%dma_wait3A_1611, %dma_wait3A_1612, %dma_wait3A_1613] : memref<3x112x6xf32, #tpu.memory_space<vmem>> -> memref<1x112x6xf32, #tpu.memory_space<vmem>>
    %dma_wait3A_1615 = tpu.memref_squeeze %dma_wait3A_1614 : memref<1x112x6xf32, #tpu.memory_space<vmem>> -> memref<112x6xf32, #tpu.memory_space<vmem>>
    %dma_wait3A_1616 = arith.constant 0 : i32
    %dma_wait3A_1617 = tpu.memref_slice %arg5[%add3A_1463, %dma_wait3A_1616] : memref<100000x6xf32, #tpu.memory_space<hbm>> -> memref<112x6xf32, #tpu.memory_space<hbm>>
    %dma_wait3A_1618 = arith.constant 0 : i32
    %dma_wait3A_1619 = tpu.memref_slice %arg5[%add3A_1463, %dma_wait3A_1618] : memref<100000x6xf32, #tpu.memory_space<hbm>> -> memref<112x6xf32, #tpu.memory_space<hbm>>
    %dma_wait3A_1620 = arith.constant 0 : i32
    %dma_wait3A_1621 = arith.constant 0 : i32
    %dma_wait3A_1622 = tpu.memref_slice %arg7[%dma_wait3A_1611, %dma_wait3A_1620, %dma_wait3A_1621] : memref<3x112x6xf32, #tpu.memory_space<vmem>> -> memref<1x112x6xf32, #tpu.memory_space<vmem>>
    %dma_wait3A_1623 = tpu.memref_squeeze %dma_wait3A_1622 : memref<1x112x6xf32, #tpu.memory_space<vmem>> -> memref<112x6xf32, #tpu.memory_space<vmem>>
    tpu.wait_dma2 semaphore(%arg9 : memref<!tpu.dma_semaphore, #tpu.memory_space<semaphore_mem>>) src(%dma_wait3A_1623 : memref<112x6xf32, #tpu.memory_space<vmem>>) dst(%dma_wait3A_1619 : memref<112x6xf32, #tpu.memory_space<hbm>>)
    %add3A_1624 = arith.constant 1792 : i32
    %add3A_1625 = arith.addi %min3A_3, %add3A_1624 : i32
    %dma_start3A_1626 = arith.constant 1 : i32
    %dma_start3A_1627 = arith.constant 0 : i32
    %dma_start3A_1628 = arith.constant 0 : i32
    %dma_start3A_1629 = tpu.memref_slice %arg6[%dma_start3A_1626, %dma_start3A_1627, %dma_start3A_1628] : memref<3x112x17xf32, #tpu.memory_space<vmem>> -> memref<1x112x17xf32, #tpu.memory_space<vmem>>
    %dma_start3A_1630 = tpu.memref_squeeze %dma_start3A_1629 : memref<1x112x17xf32, #tpu.memory_space<vmem>> -> memref<112x17xf32, #tpu.memory_space<vmem>>
    %dma_start3A_1631 = arith.constant 0 : i32
    %dma_start3A_1632 = tpu.memref_slice %arg2[%add3A_1625, %dma_start3A_1631] : memref<100000x17xf32, #tpu.memory_space<hbm>> -> memref<112x17xf32, #tpu.memory_space<hbm>>
    %dma_start3A_1633 = arith.constant 0 : i32
    %dma_start3A_1634 = arith.constant 0 : i32
    %dma_start3A_1635 = tpu.memref_slice %arg6[%dma_start3A_1626, %dma_start3A_1633, %dma_start3A_1634] : memref<3x112x17xf32, #tpu.memory_space<vmem>> -> memref<1x112x17xf32, #tpu.memory_space<vmem>>
    %dma_start3A_1636 = tpu.memref_squeeze %dma_start3A_1635 : memref<1x112x17xf32, #tpu.memory_space<vmem>> -> memref<112x17xf32, #tpu.memory_space<vmem>>
    %dma_start3A_1637 = arith.constant 0 : i32
    %dma_start3A_1638 = tpu.memref_slice %arg2[%add3A_1625, %dma_start3A_1637] : memref<100000x17xf32, #tpu.memory_space<hbm>> -> memref<112x17xf32, #tpu.memory_space<hbm>>
    tpu.enqueue_dma source(%dma_start3A_1638 : memref<112x17xf32, #tpu.memory_space<hbm>>) target(%dma_start3A_1636 : memref<112x17xf32, #tpu.memory_space<vmem>>) target_semaphore(%arg8 : memref<!tpu.dma_semaphore, #tpu.memory_space<semaphore_mem>>)
    %dma_start3A_1639 = arith.constant 1 : i32
    %dma_start3A_1640 = arith.constant 0 : i32
    %dma_start3A_1641 = arith.constant 0 : i32
    %dma_start3A_1642 = tpu.memref_slice %arg7[%dma_start3A_1639, %dma_start3A_1640, %dma_start3A_1641] : memref<3x112x6xf32, #tpu.memory_space<vmem>> -> memref<1x112x6xf32, #tpu.memory_space<vmem>>
    %dma_start3A_1643 = tpu.memref_squeeze %dma_start3A_1642 : memref<1x112x6xf32, #tpu.memory_space<vmem>> -> memref<112x6xf32, #tpu.memory_space<vmem>>
    %dma_start3A_1644 = arith.constant 0 : i32
    %dma_start3A_1645 = tpu.memref_slice %arg3[%add3A_1625, %dma_start3A_1644] : memref<100000x6xf32, #tpu.memory_space<hbm>> -> memref<112x6xf32, #tpu.memory_space<hbm>>
    %dma_start3A_1646 = arith.constant 0 : i32
    %dma_start3A_1647 = arith.constant 0 : i32
    %dma_start3A_1648 = tpu.memref_slice %arg7[%dma_start3A_1639, %dma_start3A_1646, %dma_start3A_1647] : memref<3x112x6xf32, #tpu.memory_space<vmem>> -> memref<1x112x6xf32, #tpu.memory_space<vmem>>
    %dma_start3A_1649 = tpu.memref_squeeze %dma_start3A_1648 : memref<1x112x6xf32, #tpu.memory_space<vmem>> -> memref<112x6xf32, #tpu.memory_space<vmem>>
    %dma_start3A_1650 = arith.constant 0 : i32
    %dma_start3A_1651 = tpu.memref_slice %arg3[%add3A_1625, %dma_start3A_1650] : memref<100000x6xf32, #tpu.memory_space<hbm>> -> memref<112x6xf32, #tpu.memory_space<hbm>>
    tpu.enqueue_dma source(%dma_start3A_1651 : memref<112x6xf32, #tpu.memory_space<hbm>>) target(%dma_start3A_1649 : memref<112x6xf32, #tpu.memory_space<vmem>>) target_semaphore(%arg8 : memref<!tpu.dma_semaphore, #tpu.memory_space<semaphore_mem>>)
    %dma_wait3A_1652 = arith.constant 0 : i32
    %dma_wait3A_1653 = arith.constant 0 : i32
    %dma_wait3A_1654 = arith.constant 0 : i32
    %dma_wait3A_1655 = tpu.memref_slice %arg6[%dma_wait3A_1652, %dma_wait3A_1653, %dma_wait3A_1654] : memref<3x112x17xf32, #tpu.memory_space<vmem>> -> memref<1x112x17xf32, #tpu.memory_space<vmem>>
    %dma_wait3A_1656 = tpu.memref_squeeze %dma_wait3A_1655 : memref<1x112x17xf32, #tpu.memory_space<vmem>> -> memref<112x17xf32, #tpu.memory_space<vmem>>
    %dma_wait3A_1657 = arith.constant 0 : i32
    %dma_wait3A_1658 = tpu.memref_slice %arg2[%add3A_1517, %dma_wait3A_1657] : memref<100000x17xf32, #tpu.memory_space<hbm>> -> memref<112x17xf32, #tpu.memory_space<hbm>>
    %dma_wait3A_1659 = arith.constant 0 : i32
    %dma_wait3A_1660 = arith.constant 0 : i32
    %dma_wait3A_1661 = tpu.memref_slice %arg6[%dma_wait3A_1652, %dma_wait3A_1659, %dma_wait3A_1660] : memref<3x112x17xf32, #tpu.memory_space<vmem>> -> memref<1x112x17xf32, #tpu.memory_space<vmem>>
    %dma_wait3A_1662 = tpu.memref_squeeze %dma_wait3A_1661 : memref<1x112x17xf32, #tpu.memory_space<vmem>> -> memref<112x17xf32, #tpu.memory_space<vmem>>
    %dma_wait3A_1663 = arith.constant 0 : i32
    %dma_wait3A_1664 = tpu.memref_slice %arg2[%add3A_1517, %dma_wait3A_1663] : memref<100000x17xf32, #tpu.memory_space<hbm>> -> memref<112x17xf32, #tpu.memory_space<hbm>>
    tpu.wait_dma2 semaphore(%arg8 : memref<!tpu.dma_semaphore, #tpu.memory_space<semaphore_mem>>) src(%dma_wait3A_1664 : memref<112x17xf32, #tpu.memory_space<hbm>>) dst(%dma_wait3A_1662 : memref<112x17xf32, #tpu.memory_space<vmem>>)
    %dma_wait3A_1665 = arith.constant 0 : i32
    %dma_wait3A_1666 = arith.constant 0 : i32
    %dma_wait3A_1667 = arith.constant 0 : i32
    %dma_wait3A_1668 = tpu.memref_slice %arg7[%dma_wait3A_1665, %dma_wait3A_1666, %dma_wait3A_1667] : memref<3x112x6xf32, #tpu.memory_space<vmem>> -> memref<1x112x6xf32, #tpu.memory_space<vmem>>
    %dma_wait3A_1669 = tpu.memref_squeeze %dma_wait3A_1668 : memref<1x112x6xf32, #tpu.memory_space<vmem>> -> memref<112x6xf32, #tpu.memory_space<vmem>>
    %dma_wait3A_1670 = arith.constant 0 : i32
    %dma_wait3A_1671 = tpu.memref_slice %arg3[%add3A_1517, %dma_wait3A_1670] : memref<100000x6xf32, #tpu.memory_space<hbm>> -> memref<112x6xf32, #tpu.memory_space<hbm>>
    %dma_wait3A_1672 = arith.constant 0 : i32
    %dma_wait3A_1673 = arith.constant 0 : i32
    %dma_wait3A_1674 = tpu.memref_slice %arg7[%dma_wait3A_1665, %dma_wait3A_1672, %dma_wait3A_1673] : memref<3x112x6xf32, #tpu.memory_space<vmem>> -> memref<1x112x6xf32, #tpu.memory_space<vmem>>
    %dma_wait3A_1675 = tpu.memref_squeeze %dma_wait3A_1674 : memref<1x112x6xf32, #tpu.memory_space<vmem>> -> memref<112x6xf32, #tpu.memory_space<vmem>>
    %dma_wait3A_1676 = arith.constant 0 : i32
    %dma_wait3A_1677 = tpu.memref_slice %arg3[%add3A_1517, %dma_wait3A_1676] : memref<100000x6xf32, #tpu.memory_space<hbm>> -> memref<112x6xf32, #tpu.memory_space<hbm>>
    tpu.wait_dma2 semaphore(%arg8 : memref<!tpu.dma_semaphore, #tpu.memory_space<semaphore_mem>>) src(%dma_wait3A_1677 : memref<112x6xf32, #tpu.memory_space<hbm>>) dst(%dma_wait3A_1675 : memref<112x6xf32, #tpu.memory_space<vmem>>)
    %add3A_1678 = arith.constant 1680 : i32
    %add3A_1679 = arith.addi %min3A_3, %add3A_1678 : i32
    %dma_start3A_1680 = arith.constant 0 : i32
    %dma_start3A_1681 = arith.constant 0 : i32
    %dma_start3A_1682 = arith.constant 0 : i32
    %dma_start3A_1683 = tpu.memref_slice %arg6[%dma_start3A_1680, %dma_start3A_1681, %dma_start3A_1682] : memref<3x112x17xf32, #tpu.memory_space<vmem>> -> memref<1x112x17xf32, #tpu.memory_space<vmem>>
    %dma_start3A_1684 = tpu.memref_squeeze %dma_start3A_1683 : memref<1x112x17xf32, #tpu.memory_space<vmem>> -> memref<112x17xf32, #tpu.memory_space<vmem>>
    %dma_start3A_1685 = arith.constant 0 : i32
    %dma_start3A_1686 = tpu.memref_slice %arg4[%add3A_1679, %dma_start3A_1685] : memref<100000x17xf32, #tpu.memory_space<hbm>> -> memref<112x17xf32, #tpu.memory_space<hbm>>
    %dma_start3A_1687 = arith.constant 0 : i32
    %dma_start3A_1688 = tpu.memref_slice %arg4[%add3A_1679, %dma_start3A_1687] : memref<100000x17xf32, #tpu.memory_space<hbm>> -> memref<112x17xf32, #tpu.memory_space<hbm>>
    %dma_start3A_1689 = arith.constant 0 : i32
    %dma_start3A_1690 = arith.constant 0 : i32
    %dma_start3A_1691 = tpu.memref_slice %arg6[%dma_start3A_1680, %dma_start3A_1689, %dma_start3A_1690] : memref<3x112x17xf32, #tpu.memory_space<vmem>> -> memref<1x112x17xf32, #tpu.memory_space<vmem>>
    %dma_start3A_1692 = tpu.memref_squeeze %dma_start3A_1691 : memref<1x112x17xf32, #tpu.memory_space<vmem>> -> memref<112x17xf32, #tpu.memory_space<vmem>>
    tpu.enqueue_dma source(%dma_start3A_1692 : memref<112x17xf32, #tpu.memory_space<vmem>>) target(%dma_start3A_1688 : memref<112x17xf32, #tpu.memory_space<hbm>>) target_semaphore(%arg9 : memref<!tpu.dma_semaphore, #tpu.memory_space<semaphore_mem>>)
    %dma_start3A_1693 = arith.constant 0 : i32
    %dma_start3A_1694 = arith.constant 0 : i32
    %dma_start3A_1695 = arith.constant 0 : i32
    %dma_start3A_1696 = tpu.memref_slice %arg7[%dma_start3A_1693, %dma_start3A_1694, %dma_start3A_1695] : memref<3x112x6xf32, #tpu.memory_space<vmem>> -> memref<1x112x6xf32, #tpu.memory_space<vmem>>
    %dma_start3A_1697 = tpu.memref_squeeze %dma_start3A_1696 : memref<1x112x6xf32, #tpu.memory_space<vmem>> -> memref<112x6xf32, #tpu.memory_space<vmem>>
    %dma_start3A_1698 = arith.constant 0 : i32
    %dma_start3A_1699 = tpu.memref_slice %arg5[%add3A_1679, %dma_start3A_1698] : memref<100000x6xf32, #tpu.memory_space<hbm>> -> memref<112x6xf32, #tpu.memory_space<hbm>>
    %dma_start3A_1700 = arith.constant 0 : i32
    %dma_start3A_1701 = tpu.memref_slice %arg5[%add3A_1679, %dma_start3A_1700] : memref<100000x6xf32, #tpu.memory_space<hbm>> -> memref<112x6xf32, #tpu.memory_space<hbm>>
    %dma_start3A_1702 = arith.constant 0 : i32
    %dma_start3A_1703 = arith.constant 0 : i32
    %dma_start3A_1704 = tpu.memref_slice %arg7[%dma_start3A_1693, %dma_start3A_1702, %dma_start3A_1703] : memref<3x112x6xf32, #tpu.memory_space<vmem>> -> memref<1x112x6xf32, #tpu.memory_space<vmem>>
    %dma_start3A_1705 = tpu.memref_squeeze %dma_start3A_1704 : memref<1x112x6xf32, #tpu.memory_space<vmem>> -> memref<112x6xf32, #tpu.memory_space<vmem>>
    tpu.enqueue_dma source(%dma_start3A_1705 : memref<112x6xf32, #tpu.memory_space<vmem>>) target(%dma_start3A_1701 : memref<112x6xf32, #tpu.memory_space<hbm>>) target_semaphore(%arg9 : memref<!tpu.dma_semaphore, #tpu.memory_space<semaphore_mem>>)
    %dma_wait3A_1706 = arith.constant 2 : i32
    %dma_wait3A_1707 = arith.constant 0 : i32
    %dma_wait3A_1708 = arith.constant 0 : i32
    %dma_wait3A_1709 = tpu.memref_slice %arg6[%dma_wait3A_1706, %dma_wait3A_1707, %dma_wait3A_1708] : memref<3x112x17xf32, #tpu.memory_space<vmem>> -> memref<1x112x17xf32, #tpu.memory_space<vmem>>
    %dma_wait3A_1710 = tpu.memref_squeeze %dma_wait3A_1709 : memref<1x112x17xf32, #tpu.memory_space<vmem>> -> memref<112x17xf32, #tpu.memory_space<vmem>>
    %dma_wait3A_1711 = arith.constant 0 : i32
    %dma_wait3A_1712 = tpu.memref_slice %arg4[%add3A_1571, %dma_wait3A_1711] : memref<100000x17xf32, #tpu.memory_space<hbm>> -> memref<112x17xf32, #tpu.memory_space<hbm>>
    %dma_wait3A_1713 = arith.constant 0 : i32
    %dma_wait3A_1714 = tpu.memref_slice %arg4[%add3A_1571, %dma_wait3A_1713] : memref<100000x17xf32, #tpu.memory_space<hbm>> -> memref<112x17xf32, #tpu.memory_space<hbm>>
    %dma_wait3A_1715 = arith.constant 0 : i32
    %dma_wait3A_1716 = arith.constant 0 : i32
    %dma_wait3A_1717 = tpu.memref_slice %arg6[%dma_wait3A_1706, %dma_wait3A_1715, %dma_wait3A_1716] : memref<3x112x17xf32, #tpu.memory_space<vmem>> -> memref<1x112x17xf32, #tpu.memory_space<vmem>>
    %dma_wait3A_1718 = tpu.memref_squeeze %dma_wait3A_1717 : memref<1x112x17xf32, #tpu.memory_space<vmem>> -> memref<112x17xf32, #tpu.memory_space<vmem>>
    tpu.wait_dma2 semaphore(%arg9 : memref<!tpu.dma_semaphore, #tpu.memory_space<semaphore_mem>>) src(%dma_wait3A_1718 : memref<112x17xf32, #tpu.memory_space<vmem>>) dst(%dma_wait3A_1714 : memref<112x17xf32, #tpu.memory_space<hbm>>)
    %dma_wait3A_1719 = arith.constant 2 : i32
    %dma_wait3A_1720 = arith.constant 0 : i32
    %dma_wait3A_1721 = arith.constant 0 : i32
    %dma_wait3A_1722 = tpu.memref_slice %arg7[%dma_wait3A_1719, %dma_wait3A_1720, %dma_wait3A_1721] : memref<3x112x6xf32, #tpu.memory_space<vmem>> -> memref<1x112x6xf32, #tpu.memory_space<vmem>>
    %dma_wait3A_1723 = tpu.memref_squeeze %dma_wait3A_1722 : memref<1x112x6xf32, #tpu.memory_space<vmem>> -> memref<112x6xf32, #tpu.memory_space<vmem>>
    %dma_wait3A_1724 = arith.constant 0 : i32
    %dma_wait3A_1725 = tpu.memref_slice %arg5[%add3A_1571, %dma_wait3A_1724] : memref<100000x6xf32, #tpu.memory_space<hbm>> -> memref<112x6xf32, #tpu.memory_space<hbm>>
    %dma_wait3A_1726 = arith.constant 0 : i32
    %dma_wait3A_1727 = tpu.memref_slice %arg5[%add3A_1571, %dma_wait3A_1726] : memref<100000x6xf32, #tpu.memory_space<hbm>> -> memref<112x6xf32, #tpu.memory_space<hbm>>
    %dma_wait3A_1728 = arith.constant 0 : i32
    %dma_wait3A_1729 = arith.constant 0 : i32
    %dma_wait3A_1730 = tpu.memref_slice %arg7[%dma_wait3A_1719, %dma_wait3A_1728, %dma_wait3A_1729] : memref<3x112x6xf32, #tpu.memory_space<vmem>> -> memref<1x112x6xf32, #tpu.memory_space<vmem>>
    %dma_wait3A_1731 = tpu.memref_squeeze %dma_wait3A_1730 : memref<1x112x6xf32, #tpu.memory_space<vmem>> -> memref<112x6xf32, #tpu.memory_space<vmem>>
    tpu.wait_dma2 semaphore(%arg9 : memref<!tpu.dma_semaphore, #tpu.memory_space<semaphore_mem>>) src(%dma_wait3A_1731 : memref<112x6xf32, #tpu.memory_space<vmem>>) dst(%dma_wait3A_1727 : memref<112x6xf32, #tpu.memory_space<hbm>>)
    %add3A_1732 = arith.constant 1904 : i32
    %add3A_1733 = arith.addi %min3A_3, %add3A_1732 : i32
    %dma_start3A_1734 = arith.constant 2 : i32
    %dma_start3A_1735 = arith.constant 0 : i32
    %dma_start3A_1736 = arith.constant 0 : i32
    %dma_start3A_1737 = tpu.memref_slice %arg6[%dma_start3A_1734, %dma_start3A_1735, %dma_start3A_1736] : memref<3x112x17xf32, #tpu.memory_space<vmem>> -> memref<1x112x17xf32, #tpu.memory_space<vmem>>
    %dma_start3A_1738 = tpu.memref_squeeze %dma_start3A_1737 : memref<1x112x17xf32, #tpu.memory_space<vmem>> -> memref<112x17xf32, #tpu.memory_space<vmem>>
    %dma_start3A_1739 = arith.constant 0 : i32
    %dma_start3A_1740 = tpu.memref_slice %arg2[%add3A_1733, %dma_start3A_1739] : memref<100000x17xf32, #tpu.memory_space<hbm>> -> memref<112x17xf32, #tpu.memory_space<hbm>>
    %dma_start3A_1741 = arith.constant 0 : i32
    %dma_start3A_1742 = arith.constant 0 : i32
    %dma_start3A_1743 = tpu.memref_slice %arg6[%dma_start3A_1734, %dma_start3A_1741, %dma_start3A_1742] : memref<3x112x17xf32, #tpu.memory_space<vmem>> -> memref<1x112x17xf32, #tpu.memory_space<vmem>>
    %dma_start3A_1744 = tpu.memref_squeeze %dma_start3A_1743 : memref<1x112x17xf32, #tpu.memory_space<vmem>> -> memref<112x17xf32, #tpu.memory_space<vmem>>
    %dma_start3A_1745 = arith.constant 0 : i32
    %dma_start3A_1746 = tpu.memref_slice %arg2[%add3A_1733, %dma_start3A_1745] : memref<100000x17xf32, #tpu.memory_space<hbm>> -> memref<112x17xf32, #tpu.memory_space<hbm>>
    tpu.enqueue_dma source(%dma_start3A_1746 : memref<112x17xf32, #tpu.memory_space<hbm>>) target(%dma_start3A_1744 : memref<112x17xf32, #tpu.memory_space<vmem>>) target_semaphore(%arg8 : memref<!tpu.dma_semaphore, #tpu.memory_space<semaphore_mem>>)
    %dma_start3A_1747 = arith.constant 2 : i32
    %dma_start3A_1748 = arith.constant 0 : i32
    %dma_start3A_1749 = arith.constant 0 : i32
    %dma_start3A_1750 = tpu.memref_slice %arg7[%dma_start3A_1747, %dma_start3A_1748, %dma_start3A_1749] : memref<3x112x6xf32, #tpu.memory_space<vmem>> -> memref<1x112x6xf32, #tpu.memory_space<vmem>>
    %dma_start3A_1751 = tpu.memref_squeeze %dma_start3A_1750 : memref<1x112x6xf32, #tpu.memory_space<vmem>> -> memref<112x6xf32, #tpu.memory_space<vmem>>
    %dma_start3A_1752 = arith.constant 0 : i32
    %dma_start3A_1753 = tpu.memref_slice %arg3[%add3A_1733, %dma_start3A_1752] : memref<100000x6xf32, #tpu.memory_space<hbm>> -> memref<112x6xf32, #tpu.memory_space<hbm>>
    %dma_start3A_1754 = arith.constant 0 : i32
    %dma_start3A_1755 = arith.constant 0 : i32
    %dma_start3A_1756 = tpu.memref_slice %arg7[%dma_start3A_1747, %dma_start3A_1754, %dma_start3A_1755] : memref<3x112x6xf32, #tpu.memory_space<vmem>> -> memref<1x112x6xf32, #tpu.memory_space<vmem>>
    %dma_start3A_1757 = tpu.memref_squeeze %dma_start3A_1756 : memref<1x112x6xf32, #tpu.memory_space<vmem>> -> memref<112x6xf32, #tpu.memory_space<vmem>>
    %dma_start3A_1758 = arith.constant 0 : i32
    %dma_start3A_1759 = tpu.memref_slice %arg3[%add3A_1733, %dma_start3A_1758] : memref<100000x6xf32, #tpu.memory_space<hbm>> -> memref<112x6xf32, #tpu.memory_space<hbm>>
    tpu.enqueue_dma source(%dma_start3A_1759 : memref<112x6xf32, #tpu.memory_space<hbm>>) target(%dma_start3A_1757 : memref<112x6xf32, #tpu.memory_space<vmem>>) target_semaphore(%arg8 : memref<!tpu.dma_semaphore, #tpu.memory_space<semaphore_mem>>)
    %dma_wait3A_1760 = arith.constant 1 : i32
    %dma_wait3A_1761 = arith.constant 0 : i32
    %dma_wait3A_1762 = arith.constant 0 : i32
    %dma_wait3A_1763 = tpu.memref_slice %arg6[%dma_wait3A_1760, %dma_wait3A_1761, %dma_wait3A_1762] : memref<3x112x17xf32, #tpu.memory_space<vmem>> -> memref<1x112x17xf32, #tpu.memory_space<vmem>>
    %dma_wait3A_1764 = tpu.memref_squeeze %dma_wait3A_1763 : memref<1x112x17xf32, #tpu.memory_space<vmem>> -> memref<112x17xf32, #tpu.memory_space<vmem>>
    %dma_wait3A_1765 = arith.constant 0 : i32
    %dma_wait3A_1766 = tpu.memref_slice %arg2[%add3A_1625, %dma_wait3A_1765] : memref<100000x17xf32, #tpu.memory_space<hbm>> -> memref<112x17xf32, #tpu.memory_space<hbm>>
    %dma_wait3A_1767 = arith.constant 0 : i32
    %dma_wait3A_1768 = arith.constant 0 : i32
    %dma_wait3A_1769 = tpu.memref_slice %arg6[%dma_wait3A_1760, %dma_wait3A_1767, %dma_wait3A_1768] : memref<3x112x17xf32, #tpu.memory_space<vmem>> -> memref<1x112x17xf32, #tpu.memory_space<vmem>>
    %dma_wait3A_1770 = tpu.memref_squeeze %dma_wait3A_1769 : memref<1x112x17xf32, #tpu.memory_space<vmem>> -> memref<112x17xf32, #tpu.memory_space<vmem>>
    %dma_wait3A_1771 = arith.constant 0 : i32
    %dma_wait3A_1772 = tpu.memref_slice %arg2[%add3A_1625, %dma_wait3A_1771] : memref<100000x17xf32, #tpu.memory_space<hbm>> -> memref<112x17xf32, #tpu.memory_space<hbm>>
    tpu.wait_dma2 semaphore(%arg8 : memref<!tpu.dma_semaphore, #tpu.memory_space<semaphore_mem>>) src(%dma_wait3A_1772 : memref<112x17xf32, #tpu.memory_space<hbm>>) dst(%dma_wait3A_1770 : memref<112x17xf32, #tpu.memory_space<vmem>>)
    %dma_wait3A_1773 = arith.constant 1 : i32
    %dma_wait3A_1774 = arith.constant 0 : i32
    %dma_wait3A_1775 = arith.constant 0 : i32
    %dma_wait3A_1776 = tpu.memref_slice %arg7[%dma_wait3A_1773, %dma_wait3A_1774, %dma_wait3A_1775] : memref<3x112x6xf32, #tpu.memory_space<vmem>> -> memref<1x112x6xf32, #tpu.memory_space<vmem>>
    %dma_wait3A_1777 = tpu.memref_squeeze %dma_wait3A_1776 : memref<1x112x6xf32, #tpu.memory_space<vmem>> -> memref<112x6xf32, #tpu.memory_space<vmem>>
    %dma_wait3A_1778 = arith.constant 0 : i32
    %dma_wait3A_1779 = tpu.memref_slice %arg3[%add3A_1625, %dma_wait3A_1778] : memref<100000x6xf32, #tpu.memory_space<hbm>> -> memref<112x6xf32, #tpu.memory_space<hbm>>
    %dma_wait3A_1780 = arith.constant 0 : i32
    %dma_wait3A_1781 = arith.constant 0 : i32
    %dma_wait3A_1782 = tpu.memref_slice %arg7[%dma_wait3A_1773, %dma_wait3A_1780, %dma_wait3A_1781] : memref<3x112x6xf32, #tpu.memory_space<vmem>> -> memref<1x112x6xf32, #tpu.memory_space<vmem>>
    %dma_wait3A_1783 = tpu.memref_squeeze %dma_wait3A_1782 : memref<1x112x6xf32, #tpu.memory_space<vmem>> -> memref<112x6xf32, #tpu.memory_space<vmem>>
    %dma_wait3A_1784 = arith.constant 0 : i32
    %dma_wait3A_1785 = tpu.memref_slice %arg3[%add3A_1625, %dma_wait3A_1784] : memref<100000x6xf32, #tpu.memory_space<hbm>> -> memref<112x6xf32, #tpu.memory_space<hbm>>
    tpu.wait_dma2 semaphore(%arg8 : memref<!tpu.dma_semaphore, #tpu.memory_space<semaphore_mem>>) src(%dma_wait3A_1785 : memref<112x6xf32, #tpu.memory_space<hbm>>) dst(%dma_wait3A_1783 : memref<112x6xf32, #tpu.memory_space<vmem>>)
    %add3A_1786 = arith.constant 1792 : i32
    %add3A_1787 = arith.addi %min3A_3, %add3A_1786 : i32
    %dma_start3A_1788 = arith.constant 1 : i32
    %dma_start3A_1789 = arith.constant 0 : i32
    %dma_start3A_1790 = arith.constant 0 : i32
    %dma_start3A_1791 = tpu.memref_slice %arg6[%dma_start3A_1788, %dma_start3A_1789, %dma_start3A_1790] : memref<3x112x17xf32, #tpu.memory_space<vmem>> -> memref<1x112x17xf32, #tpu.memory_space<vmem>>
    %dma_start3A_1792 = tpu.memref_squeeze %dma_start3A_1791 : memref<1x112x17xf32, #tpu.memory_space<vmem>> -> memref<112x17xf32, #tpu.memory_space<vmem>>
    %dma_start3A_1793 = arith.constant 0 : i32
    %dma_start3A_1794 = tpu.memref_slice %arg4[%add3A_1787, %dma_start3A_1793] : memref<100000x17xf32, #tpu.memory_space<hbm>> -> memref<112x17xf32, #tpu.memory_space<hbm>>
    %dma_start3A_1795 = arith.constant 0 : i32
    %dma_start3A_1796 = tpu.memref_slice %arg4[%add3A_1787, %dma_start3A_1795] : memref<100000x17xf32, #tpu.memory_space<hbm>> -> memref<112x17xf32, #tpu.memory_space<hbm>>
    %dma_start3A_1797 = arith.constant 0 : i32
    %dma_start3A_1798 = arith.constant 0 : i32
    %dma_start3A_1799 = tpu.memref_slice %arg6[%dma_start3A_1788, %dma_start3A_1797, %dma_start3A_1798] : memref<3x112x17xf32, #tpu.memory_space<vmem>> -> memref<1x112x17xf32, #tpu.memory_space<vmem>>
    %dma_start3A_1800 = tpu.memref_squeeze %dma_start3A_1799 : memref<1x112x17xf32, #tpu.memory_space<vmem>> -> memref<112x17xf32, #tpu.memory_space<vmem>>
    tpu.enqueue_dma source(%dma_start3A_1800 : memref<112x17xf32, #tpu.memory_space<vmem>>) target(%dma_start3A_1796 : memref<112x17xf32, #tpu.memory_space<hbm>>) target_semaphore(%arg9 : memref<!tpu.dma_semaphore, #tpu.memory_space<semaphore_mem>>)
    %dma_start3A_1801 = arith.constant 1 : i32
    %dma_start3A_1802 = arith.constant 0 : i32
    %dma_start3A_1803 = arith.constant 0 : i32
    %dma_start3A_1804 = tpu.memref_slice %arg7[%dma_start3A_1801, %dma_start3A_1802, %dma_start3A_1803] : memref<3x112x6xf32, #tpu.memory_space<vmem>> -> memref<1x112x6xf32, #tpu.memory_space<vmem>>
    %dma_start3A_1805 = tpu.memref_squeeze %dma_start3A_1804 : memref<1x112x6xf32, #tpu.memory_space<vmem>> -> memref<112x6xf32, #tpu.memory_space<vmem>>
    %dma_start3A_1806 = arith.constant 0 : i32
    %dma_start3A_1807 = tpu.memref_slice %arg5[%add3A_1787, %dma_start3A_1806] : memref<100000x6xf32, #tpu.memory_space<hbm>> -> memref<112x6xf32, #tpu.memory_space<hbm>>
    %dma_start3A_1808 = arith.constant 0 : i32
    %dma_start3A_1809 = tpu.memref_slice %arg5[%add3A_1787, %dma_start3A_1808] : memref<100000x6xf32, #tpu.memory_space<hbm>> -> memref<112x6xf32, #tpu.memory_space<hbm>>
    %dma_start3A_1810 = arith.constant 0 : i32
    %dma_start3A_1811 = arith.constant 0 : i32
    %dma_start3A_1812 = tpu.memref_slice %arg7[%dma_start3A_1801, %dma_start3A_1810, %dma_start3A_1811] : memref<3x112x6xf32, #tpu.memory_space<vmem>> -> memref<1x112x6xf32, #tpu.memory_space<vmem>>
    %dma_start3A_1813 = tpu.memref_squeeze %dma_start3A_1812 : memref<1x112x6xf32, #tpu.memory_space<vmem>> -> memref<112x6xf32, #tpu.memory_space<vmem>>
    tpu.enqueue_dma source(%dma_start3A_1813 : memref<112x6xf32, #tpu.memory_space<vmem>>) target(%dma_start3A_1809 : memref<112x6xf32, #tpu.memory_space<hbm>>) target_semaphore(%arg9 : memref<!tpu.dma_semaphore, #tpu.memory_space<semaphore_mem>>)
    %dma_wait3A_1814 = arith.constant 0 : i32
    %dma_wait3A_1815 = arith.constant 0 : i32
    %dma_wait3A_1816 = arith.constant 0 : i32
    %dma_wait3A_1817 = tpu.memref_slice %arg6[%dma_wait3A_1814, %dma_wait3A_1815, %dma_wait3A_1816] : memref<3x112x17xf32, #tpu.memory_space<vmem>> -> memref<1x112x17xf32, #tpu.memory_space<vmem>>
    %dma_wait3A_1818 = tpu.memref_squeeze %dma_wait3A_1817 : memref<1x112x17xf32, #tpu.memory_space<vmem>> -> memref<112x17xf32, #tpu.memory_space<vmem>>
    %dma_wait3A_1819 = arith.constant 0 : i32
    %dma_wait3A_1820 = tpu.memref_slice %arg4[%add3A_1679, %dma_wait3A_1819] : memref<100000x17xf32, #tpu.memory_space<hbm>> -> memref<112x17xf32, #tpu.memory_space<hbm>>
    %dma_wait3A_1821 = arith.constant 0 : i32
    %dma_wait3A_1822 = tpu.memref_slice %arg4[%add3A_1679, %dma_wait3A_1821] : memref<100000x17xf32, #tpu.memory_space<hbm>> -> memref<112x17xf32, #tpu.memory_space<hbm>>
    %dma_wait3A_1823 = arith.constant 0 : i32
    %dma_wait3A_1824 = arith.constant 0 : i32
    %dma_wait3A_1825 = tpu.memref_slice %arg6[%dma_wait3A_1814, %dma_wait3A_1823, %dma_wait3A_1824] : memref<3x112x17xf32, #tpu.memory_space<vmem>> -> memref<1x112x17xf32, #tpu.memory_space<vmem>>
    %dma_wait3A_1826 = tpu.memref_squeeze %dma_wait3A_1825 : memref<1x112x17xf32, #tpu.memory_space<vmem>> -> memref<112x17xf32, #tpu.memory_space<vmem>>
    tpu.wait_dma2 semaphore(%arg9 : memref<!tpu.dma_semaphore, #tpu.memory_space<semaphore_mem>>) src(%dma_wait3A_1826 : memref<112x17xf32, #tpu.memory_space<vmem>>) dst(%dma_wait3A_1822 : memref<112x17xf32, #tpu.memory_space<hbm>>)
    %dma_wait3A_1827 = arith.constant 0 : i32
    %dma_wait3A_1828 = arith.constant 0 : i32
    %dma_wait3A_1829 = arith.constant 0 : i32
    %dma_wait3A_1830 = tpu.memref_slice %arg7[%dma_wait3A_1827, %dma_wait3A_1828, %dma_wait3A_1829] : memref<3x112x6xf32, #tpu.memory_space<vmem>> -> memref<1x112x6xf32, #tpu.memory_space<vmem>>
    %dma_wait3A_1831 = tpu.memref_squeeze %dma_wait3A_1830 : memref<1x112x6xf32, #tpu.memory_space<vmem>> -> memref<112x6xf32, #tpu.memory_space<vmem>>
    %dma_wait3A_1832 = arith.constant 0 : i32
    %dma_wait3A_1833 = tpu.memref_slice %arg5[%add3A_1679, %dma_wait3A_1832] : memref<100000x6xf32, #tpu.memory_space<hbm>> -> memref<112x6xf32, #tpu.memory_space<hbm>>
    %dma_wait3A_1834 = arith.constant 0 : i32
    %dma_wait3A_1835 = tpu.memref_slice %arg5[%add3A_1679, %dma_wait3A_1834] : memref<100000x6xf32, #tpu.memory_space<hbm>> -> memref<112x6xf32, #tpu.memory_space<hbm>>
    %dma_wait3A_1836 = arith.constant 0 : i32
    %dma_wait3A_1837 = arith.constant 0 : i32
    %dma_wait3A_1838 = tpu.memref_slice %arg7[%dma_wait3A_1827, %dma_wait3A_1836, %dma_wait3A_1837] : memref<3x112x6xf32, #tpu.memory_space<vmem>> -> memref<1x112x6xf32, #tpu.memory_space<vmem>>
    %dma_wait3A_1839 = tpu.memref_squeeze %dma_wait3A_1838 : memref<1x112x6xf32, #tpu.memory_space<vmem>> -> memref<112x6xf32, #tpu.memory_space<vmem>>
    tpu.wait_dma2 semaphore(%arg9 : memref<!tpu.dma_semaphore, #tpu.memory_space<semaphore_mem>>) src(%dma_wait3A_1839 : memref<112x6xf32, #tpu.memory_space<vmem>>) dst(%dma_wait3A_1835 : memref<112x6xf32, #tpu.memory_space<hbm>>)
    %add3A_1840 = arith.constant 2016 : i32
    %add3A_1841 = arith.addi %min3A_3, %add3A_1840 : i32
    %dma_start3A_1842 = arith.constant 0 : i32
    %dma_start3A_1843 = arith.constant 0 : i32
    %dma_start3A_1844 = arith.constant 0 : i32
    %dma_start3A_1845 = tpu.memref_slice %arg6[%dma_start3A_1842, %dma_start3A_1843, %dma_start3A_1844] : memref<3x112x17xf32, #tpu.memory_space<vmem>> -> memref<1x112x17xf32, #tpu.memory_space<vmem>>
    %dma_start3A_1846 = tpu.memref_squeeze %dma_start3A_1845 : memref<1x112x17xf32, #tpu.memory_space<vmem>> -> memref<112x17xf32, #tpu.memory_space<vmem>>
    %dma_start3A_1847 = arith.constant 0 : i32
    %dma_start3A_1848 = tpu.memref_slice %arg2[%add3A_1841, %dma_start3A_1847] : memref<100000x17xf32, #tpu.memory_space<hbm>> -> memref<112x17xf32, #tpu.memory_space<hbm>>
    %dma_start3A_1849 = arith.constant 0 : i32
    %dma_start3A_1850 = arith.constant 0 : i32
    %dma_start3A_1851 = tpu.memref_slice %arg6[%dma_start3A_1842, %dma_start3A_1849, %dma_start3A_1850] : memref<3x112x17xf32, #tpu.memory_space<vmem>> -> memref<1x112x17xf32, #tpu.memory_space<vmem>>
    %dma_start3A_1852 = tpu.memref_squeeze %dma_start3A_1851 : memref<1x112x17xf32, #tpu.memory_space<vmem>> -> memref<112x17xf32, #tpu.memory_space<vmem>>
    %dma_start3A_1853 = arith.constant 0 : i32
    %dma_start3A_1854 = tpu.memref_slice %arg2[%add3A_1841, %dma_start3A_1853] : memref<100000x17xf32, #tpu.memory_space<hbm>> -> memref<112x17xf32, #tpu.memory_space<hbm>>
    tpu.enqueue_dma source(%dma_start3A_1854 : memref<112x17xf32, #tpu.memory_space<hbm>>) target(%dma_start3A_1852 : memref<112x17xf32, #tpu.memory_space<vmem>>) target_semaphore(%arg8 : memref<!tpu.dma_semaphore, #tpu.memory_space<semaphore_mem>>)
    %dma_start3A_1855 = arith.constant 0 : i32
    %dma_start3A_1856 = arith.constant 0 : i32
    %dma_start3A_1857 = arith.constant 0 : i32
    %dma_start3A_1858 = tpu.memref_slice %arg7[%dma_start3A_1855, %dma_start3A_1856, %dma_start3A_1857] : memref<3x112x6xf32, #tpu.memory_space<vmem>> -> memref<1x112x6xf32, #tpu.memory_space<vmem>>
    %dma_start3A_1859 = tpu.memref_squeeze %dma_start3A_1858 : memref<1x112x6xf32, #tpu.memory_space<vmem>> -> memref<112x6xf32, #tpu.memory_space<vmem>>
    %dma_start3A_1860 = arith.constant 0 : i32
    %dma_start3A_1861 = tpu.memref_slice %arg3[%add3A_1841, %dma_start3A_1860] : memref<100000x6xf32, #tpu.memory_space<hbm>> -> memref<112x6xf32, #tpu.memory_space<hbm>>
    %dma_start3A_1862 = arith.constant 0 : i32
    %dma_start3A_1863 = arith.constant 0 : i32
    %dma_start3A_1864 = tpu.memref_slice %arg7[%dma_start3A_1855, %dma_start3A_1862, %dma_start3A_1863] : memref<3x112x6xf32, #tpu.memory_space<vmem>> -> memref<1x112x6xf32, #tpu.memory_space<vmem>>
    %dma_start3A_1865 = tpu.memref_squeeze %dma_start3A_1864 : memref<1x112x6xf32, #tpu.memory_space<vmem>> -> memref<112x6xf32, #tpu.memory_space<vmem>>
    %dma_start3A_1866 = arith.constant 0 : i32
    %dma_start3A_1867 = tpu.memref_slice %arg3[%add3A_1841, %dma_start3A_1866] : memref<100000x6xf32, #tpu.memory_space<hbm>> -> memref<112x6xf32, #tpu.memory_space<hbm>>
    tpu.enqueue_dma source(%dma_start3A_1867 : memref<112x6xf32, #tpu.memory_space<hbm>>) target(%dma_start3A_1865 : memref<112x6xf32, #tpu.memory_space<vmem>>) target_semaphore(%arg8 : memref<!tpu.dma_semaphore, #tpu.memory_space<semaphore_mem>>)
    %dma_wait3A_1868 = arith.constant 2 : i32
    %dma_wait3A_1869 = arith.constant 0 : i32
    %dma_wait3A_1870 = arith.constant 0 : i32
    %dma_wait3A_1871 = tpu.memref_slice %arg6[%dma_wait3A_1868, %dma_wait3A_1869, %dma_wait3A_1870] : memref<3x112x17xf32, #tpu.memory_space<vmem>> -> memref<1x112x17xf32, #tpu.memory_space<vmem>>
    %dma_wait3A_1872 = tpu.memref_squeeze %dma_wait3A_1871 : memref<1x112x17xf32, #tpu.memory_space<vmem>> -> memref<112x17xf32, #tpu.memory_space<vmem>>
    %dma_wait3A_1873 = arith.constant 0 : i32
    %dma_wait3A_1874 = tpu.memref_slice %arg2[%add3A_1733, %dma_wait3A_1873] : memref<100000x17xf32, #tpu.memory_space<hbm>> -> memref<112x17xf32, #tpu.memory_space<hbm>>
    %dma_wait3A_1875 = arith.constant 0 : i32
    %dma_wait3A_1876 = arith.constant 0 : i32
    %dma_wait3A_1877 = tpu.memref_slice %arg6[%dma_wait3A_1868, %dma_wait3A_1875, %dma_wait3A_1876] : memref<3x112x17xf32, #tpu.memory_space<vmem>> -> memref<1x112x17xf32, #tpu.memory_space<vmem>>
    %dma_wait3A_1878 = tpu.memref_squeeze %dma_wait3A_1877 : memref<1x112x17xf32, #tpu.memory_space<vmem>> -> memref<112x17xf32, #tpu.memory_space<vmem>>
    %dma_wait3A_1879 = arith.constant 0 : i32
    %dma_wait3A_1880 = tpu.memref_slice %arg2[%add3A_1733, %dma_wait3A_1879] : memref<100000x17xf32, #tpu.memory_space<hbm>> -> memref<112x17xf32, #tpu.memory_space<hbm>>
    tpu.wait_dma2 semaphore(%arg8 : memref<!tpu.dma_semaphore, #tpu.memory_space<semaphore_mem>>) src(%dma_wait3A_1880 : memref<112x17xf32, #tpu.memory_space<hbm>>) dst(%dma_wait3A_1878 : memref<112x17xf32, #tpu.memory_space<vmem>>)
    %dma_wait3A_1881 = arith.constant 2 : i32
    %dma_wait3A_1882 = arith.constant 0 : i32
    %dma_wait3A_1883 = arith.constant 0 : i32
    %dma_wait3A_1884 = tpu.memref_slice %arg7[%dma_wait3A_1881, %dma_wait3A_1882, %dma_wait3A_1883] : memref<3x112x6xf32, #tpu.memory_space<vmem>> -> memref<1x112x6xf32, #tpu.memory_space<vmem>>
    %dma_wait3A_1885 = tpu.memref_squeeze %dma_wait3A_1884 : memref<1x112x6xf32, #tpu.memory_space<vmem>> -> memref<112x6xf32, #tpu.memory_space<vmem>>
    %dma_wait3A_1886 = arith.constant 0 : i32
    %dma_wait3A_1887 = tpu.memref_slice %arg3[%add3A_1733, %dma_wait3A_1886] : memref<100000x6xf32, #tpu.memory_space<hbm>> -> memref<112x6xf32, #tpu.memory_space<hbm>>
    %dma_wait3A_1888 = arith.constant 0 : i32
    %dma_wait3A_1889 = arith.constant 0 : i32
    %dma_wait3A_1890 = tpu.memref_slice %arg7[%dma_wait3A_1881, %dma_wait3A_1888, %dma_wait3A_1889] : memref<3x112x6xf32, #tpu.memory_space<vmem>> -> memref<1x112x6xf32, #tpu.memory_space<vmem>>
    %dma_wait3A_1891 = tpu.memref_squeeze %dma_wait3A_1890 : memref<1x112x6xf32, #tpu.memory_space<vmem>> -> memref<112x6xf32, #tpu.memory_space<vmem>>
    %dma_wait3A_1892 = arith.constant 0 : i32
    %dma_wait3A_1893 = tpu.memref_slice %arg3[%add3A_1733, %dma_wait3A_1892] : memref<100000x6xf32, #tpu.memory_space<hbm>> -> memref<112x6xf32, #tpu.memory_space<hbm>>
    tpu.wait_dma2 semaphore(%arg8 : memref<!tpu.dma_semaphore, #tpu.memory_space<semaphore_mem>>) src(%dma_wait3A_1893 : memref<112x6xf32, #tpu.memory_space<hbm>>) dst(%dma_wait3A_1891 : memref<112x6xf32, #tpu.memory_space<vmem>>)
    %add3A_1894 = arith.constant 1904 : i32
    %add3A_1895 = arith.addi %min3A_3, %add3A_1894 : i32
    %dma_start3A_1896 = arith.constant 2 : i32
    %dma_start3A_1897 = arith.constant 0 : i32
    %dma_start3A_1898 = arith.constant 0 : i32
    %dma_start3A_1899 = tpu.memref_slice %arg6[%dma_start3A_1896, %dma_start3A_1897, %dma_start3A_1898] : memref<3x112x17xf32, #tpu.memory_space<vmem>> -> memref<1x112x17xf32, #tpu.memory_space<vmem>>
    %dma_start3A_1900 = tpu.memref_squeeze %dma_start3A_1899 : memref<1x112x17xf32, #tpu.memory_space<vmem>> -> memref<112x17xf32, #tpu.memory_space<vmem>>
    %dma_start3A_1901 = arith.constant 0 : i32
    %dma_start3A_1902 = tpu.memref_slice %arg4[%add3A_1895, %dma_start3A_1901] : memref<100000x17xf32, #tpu.memory_space<hbm>> -> memref<112x17xf32, #tpu.memory_space<hbm>>
    %dma_start3A_1903 = arith.constant 0 : i32
    %dma_start3A_1904 = tpu.memref_slice %arg4[%add3A_1895, %dma_start3A_1903] : memref<100000x17xf32, #tpu.memory_space<hbm>> -> memref<112x17xf32, #tpu.memory_space<hbm>>
    %dma_start3A_1905 = arith.constant 0 : i32
    %dma_start3A_1906 = arith.constant 0 : i32
    %dma_start3A_1907 = tpu.memref_slice %arg6[%dma_start3A_1896, %dma_start3A_1905, %dma_start3A_1906] : memref<3x112x17xf32, #tpu.memory_space<vmem>> -> memref<1x112x17xf32, #tpu.memory_space<vmem>>
    %dma_start3A_1908 = tpu.memref_squeeze %dma_start3A_1907 : memref<1x112x17xf32, #tpu.memory_space<vmem>> -> memref<112x17xf32, #tpu.memory_space<vmem>>
    tpu.enqueue_dma source(%dma_start3A_1908 : memref<112x17xf32, #tpu.memory_space<vmem>>) target(%dma_start3A_1904 : memref<112x17xf32, #tpu.memory_space<hbm>>) target_semaphore(%arg9 : memref<!tpu.dma_semaphore, #tpu.memory_space<semaphore_mem>>)
    %dma_start3A_1909 = arith.constant 2 : i32
    %dma_start3A_1910 = arith.constant 0 : i32
    %dma_start3A_1911 = arith.constant 0 : i32
    %dma_start3A_1912 = tpu.memref_slice %arg7[%dma_start3A_1909, %dma_start3A_1910, %dma_start3A_1911] : memref<3x112x6xf32, #tpu.memory_space<vmem>> -> memref<1x112x6xf32, #tpu.memory_space<vmem>>
    %dma_start3A_1913 = tpu.memref_squeeze %dma_start3A_1912 : memref<1x112x6xf32, #tpu.memory_space<vmem>> -> memref<112x6xf32, #tpu.memory_space<vmem>>
    %dma_start3A_1914 = arith.constant 0 : i32
    %dma_start3A_1915 = tpu.memref_slice %arg5[%add3A_1895, %dma_start3A_1914] : memref<100000x6xf32, #tpu.memory_space<hbm>> -> memref<112x6xf32, #tpu.memory_space<hbm>>
    %dma_start3A_1916 = arith.constant 0 : i32
    %dma_start3A_1917 = tpu.memref_slice %arg5[%add3A_1895, %dma_start3A_1916] : memref<100000x6xf32, #tpu.memory_space<hbm>> -> memref<112x6xf32, #tpu.memory_space<hbm>>
    %dma_start3A_1918 = arith.constant 0 : i32
    %dma_start3A_1919 = arith.constant 0 : i32
    %dma_start3A_1920 = tpu.memref_slice %arg7[%dma_start3A_1909, %dma_start3A_1918, %dma_start3A_1919] : memref<3x112x6xf32, #tpu.memory_space<vmem>> -> memref<1x112x6xf32, #tpu.memory_space<vmem>>
    %dma_start3A_1921 = tpu.memref_squeeze %dma_start3A_1920 : memref<1x112x6xf32, #tpu.memory_space<vmem>> -> memref<112x6xf32, #tpu.memory_space<vmem>>
    tpu.enqueue_dma source(%dma_start3A_1921 : memref<112x6xf32, #tpu.memory_space<vmem>>) target(%dma_start3A_1917 : memref<112x6xf32, #tpu.memory_space<hbm>>) target_semaphore(%arg9 : memref<!tpu.dma_semaphore, #tpu.memory_space<semaphore_mem>>)
    %dma_wait3A_1922 = arith.constant 1 : i32
    %dma_wait3A_1923 = arith.constant 0 : i32
    %dma_wait3A_1924 = arith.constant 0 : i32
    %dma_wait3A_1925 = tpu.memref_slice %arg6[%dma_wait3A_1922, %dma_wait3A_1923, %dma_wait3A_1924] : memref<3x112x17xf32, #tpu.memory_space<vmem>> -> memref<1x112x17xf32, #tpu.memory_space<vmem>>
    %dma_wait3A_1926 = tpu.memref_squeeze %dma_wait3A_1925 : memref<1x112x17xf32, #tpu.memory_space<vmem>> -> memref<112x17xf32, #tpu.memory_space<vmem>>
    %dma_wait3A_1927 = arith.constant 0 : i32
    %dma_wait3A_1928 = tpu.memref_slice %arg4[%add3A_1787, %dma_wait3A_1927] : memref<100000x17xf32, #tpu.memory_space<hbm>> -> memref<112x17xf32, #tpu.memory_space<hbm>>
    %dma_wait3A_1929 = arith.constant 0 : i32
    %dma_wait3A_1930 = tpu.memref_slice %arg4[%add3A_1787, %dma_wait3A_1929] : memref<100000x17xf32, #tpu.memory_space<hbm>> -> memref<112x17xf32, #tpu.memory_space<hbm>>
    %dma_wait3A_1931 = arith.constant 0 : i32
    %dma_wait3A_1932 = arith.constant 0 : i32
    %dma_wait3A_1933 = tpu.memref_slice %arg6[%dma_wait3A_1922, %dma_wait3A_1931, %dma_wait3A_1932] : memref<3x112x17xf32, #tpu.memory_space<vmem>> -> memref<1x112x17xf32, #tpu.memory_space<vmem>>
    %dma_wait3A_1934 = tpu.memref_squeeze %dma_wait3A_1933 : memref<1x112x17xf32, #tpu.memory_space<vmem>> -> memref<112x17xf32, #tpu.memory_space<vmem>>
    tpu.wait_dma2 semaphore(%arg9 : memref<!tpu.dma_semaphore, #tpu.memory_space<semaphore_mem>>) src(%dma_wait3A_1934 : memref<112x17xf32, #tpu.memory_space<vmem>>) dst(%dma_wait3A_1930 : memref<112x17xf32, #tpu.memory_space<hbm>>)
    %dma_wait3A_1935 = arith.constant 1 : i32
    %dma_wait3A_1936 = arith.constant 0 : i32
    %dma_wait3A_1937 = arith.constant 0 : i32
    %dma_wait3A_1938 = tpu.memref_slice %arg7[%dma_wait3A_1935, %dma_wait3A_1936, %dma_wait3A_1937] : memref<3x112x6xf32, #tpu.memory_space<vmem>> -> memref<1x112x6xf32, #tpu.memory_space<vmem>>
    %dma_wait3A_1939 = tpu.memref_squeeze %dma_wait3A_1938 : memref<1x112x6xf32, #tpu.memory_space<vmem>> -> memref<112x6xf32, #tpu.memory_space<vmem>>
    %dma_wait3A_1940 = arith.constant 0 : i32
    %dma_wait3A_1941 = tpu.memref_slice %arg5[%add3A_1787, %dma_wait3A_1940] : memref<100000x6xf32, #tpu.memory_space<hbm>> -> memref<112x6xf32, #tpu.memory_space<hbm>>
    %dma_wait3A_1942 = arith.constant 0 : i32
    %dma_wait3A_1943 = tpu.memref_slice %arg5[%add3A_1787, %dma_wait3A_1942] : memref<100000x6xf32, #tpu.memory_space<hbm>> -> memref<112x6xf32, #tpu.memory_space<hbm>>
    %dma_wait3A_1944 = arith.constant 0 : i32
    %dma_wait3A_1945 = arith.constant 0 : i32
    %dma_wait3A_1946 = tpu.memref_slice %arg7[%dma_wait3A_1935, %dma_wait3A_1944, %dma_wait3A_1945] : memref<3x112x6xf32, #tpu.memory_space<vmem>> -> memref<1x112x6xf32, #tpu.memory_space<vmem>>
    %dma_wait3A_1947 = tpu.memref_squeeze %dma_wait3A_1946 : memref<1x112x6xf32, #tpu.memory_space<vmem>> -> memref<112x6xf32, #tpu.memory_space<vmem>>
    tpu.wait_dma2 semaphore(%arg9 : memref<!tpu.dma_semaphore, #tpu.memory_space<semaphore_mem>>) src(%dma_wait3A_1947 : memref<112x6xf32, #tpu.memory_space<vmem>>) dst(%dma_wait3A_1943 : memref<112x6xf32, #tpu.memory_space<hbm>>)
    %add3A_1948 = arith.constant 2128 : i32
    %add3A_1949 = arith.addi %min3A_3, %add3A_1948 : i32
    %dma_start3A_1950 = arith.constant 1 : i32
    %dma_start3A_1951 = arith.constant 0 : i32
    %dma_start3A_1952 = arith.constant 0 : i32
    %dma_start3A_1953 = tpu.memref_slice %arg6[%dma_start3A_1950, %dma_start3A_1951, %dma_start3A_1952] : memref<3x112x17xf32, #tpu.memory_space<vmem>> -> memref<1x112x17xf32, #tpu.memory_space<vmem>>
    %dma_start3A_1954 = tpu.memref_squeeze %dma_start3A_1953 : memref<1x112x17xf32, #tpu.memory_space<vmem>> -> memref<112x17xf32, #tpu.memory_space<vmem>>
    %dma_start3A_1955 = arith.constant 0 : i32
    %dma_start3A_1956 = tpu.memref_slice %arg2[%add3A_1949, %dma_start3A_1955] : memref<100000x17xf32, #tpu.memory_space<hbm>> -> memref<112x17xf32, #tpu.memory_space<hbm>>
    %dma_start3A_1957 = arith.constant 0 : i32
    %dma_start3A_1958 = arith.constant 0 : i32
    %dma_start3A_1959 = tpu.memref_slice %arg6[%dma_start3A_1950, %dma_start3A_1957, %dma_start3A_1958] : memref<3x112x17xf32, #tpu.memory_space<vmem>> -> memref<1x112x17xf32, #tpu.memory_space<vmem>>
    %dma_start3A_1960 = tpu.memref_squeeze %dma_start3A_1959 : memref<1x112x17xf32, #tpu.memory_space<vmem>> -> memref<112x17xf32, #tpu.memory_space<vmem>>
    %dma_start3A_1961 = arith.constant 0 : i32
    %dma_start3A_1962 = tpu.memref_slice %arg2[%add3A_1949, %dma_start3A_1961] : memref<100000x17xf32, #tpu.memory_space<hbm>> -> memref<112x17xf32, #tpu.memory_space<hbm>>
    tpu.enqueue_dma source(%dma_start3A_1962 : memref<112x17xf32, #tpu.memory_space<hbm>>) target(%dma_start3A_1960 : memref<112x17xf32, #tpu.memory_space<vmem>>) target_semaphore(%arg8 : memref<!tpu.dma_semaphore, #tpu.memory_space<semaphore_mem>>)
    %dma_start3A_1963 = arith.constant 1 : i32
    %dma_start3A_1964 = arith.constant 0 : i32
    %dma_start3A_1965 = arith.constant 0 : i32
    %dma_start3A_1966 = tpu.memref_slice %arg7[%dma_start3A_1963, %dma_start3A_1964, %dma_start3A_1965] : memref<3x112x6xf32, #tpu.memory_space<vmem>> -> memref<1x112x6xf32, #tpu.memory_space<vmem>>
    %dma_start3A_1967 = tpu.memref_squeeze %dma_start3A_1966 : memref<1x112x6xf32, #tpu.memory_space<vmem>> -> memref<112x6xf32, #tpu.memory_space<vmem>>
    %dma_start3A_1968 = arith.constant 0 : i32
    %dma_start3A_1969 = tpu.memref_slice %arg3[%add3A_1949, %dma_start3A_1968] : memref<100000x6xf32, #tpu.memory_space<hbm>> -> memref<112x6xf32, #tpu.memory_space<hbm>>
    %dma_start3A_1970 = arith.constant 0 : i32
    %dma_start3A_1971 = arith.constant 0 : i32
    %dma_start3A_1972 = tpu.memref_slice %arg7[%dma_start3A_1963, %dma_start3A_1970, %dma_start3A_1971] : memref<3x112x6xf32, #tpu.memory_space<vmem>> -> memref<1x112x6xf32, #tpu.memory_space<vmem>>
    %dma_start3A_1973 = tpu.memref_squeeze %dma_start3A_1972 : memref<1x112x6xf32, #tpu.memory_space<vmem>> -> memref<112x6xf32, #tpu.memory_space<vmem>>
    %dma_start3A_1974 = arith.constant 0 : i32
    %dma_start3A_1975 = tpu.memref_slice %arg3[%add3A_1949, %dma_start3A_1974] : memref<100000x6xf32, #tpu.memory_space<hbm>> -> memref<112x6xf32, #tpu.memory_space<hbm>>
    tpu.enqueue_dma source(%dma_start3A_1975 : memref<112x6xf32, #tpu.memory_space<hbm>>) target(%dma_start3A_1973 : memref<112x6xf32, #tpu.memory_space<vmem>>) target_semaphore(%arg8 : memref<!tpu.dma_semaphore, #tpu.memory_space<semaphore_mem>>)
    %dma_wait3A_1976 = arith.constant 0 : i32
    %dma_wait3A_1977 = arith.constant 0 : i32
    %dma_wait3A_1978 = arith.constant 0 : i32
    %dma_wait3A_1979 = tpu.memref_slice %arg6[%dma_wait3A_1976, %dma_wait3A_1977, %dma_wait3A_1978] : memref<3x112x17xf32, #tpu.memory_space<vmem>> -> memref<1x112x17xf32, #tpu.memory_space<vmem>>
    %dma_wait3A_1980 = tpu.memref_squeeze %dma_wait3A_1979 : memref<1x112x17xf32, #tpu.memory_space<vmem>> -> memref<112x17xf32, #tpu.memory_space<vmem>>
    %dma_wait3A_1981 = arith.constant 0 : i32
    %dma_wait3A_1982 = tpu.memref_slice %arg2[%add3A_1841, %dma_wait3A_1981] : memref<100000x17xf32, #tpu.memory_space<hbm>> -> memref<112x17xf32, #tpu.memory_space<hbm>>
    %dma_wait3A_1983 = arith.constant 0 : i32
    %dma_wait3A_1984 = arith.constant 0 : i32
    %dma_wait3A_1985 = tpu.memref_slice %arg6[%dma_wait3A_1976, %dma_wait3A_1983, %dma_wait3A_1984] : memref<3x112x17xf32, #tpu.memory_space<vmem>> -> memref<1x112x17xf32, #tpu.memory_space<vmem>>
    %dma_wait3A_1986 = tpu.memref_squeeze %dma_wait3A_1985 : memref<1x112x17xf32, #tpu.memory_space<vmem>> -> memref<112x17xf32, #tpu.memory_space<vmem>>
    %dma_wait3A_1987 = arith.constant 0 : i32
    %dma_wait3A_1988 = tpu.memref_slice %arg2[%add3A_1841, %dma_wait3A_1987] : memref<100000x17xf32, #tpu.memory_space<hbm>> -> memref<112x17xf32, #tpu.memory_space<hbm>>
    tpu.wait_dma2 semaphore(%arg8 : memref<!tpu.dma_semaphore, #tpu.memory_space<semaphore_mem>>) src(%dma_wait3A_1988 : memref<112x17xf32, #tpu.memory_space<hbm>>) dst(%dma_wait3A_1986 : memref<112x17xf32, #tpu.memory_space<vmem>>)
    %dma_wait3A_1989 = arith.constant 0 : i32
    %dma_wait3A_1990 = arith.constant 0 : i32
    %dma_wait3A_1991 = arith.constant 0 : i32
    %dma_wait3A_1992 = tpu.memref_slice %arg7[%dma_wait3A_1989, %dma_wait3A_1990, %dma_wait3A_1991] : memref<3x112x6xf32, #tpu.memory_space<vmem>> -> memref<1x112x6xf32, #tpu.memory_space<vmem>>
    %dma_wait3A_1993 = tpu.memref_squeeze %dma_wait3A_1992 : memref<1x112x6xf32, #tpu.memory_space<vmem>> -> memref<112x6xf32, #tpu.memory_space<vmem>>
    %dma_wait3A_1994 = arith.constant 0 : i32
    %dma_wait3A_1995 = tpu.memref_slice %arg3[%add3A_1841, %dma_wait3A_1994] : memref<100000x6xf32, #tpu.memory_space<hbm>> -> memref<112x6xf32, #tpu.memory_space<hbm>>
    %dma_wait3A_1996 = arith.constant 0 : i32
    %dma_wait3A_1997 = arith.constant 0 : i32
    %dma_wait3A_1998 = tpu.memref_slice %arg7[%dma_wait3A_1989, %dma_wait3A_1996, %dma_wait3A_1997] : memref<3x112x6xf32, #tpu.memory_space<vmem>> -> memref<1x112x6xf32, #tpu.memory_space<vmem>>
    %dma_wait3A_1999 = tpu.memref_squeeze %dma_wait3A_1998 : memref<1x112x6xf32, #tpu.memory_space<vmem>> -> memref<112x6xf32, #tpu.memory_space<vmem>>
    %dma_wait3A_2000 = arith.constant 0 : i32
    %dma_wait3A_2001 = tpu.memref_slice %arg3[%add3A_1841, %dma_wait3A_2000] : memref<100000x6xf32, #tpu.memory_space<hbm>> -> memref<112x6xf32, #tpu.memory_space<hbm>>
    tpu.wait_dma2 semaphore(%arg8 : memref<!tpu.dma_semaphore, #tpu.memory_space<semaphore_mem>>) src(%dma_wait3A_2001 : memref<112x6xf32, #tpu.memory_space<hbm>>) dst(%dma_wait3A_1999 : memref<112x6xf32, #tpu.memory_space<vmem>>)
    %add3A_2002 = arith.constant 2016 : i32
    %add3A_2003 = arith.addi %min3A_3, %add3A_2002 : i32
    %dma_start3A_2004 = arith.constant 0 : i32
    %dma_start3A_2005 = arith.constant 0 : i32
    %dma_start3A_2006 = arith.constant 0 : i32
    %dma_start3A_2007 = tpu.memref_slice %arg6[%dma_start3A_2004, %dma_start3A_2005, %dma_start3A_2006] : memref<3x112x17xf32, #tpu.memory_space<vmem>> -> memref<1x112x17xf32, #tpu.memory_space<vmem>>
    %dma_start3A_2008 = tpu.memref_squeeze %dma_start3A_2007 : memref<1x112x17xf32, #tpu.memory_space<vmem>> -> memref<112x17xf32, #tpu.memory_space<vmem>>
    %dma_start3A_2009 = arith.constant 0 : i32
    %dma_start3A_2010 = tpu.memref_slice %arg4[%add3A_2003, %dma_start3A_2009] : memref<100000x17xf32, #tpu.memory_space<hbm>> -> memref<112x17xf32, #tpu.memory_space<hbm>>
    %dma_start3A_2011 = arith.constant 0 : i32
    %dma_start3A_2012 = tpu.memref_slice %arg4[%add3A_2003, %dma_start3A_2011] : memref<100000x17xf32, #tpu.memory_space<hbm>> -> memref<112x17xf32, #tpu.memory_space<hbm>>
    %dma_start3A_2013 = arith.constant 0 : i32
    %dma_start3A_2014 = arith.constant 0 : i32
    %dma_start3A_2015 = tpu.memref_slice %arg6[%dma_start3A_2004, %dma_start3A_2013, %dma_start3A_2014] : memref<3x112x17xf32, #tpu.memory_space<vmem>> -> memref<1x112x17xf32, #tpu.memory_space<vmem>>
    %dma_start3A_2016 = tpu.memref_squeeze %dma_start3A_2015 : memref<1x112x17xf32, #tpu.memory_space<vmem>> -> memref<112x17xf32, #tpu.memory_space<vmem>>
    tpu.enqueue_dma source(%dma_start3A_2016 : memref<112x17xf32, #tpu.memory_space<vmem>>) target(%dma_start3A_2012 : memref<112x17xf32, #tpu.memory_space<hbm>>) target_semaphore(%arg9 : memref<!tpu.dma_semaphore, #tpu.memory_space<semaphore_mem>>)
    %dma_start3A_2017 = arith.constant 0 : i32
    %dma_start3A_2018 = arith.constant 0 : i32
    %dma_start3A_2019 = arith.constant 0 : i32
    %dma_start3A_2020 = tpu.memref_slice %arg7[%dma_start3A_2017, %dma_start3A_2018, %dma_start3A_2019] : memref<3x112x6xf32, #tpu.memory_space<vmem>> -> memref<1x112x6xf32, #tpu.memory_space<vmem>>
    %dma_start3A_2021 = tpu.memref_squeeze %dma_start3A_2020 : memref<1x112x6xf32, #tpu.memory_space<vmem>> -> memref<112x6xf32, #tpu.memory_space<vmem>>
    %dma_start3A_2022 = arith.constant 0 : i32
    %dma_start3A_2023 = tpu.memref_slice %arg5[%add3A_2003, %dma_start3A_2022] : memref<100000x6xf32, #tpu.memory_space<hbm>> -> memref<112x6xf32, #tpu.memory_space<hbm>>
    %dma_start3A_2024 = arith.constant 0 : i32
    %dma_start3A_2025 = tpu.memref_slice %arg5[%add3A_2003, %dma_start3A_2024] : memref<100000x6xf32, #tpu.memory_space<hbm>> -> memref<112x6xf32, #tpu.memory_space<hbm>>
    %dma_start3A_2026 = arith.constant 0 : i32
    %dma_start3A_2027 = arith.constant 0 : i32
    %dma_start3A_2028 = tpu.memref_slice %arg7[%dma_start3A_2017, %dma_start3A_2026, %dma_start3A_2027] : memref<3x112x6xf32, #tpu.memory_space<vmem>> -> memref<1x112x6xf32, #tpu.memory_space<vmem>>
    %dma_start3A_2029 = tpu.memref_squeeze %dma_start3A_2028 : memref<1x112x6xf32, #tpu.memory_space<vmem>> -> memref<112x6xf32, #tpu.memory_space<vmem>>
    tpu.enqueue_dma source(%dma_start3A_2029 : memref<112x6xf32, #tpu.memory_space<vmem>>) target(%dma_start3A_2025 : memref<112x6xf32, #tpu.memory_space<hbm>>) target_semaphore(%arg9 : memref<!tpu.dma_semaphore, #tpu.memory_space<semaphore_mem>>)
    %dma_wait3A_2030 = arith.constant 2 : i32
    %dma_wait3A_2031 = arith.constant 0 : i32
    %dma_wait3A_2032 = arith.constant 0 : i32
    %dma_wait3A_2033 = tpu.memref_slice %arg6[%dma_wait3A_2030, %dma_wait3A_2031, %dma_wait3A_2032] : memref<3x112x17xf32, #tpu.memory_space<vmem>> -> memref<1x112x17xf32, #tpu.memory_space<vmem>>
    %dma_wait3A_2034 = tpu.memref_squeeze %dma_wait3A_2033 : memref<1x112x17xf32, #tpu.memory_space<vmem>> -> memref<112x17xf32, #tpu.memory_space<vmem>>
    %dma_wait3A_2035 = arith.constant 0 : i32
    %dma_wait3A_2036 = tpu.memref_slice %arg4[%add3A_1895, %dma_wait3A_2035] : memref<100000x17xf32, #tpu.memory_space<hbm>> -> memref<112x17xf32, #tpu.memory_space<hbm>>
    %dma_wait3A_2037 = arith.constant 0 : i32
    %dma_wait3A_2038 = tpu.memref_slice %arg4[%add3A_1895, %dma_wait3A_2037] : memref<100000x17xf32, #tpu.memory_space<hbm>> -> memref<112x17xf32, #tpu.memory_space<hbm>>
    %dma_wait3A_2039 = arith.constant 0 : i32
    %dma_wait3A_2040 = arith.constant 0 : i32
    %dma_wait3A_2041 = tpu.memref_slice %arg6[%dma_wait3A_2030, %dma_wait3A_2039, %dma_wait3A_2040] : memref<3x112x17xf32, #tpu.memory_space<vmem>> -> memref<1x112x17xf32, #tpu.memory_space<vmem>>
    %dma_wait3A_2042 = tpu.memref_squeeze %dma_wait3A_2041 : memref<1x112x17xf32, #tpu.memory_space<vmem>> -> memref<112x17xf32, #tpu.memory_space<vmem>>
    tpu.wait_dma2 semaphore(%arg9 : memref<!tpu.dma_semaphore, #tpu.memory_space<semaphore_mem>>) src(%dma_wait3A_2042 : memref<112x17xf32, #tpu.memory_space<vmem>>) dst(%dma_wait3A_2038 : memref<112x17xf32, #tpu.memory_space<hbm>>)
    %dma_wait3A_2043 = arith.constant 2 : i32
    %dma_wait3A_2044 = arith.constant 0 : i32
    %dma_wait3A_2045 = arith.constant 0 : i32
    %dma_wait3A_2046 = tpu.memref_slice %arg7[%dma_wait3A_2043, %dma_wait3A_2044, %dma_wait3A_2045] : memref<3x112x6xf32, #tpu.memory_space<vmem>> -> memref<1x112x6xf32, #tpu.memory_space<vmem>>
    %dma_wait3A_2047 = tpu.memref_squeeze %dma_wait3A_2046 : memref<1x112x6xf32, #tpu.memory_space<vmem>> -> memref<112x6xf32, #tpu.memory_space<vmem>>
    %dma_wait3A_2048 = arith.constant 0 : i32
    %dma_wait3A_2049 = tpu.memref_slice %arg5[%add3A_1895, %dma_wait3A_2048] : memref<100000x6xf32, #tpu.memory_space<hbm>> -> memref<112x6xf32, #tpu.memory_space<hbm>>
    %dma_wait3A_2050 = arith.constant 0 : i32
    %dma_wait3A_2051 = tpu.memref_slice %arg5[%add3A_1895, %dma_wait3A_2050] : memref<100000x6xf32, #tpu.memory_space<hbm>> -> memref<112x6xf32, #tpu.memory_space<hbm>>
    %dma_wait3A_2052 = arith.constant 0 : i32
    %dma_wait3A_2053 = arith.constant 0 : i32
    %dma_wait3A_2054 = tpu.memref_slice %arg7[%dma_wait3A_2043, %dma_wait3A_2052, %dma_wait3A_2053] : memref<3x112x6xf32, #tpu.memory_space<vmem>> -> memref<1x112x6xf32, #tpu.memory_space<vmem>>
    %dma_wait3A_2055 = tpu.memref_squeeze %dma_wait3A_2054 : memref<1x112x6xf32, #tpu.memory_space<vmem>> -> memref<112x6xf32, #tpu.memory_space<vmem>>
    tpu.wait_dma2 semaphore(%arg9 : memref<!tpu.dma_semaphore, #tpu.memory_space<semaphore_mem>>) src(%dma_wait3A_2055 : memref<112x6xf32, #tpu.memory_space<vmem>>) dst(%dma_wait3A_2051 : memref<112x6xf32, #tpu.memory_space<hbm>>)
    %add3A_2056 = arith.constant 2240 : i32
    %add3A_2057 = arith.addi %min3A_3, %add3A_2056 : i32
    %dma_start3A_2058 = arith.constant 2 : i32
    %dma_start3A_2059 = arith.constant 0 : i32
    %dma_start3A_2060 = arith.constant 0 : i32
    %dma_start3A_2061 = tpu.memref_slice %arg6[%dma_start3A_2058, %dma_start3A_2059, %dma_start3A_2060] : memref<3x112x17xf32, #tpu.memory_space<vmem>> -> memref<1x112x17xf32, #tpu.memory_space<vmem>>
    %dma_start3A_2062 = tpu.memref_squeeze %dma_start3A_2061 : memref<1x112x17xf32, #tpu.memory_space<vmem>> -> memref<112x17xf32, #tpu.memory_space<vmem>>
    %dma_start3A_2063 = arith.constant 0 : i32
    %dma_start3A_2064 = tpu.memref_slice %arg2[%add3A_2057, %dma_start3A_2063] : memref<100000x17xf32, #tpu.memory_space<hbm>> -> memref<112x17xf32, #tpu.memory_space<hbm>>
    %dma_start3A_2065 = arith.constant 0 : i32
    %dma_start3A_2066 = arith.constant 0 : i32
    %dma_start3A_2067 = tpu.memref_slice %arg6[%dma_start3A_2058, %dma_start3A_2065, %dma_start3A_2066] : memref<3x112x17xf32, #tpu.memory_space<vmem>> -> memref<1x112x17xf32, #tpu.memory_space<vmem>>
    %dma_start3A_2068 = tpu.memref_squeeze %dma_start3A_2067 : memref<1x112x17xf32, #tpu.memory_space<vmem>> -> memref<112x17xf32, #tpu.memory_space<vmem>>
    %dma_start3A_2069 = arith.constant 0 : i32
    %dma_start3A_2070 = tpu.memref_slice %arg2[%add3A_2057, %dma_start3A_2069] : memref<100000x17xf32, #tpu.memory_space<hbm>> -> memref<112x17xf32, #tpu.memory_space<hbm>>
    tpu.enqueue_dma source(%dma_start3A_2070 : memref<112x17xf32, #tpu.memory_space<hbm>>) target(%dma_start3A_2068 : memref<112x17xf32, #tpu.memory_space<vmem>>) target_semaphore(%arg8 : memref<!tpu.dma_semaphore, #tpu.memory_space<semaphore_mem>>)
    %dma_start3A_2071 = arith.constant 2 : i32
    %dma_start3A_2072 = arith.constant 0 : i32
    %dma_start3A_2073 = arith.constant 0 : i32
    %dma_start3A_2074 = tpu.memref_slice %arg7[%dma_start3A_2071, %dma_start3A_2072, %dma_start3A_2073] : memref<3x112x6xf32, #tpu.memory_space<vmem>> -> memref<1x112x6xf32, #tpu.memory_space<vmem>>
    %dma_start3A_2075 = tpu.memref_squeeze %dma_start3A_2074 : memref<1x112x6xf32, #tpu.memory_space<vmem>> -> memref<112x6xf32, #tpu.memory_space<vmem>>
    %dma_start3A_2076 = arith.constant 0 : i32
    %dma_start3A_2077 = tpu.memref_slice %arg3[%add3A_2057, %dma_start3A_2076] : memref<100000x6xf32, #tpu.memory_space<hbm>> -> memref<112x6xf32, #tpu.memory_space<hbm>>
    %dma_start3A_2078 = arith.constant 0 : i32
    %dma_start3A_2079 = arith.constant 0 : i32
    %dma_start3A_2080 = tpu.memref_slice %arg7[%dma_start3A_2071, %dma_start3A_2078, %dma_start3A_2079] : memref<3x112x6xf32, #tpu.memory_space<vmem>> -> memref<1x112x6xf32, #tpu.memory_space<vmem>>
    %dma_start3A_2081 = tpu.memref_squeeze %dma_start3A_2080 : memref<1x112x6xf32, #tpu.memory_space<vmem>> -> memref<112x6xf32, #tpu.memory_space<vmem>>
    %dma_start3A_2082 = arith.constant 0 : i32
    %dma_start3A_2083 = tpu.memref_slice %arg3[%add3A_2057, %dma_start3A_2082] : memref<100000x6xf32, #tpu.memory_space<hbm>> -> memref<112x6xf32, #tpu.memory_space<hbm>>
    tpu.enqueue_dma source(%dma_start3A_2083 : memref<112x6xf32, #tpu.memory_space<hbm>>) target(%dma_start3A_2081 : memref<112x6xf32, #tpu.memory_space<vmem>>) target_semaphore(%arg8 : memref<!tpu.dma_semaphore, #tpu.memory_space<semaphore_mem>>)
    %dma_wait3A_2084 = arith.constant 1 : i32
    %dma_wait3A_2085 = arith.constant 0 : i32
    %dma_wait3A_2086 = arith.constant 0 : i32
    %dma_wait3A_2087 = tpu.memref_slice %arg6[%dma_wait3A_2084, %dma_wait3A_2085, %dma_wait3A_2086] : memref<3x112x17xf32, #tpu.memory_space<vmem>> -> memref<1x112x17xf32, #tpu.memory_space<vmem>>
    %dma_wait3A_2088 = tpu.memref_squeeze %dma_wait3A_2087 : memref<1x112x17xf32, #tpu.memory_space<vmem>> -> memref<112x17xf32, #tpu.memory_space<vmem>>
    %dma_wait3A_2089 = arith.constant 0 : i32
    %dma_wait3A_2090 = tpu.memref_slice %arg2[%add3A_1949, %dma_wait3A_2089] : memref<100000x17xf32, #tpu.memory_space<hbm>> -> memref<112x17xf32, #tpu.memory_space<hbm>>
    %dma_wait3A_2091 = arith.constant 0 : i32
    %dma_wait3A_2092 = arith.constant 0 : i32
    %dma_wait3A_2093 = tpu.memref_slice %arg6[%dma_wait3A_2084, %dma_wait3A_2091, %dma_wait3A_2092] : memref<3x112x17xf32, #tpu.memory_space<vmem>> -> memref<1x112x17xf32, #tpu.memory_space<vmem>>
    %dma_wait3A_2094 = tpu.memref_squeeze %dma_wait3A_2093 : memref<1x112x17xf32, #tpu.memory_space<vmem>> -> memref<112x17xf32, #tpu.memory_space<vmem>>
    %dma_wait3A_2095 = arith.constant 0 : i32
    %dma_wait3A_2096 = tpu.memref_slice %arg2[%add3A_1949, %dma_wait3A_2095] : memref<100000x17xf32, #tpu.memory_space<hbm>> -> memref<112x17xf32, #tpu.memory_space<hbm>>
    tpu.wait_dma2 semaphore(%arg8 : memref<!tpu.dma_semaphore, #tpu.memory_space<semaphore_mem>>) src(%dma_wait3A_2096 : memref<112x17xf32, #tpu.memory_space<hbm>>) dst(%dma_wait3A_2094 : memref<112x17xf32, #tpu.memory_space<vmem>>)
    %dma_wait3A_2097 = arith.constant 1 : i32
    %dma_wait3A_2098 = arith.constant 0 : i32
    %dma_wait3A_2099 = arith.constant 0 : i32
    %dma_wait3A_2100 = tpu.memref_slice %arg7[%dma_wait3A_2097, %dma_wait3A_2098, %dma_wait3A_2099] : memref<3x112x6xf32, #tpu.memory_space<vmem>> -> memref<1x112x6xf32, #tpu.memory_space<vmem>>
    %dma_wait3A_2101 = tpu.memref_squeeze %dma_wait3A_2100 : memref<1x112x6xf32, #tpu.memory_space<vmem>> -> memref<112x6xf32, #tpu.memory_space<vmem>>
    %dma_wait3A_2102 = arith.constant 0 : i32
    %dma_wait3A_2103 = tpu.memref_slice %arg3[%add3A_1949, %dma_wait3A_2102] : memref<100000x6xf32, #tpu.memory_space<hbm>> -> memref<112x6xf32, #tpu.memory_space<hbm>>
    %dma_wait3A_2104 = arith.constant 0 : i32
    %dma_wait3A_2105 = arith.constant 0 : i32
    %dma_wait3A_2106 = tpu.memref_slice %arg7[%dma_wait3A_2097, %dma_wait3A_2104, %dma_wait3A_2105] : memref<3x112x6xf32, #tpu.memory_space<vmem>> -> memref<1x112x6xf32, #tpu.memory_space<vmem>>
    %dma_wait3A_2107 = tpu.memref_squeeze %dma_wait3A_2106 : memref<1x112x6xf32, #tpu.memory_space<vmem>> -> memref<112x6xf32, #tpu.memory_space<vmem>>
    %dma_wait3A_2108 = arith.constant 0 : i32
    %dma_wait3A_2109 = tpu.memref_slice %arg3[%add3A_1949, %dma_wait3A_2108] : memref<100000x6xf32, #tpu.memory_space<hbm>> -> memref<112x6xf32, #tpu.memory_space<hbm>>
    tpu.wait_dma2 semaphore(%arg8 : memref<!tpu.dma_semaphore, #tpu.memory_space<semaphore_mem>>) src(%dma_wait3A_2109 : memref<112x6xf32, #tpu.memory_space<hbm>>) dst(%dma_wait3A_2107 : memref<112x6xf32, #tpu.memory_space<vmem>>)
    %add3A_2110 = arith.constant 2128 : i32
    %add3A_2111 = arith.addi %min3A_3, %add3A_2110 : i32
    %dma_start3A_2112 = arith.constant 1 : i32
    %dma_start3A_2113 = arith.constant 0 : i32
    %dma_start3A_2114 = arith.constant 0 : i32
    %dma_start3A_2115 = tpu.memref_slice %arg6[%dma_start3A_2112, %dma_start3A_2113, %dma_start3A_2114] : memref<3x112x17xf32, #tpu.memory_space<vmem>> -> memref<1x112x17xf32, #tpu.memory_space<vmem>>
    %dma_start3A_2116 = tpu.memref_squeeze %dma_start3A_2115 : memref<1x112x17xf32, #tpu.memory_space<vmem>> -> memref<112x17xf32, #tpu.memory_space<vmem>>
    %dma_start3A_2117 = arith.constant 0 : i32
    %dma_start3A_2118 = tpu.memref_slice %arg4[%add3A_2111, %dma_start3A_2117] : memref<100000x17xf32, #tpu.memory_space<hbm>> -> memref<112x17xf32, #tpu.memory_space<hbm>>
    %dma_start3A_2119 = arith.constant 0 : i32
    %dma_start3A_2120 = tpu.memref_slice %arg4[%add3A_2111, %dma_start3A_2119] : memref<100000x17xf32, #tpu.memory_space<hbm>> -> memref<112x17xf32, #tpu.memory_space<hbm>>
    %dma_start3A_2121 = arith.constant 0 : i32
    %dma_start3A_2122 = arith.constant 0 : i32
    %dma_start3A_2123 = tpu.memref_slice %arg6[%dma_start3A_2112, %dma_start3A_2121, %dma_start3A_2122] : memref<3x112x17xf32, #tpu.memory_space<vmem>> -> memref<1x112x17xf32, #tpu.memory_space<vmem>>
    %dma_start3A_2124 = tpu.memref_squeeze %dma_start3A_2123 : memref<1x112x17xf32, #tpu.memory_space<vmem>> -> memref<112x17xf32, #tpu.memory_space<vmem>>
    tpu.enqueue_dma source(%dma_start3A_2124 : memref<112x17xf32, #tpu.memory_space<vmem>>) target(%dma_start3A_2120 : memref<112x17xf32, #tpu.memory_space<hbm>>) target_semaphore(%arg9 : memref<!tpu.dma_semaphore, #tpu.memory_space<semaphore_mem>>)
    %dma_start3A_2125 = arith.constant 1 : i32
    %dma_start3A_2126 = arith.constant 0 : i32
    %dma_start3A_2127 = arith.constant 0 : i32
    %dma_start3A_2128 = tpu.memref_slice %arg7[%dma_start3A_2125, %dma_start3A_2126, %dma_start3A_2127] : memref<3x112x6xf32, #tpu.memory_space<vmem>> -> memref<1x112x6xf32, #tpu.memory_space<vmem>>
    %dma_start3A_2129 = tpu.memref_squeeze %dma_start3A_2128 : memref<1x112x6xf32, #tpu.memory_space<vmem>> -> memref<112x6xf32, #tpu.memory_space<vmem>>
    %dma_start3A_2130 = arith.constant 0 : i32
    %dma_start3A_2131 = tpu.memref_slice %arg5[%add3A_2111, %dma_start3A_2130] : memref<100000x6xf32, #tpu.memory_space<hbm>> -> memref<112x6xf32, #tpu.memory_space<hbm>>
    %dma_start3A_2132 = arith.constant 0 : i32
    %dma_start3A_2133 = tpu.memref_slice %arg5[%add3A_2111, %dma_start3A_2132] : memref<100000x6xf32, #tpu.memory_space<hbm>> -> memref<112x6xf32, #tpu.memory_space<hbm>>
    %dma_start3A_2134 = arith.constant 0 : i32
    %dma_start3A_2135 = arith.constant 0 : i32
    %dma_start3A_2136 = tpu.memref_slice %arg7[%dma_start3A_2125, %dma_start3A_2134, %dma_start3A_2135] : memref<3x112x6xf32, #tpu.memory_space<vmem>> -> memref<1x112x6xf32, #tpu.memory_space<vmem>>
    %dma_start3A_2137 = tpu.memref_squeeze %dma_start3A_2136 : memref<1x112x6xf32, #tpu.memory_space<vmem>> -> memref<112x6xf32, #tpu.memory_space<vmem>>
    tpu.enqueue_dma source(%dma_start3A_2137 : memref<112x6xf32, #tpu.memory_space<vmem>>) target(%dma_start3A_2133 : memref<112x6xf32, #tpu.memory_space<hbm>>) target_semaphore(%arg9 : memref<!tpu.dma_semaphore, #tpu.memory_space<semaphore_mem>>)
    %dma_wait3A_2138 = arith.constant 0 : i32
    %dma_wait3A_2139 = arith.constant 0 : i32
    %dma_wait3A_2140 = arith.constant 0 : i32
    %dma_wait3A_2141 = tpu.memref_slice %arg6[%dma_wait3A_2138, %dma_wait3A_2139, %dma_wait3A_2140] : memref<3x112x17xf32, #tpu.memory_space<vmem>> -> memref<1x112x17xf32, #tpu.memory_space<vmem>>
    %dma_wait3A_2142 = tpu.memref_squeeze %dma_wait3A_2141 : memref<1x112x17xf32, #tpu.memory_space<vmem>> -> memref<112x17xf32, #tpu.memory_space<vmem>>
    %dma_wait3A_2143 = arith.constant 0 : i32
    %dma_wait3A_2144 = tpu.memref_slice %arg4[%add3A_2003, %dma_wait3A_2143] : memref<100000x17xf32, #tpu.memory_space<hbm>> -> memref<112x17xf32, #tpu.memory_space<hbm>>
    %dma_wait3A_2145 = arith.constant 0 : i32
    %dma_wait3A_2146 = tpu.memref_slice %arg4[%add3A_2003, %dma_wait3A_2145] : memref<100000x17xf32, #tpu.memory_space<hbm>> -> memref<112x17xf32, #tpu.memory_space<hbm>>
    %dma_wait3A_2147 = arith.constant 0 : i32
    %dma_wait3A_2148 = arith.constant 0 : i32
    %dma_wait3A_2149 = tpu.memref_slice %arg6[%dma_wait3A_2138, %dma_wait3A_2147, %dma_wait3A_2148] : memref<3x112x17xf32, #tpu.memory_space<vmem>> -> memref<1x112x17xf32, #tpu.memory_space<vmem>>
    %dma_wait3A_2150 = tpu.memref_squeeze %dma_wait3A_2149 : memref<1x112x17xf32, #tpu.memory_space<vmem>> -> memref<112x17xf32, #tpu.memory_space<vmem>>
    tpu.wait_dma2 semaphore(%arg9 : memref<!tpu.dma_semaphore, #tpu.memory_space<semaphore_mem>>) src(%dma_wait3A_2150 : memref<112x17xf32, #tpu.memory_space<vmem>>) dst(%dma_wait3A_2146 : memref<112x17xf32, #tpu.memory_space<hbm>>)
    %dma_wait3A_2151 = arith.constant 0 : i32
    %dma_wait3A_2152 = arith.constant 0 : i32
    %dma_wait3A_2153 = arith.constant 0 : i32
    %dma_wait3A_2154 = tpu.memref_slice %arg7[%dma_wait3A_2151, %dma_wait3A_2152, %dma_wait3A_2153] : memref<3x112x6xf32, #tpu.memory_space<vmem>> -> memref<1x112x6xf32, #tpu.memory_space<vmem>>
    %dma_wait3A_2155 = tpu.memref_squeeze %dma_wait3A_2154 : memref<1x112x6xf32, #tpu.memory_space<vmem>> -> memref<112x6xf32, #tpu.memory_space<vmem>>
    %dma_wait3A_2156 = arith.constant 0 : i32
    %dma_wait3A_2157 = tpu.memref_slice %arg5[%add3A_2003, %dma_wait3A_2156] : memref<100000x6xf32, #tpu.memory_space<hbm>> -> memref<112x6xf32, #tpu.memory_space<hbm>>
    %dma_wait3A_2158 = arith.constant 0 : i32
    %dma_wait3A_2159 = tpu.memref_slice %arg5[%add3A_2003, %dma_wait3A_2158] : memref<100000x6xf32, #tpu.memory_space<hbm>> -> memref<112x6xf32, #tpu.memory_space<hbm>>
    %dma_wait3A_2160 = arith.constant 0 : i32
    %dma_wait3A_2161 = arith.constant 0 : i32
    %dma_wait3A_2162 = tpu.memref_slice %arg7[%dma_wait3A_2151, %dma_wait3A_2160, %dma_wait3A_2161] : memref<3x112x6xf32, #tpu.memory_space<vmem>> -> memref<1x112x6xf32, #tpu.memory_space<vmem>>
    %dma_wait3A_2163 = tpu.memref_squeeze %dma_wait3A_2162 : memref<1x112x6xf32, #tpu.memory_space<vmem>> -> memref<112x6xf32, #tpu.memory_space<vmem>>
    tpu.wait_dma2 semaphore(%arg9 : memref<!tpu.dma_semaphore, #tpu.memory_space<semaphore_mem>>) src(%dma_wait3A_2163 : memref<112x6xf32, #tpu.memory_space<vmem>>) dst(%dma_wait3A_2159 : memref<112x6xf32, #tpu.memory_space<hbm>>)
    %add3A_2164 = arith.constant 2352 : i32
    %add3A_2165 = arith.addi %min3A_3, %add3A_2164 : i32
    %dma_start3A_2166 = arith.constant 0 : i32
    %dma_start3A_2167 = arith.constant 0 : i32
    %dma_start3A_2168 = arith.constant 0 : i32
    %dma_start3A_2169 = tpu.memref_slice %arg6[%dma_start3A_2166, %dma_start3A_2167, %dma_start3A_2168] : memref<3x112x17xf32, #tpu.memory_space<vmem>> -> memref<1x112x17xf32, #tpu.memory_space<vmem>>
    %dma_start3A_2170 = tpu.memref_squeeze %dma_start3A_2169 : memref<1x112x17xf32, #tpu.memory_space<vmem>> -> memref<112x17xf32, #tpu.memory_space<vmem>>
    %dma_start3A_2171 = arith.constant 0 : i32
    %dma_start3A_2172 = tpu.memref_slice %arg2[%add3A_2165, %dma_start3A_2171] : memref<100000x17xf32, #tpu.memory_space<hbm>> -> memref<112x17xf32, #tpu.memory_space<hbm>>
    %dma_start3A_2173 = arith.constant 0 : i32
    %dma_start3A_2174 = arith.constant 0 : i32
    %dma_start3A_2175 = tpu.memref_slice %arg6[%dma_start3A_2166, %dma_start3A_2173, %dma_start3A_2174] : memref<3x112x17xf32, #tpu.memory_space<vmem>> -> memref<1x112x17xf32, #tpu.memory_space<vmem>>
    %dma_start3A_2176 = tpu.memref_squeeze %dma_start3A_2175 : memref<1x112x17xf32, #tpu.memory_space<vmem>> -> memref<112x17xf32, #tpu.memory_space<vmem>>
    %dma_start3A_2177 = arith.constant 0 : i32
    %dma_start3A_2178 = tpu.memref_slice %arg2[%add3A_2165, %dma_start3A_2177] : memref<100000x17xf32, #tpu.memory_space<hbm>> -> memref<112x17xf32, #tpu.memory_space<hbm>>
    tpu.enqueue_dma source(%dma_start3A_2178 : memref<112x17xf32, #tpu.memory_space<hbm>>) target(%dma_start3A_2176 : memref<112x17xf32, #tpu.memory_space<vmem>>) target_semaphore(%arg8 : memref<!tpu.dma_semaphore, #tpu.memory_space<semaphore_mem>>)
    %dma_start3A_2179 = arith.constant 0 : i32
    %dma_start3A_2180 = arith.constant 0 : i32
    %dma_start3A_2181 = arith.constant 0 : i32
    %dma_start3A_2182 = tpu.memref_slice %arg7[%dma_start3A_2179, %dma_start3A_2180, %dma_start3A_2181] : memref<3x112x6xf32, #tpu.memory_space<vmem>> -> memref<1x112x6xf32, #tpu.memory_space<vmem>>
    %dma_start3A_2183 = tpu.memref_squeeze %dma_start3A_2182 : memref<1x112x6xf32, #tpu.memory_space<vmem>> -> memref<112x6xf32, #tpu.memory_space<vmem>>
    %dma_start3A_2184 = arith.constant 0 : i32
    %dma_start3A_2185 = tpu.memref_slice %arg3[%add3A_2165, %dma_start3A_2184] : memref<100000x6xf32, #tpu.memory_space<hbm>> -> memref<112x6xf32, #tpu.memory_space<hbm>>
    %dma_start3A_2186 = arith.constant 0 : i32
    %dma_start3A_2187 = arith.constant 0 : i32
    %dma_start3A_2188 = tpu.memref_slice %arg7[%dma_start3A_2179, %dma_start3A_2186, %dma_start3A_2187] : memref<3x112x6xf32, #tpu.memory_space<vmem>> -> memref<1x112x6xf32, #tpu.memory_space<vmem>>
    %dma_start3A_2189 = tpu.memref_squeeze %dma_start3A_2188 : memref<1x112x6xf32, #tpu.memory_space<vmem>> -> memref<112x6xf32, #tpu.memory_space<vmem>>
    %dma_start3A_2190 = arith.constant 0 : i32
    %dma_start3A_2191 = tpu.memref_slice %arg3[%add3A_2165, %dma_start3A_2190] : memref<100000x6xf32, #tpu.memory_space<hbm>> -> memref<112x6xf32, #tpu.memory_space<hbm>>
    tpu.enqueue_dma source(%dma_start3A_2191 : memref<112x6xf32, #tpu.memory_space<hbm>>) target(%dma_start3A_2189 : memref<112x6xf32, #tpu.memory_space<vmem>>) target_semaphore(%arg8 : memref<!tpu.dma_semaphore, #tpu.memory_space<semaphore_mem>>)
    %dma_wait3A_2192 = arith.constant 2 : i32
    %dma_wait3A_2193 = arith.constant 0 : i32
    %dma_wait3A_2194 = arith.constant 0 : i32
    %dma_wait3A_2195 = tpu.memref_slice %arg6[%dma_wait3A_2192, %dma_wait3A_2193, %dma_wait3A_2194] : memref<3x112x17xf32, #tpu.memory_space<vmem>> -> memref<1x112x17xf32, #tpu.memory_space<vmem>>
    %dma_wait3A_2196 = tpu.memref_squeeze %dma_wait3A_2195 : memref<1x112x17xf32, #tpu.memory_space<vmem>> -> memref<112x17xf32, #tpu.memory_space<vmem>>
    %dma_wait3A_2197 = arith.constant 0 : i32
    %dma_wait3A_2198 = tpu.memref_slice %arg2[%add3A_2057, %dma_wait3A_2197] : memref<100000x17xf32, #tpu.memory_space<hbm>> -> memref<112x17xf32, #tpu.memory_space<hbm>>
    %dma_wait3A_2199 = arith.constant 0 : i32
    %dma_wait3A_2200 = arith.constant 0 : i32
    %dma_wait3A_2201 = tpu.memref_slice %arg6[%dma_wait3A_2192, %dma_wait3A_2199, %dma_wait3A_2200] : memref<3x112x17xf32, #tpu.memory_space<vmem>> -> memref<1x112x17xf32, #tpu.memory_space<vmem>>
    %dma_wait3A_2202 = tpu.memref_squeeze %dma_wait3A_2201 : memref<1x112x17xf32, #tpu.memory_space<vmem>> -> memref<112x17xf32, #tpu.memory_space<vmem>>
    %dma_wait3A_2203 = arith.constant 0 : i32
    %dma_wait3A_2204 = tpu.memref_slice %arg2[%add3A_2057, %dma_wait3A_2203] : memref<100000x17xf32, #tpu.memory_space<hbm>> -> memref<112x17xf32, #tpu.memory_space<hbm>>
    tpu.wait_dma2 semaphore(%arg8 : memref<!tpu.dma_semaphore, #tpu.memory_space<semaphore_mem>>) src(%dma_wait3A_2204 : memref<112x17xf32, #tpu.memory_space<hbm>>) dst(%dma_wait3A_2202 : memref<112x17xf32, #tpu.memory_space<vmem>>)
    %dma_wait3A_2205 = arith.constant 2 : i32
    %dma_wait3A_2206 = arith.constant 0 : i32
    %dma_wait3A_2207 = arith.constant 0 : i32
    %dma_wait3A_2208 = tpu.memref_slice %arg7[%dma_wait3A_2205, %dma_wait3A_2206, %dma_wait3A_2207] : memref<3x112x6xf32, #tpu.memory_space<vmem>> -> memref<1x112x6xf32, #tpu.memory_space<vmem>>
    %dma_wait3A_2209 = tpu.memref_squeeze %dma_wait3A_2208 : memref<1x112x6xf32, #tpu.memory_space<vmem>> -> memref<112x6xf32, #tpu.memory_space<vmem>>
    %dma_wait3A_2210 = arith.constant 0 : i32
    %dma_wait3A_2211 = tpu.memref_slice %arg3[%add3A_2057, %dma_wait3A_2210] : memref<100000x6xf32, #tpu.memory_space<hbm>> -> memref<112x6xf32, #tpu.memory_space<hbm>>
    %dma_wait3A_2212 = arith.constant 0 : i32
    %dma_wait3A_2213 = arith.constant 0 : i32
    %dma_wait3A_2214 = tpu.memref_slice %arg7[%dma_wait3A_2205, %dma_wait3A_2212, %dma_wait3A_2213] : memref<3x112x6xf32, #tpu.memory_space<vmem>> -> memref<1x112x6xf32, #tpu.memory_space<vmem>>
    %dma_wait3A_2215 = tpu.memref_squeeze %dma_wait3A_2214 : memref<1x112x6xf32, #tpu.memory_space<vmem>> -> memref<112x6xf32, #tpu.memory_space<vmem>>
    %dma_wait3A_2216 = arith.constant 0 : i32
    %dma_wait3A_2217 = tpu.memref_slice %arg3[%add3A_2057, %dma_wait3A_2216] : memref<100000x6xf32, #tpu.memory_space<hbm>> -> memref<112x6xf32, #tpu.memory_space<hbm>>
    tpu.wait_dma2 semaphore(%arg8 : memref<!tpu.dma_semaphore, #tpu.memory_space<semaphore_mem>>) src(%dma_wait3A_2217 : memref<112x6xf32, #tpu.memory_space<hbm>>) dst(%dma_wait3A_2215 : memref<112x6xf32, #tpu.memory_space<vmem>>)
    %add3A_2218 = arith.constant 2240 : i32
    %add3A_2219 = arith.addi %min3A_3, %add3A_2218 : i32
    %dma_start3A_2220 = arith.constant 2 : i32
    %dma_start3A_2221 = arith.constant 0 : i32
    %dma_start3A_2222 = arith.constant 0 : i32
    %dma_start3A_2223 = tpu.memref_slice %arg6[%dma_start3A_2220, %dma_start3A_2221, %dma_start3A_2222] : memref<3x112x17xf32, #tpu.memory_space<vmem>> -> memref<1x112x17xf32, #tpu.memory_space<vmem>>
    %dma_start3A_2224 = tpu.memref_squeeze %dma_start3A_2223 : memref<1x112x17xf32, #tpu.memory_space<vmem>> -> memref<112x17xf32, #tpu.memory_space<vmem>>
    %dma_start3A_2225 = arith.constant 0 : i32
    %dma_start3A_2226 = tpu.memref_slice %arg4[%add3A_2219, %dma_start3A_2225] : memref<100000x17xf32, #tpu.memory_space<hbm>> -> memref<112x17xf32, #tpu.memory_space<hbm>>
    %dma_start3A_2227 = arith.constant 0 : i32
    %dma_start3A_2228 = tpu.memref_slice %arg4[%add3A_2219, %dma_start3A_2227] : memref<100000x17xf32, #tpu.memory_space<hbm>> -> memref<112x17xf32, #tpu.memory_space<hbm>>
    %dma_start3A_2229 = arith.constant 0 : i32
    %dma_start3A_2230 = arith.constant 0 : i32
    %dma_start3A_2231 = tpu.memref_slice %arg6[%dma_start3A_2220, %dma_start3A_2229, %dma_start3A_2230] : memref<3x112x17xf32, #tpu.memory_space<vmem>> -> memref<1x112x17xf32, #tpu.memory_space<vmem>>
    %dma_start3A_2232 = tpu.memref_squeeze %dma_start3A_2231 : memref<1x112x17xf32, #tpu.memory_space<vmem>> -> memref<112x17xf32, #tpu.memory_space<vmem>>
    tpu.enqueue_dma source(%dma_start3A_2232 : memref<112x17xf32, #tpu.memory_space<vmem>>) target(%dma_start3A_2228 : memref<112x17xf32, #tpu.memory_space<hbm>>) target_semaphore(%arg9 : memref<!tpu.dma_semaphore, #tpu.memory_space<semaphore_mem>>)
    %dma_start3A_2233 = arith.constant 2 : i32
    %dma_start3A_2234 = arith.constant 0 : i32
    %dma_start3A_2235 = arith.constant 0 : i32
    %dma_start3A_2236 = tpu.memref_slice %arg7[%dma_start3A_2233, %dma_start3A_2234, %dma_start3A_2235] : memref<3x112x6xf32, #tpu.memory_space<vmem>> -> memref<1x112x6xf32, #tpu.memory_space<vmem>>
    %dma_start3A_2237 = tpu.memref_squeeze %dma_start3A_2236 : memref<1x112x6xf32, #tpu.memory_space<vmem>> -> memref<112x6xf32, #tpu.memory_space<vmem>>
    %dma_start3A_2238 = arith.constant 0 : i32
    %dma_start3A_2239 = tpu.memref_slice %arg5[%add3A_2219, %dma_start3A_2238] : memref<100000x6xf32, #tpu.memory_space<hbm>> -> memref<112x6xf32, #tpu.memory_space<hbm>>
    %dma_start3A_2240 = arith.constant 0 : i32
    %dma_start3A_2241 = tpu.memref_slice %arg5[%add3A_2219, %dma_start3A_2240] : memref<100000x6xf32, #tpu.memory_space<hbm>> -> memref<112x6xf32, #tpu.memory_space<hbm>>
    %dma_start3A_2242 = arith.constant 0 : i32
    %dma_start3A_2243 = arith.constant 0 : i32
    %dma_start3A_2244 = tpu.memref_slice %arg7[%dma_start3A_2233, %dma_start3A_2242, %dma_start3A_2243] : memref<3x112x6xf32, #tpu.memory_space<vmem>> -> memref<1x112x6xf32, #tpu.memory_space<vmem>>
    %dma_start3A_2245 = tpu.memref_squeeze %dma_start3A_2244 : memref<1x112x6xf32, #tpu.memory_space<vmem>> -> memref<112x6xf32, #tpu.memory_space<vmem>>
    tpu.enqueue_dma source(%dma_start3A_2245 : memref<112x6xf32, #tpu.memory_space<vmem>>) target(%dma_start3A_2241 : memref<112x6xf32, #tpu.memory_space<hbm>>) target_semaphore(%arg9 : memref<!tpu.dma_semaphore, #tpu.memory_space<semaphore_mem>>)
    %dma_wait3A_2246 = arith.constant 1 : i32
    %dma_wait3A_2247 = arith.constant 0 : i32
    %dma_wait3A_2248 = arith.constant 0 : i32
    %dma_wait3A_2249 = tpu.memref_slice %arg6[%dma_wait3A_2246, %dma_wait3A_2247, %dma_wait3A_2248] : memref<3x112x17xf32, #tpu.memory_space<vmem>> -> memref<1x112x17xf32, #tpu.memory_space<vmem>>
    %dma_wait3A_2250 = tpu.memref_squeeze %dma_wait3A_2249 : memref<1x112x17xf32, #tpu.memory_space<vmem>> -> memref<112x17xf32, #tpu.memory_space<vmem>>
    %dma_wait3A_2251 = arith.constant 0 : i32
    %dma_wait3A_2252 = tpu.memref_slice %arg4[%add3A_2111, %dma_wait3A_2251] : memref<100000x17xf32, #tpu.memory_space<hbm>> -> memref<112x17xf32, #tpu.memory_space<hbm>>
    %dma_wait3A_2253 = arith.constant 0 : i32
    %dma_wait3A_2254 = tpu.memref_slice %arg4[%add3A_2111, %dma_wait3A_2253] : memref<100000x17xf32, #tpu.memory_space<hbm>> -> memref<112x17xf32, #tpu.memory_space<hbm>>
    %dma_wait3A_2255 = arith.constant 0 : i32
    %dma_wait3A_2256 = arith.constant 0 : i32
    %dma_wait3A_2257 = tpu.memref_slice %arg6[%dma_wait3A_2246, %dma_wait3A_2255, %dma_wait3A_2256] : memref<3x112x17xf32, #tpu.memory_space<vmem>> -> memref<1x112x17xf32, #tpu.memory_space<vmem>>
    %dma_wait3A_2258 = tpu.memref_squeeze %dma_wait3A_2257 : memref<1x112x17xf32, #tpu.memory_space<vmem>> -> memref<112x17xf32, #tpu.memory_space<vmem>>
    tpu.wait_dma2 semaphore(%arg9 : memref<!tpu.dma_semaphore, #tpu.memory_space<semaphore_mem>>) src(%dma_wait3A_2258 : memref<112x17xf32, #tpu.memory_space<vmem>>) dst(%dma_wait3A_2254 : memref<112x17xf32, #tpu.memory_space<hbm>>)
    %dma_wait3A_2259 = arith.constant 1 : i32
    %dma_wait3A_2260 = arith.constant 0 : i32
    %dma_wait3A_2261 = arith.constant 0 : i32
    %dma_wait3A_2262 = tpu.memref_slice %arg7[%dma_wait3A_2259, %dma_wait3A_2260, %dma_wait3A_2261] : memref<3x112x6xf32, #tpu.memory_space<vmem>> -> memref<1x112x6xf32, #tpu.memory_space<vmem>>
    %dma_wait3A_2263 = tpu.memref_squeeze %dma_wait3A_2262 : memref<1x112x6xf32, #tpu.memory_space<vmem>> -> memref<112x6xf32, #tpu.memory_space<vmem>>
    %dma_wait3A_2264 = arith.constant 0 : i32
    %dma_wait3A_2265 = tpu.memref_slice %arg5[%add3A_2111, %dma_wait3A_2264] : memref<100000x6xf32, #tpu.memory_space<hbm>> -> memref<112x6xf32, #tpu.memory_space<hbm>>
    %dma_wait3A_2266 = arith.constant 0 : i32
    %dma_wait3A_2267 = tpu.memref_slice %arg5[%add3A_2111, %dma_wait3A_2266] : memref<100000x6xf32, #tpu.memory_space<hbm>> -> memref<112x6xf32, #tpu.memory_space<hbm>>
    %dma_wait3A_2268 = arith.constant 0 : i32
    %dma_wait3A_2269 = arith.constant 0 : i32
    %dma_wait3A_2270 = tpu.memref_slice %arg7[%dma_wait3A_2259, %dma_wait3A_2268, %dma_wait3A_2269] : memref<3x112x6xf32, #tpu.memory_space<vmem>> -> memref<1x112x6xf32, #tpu.memory_space<vmem>>
    %dma_wait3A_2271 = tpu.memref_squeeze %dma_wait3A_2270 : memref<1x112x6xf32, #tpu.memory_space<vmem>> -> memref<112x6xf32, #tpu.memory_space<vmem>>
    tpu.wait_dma2 semaphore(%arg9 : memref<!tpu.dma_semaphore, #tpu.memory_space<semaphore_mem>>) src(%dma_wait3A_2271 : memref<112x6xf32, #tpu.memory_space<vmem>>) dst(%dma_wait3A_2267 : memref<112x6xf32, #tpu.memory_space<hbm>>)
    %add3A_2272 = arith.constant 2464 : i32
    %add3A_2273 = arith.addi %min3A_3, %add3A_2272 : i32
    %dma_start3A_2274 = arith.constant 1 : i32
    %dma_start3A_2275 = arith.constant 0 : i32
    %dma_start3A_2276 = arith.constant 0 : i32
    %dma_start3A_2277 = tpu.memref_slice %arg6[%dma_start3A_2274, %dma_start3A_2275, %dma_start3A_2276] : memref<3x112x17xf32, #tpu.memory_space<vmem>> -> memref<1x112x17xf32, #tpu.memory_space<vmem>>
    %dma_start3A_2278 = tpu.memref_squeeze %dma_start3A_2277 : memref<1x112x17xf32, #tpu.memory_space<vmem>> -> memref<112x17xf32, #tpu.memory_space<vmem>>
    %dma_start3A_2279 = arith.constant 0 : i32
    %dma_start3A_2280 = tpu.memref_slice %arg2[%add3A_2273, %dma_start3A_2279] : memref<100000x17xf32, #tpu.memory_space<hbm>> -> memref<112x17xf32, #tpu.memory_space<hbm>>
    %dma_start3A_2281 = arith.constant 0 : i32
    %dma_start3A_2282 = arith.constant 0 : i32
    %dma_start3A_2283 = tpu.memref_slice %arg6[%dma_start3A_2274, %dma_start3A_2281, %dma_start3A_2282] : memref<3x112x17xf32, #tpu.memory_space<vmem>> -> memref<1x112x17xf32, #tpu.memory_space<vmem>>
    %dma_start3A_2284 = tpu.memref_squeeze %dma_start3A_2283 : memref<1x112x17xf32, #tpu.memory_space<vmem>> -> memref<112x17xf32, #tpu.memory_space<vmem>>
    %dma_start3A_2285 = arith.constant 0 : i32
    %dma_start3A_2286 = tpu.memref_slice %arg2[%add3A_2273, %dma_start3A_2285] : memref<100000x17xf32, #tpu.memory_space<hbm>> -> memref<112x17xf32, #tpu.memory_space<hbm>>
    tpu.enqueue_dma source(%dma_start3A_2286 : memref<112x17xf32, #tpu.memory_space<hbm>>) target(%dma_start3A_2284 : memref<112x17xf32, #tpu.memory_space<vmem>>) target_semaphore(%arg8 : memref<!tpu.dma_semaphore, #tpu.memory_space<semaphore_mem>>)
    %dma_start3A_2287 = arith.constant 1 : i32
    %dma_start3A_2288 = arith.constant 0 : i32
    %dma_start3A_2289 = arith.constant 0 : i32
    %dma_start3A_2290 = tpu.memref_slice %arg7[%dma_start3A_2287, %dma_start3A_2288, %dma_start3A_2289] : memref<3x112x6xf32, #tpu.memory_space<vmem>> -> memref<1x112x6xf32, #tpu.memory_space<vmem>>
    %dma_start3A_2291 = tpu.memref_squeeze %dma_start3A_2290 : memref<1x112x6xf32, #tpu.memory_space<vmem>> -> memref<112x6xf32, #tpu.memory_space<vmem>>
    %dma_start3A_2292 = arith.constant 0 : i32
    %dma_start3A_2293 = tpu.memref_slice %arg3[%add3A_2273, %dma_start3A_2292] : memref<100000x6xf32, #tpu.memory_space<hbm>> -> memref<112x6xf32, #tpu.memory_space<hbm>>
    %dma_start3A_2294 = arith.constant 0 : i32
    %dma_start3A_2295 = arith.constant 0 : i32
    %dma_start3A_2296 = tpu.memref_slice %arg7[%dma_start3A_2287, %dma_start3A_2294, %dma_start3A_2295] : memref<3x112x6xf32, #tpu.memory_space<vmem>> -> memref<1x112x6xf32, #tpu.memory_space<vmem>>
    %dma_start3A_2297 = tpu.memref_squeeze %dma_start3A_2296 : memref<1x112x6xf32, #tpu.memory_space<vmem>> -> memref<112x6xf32, #tpu.memory_space<vmem>>
    %dma_start3A_2298 = arith.constant 0 : i32
    %dma_start3A_2299 = tpu.memref_slice %arg3[%add3A_2273, %dma_start3A_2298] : memref<100000x6xf32, #tpu.memory_space<hbm>> -> memref<112x6xf32, #tpu.memory_space<hbm>>
    tpu.enqueue_dma source(%dma_start3A_2299 : memref<112x6xf32, #tpu.memory_space<hbm>>) target(%dma_start3A_2297 : memref<112x6xf32, #tpu.memory_space<vmem>>) target_semaphore(%arg8 : memref<!tpu.dma_semaphore, #tpu.memory_space<semaphore_mem>>)
    %dma_wait3A_2300 = arith.constant 0 : i32
    %dma_wait3A_2301 = arith.constant 0 : i32
    %dma_wait3A_2302 = arith.constant 0 : i32
    %dma_wait3A_2303 = tpu.memref_slice %arg6[%dma_wait3A_2300, %dma_wait3A_2301, %dma_wait3A_2302] : memref<3x112x17xf32, #tpu.memory_space<vmem>> -> memref<1x112x17xf32, #tpu.memory_space<vmem>>
    %dma_wait3A_2304 = tpu.memref_squeeze %dma_wait3A_2303 : memref<1x112x17xf32, #tpu.memory_space<vmem>> -> memref<112x17xf32, #tpu.memory_space<vmem>>
    %dma_wait3A_2305 = arith.constant 0 : i32
    %dma_wait3A_2306 = tpu.memref_slice %arg2[%add3A_2165, %dma_wait3A_2305] : memref<100000x17xf32, #tpu.memory_space<hbm>> -> memref<112x17xf32, #tpu.memory_space<hbm>>
    %dma_wait3A_2307 = arith.constant 0 : i32
    %dma_wait3A_2308 = arith.constant 0 : i32
    %dma_wait3A_2309 = tpu.memref_slice %arg6[%dma_wait3A_2300, %dma_wait3A_2307, %dma_wait3A_2308] : memref<3x112x17xf32, #tpu.memory_space<vmem>> -> memref<1x112x17xf32, #tpu.memory_space<vmem>>
    %dma_wait3A_2310 = tpu.memref_squeeze %dma_wait3A_2309 : memref<1x112x17xf32, #tpu.memory_space<vmem>> -> memref<112x17xf32, #tpu.memory_space<vmem>>
    %dma_wait3A_2311 = arith.constant 0 : i32
    %dma_wait3A_2312 = tpu.memref_slice %arg2[%add3A_2165, %dma_wait3A_2311] : memref<100000x17xf32, #tpu.memory_space<hbm>> -> memref<112x17xf32, #tpu.memory_space<hbm>>
    tpu.wait_dma2 semaphore(%arg8 : memref<!tpu.dma_semaphore, #tpu.memory_space<semaphore_mem>>) src(%dma_wait3A_2312 : memref<112x17xf32, #tpu.memory_space<hbm>>) dst(%dma_wait3A_2310 : memref<112x17xf32, #tpu.memory_space<vmem>>)
    %dma_wait3A_2313 = arith.constant 0 : i32
    %dma_wait3A_2314 = arith.constant 0 : i32
    %dma_wait3A_2315 = arith.constant 0 : i32
    %dma_wait3A_2316 = tpu.memref_slice %arg7[%dma_wait3A_2313, %dma_wait3A_2314, %dma_wait3A_2315] : memref<3x112x6xf32, #tpu.memory_space<vmem>> -> memref<1x112x6xf32, #tpu.memory_space<vmem>>
    %dma_wait3A_2317 = tpu.memref_squeeze %dma_wait3A_2316 : memref<1x112x6xf32, #tpu.memory_space<vmem>> -> memref<112x6xf32, #tpu.memory_space<vmem>>
    %dma_wait3A_2318 = arith.constant 0 : i32
    %dma_wait3A_2319 = tpu.memref_slice %arg3[%add3A_2165, %dma_wait3A_2318] : memref<100000x6xf32, #tpu.memory_space<hbm>> -> memref<112x6xf32, #tpu.memory_space<hbm>>
    %dma_wait3A_2320 = arith.constant 0 : i32
    %dma_wait3A_2321 = arith.constant 0 : i32
    %dma_wait3A_2322 = tpu.memref_slice %arg7[%dma_wait3A_2313, %dma_wait3A_2320, %dma_wait3A_2321] : memref<3x112x6xf32, #tpu.memory_space<vmem>> -> memref<1x112x6xf32, #tpu.memory_space<vmem>>
    %dma_wait3A_2323 = tpu.memref_squeeze %dma_wait3A_2322 : memref<1x112x6xf32, #tpu.memory_space<vmem>> -> memref<112x6xf32, #tpu.memory_space<vmem>>
    %dma_wait3A_2324 = arith.constant 0 : i32
    %dma_wait3A_2325 = tpu.memref_slice %arg3[%add3A_2165, %dma_wait3A_2324] : memref<100000x6xf32, #tpu.memory_space<hbm>> -> memref<112x6xf32, #tpu.memory_space<hbm>>
    tpu.wait_dma2 semaphore(%arg8 : memref<!tpu.dma_semaphore, #tpu.memory_space<semaphore_mem>>) src(%dma_wait3A_2325 : memref<112x6xf32, #tpu.memory_space<hbm>>) dst(%dma_wait3A_2323 : memref<112x6xf32, #tpu.memory_space<vmem>>)
    %add3A_2326 = arith.constant 2352 : i32
    %add3A_2327 = arith.addi %min3A_3, %add3A_2326 : i32
    %dma_start3A_2328 = arith.constant 0 : i32
    %dma_start3A_2329 = arith.constant 0 : i32
    %dma_start3A_2330 = arith.constant 0 : i32
    %dma_start3A_2331 = tpu.memref_slice %arg6[%dma_start3A_2328, %dma_start3A_2329, %dma_start3A_2330] : memref<3x112x17xf32, #tpu.memory_space<vmem>> -> memref<1x112x17xf32, #tpu.memory_space<vmem>>
    %dma_start3A_2332 = tpu.memref_squeeze %dma_start3A_2331 : memref<1x112x17xf32, #tpu.memory_space<vmem>> -> memref<112x17xf32, #tpu.memory_space<vmem>>
    %dma_start3A_2333 = arith.constant 0 : i32
    %dma_start3A_2334 = tpu.memref_slice %arg4[%add3A_2327, %dma_start3A_2333] : memref<100000x17xf32, #tpu.memory_space<hbm>> -> memref<112x17xf32, #tpu.memory_space<hbm>>
    %dma_start3A_2335 = arith.constant 0 : i32
    %dma_start3A_2336 = tpu.memref_slice %arg4[%add3A_2327, %dma_start3A_2335] : memref<100000x17xf32, #tpu.memory_space<hbm>> -> memref<112x17xf32, #tpu.memory_space<hbm>>
    %dma_start3A_2337 = arith.constant 0 : i32
    %dma_start3A_2338 = arith.constant 0 : i32
    %dma_start3A_2339 = tpu.memref_slice %arg6[%dma_start3A_2328, %dma_start3A_2337, %dma_start3A_2338] : memref<3x112x17xf32, #tpu.memory_space<vmem>> -> memref<1x112x17xf32, #tpu.memory_space<vmem>>
    %dma_start3A_2340 = tpu.memref_squeeze %dma_start3A_2339 : memref<1x112x17xf32, #tpu.memory_space<vmem>> -> memref<112x17xf32, #tpu.memory_space<vmem>>
    tpu.enqueue_dma source(%dma_start3A_2340 : memref<112x17xf32, #tpu.memory_space<vmem>>) target(%dma_start3A_2336 : memref<112x17xf32, #tpu.memory_space<hbm>>) target_semaphore(%arg9 : memref<!tpu.dma_semaphore, #tpu.memory_space<semaphore_mem>>)
    %dma_start3A_2341 = arith.constant 0 : i32
    %dma_start3A_2342 = arith.constant 0 : i32
    %dma_start3A_2343 = arith.constant 0 : i32
    %dma_start3A_2344 = tpu.memref_slice %arg7[%dma_start3A_2341, %dma_start3A_2342, %dma_start3A_2343] : memref<3x112x6xf32, #tpu.memory_space<vmem>> -> memref<1x112x6xf32, #tpu.memory_space<vmem>>
    %dma_start3A_2345 = tpu.memref_squeeze %dma_start3A_2344 : memref<1x112x6xf32, #tpu.memory_space<vmem>> -> memref<112x6xf32, #tpu.memory_space<vmem>>
    %dma_start3A_2346 = arith.constant 0 : i32
    %dma_start3A_2347 = tpu.memref_slice %arg5[%add3A_2327, %dma_start3A_2346] : memref<100000x6xf32, #tpu.memory_space<hbm>> -> memref<112x6xf32, #tpu.memory_space<hbm>>
    %dma_start3A_2348 = arith.constant 0 : i32
    %dma_start3A_2349 = tpu.memref_slice %arg5[%add3A_2327, %dma_start3A_2348] : memref<100000x6xf32, #tpu.memory_space<hbm>> -> memref<112x6xf32, #tpu.memory_space<hbm>>
    %dma_start3A_2350 = arith.constant 0 : i32
    %dma_start3A_2351 = arith.constant 0 : i32
    %dma_start3A_2352 = tpu.memref_slice %arg7[%dma_start3A_2341, %dma_start3A_2350, %dma_start3A_2351] : memref<3x112x6xf32, #tpu.memory_space<vmem>> -> memref<1x112x6xf32, #tpu.memory_space<vmem>>
    %dma_start3A_2353 = tpu.memref_squeeze %dma_start3A_2352 : memref<1x112x6xf32, #tpu.memory_space<vmem>> -> memref<112x6xf32, #tpu.memory_space<vmem>>
    tpu.enqueue_dma source(%dma_start3A_2353 : memref<112x6xf32, #tpu.memory_space<vmem>>) target(%dma_start3A_2349 : memref<112x6xf32, #tpu.memory_space<hbm>>) target_semaphore(%arg9 : memref<!tpu.dma_semaphore, #tpu.memory_space<semaphore_mem>>)
    %dma_wait3A_2354 = arith.constant 2 : i32
    %dma_wait3A_2355 = arith.constant 0 : i32
    %dma_wait3A_2356 = arith.constant 0 : i32
    %dma_wait3A_2357 = tpu.memref_slice %arg6[%dma_wait3A_2354, %dma_wait3A_2355, %dma_wait3A_2356] : memref<3x112x17xf32, #tpu.memory_space<vmem>> -> memref<1x112x17xf32, #tpu.memory_space<vmem>>
    %dma_wait3A_2358 = tpu.memref_squeeze %dma_wait3A_2357 : memref<1x112x17xf32, #tpu.memory_space<vmem>> -> memref<112x17xf32, #tpu.memory_space<vmem>>
    %dma_wait3A_2359 = arith.constant 0 : i32
    %dma_wait3A_2360 = tpu.memref_slice %arg4[%add3A_2219, %dma_wait3A_2359] : memref<100000x17xf32, #tpu.memory_space<hbm>> -> memref<112x17xf32, #tpu.memory_space<hbm>>
    %dma_wait3A_2361 = arith.constant 0 : i32
    %dma_wait3A_2362 = tpu.memref_slice %arg4[%add3A_2219, %dma_wait3A_2361] : memref<100000x17xf32, #tpu.memory_space<hbm>> -> memref<112x17xf32, #tpu.memory_space<hbm>>
    %dma_wait3A_2363 = arith.constant 0 : i32
    %dma_wait3A_2364 = arith.constant 0 : i32
    %dma_wait3A_2365 = tpu.memref_slice %arg6[%dma_wait3A_2354, %dma_wait3A_2363, %dma_wait3A_2364] : memref<3x112x17xf32, #tpu.memory_space<vmem>> -> memref<1x112x17xf32, #tpu.memory_space<vmem>>
    %dma_wait3A_2366 = tpu.memref_squeeze %dma_wait3A_2365 : memref<1x112x17xf32, #tpu.memory_space<vmem>> -> memref<112x17xf32, #tpu.memory_space<vmem>>
    tpu.wait_dma2 semaphore(%arg9 : memref<!tpu.dma_semaphore, #tpu.memory_space<semaphore_mem>>) src(%dma_wait3A_2366 : memref<112x17xf32, #tpu.memory_space<vmem>>) dst(%dma_wait3A_2362 : memref<112x17xf32, #tpu.memory_space<hbm>>)
    %dma_wait3A_2367 = arith.constant 2 : i32
    %dma_wait3A_2368 = arith.constant 0 : i32
    %dma_wait3A_2369 = arith.constant 0 : i32
    %dma_wait3A_2370 = tpu.memref_slice %arg7[%dma_wait3A_2367, %dma_wait3A_2368, %dma_wait3A_2369] : memref<3x112x6xf32, #tpu.memory_space<vmem>> -> memref<1x112x6xf32, #tpu.memory_space<vmem>>
    %dma_wait3A_2371 = tpu.memref_squeeze %dma_wait3A_2370 : memref<1x112x6xf32, #tpu.memory_space<vmem>> -> memref<112x6xf32, #tpu.memory_space<vmem>>
    %dma_wait3A_2372 = arith.constant 0 : i32
    %dma_wait3A_2373 = tpu.memref_slice %arg5[%add3A_2219, %dma_wait3A_2372] : memref<100000x6xf32, #tpu.memory_space<hbm>> -> memref<112x6xf32, #tpu.memory_space<hbm>>
    %dma_wait3A_2374 = arith.constant 0 : i32
    %dma_wait3A_2375 = tpu.memref_slice %arg5[%add3A_2219, %dma_wait3A_2374] : memref<100000x6xf32, #tpu.memory_space<hbm>> -> memref<112x6xf32, #tpu.memory_space<hbm>>
    %dma_wait3A_2376 = arith.constant 0 : i32
    %dma_wait3A_2377 = arith.constant 0 : i32
    %dma_wait3A_2378 = tpu.memref_slice %arg7[%dma_wait3A_2367, %dma_wait3A_2376, %dma_wait3A_2377] : memref<3x112x6xf32, #tpu.memory_space<vmem>> -> memref<1x112x6xf32, #tpu.memory_space<vmem>>
    %dma_wait3A_2379 = tpu.memref_squeeze %dma_wait3A_2378 : memref<1x112x6xf32, #tpu.memory_space<vmem>> -> memref<112x6xf32, #tpu.memory_space<vmem>>
    tpu.wait_dma2 semaphore(%arg9 : memref<!tpu.dma_semaphore, #tpu.memory_space<semaphore_mem>>) src(%dma_wait3A_2379 : memref<112x6xf32, #tpu.memory_space<vmem>>) dst(%dma_wait3A_2375 : memref<112x6xf32, #tpu.memory_space<hbm>>)
    %add3A_2380 = arith.constant 2576 : i32
    %add3A_2381 = arith.addi %min3A_3, %add3A_2380 : i32
    %dma_start3A_2382 = arith.constant 2 : i32
    %dma_start3A_2383 = arith.constant 0 : i32
    %dma_start3A_2384 = arith.constant 0 : i32
    %dma_start3A_2385 = tpu.memref_slice %arg6[%dma_start3A_2382, %dma_start3A_2383, %dma_start3A_2384] : memref<3x112x17xf32, #tpu.memory_space<vmem>> -> memref<1x112x17xf32, #tpu.memory_space<vmem>>
    %dma_start3A_2386 = tpu.memref_squeeze %dma_start3A_2385 : memref<1x112x17xf32, #tpu.memory_space<vmem>> -> memref<112x17xf32, #tpu.memory_space<vmem>>
    %dma_start3A_2387 = arith.constant 0 : i32
    %dma_start3A_2388 = tpu.memref_slice %arg2[%add3A_2381, %dma_start3A_2387] : memref<100000x17xf32, #tpu.memory_space<hbm>> -> memref<112x17xf32, #tpu.memory_space<hbm>>
    %dma_start3A_2389 = arith.constant 0 : i32
    %dma_start3A_2390 = arith.constant 0 : i32
    %dma_start3A_2391 = tpu.memref_slice %arg6[%dma_start3A_2382, %dma_start3A_2389, %dma_start3A_2390] : memref<3x112x17xf32, #tpu.memory_space<vmem>> -> memref<1x112x17xf32, #tpu.memory_space<vmem>>
    %dma_start3A_2392 = tpu.memref_squeeze %dma_start3A_2391 : memref<1x112x17xf32, #tpu.memory_space<vmem>> -> memref<112x17xf32, #tpu.memory_space<vmem>>
    %dma_start3A_2393 = arith.constant 0 : i32
    %dma_start3A_2394 = tpu.memref_slice %arg2[%add3A_2381, %dma_start3A_2393] : memref<100000x17xf32, #tpu.memory_space<hbm>> -> memref<112x17xf32, #tpu.memory_space<hbm>>
    tpu.enqueue_dma source(%dma_start3A_2394 : memref<112x17xf32, #tpu.memory_space<hbm>>) target(%dma_start3A_2392 : memref<112x17xf32, #tpu.memory_space<vmem>>) target_semaphore(%arg8 : memref<!tpu.dma_semaphore, #tpu.memory_space<semaphore_mem>>)
    %dma_start3A_2395 = arith.constant 2 : i32
    %dma_start3A_2396 = arith.constant 0 : i32
    %dma_start3A_2397 = arith.constant 0 : i32
    %dma_start3A_2398 = tpu.memref_slice %arg7[%dma_start3A_2395, %dma_start3A_2396, %dma_start3A_2397] : memref<3x112x6xf32, #tpu.memory_space<vmem>> -> memref<1x112x6xf32, #tpu.memory_space<vmem>>
    %dma_start3A_2399 = tpu.memref_squeeze %dma_start3A_2398 : memref<1x112x6xf32, #tpu.memory_space<vmem>> -> memref<112x6xf32, #tpu.memory_space<vmem>>
    %dma_start3A_2400 = arith.constant 0 : i32
    %dma_start3A_2401 = tpu.memref_slice %arg3[%add3A_2381, %dma_start3A_2400] : memref<100000x6xf32, #tpu.memory_space<hbm>> -> memref<112x6xf32, #tpu.memory_space<hbm>>
    %dma_start3A_2402 = arith.constant 0 : i32
    %dma_start3A_2403 = arith.constant 0 : i32
    %dma_start3A_2404 = tpu.memref_slice %arg7[%dma_start3A_2395, %dma_start3A_2402, %dma_start3A_2403] : memref<3x112x6xf32, #tpu.memory_space<vmem>> -> memref<1x112x6xf32, #tpu.memory_space<vmem>>
    %dma_start3A_2405 = tpu.memref_squeeze %dma_start3A_2404 : memref<1x112x6xf32, #tpu.memory_space<vmem>> -> memref<112x6xf32, #tpu.memory_space<vmem>>
    %dma_start3A_2406 = arith.constant 0 : i32
    %dma_start3A_2407 = tpu.memref_slice %arg3[%add3A_2381, %dma_start3A_2406] : memref<100000x6xf32, #tpu.memory_space<hbm>> -> memref<112x6xf32, #tpu.memory_space<hbm>>
    tpu.enqueue_dma source(%dma_start3A_2407 : memref<112x6xf32, #tpu.memory_space<hbm>>) target(%dma_start3A_2405 : memref<112x6xf32, #tpu.memory_space<vmem>>) target_semaphore(%arg8 : memref<!tpu.dma_semaphore, #tpu.memory_space<semaphore_mem>>)
    %dma_wait3A_2408 = arith.constant 1 : i32
    %dma_wait3A_2409 = arith.constant 0 : i32
    %dma_wait3A_2410 = arith.constant 0 : i32
    %dma_wait3A_2411 = tpu.memref_slice %arg6[%dma_wait3A_2408, %dma_wait3A_2409, %dma_wait3A_2410] : memref<3x112x17xf32, #tpu.memory_space<vmem>> -> memref<1x112x17xf32, #tpu.memory_space<vmem>>
    %dma_wait3A_2412 = tpu.memref_squeeze %dma_wait3A_2411 : memref<1x112x17xf32, #tpu.memory_space<vmem>> -> memref<112x17xf32, #tpu.memory_space<vmem>>
    %dma_wait3A_2413 = arith.constant 0 : i32
    %dma_wait3A_2414 = tpu.memref_slice %arg2[%add3A_2273, %dma_wait3A_2413] : memref<100000x17xf32, #tpu.memory_space<hbm>> -> memref<112x17xf32, #tpu.memory_space<hbm>>
    %dma_wait3A_2415 = arith.constant 0 : i32
    %dma_wait3A_2416 = arith.constant 0 : i32
    %dma_wait3A_2417 = tpu.memref_slice %arg6[%dma_wait3A_2408, %dma_wait3A_2415, %dma_wait3A_2416] : memref<3x112x17xf32, #tpu.memory_space<vmem>> -> memref<1x112x17xf32, #tpu.memory_space<vmem>>
    %dma_wait3A_2418 = tpu.memref_squeeze %dma_wait3A_2417 : memref<1x112x17xf32, #tpu.memory_space<vmem>> -> memref<112x17xf32, #tpu.memory_space<vmem>>
    %dma_wait3A_2419 = arith.constant 0 : i32
    %dma_wait3A_2420 = tpu.memref_slice %arg2[%add3A_2273, %dma_wait3A_2419] : memref<100000x17xf32, #tpu.memory_space<hbm>> -> memref<112x17xf32, #tpu.memory_space<hbm>>
    tpu.wait_dma2 semaphore(%arg8 : memref<!tpu.dma_semaphore, #tpu.memory_space<semaphore_mem>>) src(%dma_wait3A_2420 : memref<112x17xf32, #tpu.memory_space<hbm>>) dst(%dma_wait3A_2418 : memref<112x17xf32, #tpu.memory_space<vmem>>)
    %dma_wait3A_2421 = arith.constant 1 : i32
    %dma_wait3A_2422 = arith.constant 0 : i32
    %dma_wait3A_2423 = arith.constant 0 : i32
    %dma_wait3A_2424 = tpu.memref_slice %arg7[%dma_wait3A_2421, %dma_wait3A_2422, %dma_wait3A_2423] : memref<3x112x6xf32, #tpu.memory_space<vmem>> -> memref<1x112x6xf32, #tpu.memory_space<vmem>>
    %dma_wait3A_2425 = tpu.memref_squeeze %dma_wait3A_2424 : memref<1x112x6xf32, #tpu.memory_space<vmem>> -> memref<112x6xf32, #tpu.memory_space<vmem>>
    %dma_wait3A_2426 = arith.constant 0 : i32
    %dma_wait3A_2427 = tpu.memref_slice %arg3[%add3A_2273, %dma_wait3A_2426] : memref<100000x6xf32, #tpu.memory_space<hbm>> -> memref<112x6xf32, #tpu.memory_space<hbm>>
    %dma_wait3A_2428 = arith.constant 0 : i32
    %dma_wait3A_2429 = arith.constant 0 : i32
    %dma_wait3A_2430 = tpu.memref_slice %arg7[%dma_wait3A_2421, %dma_wait3A_2428, %dma_wait3A_2429] : memref<3x112x6xf32, #tpu.memory_space<vmem>> -> memref<1x112x6xf32, #tpu.memory_space<vmem>>
    %dma_wait3A_2431 = tpu.memref_squeeze %dma_wait3A_2430 : memref<1x112x6xf32, #tpu.memory_space<vmem>> -> memref<112x6xf32, #tpu.memory_space<vmem>>
    %dma_wait3A_2432 = arith.constant 0 : i32
    %dma_wait3A_2433 = tpu.memref_slice %arg3[%add3A_2273, %dma_wait3A_2432] : memref<100000x6xf32, #tpu.memory_space<hbm>> -> memref<112x6xf32, #tpu.memory_space<hbm>>
    tpu.wait_dma2 semaphore(%arg8 : memref<!tpu.dma_semaphore, #tpu.memory_space<semaphore_mem>>) src(%dma_wait3A_2433 : memref<112x6xf32, #tpu.memory_space<hbm>>) dst(%dma_wait3A_2431 : memref<112x6xf32, #tpu.memory_space<vmem>>)
    %add3A_2434 = arith.constant 2464 : i32
    %add3A_2435 = arith.addi %min3A_3, %add3A_2434 : i32
    %dma_start3A_2436 = arith.constant 1 : i32
    %dma_start3A_2437 = arith.constant 0 : i32
    %dma_start3A_2438 = arith.constant 0 : i32
    %dma_start3A_2439 = tpu.memref_slice %arg6[%dma_start3A_2436, %dma_start3A_2437, %dma_start3A_2438] : memref<3x112x17xf32, #tpu.memory_space<vmem>> -> memref<1x112x17xf32, #tpu.memory_space<vmem>>
    %dma_start3A_2440 = tpu.memref_squeeze %dma_start3A_2439 : memref<1x112x17xf32, #tpu.memory_space<vmem>> -> memref<112x17xf32, #tpu.memory_space<vmem>>
    %dma_start3A_2441 = arith.constant 0 : i32
    %dma_start3A_2442 = tpu.memref_slice %arg4[%add3A_2435, %dma_start3A_2441] : memref<100000x17xf32, #tpu.memory_space<hbm>> -> memref<112x17xf32, #tpu.memory_space<hbm>>
    %dma_start3A_2443 = arith.constant 0 : i32
    %dma_start3A_2444 = tpu.memref_slice %arg4[%add3A_2435, %dma_start3A_2443] : memref<100000x17xf32, #tpu.memory_space<hbm>> -> memref<112x17xf32, #tpu.memory_space<hbm>>
    %dma_start3A_2445 = arith.constant 0 : i32
    %dma_start3A_2446 = arith.constant 0 : i32
    %dma_start3A_2447 = tpu.memref_slice %arg6[%dma_start3A_2436, %dma_start3A_2445, %dma_start3A_2446] : memref<3x112x17xf32, #tpu.memory_space<vmem>> -> memref<1x112x17xf32, #tpu.memory_space<vmem>>
    %dma_start3A_2448 = tpu.memref_squeeze %dma_start3A_2447 : memref<1x112x17xf32, #tpu.memory_space<vmem>> -> memref<112x17xf32, #tpu.memory_space<vmem>>
    tpu.enqueue_dma source(%dma_start3A_2448 : memref<112x17xf32, #tpu.memory_space<vmem>>) target(%dma_start3A_2444 : memref<112x17xf32, #tpu.memory_space<hbm>>) target_semaphore(%arg9 : memref<!tpu.dma_semaphore, #tpu.memory_space<semaphore_mem>>)
    %dma_start3A_2449 = arith.constant 1 : i32
    %dma_start3A_2450 = arith.constant 0 : i32
    %dma_start3A_2451 = arith.constant 0 : i32
    %dma_start3A_2452 = tpu.memref_slice %arg7[%dma_start3A_2449, %dma_start3A_2450, %dma_start3A_2451] : memref<3x112x6xf32, #tpu.memory_space<vmem>> -> memref<1x112x6xf32, #tpu.memory_space<vmem>>
    %dma_start3A_2453 = tpu.memref_squeeze %dma_start3A_2452 : memref<1x112x6xf32, #tpu.memory_space<vmem>> -> memref<112x6xf32, #tpu.memory_space<vmem>>
    %dma_start3A_2454 = arith.constant 0 : i32
    %dma_start3A_2455 = tpu.memref_slice %arg5[%add3A_2435, %dma_start3A_2454] : memref<100000x6xf32, #tpu.memory_space<hbm>> -> memref<112x6xf32, #tpu.memory_space<hbm>>
    %dma_start3A_2456 = arith.constant 0 : i32
    %dma_start3A_2457 = tpu.memref_slice %arg5[%add3A_2435, %dma_start3A_2456] : memref<100000x6xf32, #tpu.memory_space<hbm>> -> memref<112x6xf32, #tpu.memory_space<hbm>>
    %dma_start3A_2458 = arith.constant 0 : i32
    %dma_start3A_2459 = arith.constant 0 : i32
    %dma_start3A_2460 = tpu.memref_slice %arg7[%dma_start3A_2449, %dma_start3A_2458, %dma_start3A_2459] : memref<3x112x6xf32, #tpu.memory_space<vmem>> -> memref<1x112x6xf32, #tpu.memory_space<vmem>>
    %dma_start3A_2461 = tpu.memref_squeeze %dma_start3A_2460 : memref<1x112x6xf32, #tpu.memory_space<vmem>> -> memref<112x6xf32, #tpu.memory_space<vmem>>
    tpu.enqueue_dma source(%dma_start3A_2461 : memref<112x6xf32, #tpu.memory_space<vmem>>) target(%dma_start3A_2457 : memref<112x6xf32, #tpu.memory_space<hbm>>) target_semaphore(%arg9 : memref<!tpu.dma_semaphore, #tpu.memory_space<semaphore_mem>>)
    %dma_wait3A_2462 = arith.constant 0 : i32
    %dma_wait3A_2463 = arith.constant 0 : i32
    %dma_wait3A_2464 = arith.constant 0 : i32
    %dma_wait3A_2465 = tpu.memref_slice %arg6[%dma_wait3A_2462, %dma_wait3A_2463, %dma_wait3A_2464] : memref<3x112x17xf32, #tpu.memory_space<vmem>> -> memref<1x112x17xf32, #tpu.memory_space<vmem>>
    %dma_wait3A_2466 = tpu.memref_squeeze %dma_wait3A_2465 : memref<1x112x17xf32, #tpu.memory_space<vmem>> -> memref<112x17xf32, #tpu.memory_space<vmem>>
    %dma_wait3A_2467 = arith.constant 0 : i32
    %dma_wait3A_2468 = tpu.memref_slice %arg4[%add3A_2327, %dma_wait3A_2467] : memref<100000x17xf32, #tpu.memory_space<hbm>> -> memref<112x17xf32, #tpu.memory_space<hbm>>
    %dma_wait3A_2469 = arith.constant 0 : i32
    %dma_wait3A_2470 = tpu.memref_slice %arg4[%add3A_2327, %dma_wait3A_2469] : memref<100000x17xf32, #tpu.memory_space<hbm>> -> memref<112x17xf32, #tpu.memory_space<hbm>>
    %dma_wait3A_2471 = arith.constant 0 : i32
    %dma_wait3A_2472 = arith.constant 0 : i32
    %dma_wait3A_2473 = tpu.memref_slice %arg6[%dma_wait3A_2462, %dma_wait3A_2471, %dma_wait3A_2472] : memref<3x112x17xf32, #tpu.memory_space<vmem>> -> memref<1x112x17xf32, #tpu.memory_space<vmem>>
    %dma_wait3A_2474 = tpu.memref_squeeze %dma_wait3A_2473 : memref<1x112x17xf32, #tpu.memory_space<vmem>> -> memref<112x17xf32, #tpu.memory_space<vmem>>
    tpu.wait_dma2 semaphore(%arg9 : memref<!tpu.dma_semaphore, #tpu.memory_space<semaphore_mem>>) src(%dma_wait3A_2474 : memref<112x17xf32, #tpu.memory_space<vmem>>) dst(%dma_wait3A_2470 : memref<112x17xf32, #tpu.memory_space<hbm>>)
    %dma_wait3A_2475 = arith.constant 0 : i32
    %dma_wait3A_2476 = arith.constant 0 : i32
    %dma_wait3A_2477 = arith.constant 0 : i32
    %dma_wait3A_2478 = tpu.memref_slice %arg7[%dma_wait3A_2475, %dma_wait3A_2476, %dma_wait3A_2477] : memref<3x112x6xf32, #tpu.memory_space<vmem>> -> memref<1x112x6xf32, #tpu.memory_space<vmem>>
    %dma_wait3A_2479 = tpu.memref_squeeze %dma_wait3A_2478 : memref<1x112x6xf32, #tpu.memory_space<vmem>> -> memref<112x6xf32, #tpu.memory_space<vmem>>
    %dma_wait3A_2480 = arith.constant 0 : i32
    %dma_wait3A_2481 = tpu.memref_slice %arg5[%add3A_2327, %dma_wait3A_2480] : memref<100000x6xf32, #tpu.memory_space<hbm>> -> memref<112x6xf32, #tpu.memory_space<hbm>>
    %dma_wait3A_2482 = arith.constant 0 : i32
    %dma_wait3A_2483 = tpu.memref_slice %arg5[%add3A_2327, %dma_wait3A_2482] : memref<100000x6xf32, #tpu.memory_space<hbm>> -> memref<112x6xf32, #tpu.memory_space<hbm>>
    %dma_wait3A_2484 = arith.constant 0 : i32
    %dma_wait3A_2485 = arith.constant 0 : i32
    %dma_wait3A_2486 = tpu.memref_slice %arg7[%dma_wait3A_2475, %dma_wait3A_2484, %dma_wait3A_2485] : memref<3x112x6xf32, #tpu.memory_space<vmem>> -> memref<1x112x6xf32, #tpu.memory_space<vmem>>
    %dma_wait3A_2487 = tpu.memref_squeeze %dma_wait3A_2486 : memref<1x112x6xf32, #tpu.memory_space<vmem>> -> memref<112x6xf32, #tpu.memory_space<vmem>>
    tpu.wait_dma2 semaphore(%arg9 : memref<!tpu.dma_semaphore, #tpu.memory_space<semaphore_mem>>) src(%dma_wait3A_2487 : memref<112x6xf32, #tpu.memory_space<vmem>>) dst(%dma_wait3A_2483 : memref<112x6xf32, #tpu.memory_space<hbm>>)
    %add3A_2488 = arith.constant 2688 : i32
    %add3A_2489 = arith.addi %min3A_3, %add3A_2488 : i32
    %dma_start3A_2490 = arith.constant 0 : i32
    %dma_start3A_2491 = arith.constant 0 : i32
    %dma_start3A_2492 = arith.constant 0 : i32
    %dma_start3A_2493 = tpu.memref_slice %arg6[%dma_start3A_2490, %dma_start3A_2491, %dma_start3A_2492] : memref<3x112x17xf32, #tpu.memory_space<vmem>> -> memref<1x112x17xf32, #tpu.memory_space<vmem>>
    %dma_start3A_2494 = tpu.memref_squeeze %dma_start3A_2493 : memref<1x112x17xf32, #tpu.memory_space<vmem>> -> memref<112x17xf32, #tpu.memory_space<vmem>>
    %dma_start3A_2495 = arith.constant 0 : i32
    %dma_start3A_2496 = tpu.memref_slice %arg2[%add3A_2489, %dma_start3A_2495] : memref<100000x17xf32, #tpu.memory_space<hbm>> -> memref<112x17xf32, #tpu.memory_space<hbm>>
    %dma_start3A_2497 = arith.constant 0 : i32
    %dma_start3A_2498 = arith.constant 0 : i32
    %dma_start3A_2499 = tpu.memref_slice %arg6[%dma_start3A_2490, %dma_start3A_2497, %dma_start3A_2498] : memref<3x112x17xf32, #tpu.memory_space<vmem>> -> memref<1x112x17xf32, #tpu.memory_space<vmem>>
    %dma_start3A_2500 = tpu.memref_squeeze %dma_start3A_2499 : memref<1x112x17xf32, #tpu.memory_space<vmem>> -> memref<112x17xf32, #tpu.memory_space<vmem>>
    %dma_start3A_2501 = arith.constant 0 : i32
    %dma_start3A_2502 = tpu.memref_slice %arg2[%add3A_2489, %dma_start3A_2501] : memref<100000x17xf32, #tpu.memory_space<hbm>> -> memref<112x17xf32, #tpu.memory_space<hbm>>
    tpu.enqueue_dma source(%dma_start3A_2502 : memref<112x17xf32, #tpu.memory_space<hbm>>) target(%dma_start3A_2500 : memref<112x17xf32, #tpu.memory_space<vmem>>) target_semaphore(%arg8 : memref<!tpu.dma_semaphore, #tpu.memory_space<semaphore_mem>>)
    %dma_start3A_2503 = arith.constant 0 : i32
    %dma_start3A_2504 = arith.constant 0 : i32
    %dma_start3A_2505 = arith.constant 0 : i32
    %dma_start3A_2506 = tpu.memref_slice %arg7[%dma_start3A_2503, %dma_start3A_2504, %dma_start3A_2505] : memref<3x112x6xf32, #tpu.memory_space<vmem>> -> memref<1x112x6xf32, #tpu.memory_space<vmem>>
    %dma_start3A_2507 = tpu.memref_squeeze %dma_start3A_2506 : memref<1x112x6xf32, #tpu.memory_space<vmem>> -> memref<112x6xf32, #tpu.memory_space<vmem>>
    %dma_start3A_2508 = arith.constant 0 : i32
    %dma_start3A_2509 = tpu.memref_slice %arg3[%add3A_2489, %dma_start3A_2508] : memref<100000x6xf32, #tpu.memory_space<hbm>> -> memref<112x6xf32, #tpu.memory_space<hbm>>
    %dma_start3A_2510 = arith.constant 0 : i32
    %dma_start3A_2511 = arith.constant 0 : i32
    %dma_start3A_2512 = tpu.memref_slice %arg7[%dma_start3A_2503, %dma_start3A_2510, %dma_start3A_2511] : memref<3x112x6xf32, #tpu.memory_space<vmem>> -> memref<1x112x6xf32, #tpu.memory_space<vmem>>
    %dma_start3A_2513 = tpu.memref_squeeze %dma_start3A_2512 : memref<1x112x6xf32, #tpu.memory_space<vmem>> -> memref<112x6xf32, #tpu.memory_space<vmem>>
    %dma_start3A_2514 = arith.constant 0 : i32
    %dma_start3A_2515 = tpu.memref_slice %arg3[%add3A_2489, %dma_start3A_2514] : memref<100000x6xf32, #tpu.memory_space<hbm>> -> memref<112x6xf32, #tpu.memory_space<hbm>>
    tpu.enqueue_dma source(%dma_start3A_2515 : memref<112x6xf32, #tpu.memory_space<hbm>>) target(%dma_start3A_2513 : memref<112x6xf32, #tpu.memory_space<vmem>>) target_semaphore(%arg8 : memref<!tpu.dma_semaphore, #tpu.memory_space<semaphore_mem>>)
    %dma_wait3A_2516 = arith.constant 2 : i32
    %dma_wait3A_2517 = arith.constant 0 : i32
    %dma_wait3A_2518 = arith.constant 0 : i32
    %dma_wait3A_2519 = tpu.memref_slice %arg6[%dma_wait3A_2516, %dma_wait3A_2517, %dma_wait3A_2518] : memref<3x112x17xf32, #tpu.memory_space<vmem>> -> memref<1x112x17xf32, #tpu.memory_space<vmem>>
    %dma_wait3A_2520 = tpu.memref_squeeze %dma_wait3A_2519 : memref<1x112x17xf32, #tpu.memory_space<vmem>> -> memref<112x17xf32, #tpu.memory_space<vmem>>
    %dma_wait3A_2521 = arith.constant 0 : i32
    %dma_wait3A_2522 = tpu.memref_slice %arg2[%add3A_2381, %dma_wait3A_2521] : memref<100000x17xf32, #tpu.memory_space<hbm>> -> memref<112x17xf32, #tpu.memory_space<hbm>>
    %dma_wait3A_2523 = arith.constant 0 : i32
    %dma_wait3A_2524 = arith.constant 0 : i32
    %dma_wait3A_2525 = tpu.memref_slice %arg6[%dma_wait3A_2516, %dma_wait3A_2523, %dma_wait3A_2524] : memref<3x112x17xf32, #tpu.memory_space<vmem>> -> memref<1x112x17xf32, #tpu.memory_space<vmem>>
    %dma_wait3A_2526 = tpu.memref_squeeze %dma_wait3A_2525 : memref<1x112x17xf32, #tpu.memory_space<vmem>> -> memref<112x17xf32, #tpu.memory_space<vmem>>
    %dma_wait3A_2527 = arith.constant 0 : i32
    %dma_wait3A_2528 = tpu.memref_slice %arg2[%add3A_2381, %dma_wait3A_2527] : memref<100000x17xf32, #tpu.memory_space<hbm>> -> memref<112x17xf32, #tpu.memory_space<hbm>>
    tpu.wait_dma2 semaphore(%arg8 : memref<!tpu.dma_semaphore, #tpu.memory_space<semaphore_mem>>) src(%dma_wait3A_2528 : memref<112x17xf32, #tpu.memory_space<hbm>>) dst(%dma_wait3A_2526 : memref<112x17xf32, #tpu.memory_space<vmem>>)
    %dma_wait3A_2529 = arith.constant 2 : i32
    %dma_wait3A_2530 = arith.constant 0 : i32
    %dma_wait3A_2531 = arith.constant 0 : i32
    %dma_wait3A_2532 = tpu.memref_slice %arg7[%dma_wait3A_2529, %dma_wait3A_2530, %dma_wait3A_2531] : memref<3x112x6xf32, #tpu.memory_space<vmem>> -> memref<1x112x6xf32, #tpu.memory_space<vmem>>
    %dma_wait3A_2533 = tpu.memref_squeeze %dma_wait3A_2532 : memref<1x112x6xf32, #tpu.memory_space<vmem>> -> memref<112x6xf32, #tpu.memory_space<vmem>>
    %dma_wait3A_2534 = arith.constant 0 : i32
    %dma_wait3A_2535 = tpu.memref_slice %arg3[%add3A_2381, %dma_wait3A_2534] : memref<100000x6xf32, #tpu.memory_space<hbm>> -> memref<112x6xf32, #tpu.memory_space<hbm>>
    %dma_wait3A_2536 = arith.constant 0 : i32
    %dma_wait3A_2537 = arith.constant 0 : i32
    %dma_wait3A_2538 = tpu.memref_slice %arg7[%dma_wait3A_2529, %dma_wait3A_2536, %dma_wait3A_2537] : memref<3x112x6xf32, #tpu.memory_space<vmem>> -> memref<1x112x6xf32, #tpu.memory_space<vmem>>
    %dma_wait3A_2539 = tpu.memref_squeeze %dma_wait3A_2538 : memref<1x112x6xf32, #tpu.memory_space<vmem>> -> memref<112x6xf32, #tpu.memory_space<vmem>>
    %dma_wait3A_2540 = arith.constant 0 : i32
    %dma_wait3A_2541 = tpu.memref_slice %arg3[%add3A_2381, %dma_wait3A_2540] : memref<100000x6xf32, #tpu.memory_space<hbm>> -> memref<112x6xf32, #tpu.memory_space<hbm>>
    tpu.wait_dma2 semaphore(%arg8 : memref<!tpu.dma_semaphore, #tpu.memory_space<semaphore_mem>>) src(%dma_wait3A_2541 : memref<112x6xf32, #tpu.memory_space<hbm>>) dst(%dma_wait3A_2539 : memref<112x6xf32, #tpu.memory_space<vmem>>)
    %add3A_2542 = arith.constant 2576 : i32
    %add3A_2543 = arith.addi %min3A_3, %add3A_2542 : i32
    %dma_start3A_2544 = arith.constant 2 : i32
    %dma_start3A_2545 = arith.constant 0 : i32
    %dma_start3A_2546 = arith.constant 0 : i32
    %dma_start3A_2547 = tpu.memref_slice %arg6[%dma_start3A_2544, %dma_start3A_2545, %dma_start3A_2546] : memref<3x112x17xf32, #tpu.memory_space<vmem>> -> memref<1x112x17xf32, #tpu.memory_space<vmem>>
    %dma_start3A_2548 = tpu.memref_squeeze %dma_start3A_2547 : memref<1x112x17xf32, #tpu.memory_space<vmem>> -> memref<112x17xf32, #tpu.memory_space<vmem>>
    %dma_start3A_2549 = arith.constant 0 : i32
    %dma_start3A_2550 = tpu.memref_slice %arg4[%add3A_2543, %dma_start3A_2549] : memref<100000x17xf32, #tpu.memory_space<hbm>> -> memref<112x17xf32, #tpu.memory_space<hbm>>
    %dma_start3A_2551 = arith.constant 0 : i32
    %dma_start3A_2552 = tpu.memref_slice %arg4[%add3A_2543, %dma_start3A_2551] : memref<100000x17xf32, #tpu.memory_space<hbm>> -> memref<112x17xf32, #tpu.memory_space<hbm>>
    %dma_start3A_2553 = arith.constant 0 : i32
    %dma_start3A_2554 = arith.constant 0 : i32
    %dma_start3A_2555 = tpu.memref_slice %arg6[%dma_start3A_2544, %dma_start3A_2553, %dma_start3A_2554] : memref<3x112x17xf32, #tpu.memory_space<vmem>> -> memref<1x112x17xf32, #tpu.memory_space<vmem>>
    %dma_start3A_2556 = tpu.memref_squeeze %dma_start3A_2555 : memref<1x112x17xf32, #tpu.memory_space<vmem>> -> memref<112x17xf32, #tpu.memory_space<vmem>>
    tpu.enqueue_dma source(%dma_start3A_2556 : memref<112x17xf32, #tpu.memory_space<vmem>>) target(%dma_start3A_2552 : memref<112x17xf32, #tpu.memory_space<hbm>>) target_semaphore(%arg9 : memref<!tpu.dma_semaphore, #tpu.memory_space<semaphore_mem>>)
    %dma_start3A_2557 = arith.constant 2 : i32
    %dma_start3A_2558 = arith.constant 0 : i32
    %dma_start3A_2559 = arith.constant 0 : i32
    %dma_start3A_2560 = tpu.memref_slice %arg7[%dma_start3A_2557, %dma_start3A_2558, %dma_start3A_2559] : memref<3x112x6xf32, #tpu.memory_space<vmem>> -> memref<1x112x6xf32, #tpu.memory_space<vmem>>
    %dma_start3A_2561 = tpu.memref_squeeze %dma_start3A_2560 : memref<1x112x6xf32, #tpu.memory_space<vmem>> -> memref<112x6xf32, #tpu.memory_space<vmem>>
    %dma_start3A_2562 = arith.constant 0 : i32
    %dma_start3A_2563 = tpu.memref_slice %arg5[%add3A_2543, %dma_start3A_2562] : memref<100000x6xf32, #tpu.memory_space<hbm>> -> memref<112x6xf32, #tpu.memory_space<hbm>>
    %dma_start3A_2564 = arith.constant 0 : i32
    %dma_start3A_2565 = tpu.memref_slice %arg5[%add3A_2543, %dma_start3A_2564] : memref<100000x6xf32, #tpu.memory_space<hbm>> -> memref<112x6xf32, #tpu.memory_space<hbm>>
    %dma_start3A_2566 = arith.constant 0 : i32
    %dma_start3A_2567 = arith.constant 0 : i32
    %dma_start3A_2568 = tpu.memref_slice %arg7[%dma_start3A_2557, %dma_start3A_2566, %dma_start3A_2567] : memref<3x112x6xf32, #tpu.memory_space<vmem>> -> memref<1x112x6xf32, #tpu.memory_space<vmem>>
    %dma_start3A_2569 = tpu.memref_squeeze %dma_start3A_2568 : memref<1x112x6xf32, #tpu.memory_space<vmem>> -> memref<112x6xf32, #tpu.memory_space<vmem>>
    tpu.enqueue_dma source(%dma_start3A_2569 : memref<112x6xf32, #tpu.memory_space<vmem>>) target(%dma_start3A_2565 : memref<112x6xf32, #tpu.memory_space<hbm>>) target_semaphore(%arg9 : memref<!tpu.dma_semaphore, #tpu.memory_space<semaphore_mem>>)
    %dma_wait3A_2570 = arith.constant 1 : i32
    %dma_wait3A_2571 = arith.constant 0 : i32
    %dma_wait3A_2572 = arith.constant 0 : i32
    %dma_wait3A_2573 = tpu.memref_slice %arg6[%dma_wait3A_2570, %dma_wait3A_2571, %dma_wait3A_2572] : memref<3x112x17xf32, #tpu.memory_space<vmem>> -> memref<1x112x17xf32, #tpu.memory_space<vmem>>
    %dma_wait3A_2574 = tpu.memref_squeeze %dma_wait3A_2573 : memref<1x112x17xf32, #tpu.memory_space<vmem>> -> memref<112x17xf32, #tpu.memory_space<vmem>>
    %dma_wait3A_2575 = arith.constant 0 : i32
    %dma_wait3A_2576 = tpu.memref_slice %arg4[%add3A_2435, %dma_wait3A_2575] : memref<100000x17xf32, #tpu.memory_space<hbm>> -> memref<112x17xf32, #tpu.memory_space<hbm>>
    %dma_wait3A_2577 = arith.constant 0 : i32
    %dma_wait3A_2578 = tpu.memref_slice %arg4[%add3A_2435, %dma_wait3A_2577] : memref<100000x17xf32, #tpu.memory_space<hbm>> -> memref<112x17xf32, #tpu.memory_space<hbm>>
    %dma_wait3A_2579 = arith.constant 0 : i32
    %dma_wait3A_2580 = arith.constant 0 : i32
    %dma_wait3A_2581 = tpu.memref_slice %arg6[%dma_wait3A_2570, %dma_wait3A_2579, %dma_wait3A_2580] : memref<3x112x17xf32, #tpu.memory_space<vmem>> -> memref<1x112x17xf32, #tpu.memory_space<vmem>>
    %dma_wait3A_2582 = tpu.memref_squeeze %dma_wait3A_2581 : memref<1x112x17xf32, #tpu.memory_space<vmem>> -> memref<112x17xf32, #tpu.memory_space<vmem>>
    tpu.wait_dma2 semaphore(%arg9 : memref<!tpu.dma_semaphore, #tpu.memory_space<semaphore_mem>>) src(%dma_wait3A_2582 : memref<112x17xf32, #tpu.memory_space<vmem>>) dst(%dma_wait3A_2578 : memref<112x17xf32, #tpu.memory_space<hbm>>)
    %dma_wait3A_2583 = arith.constant 1 : i32
    %dma_wait3A_2584 = arith.constant 0 : i32
    %dma_wait3A_2585 = arith.constant 0 : i32
    %dma_wait3A_2586 = tpu.memref_slice %arg7[%dma_wait3A_2583, %dma_wait3A_2584, %dma_wait3A_2585] : memref<3x112x6xf32, #tpu.memory_space<vmem>> -> memref<1x112x6xf32, #tpu.memory_space<vmem>>
    %dma_wait3A_2587 = tpu.memref_squeeze %dma_wait3A_2586 : memref<1x112x6xf32, #tpu.memory_space<vmem>> -> memref<112x6xf32, #tpu.memory_space<vmem>>
    %dma_wait3A_2588 = arith.constant 0 : i32
    %dma_wait3A_2589 = tpu.memref_slice %arg5[%add3A_2435, %dma_wait3A_2588] : memref<100000x6xf32, #tpu.memory_space<hbm>> -> memref<112x6xf32, #tpu.memory_space<hbm>>
    %dma_wait3A_2590 = arith.constant 0 : i32
    %dma_wait3A_2591 = tpu.memref_slice %arg5[%add3A_2435, %dma_wait3A_2590] : memref<100000x6xf32, #tpu.memory_space<hbm>> -> memref<112x6xf32, #tpu.memory_space<hbm>>
    %dma_wait3A_2592 = arith.constant 0 : i32
    %dma_wait3A_2593 = arith.constant 0 : i32
    %dma_wait3A_2594 = tpu.memref_slice %arg7[%dma_wait3A_2583, %dma_wait3A_2592, %dma_wait3A_2593] : memref<3x112x6xf32, #tpu.memory_space<vmem>> -> memref<1x112x6xf32, #tpu.memory_space<vmem>>
    %dma_wait3A_2595 = tpu.memref_squeeze %dma_wait3A_2594 : memref<1x112x6xf32, #tpu.memory_space<vmem>> -> memref<112x6xf32, #tpu.memory_space<vmem>>
    tpu.wait_dma2 semaphore(%arg9 : memref<!tpu.dma_semaphore, #tpu.memory_space<semaphore_mem>>) src(%dma_wait3A_2595 : memref<112x6xf32, #tpu.memory_space<vmem>>) dst(%dma_wait3A_2591 : memref<112x6xf32, #tpu.memory_space<hbm>>)
    %add3A_2596 = arith.constant 2800 : i32
    %add3A_2597 = arith.addi %min3A_3, %add3A_2596 : i32
    %dma_start3A_2598 = arith.constant 1 : i32
    %dma_start3A_2599 = arith.constant 0 : i32
    %dma_start3A_2600 = arith.constant 0 : i32
    %dma_start3A_2601 = tpu.memref_slice %arg6[%dma_start3A_2598, %dma_start3A_2599, %dma_start3A_2600] : memref<3x112x17xf32, #tpu.memory_space<vmem>> -> memref<1x112x17xf32, #tpu.memory_space<vmem>>
    %dma_start3A_2602 = tpu.memref_squeeze %dma_start3A_2601 : memref<1x112x17xf32, #tpu.memory_space<vmem>> -> memref<112x17xf32, #tpu.memory_space<vmem>>
    %dma_start3A_2603 = arith.constant 0 : i32
    %dma_start3A_2604 = tpu.memref_slice %arg2[%add3A_2597, %dma_start3A_2603] : memref<100000x17xf32, #tpu.memory_space<hbm>> -> memref<112x17xf32, #tpu.memory_space<hbm>>
    %dma_start3A_2605 = arith.constant 0 : i32
    %dma_start3A_2606 = arith.constant 0 : i32
    %dma_start3A_2607 = tpu.memref_slice %arg6[%dma_start3A_2598, %dma_start3A_2605, %dma_start3A_2606] : memref<3x112x17xf32, #tpu.memory_space<vmem>> -> memref<1x112x17xf32, #tpu.memory_space<vmem>>
    %dma_start3A_2608 = tpu.memref_squeeze %dma_start3A_2607 : memref<1x112x17xf32, #tpu.memory_space<vmem>> -> memref<112x17xf32, #tpu.memory_space<vmem>>
    %dma_start3A_2609 = arith.constant 0 : i32
    %dma_start3A_2610 = tpu.memref_slice %arg2[%add3A_2597, %dma_start3A_2609] : memref<100000x17xf32, #tpu.memory_space<hbm>> -> memref<112x17xf32, #tpu.memory_space<hbm>>
    tpu.enqueue_dma source(%dma_start3A_2610 : memref<112x17xf32, #tpu.memory_space<hbm>>) target(%dma_start3A_2608 : memref<112x17xf32, #tpu.memory_space<vmem>>) target_semaphore(%arg8 : memref<!tpu.dma_semaphore, #tpu.memory_space<semaphore_mem>>)
    %dma_start3A_2611 = arith.constant 1 : i32
    %dma_start3A_2612 = arith.constant 0 : i32
    %dma_start3A_2613 = arith.constant 0 : i32
    %dma_start3A_2614 = tpu.memref_slice %arg7[%dma_start3A_2611, %dma_start3A_2612, %dma_start3A_2613] : memref<3x112x6xf32, #tpu.memory_space<vmem>> -> memref<1x112x6xf32, #tpu.memory_space<vmem>>
    %dma_start3A_2615 = tpu.memref_squeeze %dma_start3A_2614 : memref<1x112x6xf32, #tpu.memory_space<vmem>> -> memref<112x6xf32, #tpu.memory_space<vmem>>
    %dma_start3A_2616 = arith.constant 0 : i32
    %dma_start3A_2617 = tpu.memref_slice %arg3[%add3A_2597, %dma_start3A_2616] : memref<100000x6xf32, #tpu.memory_space<hbm>> -> memref<112x6xf32, #tpu.memory_space<hbm>>
    %dma_start3A_2618 = arith.constant 0 : i32
    %dma_start3A_2619 = arith.constant 0 : i32
    %dma_start3A_2620 = tpu.memref_slice %arg7[%dma_start3A_2611, %dma_start3A_2618, %dma_start3A_2619] : memref<3x112x6xf32, #tpu.memory_space<vmem>> -> memref<1x112x6xf32, #tpu.memory_space<vmem>>
    %dma_start3A_2621 = tpu.memref_squeeze %dma_start3A_2620 : memref<1x112x6xf32, #tpu.memory_space<vmem>> -> memref<112x6xf32, #tpu.memory_space<vmem>>
    %dma_start3A_2622 = arith.constant 0 : i32
    %dma_start3A_2623 = tpu.memref_slice %arg3[%add3A_2597, %dma_start3A_2622] : memref<100000x6xf32, #tpu.memory_space<hbm>> -> memref<112x6xf32, #tpu.memory_space<hbm>>
    tpu.enqueue_dma source(%dma_start3A_2623 : memref<112x6xf32, #tpu.memory_space<hbm>>) target(%dma_start3A_2621 : memref<112x6xf32, #tpu.memory_space<vmem>>) target_semaphore(%arg8 : memref<!tpu.dma_semaphore, #tpu.memory_space<semaphore_mem>>)
    %dma_wait3A_2624 = arith.constant 0 : i32
    %dma_wait3A_2625 = arith.constant 0 : i32
    %dma_wait3A_2626 = arith.constant 0 : i32
    %dma_wait3A_2627 = tpu.memref_slice %arg6[%dma_wait3A_2624, %dma_wait3A_2625, %dma_wait3A_2626] : memref<3x112x17xf32, #tpu.memory_space<vmem>> -> memref<1x112x17xf32, #tpu.memory_space<vmem>>
    %dma_wait3A_2628 = tpu.memref_squeeze %dma_wait3A_2627 : memref<1x112x17xf32, #tpu.memory_space<vmem>> -> memref<112x17xf32, #tpu.memory_space<vmem>>
    %dma_wait3A_2629 = arith.constant 0 : i32
    %dma_wait3A_2630 = tpu.memref_slice %arg2[%add3A_2489, %dma_wait3A_2629] : memref<100000x17xf32, #tpu.memory_space<hbm>> -> memref<112x17xf32, #tpu.memory_space<hbm>>
    %dma_wait3A_2631 = arith.constant 0 : i32
    %dma_wait3A_2632 = arith.constant 0 : i32
    %dma_wait3A_2633 = tpu.memref_slice %arg6[%dma_wait3A_2624, %dma_wait3A_2631, %dma_wait3A_2632] : memref<3x112x17xf32, #tpu.memory_space<vmem>> -> memref<1x112x17xf32, #tpu.memory_space<vmem>>
    %dma_wait3A_2634 = tpu.memref_squeeze %dma_wait3A_2633 : memref<1x112x17xf32, #tpu.memory_space<vmem>> -> memref<112x17xf32, #tpu.memory_space<vmem>>
    %dma_wait3A_2635 = arith.constant 0 : i32
    %dma_wait3A_2636 = tpu.memref_slice %arg2[%add3A_2489, %dma_wait3A_2635] : memref<100000x17xf32, #tpu.memory_space<hbm>> -> memref<112x17xf32, #tpu.memory_space<hbm>>
    tpu.wait_dma2 semaphore(%arg8 : memref<!tpu.dma_semaphore, #tpu.memory_space<semaphore_mem>>) src(%dma_wait3A_2636 : memref<112x17xf32, #tpu.memory_space<hbm>>) dst(%dma_wait3A_2634 : memref<112x17xf32, #tpu.memory_space<vmem>>)
    %dma_wait3A_2637 = arith.constant 0 : i32
    %dma_wait3A_2638 = arith.constant 0 : i32
    %dma_wait3A_2639 = arith.constant 0 : i32
    %dma_wait3A_2640 = tpu.memref_slice %arg7[%dma_wait3A_2637, %dma_wait3A_2638, %dma_wait3A_2639] : memref<3x112x6xf32, #tpu.memory_space<vmem>> -> memref<1x112x6xf32, #tpu.memory_space<vmem>>
    %dma_wait3A_2641 = tpu.memref_squeeze %dma_wait3A_2640 : memref<1x112x6xf32, #tpu.memory_space<vmem>> -> memref<112x6xf32, #tpu.memory_space<vmem>>
    %dma_wait3A_2642 = arith.constant 0 : i32
    %dma_wait3A_2643 = tpu.memref_slice %arg3[%add3A_2489, %dma_wait3A_2642] : memref<100000x6xf32, #tpu.memory_space<hbm>> -> memref<112x6xf32, #tpu.memory_space<hbm>>
    %dma_wait3A_2644 = arith.constant 0 : i32
    %dma_wait3A_2645 = arith.constant 0 : i32
    %dma_wait3A_2646 = tpu.memref_slice %arg7[%dma_wait3A_2637, %dma_wait3A_2644, %dma_wait3A_2645] : memref<3x112x6xf32, #tpu.memory_space<vmem>> -> memref<1x112x6xf32, #tpu.memory_space<vmem>>
    %dma_wait3A_2647 = tpu.memref_squeeze %dma_wait3A_2646 : memref<1x112x6xf32, #tpu.memory_space<vmem>> -> memref<112x6xf32, #tpu.memory_space<vmem>>
    %dma_wait3A_2648 = arith.constant 0 : i32
    %dma_wait3A_2649 = tpu.memref_slice %arg3[%add3A_2489, %dma_wait3A_2648] : memref<100000x6xf32, #tpu.memory_space<hbm>> -> memref<112x6xf32, #tpu.memory_space<hbm>>
    tpu.wait_dma2 semaphore(%arg8 : memref<!tpu.dma_semaphore, #tpu.memory_space<semaphore_mem>>) src(%dma_wait3A_2649 : memref<112x6xf32, #tpu.memory_space<hbm>>) dst(%dma_wait3A_2647 : memref<112x6xf32, #tpu.memory_space<vmem>>)
    %add3A_2650 = arith.constant 2688 : i32
    %add3A_2651 = arith.addi %min3A_3, %add3A_2650 : i32
    %dma_start3A_2652 = arith.constant 0 : i32
    %dma_start3A_2653 = arith.constant 0 : i32
    %dma_start3A_2654 = arith.constant 0 : i32
    %dma_start3A_2655 = tpu.memref_slice %arg6[%dma_start3A_2652, %dma_start3A_2653, %dma_start3A_2654] : memref<3x112x17xf32, #tpu.memory_space<vmem>> -> memref<1x112x17xf32, #tpu.memory_space<vmem>>
    %dma_start3A_2656 = tpu.memref_squeeze %dma_start3A_2655 : memref<1x112x17xf32, #tpu.memory_space<vmem>> -> memref<112x17xf32, #tpu.memory_space<vmem>>
    %dma_start3A_2657 = arith.constant 0 : i32
    %dma_start3A_2658 = tpu.memref_slice %arg4[%add3A_2651, %dma_start3A_2657] : memref<100000x17xf32, #tpu.memory_space<hbm>> -> memref<112x17xf32, #tpu.memory_space<hbm>>
    %dma_start3A_2659 = arith.constant 0 : i32
    %dma_start3A_2660 = tpu.memref_slice %arg4[%add3A_2651, %dma_start3A_2659] : memref<100000x17xf32, #tpu.memory_space<hbm>> -> memref<112x17xf32, #tpu.memory_space<hbm>>
    %dma_start3A_2661 = arith.constant 0 : i32
    %dma_start3A_2662 = arith.constant 0 : i32
    %dma_start3A_2663 = tpu.memref_slice %arg6[%dma_start3A_2652, %dma_start3A_2661, %dma_start3A_2662] : memref<3x112x17xf32, #tpu.memory_space<vmem>> -> memref<1x112x17xf32, #tpu.memory_space<vmem>>
    %dma_start3A_2664 = tpu.memref_squeeze %dma_start3A_2663 : memref<1x112x17xf32, #tpu.memory_space<vmem>> -> memref<112x17xf32, #tpu.memory_space<vmem>>
    tpu.enqueue_dma source(%dma_start3A_2664 : memref<112x17xf32, #tpu.memory_space<vmem>>) target(%dma_start3A_2660 : memref<112x17xf32, #tpu.memory_space<hbm>>) target_semaphore(%arg9 : memref<!tpu.dma_semaphore, #tpu.memory_space<semaphore_mem>>)
    %dma_start3A_2665 = arith.constant 0 : i32
    %dma_start3A_2666 = arith.constant 0 : i32
    %dma_start3A_2667 = arith.constant 0 : i32
    %dma_start3A_2668 = tpu.memref_slice %arg7[%dma_start3A_2665, %dma_start3A_2666, %dma_start3A_2667] : memref<3x112x6xf32, #tpu.memory_space<vmem>> -> memref<1x112x6xf32, #tpu.memory_space<vmem>>
    %dma_start3A_2669 = tpu.memref_squeeze %dma_start3A_2668 : memref<1x112x6xf32, #tpu.memory_space<vmem>> -> memref<112x6xf32, #tpu.memory_space<vmem>>
    %dma_start3A_2670 = arith.constant 0 : i32
    %dma_start3A_2671 = tpu.memref_slice %arg5[%add3A_2651, %dma_start3A_2670] : memref<100000x6xf32, #tpu.memory_space<hbm>> -> memref<112x6xf32, #tpu.memory_space<hbm>>
    %dma_start3A_2672 = arith.constant 0 : i32
    %dma_start3A_2673 = tpu.memref_slice %arg5[%add3A_2651, %dma_start3A_2672] : memref<100000x6xf32, #tpu.memory_space<hbm>> -> memref<112x6xf32, #tpu.memory_space<hbm>>
    %dma_start3A_2674 = arith.constant 0 : i32
    %dma_start3A_2675 = arith.constant 0 : i32
    %dma_start3A_2676 = tpu.memref_slice %arg7[%dma_start3A_2665, %dma_start3A_2674, %dma_start3A_2675] : memref<3x112x6xf32, #tpu.memory_space<vmem>> -> memref<1x112x6xf32, #tpu.memory_space<vmem>>
    %dma_start3A_2677 = tpu.memref_squeeze %dma_start3A_2676 : memref<1x112x6xf32, #tpu.memory_space<vmem>> -> memref<112x6xf32, #tpu.memory_space<vmem>>
    tpu.enqueue_dma source(%dma_start3A_2677 : memref<112x6xf32, #tpu.memory_space<vmem>>) target(%dma_start3A_2673 : memref<112x6xf32, #tpu.memory_space<hbm>>) target_semaphore(%arg9 : memref<!tpu.dma_semaphore, #tpu.memory_space<semaphore_mem>>)
    %dma_wait3A_2678 = arith.constant 2 : i32
    %dma_wait3A_2679 = arith.constant 0 : i32
    %dma_wait3A_2680 = arith.constant 0 : i32
    %dma_wait3A_2681 = tpu.memref_slice %arg6[%dma_wait3A_2678, %dma_wait3A_2679, %dma_wait3A_2680] : memref<3x112x17xf32, #tpu.memory_space<vmem>> -> memref<1x112x17xf32, #tpu.memory_space<vmem>>
    %dma_wait3A_2682 = tpu.memref_squeeze %dma_wait3A_2681 : memref<1x112x17xf32, #tpu.memory_space<vmem>> -> memref<112x17xf32, #tpu.memory_space<vmem>>
    %dma_wait3A_2683 = arith.constant 0 : i32
    %dma_wait3A_2684 = tpu.memref_slice %arg4[%add3A_2543, %dma_wait3A_2683] : memref<100000x17xf32, #tpu.memory_space<hbm>> -> memref<112x17xf32, #tpu.memory_space<hbm>>
    %dma_wait3A_2685 = arith.constant 0 : i32
    %dma_wait3A_2686 = tpu.memref_slice %arg4[%add3A_2543, %dma_wait3A_2685] : memref<100000x17xf32, #tpu.memory_space<hbm>> -> memref<112x17xf32, #tpu.memory_space<hbm>>
    %dma_wait3A_2687 = arith.constant 0 : i32
    %dma_wait3A_2688 = arith.constant 0 : i32
    %dma_wait3A_2689 = tpu.memref_slice %arg6[%dma_wait3A_2678, %dma_wait3A_2687, %dma_wait3A_2688] : memref<3x112x17xf32, #tpu.memory_space<vmem>> -> memref<1x112x17xf32, #tpu.memory_space<vmem>>
    %dma_wait3A_2690 = tpu.memref_squeeze %dma_wait3A_2689 : memref<1x112x17xf32, #tpu.memory_space<vmem>> -> memref<112x17xf32, #tpu.memory_space<vmem>>
    tpu.wait_dma2 semaphore(%arg9 : memref<!tpu.dma_semaphore, #tpu.memory_space<semaphore_mem>>) src(%dma_wait3A_2690 : memref<112x17xf32, #tpu.memory_space<vmem>>) dst(%dma_wait3A_2686 : memref<112x17xf32, #tpu.memory_space<hbm>>)
    %dma_wait3A_2691 = arith.constant 2 : i32
    %dma_wait3A_2692 = arith.constant 0 : i32
    %dma_wait3A_2693 = arith.constant 0 : i32
    %dma_wait3A_2694 = tpu.memref_slice %arg7[%dma_wait3A_2691, %dma_wait3A_2692, %dma_wait3A_2693] : memref<3x112x6xf32, #tpu.memory_space<vmem>> -> memref<1x112x6xf32, #tpu.memory_space<vmem>>
    %dma_wait3A_2695 = tpu.memref_squeeze %dma_wait3A_2694 : memref<1x112x6xf32, #tpu.memory_space<vmem>> -> memref<112x6xf32, #tpu.memory_space<vmem>>
    %dma_wait3A_2696 = arith.constant 0 : i32
    %dma_wait3A_2697 = tpu.memref_slice %arg5[%add3A_2543, %dma_wait3A_2696] : memref<100000x6xf32, #tpu.memory_space<hbm>> -> memref<112x6xf32, #tpu.memory_space<hbm>>
    %dma_wait3A_2698 = arith.constant 0 : i32
    %dma_wait3A_2699 = tpu.memref_slice %arg5[%add3A_2543, %dma_wait3A_2698] : memref<100000x6xf32, #tpu.memory_space<hbm>> -> memref<112x6xf32, #tpu.memory_space<hbm>>
    %dma_wait3A_2700 = arith.constant 0 : i32
    %dma_wait3A_2701 = arith.constant 0 : i32
    %dma_wait3A_2702 = tpu.memref_slice %arg7[%dma_wait3A_2691, %dma_wait3A_2700, %dma_wait3A_2701] : memref<3x112x6xf32, #tpu.memory_space<vmem>> -> memref<1x112x6xf32, #tpu.memory_space<vmem>>
    %dma_wait3A_2703 = tpu.memref_squeeze %dma_wait3A_2702 : memref<1x112x6xf32, #tpu.memory_space<vmem>> -> memref<112x6xf32, #tpu.memory_space<vmem>>
    tpu.wait_dma2 semaphore(%arg9 : memref<!tpu.dma_semaphore, #tpu.memory_space<semaphore_mem>>) src(%dma_wait3A_2703 : memref<112x6xf32, #tpu.memory_space<vmem>>) dst(%dma_wait3A_2699 : memref<112x6xf32, #tpu.memory_space<hbm>>)
    %add3A_2704 = arith.constant 2912 : i32
    %add3A_2705 = arith.addi %min3A_3, %add3A_2704 : i32
    %dma_start3A_2706 = arith.constant 2 : i32
    %dma_start3A_2707 = arith.constant 0 : i32
    %dma_start3A_2708 = arith.constant 0 : i32
    %dma_start3A_2709 = tpu.memref_slice %arg6[%dma_start3A_2706, %dma_start3A_2707, %dma_start3A_2708] : memref<3x112x17xf32, #tpu.memory_space<vmem>> -> memref<1x112x17xf32, #tpu.memory_space<vmem>>
    %dma_start3A_2710 = tpu.memref_squeeze %dma_start3A_2709 : memref<1x112x17xf32, #tpu.memory_space<vmem>> -> memref<112x17xf32, #tpu.memory_space<vmem>>
    %dma_start3A_2711 = arith.constant 0 : i32
    %dma_start3A_2712 = tpu.memref_slice %arg2[%add3A_2705, %dma_start3A_2711] : memref<100000x17xf32, #tpu.memory_space<hbm>> -> memref<112x17xf32, #tpu.memory_space<hbm>>
    %dma_start3A_2713 = arith.constant 0 : i32
    %dma_start3A_2714 = arith.constant 0 : i32
    %dma_start3A_2715 = tpu.memref_slice %arg6[%dma_start3A_2706, %dma_start3A_2713, %dma_start3A_2714] : memref<3x112x17xf32, #tpu.memory_space<vmem>> -> memref<1x112x17xf32, #tpu.memory_space<vmem>>
    %dma_start3A_2716 = tpu.memref_squeeze %dma_start3A_2715 : memref<1x112x17xf32, #tpu.memory_space<vmem>> -> memref<112x17xf32, #tpu.memory_space<vmem>>
    %dma_start3A_2717 = arith.constant 0 : i32
    %dma_start3A_2718 = tpu.memref_slice %arg2[%add3A_2705, %dma_start3A_2717] : memref<100000x17xf32, #tpu.memory_space<hbm>> -> memref<112x17xf32, #tpu.memory_space<hbm>>
    tpu.enqueue_dma source(%dma_start3A_2718 : memref<112x17xf32, #tpu.memory_space<hbm>>) target(%dma_start3A_2716 : memref<112x17xf32, #tpu.memory_space<vmem>>) target_semaphore(%arg8 : memref<!tpu.dma_semaphore, #tpu.memory_space<semaphore_mem>>)
    %dma_start3A_2719 = arith.constant 2 : i32
    %dma_start3A_2720 = arith.constant 0 : i32
    %dma_start3A_2721 = arith.constant 0 : i32
    %dma_start3A_2722 = tpu.memref_slice %arg7[%dma_start3A_2719, %dma_start3A_2720, %dma_start3A_2721] : memref<3x112x6xf32, #tpu.memory_space<vmem>> -> memref<1x112x6xf32, #tpu.memory_space<vmem>>
    %dma_start3A_2723 = tpu.memref_squeeze %dma_start3A_2722 : memref<1x112x6xf32, #tpu.memory_space<vmem>> -> memref<112x6xf32, #tpu.memory_space<vmem>>
    %dma_start3A_2724 = arith.constant 0 : i32
    %dma_start3A_2725 = tpu.memref_slice %arg3[%add3A_2705, %dma_start3A_2724] : memref<100000x6xf32, #tpu.memory_space<hbm>> -> memref<112x6xf32, #tpu.memory_space<hbm>>
    %dma_start3A_2726 = arith.constant 0 : i32
    %dma_start3A_2727 = arith.constant 0 : i32
    %dma_start3A_2728 = tpu.memref_slice %arg7[%dma_start3A_2719, %dma_start3A_2726, %dma_start3A_2727] : memref<3x112x6xf32, #tpu.memory_space<vmem>> -> memref<1x112x6xf32, #tpu.memory_space<vmem>>
    %dma_start3A_2729 = tpu.memref_squeeze %dma_start3A_2728 : memref<1x112x6xf32, #tpu.memory_space<vmem>> -> memref<112x6xf32, #tpu.memory_space<vmem>>
    %dma_start3A_2730 = arith.constant 0 : i32
    %dma_start3A_2731 = tpu.memref_slice %arg3[%add3A_2705, %dma_start3A_2730] : memref<100000x6xf32, #tpu.memory_space<hbm>> -> memref<112x6xf32, #tpu.memory_space<hbm>>
    tpu.enqueue_dma source(%dma_start3A_2731 : memref<112x6xf32, #tpu.memory_space<hbm>>) target(%dma_start3A_2729 : memref<112x6xf32, #tpu.memory_space<vmem>>) target_semaphore(%arg8 : memref<!tpu.dma_semaphore, #tpu.memory_space<semaphore_mem>>)
    %dma_wait3A_2732 = arith.constant 1 : i32
    %dma_wait3A_2733 = arith.constant 0 : i32
    %dma_wait3A_2734 = arith.constant 0 : i32
    %dma_wait3A_2735 = tpu.memref_slice %arg6[%dma_wait3A_2732, %dma_wait3A_2733, %dma_wait3A_2734] : memref<3x112x17xf32, #tpu.memory_space<vmem>> -> memref<1x112x17xf32, #tpu.memory_space<vmem>>
    %dma_wait3A_2736 = tpu.memref_squeeze %dma_wait3A_2735 : memref<1x112x17xf32, #tpu.memory_space<vmem>> -> memref<112x17xf32, #tpu.memory_space<vmem>>
    %dma_wait3A_2737 = arith.constant 0 : i32
    %dma_wait3A_2738 = tpu.memref_slice %arg2[%add3A_2597, %dma_wait3A_2737] : memref<100000x17xf32, #tpu.memory_space<hbm>> -> memref<112x17xf32, #tpu.memory_space<hbm>>
    %dma_wait3A_2739 = arith.constant 0 : i32
    %dma_wait3A_2740 = arith.constant 0 : i32
    %dma_wait3A_2741 = tpu.memref_slice %arg6[%dma_wait3A_2732, %dma_wait3A_2739, %dma_wait3A_2740] : memref<3x112x17xf32, #tpu.memory_space<vmem>> -> memref<1x112x17xf32, #tpu.memory_space<vmem>>
    %dma_wait3A_2742 = tpu.memref_squeeze %dma_wait3A_2741 : memref<1x112x17xf32, #tpu.memory_space<vmem>> -> memref<112x17xf32, #tpu.memory_space<vmem>>
    %dma_wait3A_2743 = arith.constant 0 : i32
    %dma_wait3A_2744 = tpu.memref_slice %arg2[%add3A_2597, %dma_wait3A_2743] : memref<100000x17xf32, #tpu.memory_space<hbm>> -> memref<112x17xf32, #tpu.memory_space<hbm>>
    tpu.wait_dma2 semaphore(%arg8 : memref<!tpu.dma_semaphore, #tpu.memory_space<semaphore_mem>>) src(%dma_wait3A_2744 : memref<112x17xf32, #tpu.memory_space<hbm>>) dst(%dma_wait3A_2742 : memref<112x17xf32, #tpu.memory_space<vmem>>)
    %dma_wait3A_2745 = arith.constant 1 : i32
    %dma_wait3A_2746 = arith.constant 0 : i32
    %dma_wait3A_2747 = arith.constant 0 : i32
    %dma_wait3A_2748 = tpu.memref_slice %arg7[%dma_wait3A_2745, %dma_wait3A_2746, %dma_wait3A_2747] : memref<3x112x6xf32, #tpu.memory_space<vmem>> -> memref<1x112x6xf32, #tpu.memory_space<vmem>>
    %dma_wait3A_2749 = tpu.memref_squeeze %dma_wait3A_2748 : memref<1x112x6xf32, #tpu.memory_space<vmem>> -> memref<112x6xf32, #tpu.memory_space<vmem>>
    %dma_wait3A_2750 = arith.constant 0 : i32
    %dma_wait3A_2751 = tpu.memref_slice %arg3[%add3A_2597, %dma_wait3A_2750] : memref<100000x6xf32, #tpu.memory_space<hbm>> -> memref<112x6xf32, #tpu.memory_space<hbm>>
    %dma_wait3A_2752 = arith.constant 0 : i32
    %dma_wait3A_2753 = arith.constant 0 : i32
    %dma_wait3A_2754 = tpu.memref_slice %arg7[%dma_wait3A_2745, %dma_wait3A_2752, %dma_wait3A_2753] : memref<3x112x6xf32, #tpu.memory_space<vmem>> -> memref<1x112x6xf32, #tpu.memory_space<vmem>>
    %dma_wait3A_2755 = tpu.memref_squeeze %dma_wait3A_2754 : memref<1x112x6xf32, #tpu.memory_space<vmem>> -> memref<112x6xf32, #tpu.memory_space<vmem>>
    %dma_wait3A_2756 = arith.constant 0 : i32
    %dma_wait3A_2757 = tpu.memref_slice %arg3[%add3A_2597, %dma_wait3A_2756] : memref<100000x6xf32, #tpu.memory_space<hbm>> -> memref<112x6xf32, #tpu.memory_space<hbm>>
    tpu.wait_dma2 semaphore(%arg8 : memref<!tpu.dma_semaphore, #tpu.memory_space<semaphore_mem>>) src(%dma_wait3A_2757 : memref<112x6xf32, #tpu.memory_space<hbm>>) dst(%dma_wait3A_2755 : memref<112x6xf32, #tpu.memory_space<vmem>>)
    %add3A_2758 = arith.constant 2800 : i32
    %add3A_2759 = arith.addi %min3A_3, %add3A_2758 : i32
    %dma_start3A_2760 = arith.constant 1 : i32
    %dma_start3A_2761 = arith.constant 0 : i32
    %dma_start3A_2762 = arith.constant 0 : i32
    %dma_start3A_2763 = tpu.memref_slice %arg6[%dma_start3A_2760, %dma_start3A_2761, %dma_start3A_2762] : memref<3x112x17xf32, #tpu.memory_space<vmem>> -> memref<1x112x17xf32, #tpu.memory_space<vmem>>
    %dma_start3A_2764 = tpu.memref_squeeze %dma_start3A_2763 : memref<1x112x17xf32, #tpu.memory_space<vmem>> -> memref<112x17xf32, #tpu.memory_space<vmem>>
    %dma_start3A_2765 = arith.constant 0 : i32
    %dma_start3A_2766 = tpu.memref_slice %arg4[%add3A_2759, %dma_start3A_2765] : memref<100000x17xf32, #tpu.memory_space<hbm>> -> memref<112x17xf32, #tpu.memory_space<hbm>>
    %dma_start3A_2767 = arith.constant 0 : i32
    %dma_start3A_2768 = tpu.memref_slice %arg4[%add3A_2759, %dma_start3A_2767] : memref<100000x17xf32, #tpu.memory_space<hbm>> -> memref<112x17xf32, #tpu.memory_space<hbm>>
    %dma_start3A_2769 = arith.constant 0 : i32
    %dma_start3A_2770 = arith.constant 0 : i32
    %dma_start3A_2771 = tpu.memref_slice %arg6[%dma_start3A_2760, %dma_start3A_2769, %dma_start3A_2770] : memref<3x112x17xf32, #tpu.memory_space<vmem>> -> memref<1x112x17xf32, #tpu.memory_space<vmem>>
    %dma_start3A_2772 = tpu.memref_squeeze %dma_start3A_2771 : memref<1x112x17xf32, #tpu.memory_space<vmem>> -> memref<112x17xf32, #tpu.memory_space<vmem>>
    tpu.enqueue_dma source(%dma_start3A_2772 : memref<112x17xf32, #tpu.memory_space<vmem>>) target(%dma_start3A_2768 : memref<112x17xf32, #tpu.memory_space<hbm>>) target_semaphore(%arg9 : memref<!tpu.dma_semaphore, #tpu.memory_space<semaphore_mem>>)
    %dma_start3A_2773 = arith.constant 1 : i32
    %dma_start3A_2774 = arith.constant 0 : i32
    %dma_start3A_2775 = arith.constant 0 : i32
    %dma_start3A_2776 = tpu.memref_slice %arg7[%dma_start3A_2773, %dma_start3A_2774, %dma_start3A_2775] : memref<3x112x6xf32, #tpu.memory_space<vmem>> -> memref<1x112x6xf32, #tpu.memory_space<vmem>>
    %dma_start3A_2777 = tpu.memref_squeeze %dma_start3A_2776 : memref<1x112x6xf32, #tpu.memory_space<vmem>> -> memref<112x6xf32, #tpu.memory_space<vmem>>
    %dma_start3A_2778 = arith.constant 0 : i32
    %dma_start3A_2779 = tpu.memref_slice %arg5[%add3A_2759, %dma_start3A_2778] : memref<100000x6xf32, #tpu.memory_space<hbm>> -> memref<112x6xf32, #tpu.memory_space<hbm>>
    %dma_start3A_2780 = arith.constant 0 : i32
    %dma_start3A_2781 = tpu.memref_slice %arg5[%add3A_2759, %dma_start3A_2780] : memref<100000x6xf32, #tpu.memory_space<hbm>> -> memref<112x6xf32, #tpu.memory_space<hbm>>
    %dma_start3A_2782 = arith.constant 0 : i32
    %dma_start3A_2783 = arith.constant 0 : i32
    %dma_start3A_2784 = tpu.memref_slice %arg7[%dma_start3A_2773, %dma_start3A_2782, %dma_start3A_2783] : memref<3x112x6xf32, #tpu.memory_space<vmem>> -> memref<1x112x6xf32, #tpu.memory_space<vmem>>
    %dma_start3A_2785 = tpu.memref_squeeze %dma_start3A_2784 : memref<1x112x6xf32, #tpu.memory_space<vmem>> -> memref<112x6xf32, #tpu.memory_space<vmem>>
    tpu.enqueue_dma source(%dma_start3A_2785 : memref<112x6xf32, #tpu.memory_space<vmem>>) target(%dma_start3A_2781 : memref<112x6xf32, #tpu.memory_space<hbm>>) target_semaphore(%arg9 : memref<!tpu.dma_semaphore, #tpu.memory_space<semaphore_mem>>)
    %dma_wait3A_2786 = arith.constant 0 : i32
    %dma_wait3A_2787 = arith.constant 0 : i32
    %dma_wait3A_2788 = arith.constant 0 : i32
    %dma_wait3A_2789 = tpu.memref_slice %arg6[%dma_wait3A_2786, %dma_wait3A_2787, %dma_wait3A_2788] : memref<3x112x17xf32, #tpu.memory_space<vmem>> -> memref<1x112x17xf32, #tpu.memory_space<vmem>>
    %dma_wait3A_2790 = tpu.memref_squeeze %dma_wait3A_2789 : memref<1x112x17xf32, #tpu.memory_space<vmem>> -> memref<112x17xf32, #tpu.memory_space<vmem>>
    %dma_wait3A_2791 = arith.constant 0 : i32
    %dma_wait3A_2792 = tpu.memref_slice %arg4[%add3A_2651, %dma_wait3A_2791] : memref<100000x17xf32, #tpu.memory_space<hbm>> -> memref<112x17xf32, #tpu.memory_space<hbm>>
    %dma_wait3A_2793 = arith.constant 0 : i32
    %dma_wait3A_2794 = tpu.memref_slice %arg4[%add3A_2651, %dma_wait3A_2793] : memref<100000x17xf32, #tpu.memory_space<hbm>> -> memref<112x17xf32, #tpu.memory_space<hbm>>
    %dma_wait3A_2795 = arith.constant 0 : i32
    %dma_wait3A_2796 = arith.constant 0 : i32
    %dma_wait3A_2797 = tpu.memref_slice %arg6[%dma_wait3A_2786, %dma_wait3A_2795, %dma_wait3A_2796] : memref<3x112x17xf32, #tpu.memory_space<vmem>> -> memref<1x112x17xf32, #tpu.memory_space<vmem>>
    %dma_wait3A_2798 = tpu.memref_squeeze %dma_wait3A_2797 : memref<1x112x17xf32, #tpu.memory_space<vmem>> -> memref<112x17xf32, #tpu.memory_space<vmem>>
    tpu.wait_dma2 semaphore(%arg9 : memref<!tpu.dma_semaphore, #tpu.memory_space<semaphore_mem>>) src(%dma_wait3A_2798 : memref<112x17xf32, #tpu.memory_space<vmem>>) dst(%dma_wait3A_2794 : memref<112x17xf32, #tpu.memory_space<hbm>>)
    %dma_wait3A_2799 = arith.constant 0 : i32
    %dma_wait3A_2800 = arith.constant 0 : i32
    %dma_wait3A_2801 = arith.constant 0 : i32
    %dma_wait3A_2802 = tpu.memref_slice %arg7[%dma_wait3A_2799, %dma_wait3A_2800, %dma_wait3A_2801] : memref<3x112x6xf32, #tpu.memory_space<vmem>> -> memref<1x112x6xf32, #tpu.memory_space<vmem>>
    %dma_wait3A_2803 = tpu.memref_squeeze %dma_wait3A_2802 : memref<1x112x6xf32, #tpu.memory_space<vmem>> -> memref<112x6xf32, #tpu.memory_space<vmem>>
    %dma_wait3A_2804 = arith.constant 0 : i32
    %dma_wait3A_2805 = tpu.memref_slice %arg5[%add3A_2651, %dma_wait3A_2804] : memref<100000x6xf32, #tpu.memory_space<hbm>> -> memref<112x6xf32, #tpu.memory_space<hbm>>
    %dma_wait3A_2806 = arith.constant 0 : i32
    %dma_wait3A_2807 = tpu.memref_slice %arg5[%add3A_2651, %dma_wait3A_2806] : memref<100000x6xf32, #tpu.memory_space<hbm>> -> memref<112x6xf32, #tpu.memory_space<hbm>>
    %dma_wait3A_2808 = arith.constant 0 : i32
    %dma_wait3A_2809 = arith.constant 0 : i32
    %dma_wait3A_2810 = tpu.memref_slice %arg7[%dma_wait3A_2799, %dma_wait3A_2808, %dma_wait3A_2809] : memref<3x112x6xf32, #tpu.memory_space<vmem>> -> memref<1x112x6xf32, #tpu.memory_space<vmem>>
    %dma_wait3A_2811 = tpu.memref_squeeze %dma_wait3A_2810 : memref<1x112x6xf32, #tpu.memory_space<vmem>> -> memref<112x6xf32, #tpu.memory_space<vmem>>
    tpu.wait_dma2 semaphore(%arg9 : memref<!tpu.dma_semaphore, #tpu.memory_space<semaphore_mem>>) src(%dma_wait3A_2811 : memref<112x6xf32, #tpu.memory_space<vmem>>) dst(%dma_wait3A_2807 : memref<112x6xf32, #tpu.memory_space<hbm>>)
    %add3A_2812 = arith.constant 3024 : i32
    %add3A_2813 = arith.addi %min3A_3, %add3A_2812 : i32
    %dma_start3A_2814 = arith.constant 0 : i32
    %dma_start3A_2815 = arith.constant 0 : i32
    %dma_start3A_2816 = arith.constant 0 : i32
    %dma_start3A_2817 = tpu.memref_slice %arg6[%dma_start3A_2814, %dma_start3A_2815, %dma_start3A_2816] : memref<3x112x17xf32, #tpu.memory_space<vmem>> -> memref<1x112x17xf32, #tpu.memory_space<vmem>>
    %dma_start3A_2818 = tpu.memref_squeeze %dma_start3A_2817 : memref<1x112x17xf32, #tpu.memory_space<vmem>> -> memref<112x17xf32, #tpu.memory_space<vmem>>
    %dma_start3A_2819 = arith.constant 0 : i32
    %dma_start3A_2820 = tpu.memref_slice %arg2[%add3A_2813, %dma_start3A_2819] : memref<100000x17xf32, #tpu.memory_space<hbm>> -> memref<112x17xf32, #tpu.memory_space<hbm>>
    %dma_start3A_2821 = arith.constant 0 : i32
    %dma_start3A_2822 = arith.constant 0 : i32
    %dma_start3A_2823 = tpu.memref_slice %arg6[%dma_start3A_2814, %dma_start3A_2821, %dma_start3A_2822] : memref<3x112x17xf32, #tpu.memory_space<vmem>> -> memref<1x112x17xf32, #tpu.memory_space<vmem>>
    %dma_start3A_2824 = tpu.memref_squeeze %dma_start3A_2823 : memref<1x112x17xf32, #tpu.memory_space<vmem>> -> memref<112x17xf32, #tpu.memory_space<vmem>>
    %dma_start3A_2825 = arith.constant 0 : i32
    %dma_start3A_2826 = tpu.memref_slice %arg2[%add3A_2813, %dma_start3A_2825] : memref<100000x17xf32, #tpu.memory_space<hbm>> -> memref<112x17xf32, #tpu.memory_space<hbm>>
    tpu.enqueue_dma source(%dma_start3A_2826 : memref<112x17xf32, #tpu.memory_space<hbm>>) target(%dma_start3A_2824 : memref<112x17xf32, #tpu.memory_space<vmem>>) target_semaphore(%arg8 : memref<!tpu.dma_semaphore, #tpu.memory_space<semaphore_mem>>)
    %dma_start3A_2827 = arith.constant 0 : i32
    %dma_start3A_2828 = arith.constant 0 : i32
    %dma_start3A_2829 = arith.constant 0 : i32
    %dma_start3A_2830 = tpu.memref_slice %arg7[%dma_start3A_2827, %dma_start3A_2828, %dma_start3A_2829] : memref<3x112x6xf32, #tpu.memory_space<vmem>> -> memref<1x112x6xf32, #tpu.memory_space<vmem>>
    %dma_start3A_2831 = tpu.memref_squeeze %dma_start3A_2830 : memref<1x112x6xf32, #tpu.memory_space<vmem>> -> memref<112x6xf32, #tpu.memory_space<vmem>>
    %dma_start3A_2832 = arith.constant 0 : i32
    %dma_start3A_2833 = tpu.memref_slice %arg3[%add3A_2813, %dma_start3A_2832] : memref<100000x6xf32, #tpu.memory_space<hbm>> -> memref<112x6xf32, #tpu.memory_space<hbm>>
    %dma_start3A_2834 = arith.constant 0 : i32
    %dma_start3A_2835 = arith.constant 0 : i32
    %dma_start3A_2836 = tpu.memref_slice %arg7[%dma_start3A_2827, %dma_start3A_2834, %dma_start3A_2835] : memref<3x112x6xf32, #tpu.memory_space<vmem>> -> memref<1x112x6xf32, #tpu.memory_space<vmem>>
    %dma_start3A_2837 = tpu.memref_squeeze %dma_start3A_2836 : memref<1x112x6xf32, #tpu.memory_space<vmem>> -> memref<112x6xf32, #tpu.memory_space<vmem>>
    %dma_start3A_2838 = arith.constant 0 : i32
    %dma_start3A_2839 = tpu.memref_slice %arg3[%add3A_2813, %dma_start3A_2838] : memref<100000x6xf32, #tpu.memory_space<hbm>> -> memref<112x6xf32, #tpu.memory_space<hbm>>
    tpu.enqueue_dma source(%dma_start3A_2839 : memref<112x6xf32, #tpu.memory_space<hbm>>) target(%dma_start3A_2837 : memref<112x6xf32, #tpu.memory_space<vmem>>) target_semaphore(%arg8 : memref<!tpu.dma_semaphore, #tpu.memory_space<semaphore_mem>>)
    %dma_wait3A_2840 = arith.constant 2 : i32
    %dma_wait3A_2841 = arith.constant 0 : i32
    %dma_wait3A_2842 = arith.constant 0 : i32
    %dma_wait3A_2843 = tpu.memref_slice %arg6[%dma_wait3A_2840, %dma_wait3A_2841, %dma_wait3A_2842] : memref<3x112x17xf32, #tpu.memory_space<vmem>> -> memref<1x112x17xf32, #tpu.memory_space<vmem>>
    %dma_wait3A_2844 = tpu.memref_squeeze %dma_wait3A_2843 : memref<1x112x17xf32, #tpu.memory_space<vmem>> -> memref<112x17xf32, #tpu.memory_space<vmem>>
    %dma_wait3A_2845 = arith.constant 0 : i32
    %dma_wait3A_2846 = tpu.memref_slice %arg2[%add3A_2705, %dma_wait3A_2845] : memref<100000x17xf32, #tpu.memory_space<hbm>> -> memref<112x17xf32, #tpu.memory_space<hbm>>
    %dma_wait3A_2847 = arith.constant 0 : i32
    %dma_wait3A_2848 = arith.constant 0 : i32
    %dma_wait3A_2849 = tpu.memref_slice %arg6[%dma_wait3A_2840, %dma_wait3A_2847, %dma_wait3A_2848] : memref<3x112x17xf32, #tpu.memory_space<vmem>> -> memref<1x112x17xf32, #tpu.memory_space<vmem>>
    %dma_wait3A_2850 = tpu.memref_squeeze %dma_wait3A_2849 : memref<1x112x17xf32, #tpu.memory_space<vmem>> -> memref<112x17xf32, #tpu.memory_space<vmem>>
    %dma_wait3A_2851 = arith.constant 0 : i32
    %dma_wait3A_2852 = tpu.memref_slice %arg2[%add3A_2705, %dma_wait3A_2851] : memref<100000x17xf32, #tpu.memory_space<hbm>> -> memref<112x17xf32, #tpu.memory_space<hbm>>
    tpu.wait_dma2 semaphore(%arg8 : memref<!tpu.dma_semaphore, #tpu.memory_space<semaphore_mem>>) src(%dma_wait3A_2852 : memref<112x17xf32, #tpu.memory_space<hbm>>) dst(%dma_wait3A_2850 : memref<112x17xf32, #tpu.memory_space<vmem>>)
    %dma_wait3A_2853 = arith.constant 2 : i32
    %dma_wait3A_2854 = arith.constant 0 : i32
    %dma_wait3A_2855 = arith.constant 0 : i32
    %dma_wait3A_2856 = tpu.memref_slice %arg7[%dma_wait3A_2853, %dma_wait3A_2854, %dma_wait3A_2855] : memref<3x112x6xf32, #tpu.memory_space<vmem>> -> memref<1x112x6xf32, #tpu.memory_space<vmem>>
    %dma_wait3A_2857 = tpu.memref_squeeze %dma_wait3A_2856 : memref<1x112x6xf32, #tpu.memory_space<vmem>> -> memref<112x6xf32, #tpu.memory_space<vmem>>
    %dma_wait3A_2858 = arith.constant 0 : i32
    %dma_wait3A_2859 = tpu.memref_slice %arg3[%add3A_2705, %dma_wait3A_2858] : memref<100000x6xf32, #tpu.memory_space<hbm>> -> memref<112x6xf32, #tpu.memory_space<hbm>>
    %dma_wait3A_2860 = arith.constant 0 : i32
    %dma_wait3A_2861 = arith.constant 0 : i32
    %dma_wait3A_2862 = tpu.memref_slice %arg7[%dma_wait3A_2853, %dma_wait3A_2860, %dma_wait3A_2861] : memref<3x112x6xf32, #tpu.memory_space<vmem>> -> memref<1x112x6xf32, #tpu.memory_space<vmem>>
    %dma_wait3A_2863 = tpu.memref_squeeze %dma_wait3A_2862 : memref<1x112x6xf32, #tpu.memory_space<vmem>> -> memref<112x6xf32, #tpu.memory_space<vmem>>
    %dma_wait3A_2864 = arith.constant 0 : i32
    %dma_wait3A_2865 = tpu.memref_slice %arg3[%add3A_2705, %dma_wait3A_2864] : memref<100000x6xf32, #tpu.memory_space<hbm>> -> memref<112x6xf32, #tpu.memory_space<hbm>>
    tpu.wait_dma2 semaphore(%arg8 : memref<!tpu.dma_semaphore, #tpu.memory_space<semaphore_mem>>) src(%dma_wait3A_2865 : memref<112x6xf32, #tpu.memory_space<hbm>>) dst(%dma_wait3A_2863 : memref<112x6xf32, #tpu.memory_space<vmem>>)
    %add3A_2866 = arith.constant 2912 : i32
    %add3A_2867 = arith.addi %min3A_3, %add3A_2866 : i32
    %dma_start3A_2868 = arith.constant 2 : i32
    %dma_start3A_2869 = arith.constant 0 : i32
    %dma_start3A_2870 = arith.constant 0 : i32
    %dma_start3A_2871 = tpu.memref_slice %arg6[%dma_start3A_2868, %dma_start3A_2869, %dma_start3A_2870] : memref<3x112x17xf32, #tpu.memory_space<vmem>> -> memref<1x112x17xf32, #tpu.memory_space<vmem>>
    %dma_start3A_2872 = tpu.memref_squeeze %dma_start3A_2871 : memref<1x112x17xf32, #tpu.memory_space<vmem>> -> memref<112x17xf32, #tpu.memory_space<vmem>>
    %dma_start3A_2873 = arith.constant 0 : i32
    %dma_start3A_2874 = tpu.memref_slice %arg4[%add3A_2867, %dma_start3A_2873] : memref<100000x17xf32, #tpu.memory_space<hbm>> -> memref<112x17xf32, #tpu.memory_space<hbm>>
    %dma_start3A_2875 = arith.constant 0 : i32
    %dma_start3A_2876 = tpu.memref_slice %arg4[%add3A_2867, %dma_start3A_2875] : memref<100000x17xf32, #tpu.memory_space<hbm>> -> memref<112x17xf32, #tpu.memory_space<hbm>>
    %dma_start3A_2877 = arith.constant 0 : i32
    %dma_start3A_2878 = arith.constant 0 : i32
    %dma_start3A_2879 = tpu.memref_slice %arg6[%dma_start3A_2868, %dma_start3A_2877, %dma_start3A_2878] : memref<3x112x17xf32, #tpu.memory_space<vmem>> -> memref<1x112x17xf32, #tpu.memory_space<vmem>>
    %dma_start3A_2880 = tpu.memref_squeeze %dma_start3A_2879 : memref<1x112x17xf32, #tpu.memory_space<vmem>> -> memref<112x17xf32, #tpu.memory_space<vmem>>
    tpu.enqueue_dma source(%dma_start3A_2880 : memref<112x17xf32, #tpu.memory_space<vmem>>) target(%dma_start3A_2876 : memref<112x17xf32, #tpu.memory_space<hbm>>) target_semaphore(%arg9 : memref<!tpu.dma_semaphore, #tpu.memory_space<semaphore_mem>>)
    %dma_start3A_2881 = arith.constant 2 : i32
    %dma_start3A_2882 = arith.constant 0 : i32
    %dma_start3A_2883 = arith.constant 0 : i32
    %dma_start3A_2884 = tpu.memref_slice %arg7[%dma_start3A_2881, %dma_start3A_2882, %dma_start3A_2883] : memref<3x112x6xf32, #tpu.memory_space<vmem>> -> memref<1x112x6xf32, #tpu.memory_space<vmem>>
    %dma_start3A_2885 = tpu.memref_squeeze %dma_start3A_2884 : memref<1x112x6xf32, #tpu.memory_space<vmem>> -> memref<112x6xf32, #tpu.memory_space<vmem>>
    %dma_start3A_2886 = arith.constant 0 : i32
    %dma_start3A_2887 = tpu.memref_slice %arg5[%add3A_2867, %dma_start3A_2886] : memref<100000x6xf32, #tpu.memory_space<hbm>> -> memref<112x6xf32, #tpu.memory_space<hbm>>
    %dma_start3A_2888 = arith.constant 0 : i32
    %dma_start3A_2889 = tpu.memref_slice %arg5[%add3A_2867, %dma_start3A_2888] : memref<100000x6xf32, #tpu.memory_space<hbm>> -> memref<112x6xf32, #tpu.memory_space<hbm>>
    %dma_start3A_2890 = arith.constant 0 : i32
    %dma_start3A_2891 = arith.constant 0 : i32
    %dma_start3A_2892 = tpu.memref_slice %arg7[%dma_start3A_2881, %dma_start3A_2890, %dma_start3A_2891] : memref<3x112x6xf32, #tpu.memory_space<vmem>> -> memref<1x112x6xf32, #tpu.memory_space<vmem>>
    %dma_start3A_2893 = tpu.memref_squeeze %dma_start3A_2892 : memref<1x112x6xf32, #tpu.memory_space<vmem>> -> memref<112x6xf32, #tpu.memory_space<vmem>>
    tpu.enqueue_dma source(%dma_start3A_2893 : memref<112x6xf32, #tpu.memory_space<vmem>>) target(%dma_start3A_2889 : memref<112x6xf32, #tpu.memory_space<hbm>>) target_semaphore(%arg9 : memref<!tpu.dma_semaphore, #tpu.memory_space<semaphore_mem>>)
    %dma_wait3A_2894 = arith.constant 0 : i32
    %dma_wait3A_2895 = arith.constant 0 : i32
    %dma_wait3A_2896 = arith.constant 0 : i32
    %dma_wait3A_2897 = tpu.memref_slice %arg6[%dma_wait3A_2894, %dma_wait3A_2895, %dma_wait3A_2896] : memref<3x112x17xf32, #tpu.memory_space<vmem>> -> memref<1x112x17xf32, #tpu.memory_space<vmem>>
    %dma_wait3A_2898 = tpu.memref_squeeze %dma_wait3A_2897 : memref<1x112x17xf32, #tpu.memory_space<vmem>> -> memref<112x17xf32, #tpu.memory_space<vmem>>
    %dma_wait3A_2899 = arith.constant 0 : i32
    %dma_wait3A_2900 = tpu.memref_slice %arg2[%add3A_2813, %dma_wait3A_2899] : memref<100000x17xf32, #tpu.memory_space<hbm>> -> memref<112x17xf32, #tpu.memory_space<hbm>>
    %dma_wait3A_2901 = arith.constant 0 : i32
    %dma_wait3A_2902 = arith.constant 0 : i32
    %dma_wait3A_2903 = tpu.memref_slice %arg6[%dma_wait3A_2894, %dma_wait3A_2901, %dma_wait3A_2902] : memref<3x112x17xf32, #tpu.memory_space<vmem>> -> memref<1x112x17xf32, #tpu.memory_space<vmem>>
    %dma_wait3A_2904 = tpu.memref_squeeze %dma_wait3A_2903 : memref<1x112x17xf32, #tpu.memory_space<vmem>> -> memref<112x17xf32, #tpu.memory_space<vmem>>
    %dma_wait3A_2905 = arith.constant 0 : i32
    %dma_wait3A_2906 = tpu.memref_slice %arg2[%add3A_2813, %dma_wait3A_2905] : memref<100000x17xf32, #tpu.memory_space<hbm>> -> memref<112x17xf32, #tpu.memory_space<hbm>>
    tpu.wait_dma2 semaphore(%arg8 : memref<!tpu.dma_semaphore, #tpu.memory_space<semaphore_mem>>) src(%dma_wait3A_2906 : memref<112x17xf32, #tpu.memory_space<hbm>>) dst(%dma_wait3A_2904 : memref<112x17xf32, #tpu.memory_space<vmem>>)
    %dma_wait3A_2907 = arith.constant 0 : i32
    %dma_wait3A_2908 = arith.constant 0 : i32
    %dma_wait3A_2909 = arith.constant 0 : i32
    %dma_wait3A_2910 = tpu.memref_slice %arg7[%dma_wait3A_2907, %dma_wait3A_2908, %dma_wait3A_2909] : memref<3x112x6xf32, #tpu.memory_space<vmem>> -> memref<1x112x6xf32, #tpu.memory_space<vmem>>
    %dma_wait3A_2911 = tpu.memref_squeeze %dma_wait3A_2910 : memref<1x112x6xf32, #tpu.memory_space<vmem>> -> memref<112x6xf32, #tpu.memory_space<vmem>>
    %dma_wait3A_2912 = arith.constant 0 : i32
    %dma_wait3A_2913 = tpu.memref_slice %arg3[%add3A_2813, %dma_wait3A_2912] : memref<100000x6xf32, #tpu.memory_space<hbm>> -> memref<112x6xf32, #tpu.memory_space<hbm>>
    %dma_wait3A_2914 = arith.constant 0 : i32
    %dma_wait3A_2915 = arith.constant 0 : i32
    %dma_wait3A_2916 = tpu.memref_slice %arg7[%dma_wait3A_2907, %dma_wait3A_2914, %dma_wait3A_2915] : memref<3x112x6xf32, #tpu.memory_space<vmem>> -> memref<1x112x6xf32, #tpu.memory_space<vmem>>
    %dma_wait3A_2917 = tpu.memref_squeeze %dma_wait3A_2916 : memref<1x112x6xf32, #tpu.memory_space<vmem>> -> memref<112x6xf32, #tpu.memory_space<vmem>>
    %dma_wait3A_2918 = arith.constant 0 : i32
    %dma_wait3A_2919 = tpu.memref_slice %arg3[%add3A_2813, %dma_wait3A_2918] : memref<100000x6xf32, #tpu.memory_space<hbm>> -> memref<112x6xf32, #tpu.memory_space<hbm>>
    tpu.wait_dma2 semaphore(%arg8 : memref<!tpu.dma_semaphore, #tpu.memory_space<semaphore_mem>>) src(%dma_wait3A_2919 : memref<112x6xf32, #tpu.memory_space<hbm>>) dst(%dma_wait3A_2917 : memref<112x6xf32, #tpu.memory_space<vmem>>)
    %add3A_2920 = arith.constant 3024 : i32
    %add3A_2921 = arith.addi %min3A_3, %add3A_2920 : i32
    %dma_start3A_2922 = arith.constant 0 : i32
    %dma_start3A_2923 = arith.constant 0 : i32
    %dma_start3A_2924 = arith.constant 0 : i32
    %dma_start3A_2925 = tpu.memref_slice %arg6[%dma_start3A_2922, %dma_start3A_2923, %dma_start3A_2924] : memref<3x112x17xf32, #tpu.memory_space<vmem>> -> memref<1x112x17xf32, #tpu.memory_space<vmem>>
    %dma_start3A_2926 = tpu.memref_squeeze %dma_start3A_2925 : memref<1x112x17xf32, #tpu.memory_space<vmem>> -> memref<112x17xf32, #tpu.memory_space<vmem>>
    %dma_start3A_2927 = arith.constant 0 : i32
    %dma_start3A_2928 = tpu.memref_slice %arg4[%add3A_2921, %dma_start3A_2927] : memref<100000x17xf32, #tpu.memory_space<hbm>> -> memref<112x17xf32, #tpu.memory_space<hbm>>
    %dma_start3A_2929 = arith.constant 0 : i32
    %dma_start3A_2930 = tpu.memref_slice %arg4[%add3A_2921, %dma_start3A_2929] : memref<100000x17xf32, #tpu.memory_space<hbm>> -> memref<112x17xf32, #tpu.memory_space<hbm>>
    %dma_start3A_2931 = arith.constant 0 : i32
    %dma_start3A_2932 = arith.constant 0 : i32
    %dma_start3A_2933 = tpu.memref_slice %arg6[%dma_start3A_2922, %dma_start3A_2931, %dma_start3A_2932] : memref<3x112x17xf32, #tpu.memory_space<vmem>> -> memref<1x112x17xf32, #tpu.memory_space<vmem>>
    %dma_start3A_2934 = tpu.memref_squeeze %dma_start3A_2933 : memref<1x112x17xf32, #tpu.memory_space<vmem>> -> memref<112x17xf32, #tpu.memory_space<vmem>>
    tpu.enqueue_dma source(%dma_start3A_2934 : memref<112x17xf32, #tpu.memory_space<vmem>>) target(%dma_start3A_2930 : memref<112x17xf32, #tpu.memory_space<hbm>>) target_semaphore(%arg9 : memref<!tpu.dma_semaphore, #tpu.memory_space<semaphore_mem>>)
    %dma_start3A_2935 = arith.constant 0 : i32
    %dma_start3A_2936 = arith.constant 0 : i32
    %dma_start3A_2937 = arith.constant 0 : i32
    %dma_start3A_2938 = tpu.memref_slice %arg7[%dma_start3A_2935, %dma_start3A_2936, %dma_start3A_2937] : memref<3x112x6xf32, #tpu.memory_space<vmem>> -> memref<1x112x6xf32, #tpu.memory_space<vmem>>
    %dma_start3A_2939 = tpu.memref_squeeze %dma_start3A_2938 : memref<1x112x6xf32, #tpu.memory_space<vmem>> -> memref<112x6xf32, #tpu.memory_space<vmem>>
    %dma_start3A_2940 = arith.constant 0 : i32
    %dma_start3A_2941 = tpu.memref_slice %arg5[%add3A_2921, %dma_start3A_2940] : memref<100000x6xf32, #tpu.memory_space<hbm>> -> memref<112x6xf32, #tpu.memory_space<hbm>>
    %dma_start3A_2942 = arith.constant 0 : i32
    %dma_start3A_2943 = tpu.memref_slice %arg5[%add3A_2921, %dma_start3A_2942] : memref<100000x6xf32, #tpu.memory_space<hbm>> -> memref<112x6xf32, #tpu.memory_space<hbm>>
    %dma_start3A_2944 = arith.constant 0 : i32
    %dma_start3A_2945 = arith.constant 0 : i32
    %dma_start3A_2946 = tpu.memref_slice %arg7[%dma_start3A_2935, %dma_start3A_2944, %dma_start3A_2945] : memref<3x112x6xf32, #tpu.memory_space<vmem>> -> memref<1x112x6xf32, #tpu.memory_space<vmem>>
    %dma_start3A_2947 = tpu.memref_squeeze %dma_start3A_2946 : memref<1x112x6xf32, #tpu.memory_space<vmem>> -> memref<112x6xf32, #tpu.memory_space<vmem>>
    tpu.enqueue_dma source(%dma_start3A_2947 : memref<112x6xf32, #tpu.memory_space<vmem>>) target(%dma_start3A_2943 : memref<112x6xf32, #tpu.memory_space<hbm>>) target_semaphore(%arg9 : memref<!tpu.dma_semaphore, #tpu.memory_space<semaphore_mem>>)
    %dma_wait3A_2948 = arith.constant 1 : i32
    %dma_wait3A_2949 = arith.constant 0 : i32
    %dma_wait3A_2950 = arith.constant 0 : i32
    %dma_wait3A_2951 = tpu.memref_slice %arg6[%dma_wait3A_2948, %dma_wait3A_2949, %dma_wait3A_2950] : memref<3x112x17xf32, #tpu.memory_space<vmem>> -> memref<1x112x17xf32, #tpu.memory_space<vmem>>
    %dma_wait3A_2952 = tpu.memref_squeeze %dma_wait3A_2951 : memref<1x112x17xf32, #tpu.memory_space<vmem>> -> memref<112x17xf32, #tpu.memory_space<vmem>>
    %dma_wait3A_2953 = arith.constant 0 : i32
    %dma_wait3A_2954 = tpu.memref_slice %arg4[%add3A_2759, %dma_wait3A_2953] : memref<100000x17xf32, #tpu.memory_space<hbm>> -> memref<112x17xf32, #tpu.memory_space<hbm>>
    %dma_wait3A_2955 = arith.constant 0 : i32
    %dma_wait3A_2956 = tpu.memref_slice %arg4[%add3A_2759, %dma_wait3A_2955] : memref<100000x17xf32, #tpu.memory_space<hbm>> -> memref<112x17xf32, #tpu.memory_space<hbm>>
    %dma_wait3A_2957 = arith.constant 0 : i32
    %dma_wait3A_2958 = arith.constant 0 : i32
    %dma_wait3A_2959 = tpu.memref_slice %arg6[%dma_wait3A_2948, %dma_wait3A_2957, %dma_wait3A_2958] : memref<3x112x17xf32, #tpu.memory_space<vmem>> -> memref<1x112x17xf32, #tpu.memory_space<vmem>>
    %dma_wait3A_2960 = tpu.memref_squeeze %dma_wait3A_2959 : memref<1x112x17xf32, #tpu.memory_space<vmem>> -> memref<112x17xf32, #tpu.memory_space<vmem>>
    tpu.wait_dma2 semaphore(%arg9 : memref<!tpu.dma_semaphore, #tpu.memory_space<semaphore_mem>>) src(%dma_wait3A_2960 : memref<112x17xf32, #tpu.memory_space<vmem>>) dst(%dma_wait3A_2956 : memref<112x17xf32, #tpu.memory_space<hbm>>)
    %dma_wait3A_2961 = arith.constant 1 : i32
    %dma_wait3A_2962 = arith.constant 0 : i32
    %dma_wait3A_2963 = arith.constant 0 : i32
    %dma_wait3A_2964 = tpu.memref_slice %arg7[%dma_wait3A_2961, %dma_wait3A_2962, %dma_wait3A_2963] : memref<3x112x6xf32, #tpu.memory_space<vmem>> -> memref<1x112x6xf32, #tpu.memory_space<vmem>>
    %dma_wait3A_2965 = tpu.memref_squeeze %dma_wait3A_2964 : memref<1x112x6xf32, #tpu.memory_space<vmem>> -> memref<112x6xf32, #tpu.memory_space<vmem>>
    %dma_wait3A_2966 = arith.constant 0 : i32
    %dma_wait3A_2967 = tpu.memref_slice %arg5[%add3A_2759, %dma_wait3A_2966] : memref<100000x6xf32, #tpu.memory_space<hbm>> -> memref<112x6xf32, #tpu.memory_space<hbm>>
    %dma_wait3A_2968 = arith.constant 0 : i32
    %dma_wait3A_2969 = tpu.memref_slice %arg5[%add3A_2759, %dma_wait3A_2968] : memref<100000x6xf32, #tpu.memory_space<hbm>> -> memref<112x6xf32, #tpu.memory_space<hbm>>
    %dma_wait3A_2970 = arith.constant 0 : i32
    %dma_wait3A_2971 = arith.constant 0 : i32
    %dma_wait3A_2972 = tpu.memref_slice %arg7[%dma_wait3A_2961, %dma_wait3A_2970, %dma_wait3A_2971] : memref<3x112x6xf32, #tpu.memory_space<vmem>> -> memref<1x112x6xf32, #tpu.memory_space<vmem>>
    %dma_wait3A_2973 = tpu.memref_squeeze %dma_wait3A_2972 : memref<1x112x6xf32, #tpu.memory_space<vmem>> -> memref<112x6xf32, #tpu.memory_space<vmem>>
    tpu.wait_dma2 semaphore(%arg9 : memref<!tpu.dma_semaphore, #tpu.memory_space<semaphore_mem>>) src(%dma_wait3A_2973 : memref<112x6xf32, #tpu.memory_space<vmem>>) dst(%dma_wait3A_2969 : memref<112x6xf32, #tpu.memory_space<hbm>>)
    %dma_wait3A_2974 = arith.constant 2 : i32
    %dma_wait3A_2975 = arith.constant 0 : i32
    %dma_wait3A_2976 = arith.constant 0 : i32
    %dma_wait3A_2977 = tpu.memref_slice %arg6[%dma_wait3A_2974, %dma_wait3A_2975, %dma_wait3A_2976] : memref<3x112x17xf32, #tpu.memory_space<vmem>> -> memref<1x112x17xf32, #tpu.memory_space<vmem>>
    %dma_wait3A_2978 = tpu.memref_squeeze %dma_wait3A_2977 : memref<1x112x17xf32, #tpu.memory_space<vmem>> -> memref<112x17xf32, #tpu.memory_space<vmem>>
    %dma_wait3A_2979 = arith.constant 0 : i32
    %dma_wait3A_2980 = tpu.memref_slice %arg4[%add3A_2867, %dma_wait3A_2979] : memref<100000x17xf32, #tpu.memory_space<hbm>> -> memref<112x17xf32, #tpu.memory_space<hbm>>
    %dma_wait3A_2981 = arith.constant 0 : i32
    %dma_wait3A_2982 = tpu.memref_slice %arg4[%add3A_2867, %dma_wait3A_2981] : memref<100000x17xf32, #tpu.memory_space<hbm>> -> memref<112x17xf32, #tpu.memory_space<hbm>>
    %dma_wait3A_2983 = arith.constant 0 : i32
    %dma_wait3A_2984 = arith.constant 0 : i32
    %dma_wait3A_2985 = tpu.memref_slice %arg6[%dma_wait3A_2974, %dma_wait3A_2983, %dma_wait3A_2984] : memref<3x112x17xf32, #tpu.memory_space<vmem>> -> memref<1x112x17xf32, #tpu.memory_space<vmem>>
    %dma_wait3A_2986 = tpu.memref_squeeze %dma_wait3A_2985 : memref<1x112x17xf32, #tpu.memory_space<vmem>> -> memref<112x17xf32, #tpu.memory_space<vmem>>
    tpu.wait_dma2 semaphore(%arg9 : memref<!tpu.dma_semaphore, #tpu.memory_space<semaphore_mem>>) src(%dma_wait3A_2986 : memref<112x17xf32, #tpu.memory_space<vmem>>) dst(%dma_wait3A_2982 : memref<112x17xf32, #tpu.memory_space<hbm>>)
    %dma_wait3A_2987 = arith.constant 2 : i32
    %dma_wait3A_2988 = arith.constant 0 : i32
    %dma_wait3A_2989 = arith.constant 0 : i32
    %dma_wait3A_2990 = tpu.memref_slice %arg7[%dma_wait3A_2987, %dma_wait3A_2988, %dma_wait3A_2989] : memref<3x112x6xf32, #tpu.memory_space<vmem>> -> memref<1x112x6xf32, #tpu.memory_space<vmem>>
    %dma_wait3A_2991 = tpu.memref_squeeze %dma_wait3A_2990 : memref<1x112x6xf32, #tpu.memory_space<vmem>> -> memref<112x6xf32, #tpu.memory_space<vmem>>
    %dma_wait3A_2992 = arith.constant 0 : i32
    %dma_wait3A_2993 = tpu.memref_slice %arg5[%add3A_2867, %dma_wait3A_2992] : memref<100000x6xf32, #tpu.memory_space<hbm>> -> memref<112x6xf32, #tpu.memory_space<hbm>>
    %dma_wait3A_2994 = arith.constant 0 : i32
    %dma_wait3A_2995 = tpu.memref_slice %arg5[%add3A_2867, %dma_wait3A_2994] : memref<100000x6xf32, #tpu.memory_space<hbm>> -> memref<112x6xf32, #tpu.memory_space<hbm>>
    %dma_wait3A_2996 = arith.constant 0 : i32
    %dma_wait3A_2997 = arith.constant 0 : i32
    %dma_wait3A_2998 = tpu.memref_slice %arg7[%dma_wait3A_2987, %dma_wait3A_2996, %dma_wait3A_2997] : memref<3x112x6xf32, #tpu.memory_space<vmem>> -> memref<1x112x6xf32, #tpu.memory_space<vmem>>
    %dma_wait3A_2999 = tpu.memref_squeeze %dma_wait3A_2998 : memref<1x112x6xf32, #tpu.memory_space<vmem>> -> memref<112x6xf32, #tpu.memory_space<vmem>>
    tpu.wait_dma2 semaphore(%arg9 : memref<!tpu.dma_semaphore, #tpu.memory_space<semaphore_mem>>) src(%dma_wait3A_2999 : memref<112x6xf32, #tpu.memory_space<vmem>>) dst(%dma_wait3A_2995 : memref<112x6xf32, #tpu.memory_space<hbm>>)
    %dma_wait3A_3000 = arith.constant 0 : i32
    %dma_wait3A_3001 = arith.constant 0 : i32
    %dma_wait3A_3002 = arith.constant 0 : i32
    %dma_wait3A_3003 = tpu.memref_slice %arg6[%dma_wait3A_3000, %dma_wait3A_3001, %dma_wait3A_3002] : memref<3x112x17xf32, #tpu.memory_space<vmem>> -> memref<1x112x17xf32, #tpu.memory_space<vmem>>
    %dma_wait3A_3004 = tpu.memref_squeeze %dma_wait3A_3003 : memref<1x112x17xf32, #tpu.memory_space<vmem>> -> memref<112x17xf32, #tpu.memory_space<vmem>>
    %dma_wait3A_3005 = arith.constant 0 : i32
    %dma_wait3A_3006 = tpu.memref_slice %arg4[%add3A_2921, %dma_wait3A_3005] : memref<100000x17xf32, #tpu.memory_space<hbm>> -> memref<112x17xf32, #tpu.memory_space<hbm>>
    %dma_wait3A_3007 = arith.constant 0 : i32
    %dma_wait3A_3008 = tpu.memref_slice %arg4[%add3A_2921, %dma_wait3A_3007] : memref<100000x17xf32, #tpu.memory_space<hbm>> -> memref<112x17xf32, #tpu.memory_space<hbm>>
    %dma_wait3A_3009 = arith.constant 0 : i32
    %dma_wait3A_3010 = arith.constant 0 : i32
    %dma_wait3A_3011 = tpu.memref_slice %arg6[%dma_wait3A_3000, %dma_wait3A_3009, %dma_wait3A_3010] : memref<3x112x17xf32, #tpu.memory_space<vmem>> -> memref<1x112x17xf32, #tpu.memory_space<vmem>>
    %dma_wait3A_3012 = tpu.memref_squeeze %dma_wait3A_3011 : memref<1x112x17xf32, #tpu.memory_space<vmem>> -> memref<112x17xf32, #tpu.memory_space<vmem>>
    tpu.wait_dma2 semaphore(%arg9 : memref<!tpu.dma_semaphore, #tpu.memory_space<semaphore_mem>>) src(%dma_wait3A_3012 : memref<112x17xf32, #tpu.memory_space<vmem>>) dst(%dma_wait3A_3008 : memref<112x17xf32, #tpu.memory_space<hbm>>)
    %dma_wait3A_3013 = arith.constant 0 : i32
    %dma_wait3A_3014 = arith.constant 0 : i32
    %dma_wait3A_3015 = arith.constant 0 : i32
    %dma_wait3A_3016 = tpu.memref_slice %arg7[%dma_wait3A_3013, %dma_wait3A_3014, %dma_wait3A_3015] : memref<3x112x6xf32, #tpu.memory_space<vmem>> -> memref<1x112x6xf32, #tpu.memory_space<vmem>>
    %dma_wait3A_3017 = tpu.memref_squeeze %dma_wait3A_3016 : memref<1x112x6xf32, #tpu.memory_space<vmem>> -> memref<112x6xf32, #tpu.memory_space<vmem>>
    %dma_wait3A_3018 = arith.constant 0 : i32
    %dma_wait3A_3019 = tpu.memref_slice %arg5[%add3A_2921, %dma_wait3A_3018] : memref<100000x6xf32, #tpu.memory_space<hbm>> -> memref<112x6xf32, #tpu.memory_space<hbm>>
    %dma_wait3A_3020 = arith.constant 0 : i32
    %dma_wait3A_3021 = tpu.memref_slice %arg5[%add3A_2921, %dma_wait3A_3020] : memref<100000x6xf32, #tpu.memory_space<hbm>> -> memref<112x6xf32, #tpu.memory_space<hbm>>
    %dma_wait3A_3022 = arith.constant 0 : i32
    %dma_wait3A_3023 = arith.constant 0 : i32
    %dma_wait3A_3024 = tpu.memref_slice %arg7[%dma_wait3A_3013, %dma_wait3A_3022, %dma_wait3A_3023] : memref<3x112x6xf32, #tpu.memory_space<vmem>> -> memref<1x112x6xf32, #tpu.memory_space<vmem>>
    %dma_wait3A_3025 = tpu.memref_squeeze %dma_wait3A_3024 : memref<1x112x6xf32, #tpu.memory_space<vmem>> -> memref<112x6xf32, #tpu.memory_space<vmem>>
    tpu.wait_dma2 semaphore(%arg9 : memref<!tpu.dma_semaphore, #tpu.memory_space<semaphore_mem>>) src(%dma_wait3A_3025 : memref<112x6xf32, #tpu.memory_space<vmem>>) dst(%dma_wait3A_3021 : memref<112x6xf32, #tpu.memory_space<hbm>>)
    return
  }
}

</mosaic_0001>

<sc_bundles>
// kernel: kernel.3.cloned.1.call-start
scs
__scs_entry_jumppad:
0x0: {  	(pc) =	sbr.rel $0x88, $3  }
0x1: {  	(tag) =	ssettag $0x0;
	lr =	simm.s32 $0x1  }
0x2: {  	[smem:$0x3F9F] =	sst lr;
	_ =	strace $0xD0000000  }
0x3: {  	_ = 	snop  }
0x4: {  	_ = 	snop  }
0x5: {  	_ = 	snop  }
0x6: {  	_ = 	snop  }
0x7: {  	_ = 	snop  }
__scs_overlays_trampoline_lowered:
0x8: {  	[smem:$0x3FAE] =	sst s0  }
0x9: {  	[smem:$0x3FAF] =	sst s1  }
0xa: {  	[smem:$0x3FB0] =	sst s2  }
0xb: {  	[smem:$0x3FB1] =	sst s3  }
0xc: {  	[smem:$0x3FB2] =	sst s4  }
0xd: {  	[smem:$0x3FB3] =	sst s5  }
0xe: {  	[smem:$0x3FB4] =	sst s6  }
0xf: {  	[smem:$0x3FB5] =	sst s7  }
0x10: {  	[smem:$0x3FB6] =	sst s8  }
0x11: {  	[smem:$0x3FB7] =	sst s9;
	s0 =	simm.s32 @!p0 $0x0  }
0x12: {  	s1 =	sld [smem:$0x3F9D];
	s0 =	simm.s32 @p0 $0x1  }
0x13: {  	[smem:$0x3FB8] =	sst s0;
	s0 =	simm.s32 @!p1 $0x0  }
0x14: {  	s2 =	sld [smem:$0x3F9C];
	s0 =	simm.s32 @p1 $0x1  }
0x15: {  	[smem:$0x3FB9] =	sst s0;
	s0 =	simm.s32 @!p2 $0x0  }
0x16: {  	s3 =	sld [smem:$0x3FDB];
	s0 =	simm.s32 @p2 $0x1  }
0x17: {  	s4 =	simm.s32 $0x1BF5;
	[smem:$0x3FBB] =	sst s0  }
0x18: {  	s0 =	sld [smem:$0x3F9E];
	_ =	swait.ge [sflag:s4], $0x0  }
0x19: {  	s7 =	sld [smem:$0x3F9F]  }
0x1a: {  	s8 =	sadd.s32 $0xFFFFE003, lr  }
0x1b: {  	s9 =	sadd.s32 $0xFFFFFEF7, lr;
	s5 =	simm.s32 $0xFFFFFFFF;
	p2 =	slt.u32 s8, $0xFFFFF086  }
0x1c: {  	p1 =	slt.u32 s9, $0xF7A;
	s5 =	simm.s32 @!p2 $0x0  }
0x1d: {  	s5 =	simm.s32 @p1 $0x1;
	p0 =	seq.s32 s7, s2  }
0x1e: {  	s7 =	smul.u32 @!p0 $0xF7A, s2;
	p2 =	seq.s32 @!p0 s5, $0x0  }
0x1f: {  	s9 =	smul.u32 $0xF7A, s1;
	s8 =	simm.s32 @!p0 $0x1BF5;
	p2 =	por !p2, p0  }
0x20: {  	[sflag:s8] =	ssyncset.s32 @!p0 $0xFFFFF086;
	s6 =	sadd.s32 @!p0 s3, s7;
	s7 =	simm.s32 @!p0 $0x108  }
0x21: {  	s3 =	sadd.s32 s3, s9;
	s6 =	sadd.s32 @!p0 $0x88, s6;
	s7 =	simm.s32 @p2 $0x1082  }
0x22: {  	[simem:s7], [sflag:s8] =	dma.local @!p0 [hbm:s6], $0xF7A  }
0x23: {  	s9 =	sor.u32 $0xD0000000, s2;
	s6 =	simm.s32 $0x108;
	_ =	swait.ge @!p0 [sflag:s8], $0x0  }
0x24: {  	s3 =	sadd.s32 $0x88, s3;
	s6 =	simm.s32 @!p1 $0x1082;
	[sflag:s4] =	ssyncset.s32 $0xFFFFF086  }
0x25: {  	[simem:s6], [sflag:s4] =	dma.local [hbm:s3], $0xF7A  }
0x26: {  	[smem:$0x3F9F] =	sst s1;
	(tag) =	ssettag s2;
	_ =	strace s9  }
0x27: {  	s1 =	sld [smem:$0x3FAF]  }
0x28: {  	s2 =	sld [smem:$0x3FB0]  }
0x29: {  	s4 =	sld [smem:$0x3FB2]  }
0x2a: {  	p0 =	seq.s32 s5, $0x0;
	s5 =	sld [smem:$0x3FB3]  }
0x2b: {  	s6 =	sld [smem:$0x3FB4]  }
0x2c: {  	s7 =	sld [smem:$0x3FB5]  }
0x2d: {  	s3 =	simm.s32 $0x108;
	s8 =	sld [smem:$0x3FB6]  }
0x2e: {  	s3 =	simm.s32 @!p0 $0x1082;
	s9 =	sld [smem:$0x3FB7]  }
0x2f: {  	lr =	sadd.s32 s0, s3;
	s0 =	sld [smem:$0x3FAE]  }
0x30: {  	s3 =	sld [smem:$0x3FB1]  }
0x31: {  	[smem:$0x3FBA] =	sst s10  }
0x32: {  	s10 =	sld [smem:$0x3FB8];
	_ =	sdelay $0x3  }
0x33: {  	p0 =	seq.s32 s10, $0x1;
	s10 =	sld [smem:$0x3FBA];
	_ =	sdelay $0x3  }
0x34: {  	[smem:$0x3FBA] =	sst s10  }
0x35: {  	s10 =	sld [smem:$0x3FB9];
	_ =	sdelay $0x3  }
0x36: {  	p1 =	seq.s32 s10, $0x1;
	s10 =	sld [smem:$0x3FBA];
	_ =	sdelay $0x3  }
0x37: {  	[smem:$0x3FBA] =	sst s10  }
0x38: {  	s10 =	sld [smem:$0x3FBB]  }
0x39: {  	_ = 	snop;
	(pc) =	sbr.ind lr, $3  }
0x3a: {  	_ = 	snop  }
0x3b: {  	_ = 	snop  }
0x3c: {  	p2 =	seq.s32 s10, $0x1;
	s10 =	sld [smem:$0x3FBA]  }
0x3d: {  	_ =	shalt  }
0x3e: {  	_ =	shalt  }
0x3f: {  	_ =	shalt  }
0x40: {  	_ =	shalt  }
0x41: {  	_ =	shalt  }
0x42: {  	_ =	shalt  }
0x43: {  	_ =	shalt  }
0x44: {  	_ =	shalt  }
0x45: {  	_ =	shalt  }
0x46: {  	_ =	shalt  }
0x47: {  	_ =	shalt  }
0x48: {  	_ =	shalt  }
0x49: {  	_ =	shalt  }
0x4a: {  	_ =	shalt  }
0x4b: {  	_ =	shalt  }
0x4c: {  	_ =	shalt  }
0x4d: {  	_ =	shalt  }
0x4e: {  	_ =	shalt  }
0x4f: {  	_ =	shalt  }
0x50: {  	_ =	shalt  }
0x51: {  	_ =	shalt  }
0x52: {  	_ =	shalt  }
0x53: {  	_ =	shalt  }
0x54: {  	_ =	shalt  }
0x55: {  	_ =	shalt  }
0x56: {  	_ =	shalt  }
0x57: {  	_ =	shalt  }
0x58: {  	_ =	shalt  }
0x59: {  	_ =	shalt  }
0x5a: {  	_ =	shalt  }
0x5b: {  	_ =	shalt  }
0x5c: {  	_ =	shalt  }
0x5d: {  	_ =	shalt  }
0x5e: {  	_ =	shalt  }
0x5f: {  	_ =	shalt  }
0x60: {  	_ =	shalt  }
0x61: {  	_ =	shalt  }
0x62: {  	_ =	shalt  }
0x63: {  	_ =	shalt  }
0x64: {  	_ =	shalt  }
0x65: {  	_ =	shalt  }
0x66: {  	_ =	shalt  }
0x67: {  	_ =	shalt  }
0x68: {  	_ =	shalt  }
0x69: {  	_ =	shalt  }
0x6a: {  	_ =	shalt  }
0x6b: {  	_ =	shalt  }
0x6c: {  	_ =	shalt  }
0x6d: {  	_ =	shalt  }
0x6e: {  	_ =	shalt  }
0x6f: {  	_ =	shalt  }
0x70: {  	_ =	shalt  }
0x71: {  	_ =	shalt  }
0x72: {  	_ =	shalt  }
0x73: {  	_ =	shalt  }
0x74: {  	_ =	shalt  }
0x75: {  	_ =	shalt  }
0x76: {  	_ =	shalt  }
0x77: {  	_ =	shalt  }
0x78: {  	_ =	shalt  }
0x79: {  	_ =	shalt  }
0x7a: {  	_ =	shalt  }
0x7b: {  	_ =	shalt  }
0x7c: {  	_ =	shalt  }
0x7d: {  	_ =	shalt  }
0x7e: {  	_ =	shalt  }
0x7f: {  	_ =	shalt  }
0x80: {  	_ =	shalt  }
0x81: {  	_ =	shalt  }
0x82: {  	_ =	shalt  }
0x83: {  	_ =	shalt  }
0x84: {  	_ =	shalt  }
0x85: {  	_ =	shalt  }
0x86: {  	_ =	shalt  }
0x87: {  	_ =	shalt  }
.Lfunc_end0:
.L_simem_size_0:
called_computation_lowered:
.L_overlay_start_0:
0x88: {  	s2 =	sld [smem:$0x3FD9]  }
0x89: {  	s3 =	sld [smem:$0x3FFE];
	_ =	sdelay $0x1  }
0x8a: {  	s1 =	srdreg.scid  }
0x8b: {  	s0 =	sand.u32 $0x1, s1  }
0x8c: {  	s16 =	sshll.u32 s0, $0xA;
	s2 =	sadd.s32 s3, s2  }
0x8d: {  	s2 =	sadd.s32 s2, s16  }
0x8e: {  	[smem:$0x3FC6] =	sst s2  }
0x8f: {  	_ = 	snop  }
0x90: {  	(tm) =	ssettm $0x1  }
0x91: {  	s17 =	sld [smem:$0x3FFB];
	_ =	sdelay $0x3  }
0x92: {  	_ =	strace s17  }
0x93: {  	s2 =	sld [smem:$0x3FFC];
	_ =	sdelay $0x3  }
0x94: {  	_ =	strace s2  }
0x95: {  	s2 =	sld [smem:$0x3FFD];
	_ =	sdelay $0x3  }
0x96: {  	_ =	strace s2  }
0x97: {  	_ =	strace $0x8FFFFFFF  }
0x98: {  	s18 =	sld [smem:$0x3FDB];
	_ =	sdelay $0x1  }
0x99: {  	s19 =	simm.s32 $_scs_section_size  }
0x9a: {  	s4 =	simm.s32 $_size__tile_overlayer_lowered;
	s5 =	simm.s32 $_tile_overlayer_lowered  }
0x9b: {  	s22 =	simm.s32 $0x1BFF;
	s21 =	sshll.u32 s5, $0x1;
	s2 =	sadd.s32 s19, s18  }
0x9c: {  	s6 =	simm.s32 $0x0;
	s20 =	sshll.u32 s4, $0x1;
	s4 =	sadd.s32 s21, s2  }
0x9d: {  	[timem:s6], [sflag:s22] =	dma.local [hbm:s4], s20  }
0x9e: {  	_ =	swait.ge [sflag:s22], s20  }
0x9f: {  	s3 =	ssub.s32 $0x0, s20;
	[sflag:s22] =	ssyncset.done $0x0  }
0xa0: {  	[sflag:s22] =	ssyncadd.s32 s3;
	_ =	sdelay $0x1  }
0xa1: {  	s23 =	simm.s32 $0x1B8B  }
0xa2: {  	_ =	swait.ge [sflag:s23], $0x1  }
0xa3: {  	[sflag:s23] =	ssyncset.done $0x0  }
0xa4: {  	s25 =	simm.s32 $0x1B8E;
	s24 =	sld [smem:$0x3FFE];
	[sflag:s23] =	ssyncadd.s32 $0xFFFFFFFF  }
0xa5: {  	s26 =	simm.s32 $execute0_lowered;
	[smem:$0x3FD2] =	sst s25  }
0xa6: {  	s4 =	sshll.u32 s26, $0x1;
	_ =	strace $0x80000046;
	[dreg:$0x1] =	wrdreg $0xFFFFFFFF  }
0xa7: {  	s28 =	simm.s32 $_size_execute0_lowered;
	s2 =	sadd.s32 s2, s4;
	[dreg:$0x0] =	wrdreg $0x0  }
0xa8: {  	s4 =	sshll.u32 s28, $0x1;
	[dreg:$0x2] =	wrdreg s2  }
0xa9: {  	[dreg:$0x3] =	wrdreg s4  }
0xaa: {  	[dreg:$0x4] =	wrdreg $0xC0  }
0xab: {  	_ =	task [dreg:s6], $0x5FFFF  }
0xac: {  	[dreg:$0x1] =	wrdreg $0xFFFFFFFF  }
0xad: {  	[dreg:$0x0] =	wrdreg $0x60  }
0xae: {  	[dreg:$0x2] =	wrdreg s24  }
0xaf: {  	[dreg:$0x3] =	wrdreg $0x9  }
0xb0: {  	_ =	task.clear_ibuf [dreg:s6], $0x4FFFF;
	_ =	strace $0x90000046  }
0xb1: {  	s29 =	simm.s32 $0x9;
	_ =	strace $0x80000048  }
0xb2: {  	_ =	swait.ge [sflag:s29], $0x1  }
0xb3: {  	[sflag:s29] =	ssyncadd.s32 $0xFFFFFFFF  }
0xb4: {  	_ =	strace $0x90000048  }
0xb5: {  	_ =	sfence  }
0xb6: {  	s30 =	sld [smem:$0x0];
	_ =	sdelay $0x2  }
0xb7: {  	s31 =	sshll.u32 s1, $0xD;
	s1 =	sshrl.u32 s1, $0x2  }
0xb8: {  	s3 =	sand.u32 $0x4000, s31;
	s1 =	sadd.s32 s1, s30  }
0xb9: {  	s0 =	sor.u32 s3, s0;
	s1 =	sshll.u32 s1, $0x11  }
0xba: {  	s0 =	sor.u32 s1, s0  }
0xbb: {  	s0 =	sadd.s32 $0x8F2B, s0  }
0xbc: {  	[sflag:s0] =	ssyncadd.remote.s32 $0x1  }
0xbd: {  	_ =	sfence.sel $0xFFFF  }
0xbe: {  	[dreg:$0x0] =	wrdreg $0xFFFFFFFF;
	(pc) =	sbr.abs _section_cstart, $3  }
0xbf: {  	[dreg:$0x1] =	wrdreg $0xFFFFFFFF  }
0xc0: {  	_ =	task.clear_ibuf [dreg:s6], $0x2FFFF;
	_ =	strace $0x9FFFFFFF  }
0xc1: {  	(tm) =	ssettm $0x7FFFFFFF  }
tec
execute0_lowered:
.L_overlay_start_1:
0x0: {  	(tag) =	ssettag $0x1  }
0x1: {  	s0 =	srdreg.scid;
	s1 =	stileid.u32  }
0x2: {  	s7 =	sand.u32 $0x1, s0;
	s20 =	sshll.u32 s1, $0x1  }
0x3: {  	s0 =	sor.u32 s7, s20  }
0x4: {  	s0 =	smul.u32 $0xC40, s0;
	_ =	sdelay $0x1  }
0x5: {  	s6 =	rddreg [dreg:$0x0];
	s2 =	simm.s32 $0x0;
	s0 =	smin.u32 s0, $0x17A60  }
0x6: {  	[smem:$0x7FF] =	sst s2;
	s1 =	sadd.s32 $0xA00, s6;
	s4 =	sshll.u32 s0, $0x4  }
0x7: {  	s3 =	sadd.s32 $0x187400, s6;
	s5 =	sadd.s32 $0x30DE00, s6;
	s0 =	sadd.s32 s1, s4  }
0x8: {  	_ =	strace $0x80000047;
	s21 =	sadd.s32 s3, s4;
	[dreg:$0x2] =	wrdreg s0  }
0x9: {  	s6 =	sadd.s32 $0x494800, s6;
	s24 =	sadd.s32 s5, s4;
	[dreg:$0x3] =	wrdreg s21  }
0xa: {  	s8 =	sadd.s32 $0x700, s4;
	s25 =	sadd.s32 s6, s4;
	[dreg:$0x6] =	wrdreg s24  }
0xb: {  	s22 =	sadd.s32 s1, s8;
	[dreg:$0x7] =	wrdreg s25  }
0xc: {  	s9 =	sadd.s32 $0xE00, s4;
	s23 =	sadd.s32 s3, s8;
	[dreg:$0x4] =	wrdreg s22  }
0xd: {  	s26 =	sadd.s32 s1, s9;
	[dreg:$0x5] =	wrdreg s23  }
0xe: {  	s10 =	sadd.s32 s3, s9;
	[dreg:$0x8] =	wrdreg s26  }
0xf: {  	s11 =	sadd.s32 s5, s8;
	[dreg:$0x9] =	wrdreg s10  }
0x10: {  	s13 =	sadd.s32 $0x1500, s4;
	s12 =	sadd.s32 s6, s8;
	[dreg:$0xa] =	wrdreg s11  }
0x11: {  	s14 =	sadd.s32 s1, s13;
	[dreg:$0xb] =	wrdreg s12  }
0x12: {  	s15 =	sadd.s32 s3, s13;
	[dreg:$0xc] =	wrdreg s14  }
0x13: {  	s16 =	sadd.s32 s5, s9;
	[dreg:$0xd] =	wrdreg s15  }
0x14: {  	s18 =	sadd.s32 $0x1C00, s4;
	s17 =	sadd.s32 s6, s9;
	[dreg:$0xe] =	wrdreg s16  }
0x15: {  	s19 =	sadd.s32 s1, s18;
	[dreg:$0xf] =	wrdreg s17  }
0x16: {  	s20 =	sadd.s32 s3, s18;
	[dreg:$0x10] =	wrdreg s19  }
0x17: {  	s21 =	sadd.s32 s5, s13;
	[dreg:$0x11] =	wrdreg s20  }
0x18: {  	s9 =	sadd.s32 s6, s18;
	[dreg:$0x12] =	wrdreg s21  }
0x19: {  	[dreg:$0x17] =	wrdreg s9  }
0x1a: {  	s22 =	sadd.s32 s6, s13;
	s0 =	rddreg [dreg:$0x2]  }
0x1b: {  	s23 =	sadd.s32 $0x2300, s4;
	s26 =	sadd.s32 s5, s18;
	[dreg:$0x13] =	wrdreg s22  }
0x1c: {  	s24 =	sadd.s32 s1, s23;
	[dreg:$0x16] =	wrdreg s26  }
0x1d: {  	s10 =	sadd.s32 $0x2A00, s4;
	s25 =	sadd.s32 s3, s23;
	[dreg:$0x14] =	wrdreg s24  }
0x1e: {  	s11 =	sadd.s32 s1, s10;
	[dreg:$0x15] =	wrdreg s25  }
0x1f: {  	s12 =	sadd.s32 s3, s10;
	[dreg:$0x18] =	wrdreg s11  }
0x20: {  	s13 =	sadd.s32 s5, s23;
	[dreg:$0x19] =	wrdreg s12  }
0x21: {  	s15 =	sadd.s32 $0x3100, s4;
	s14 =	sadd.s32 s6, s23;
	[dreg:$0x1a] =	wrdreg s13  }
0x22: {  	s16 =	sadd.s32 s1, s15;
	[dreg:$0x1b] =	wrdreg s14  }
0x23: {  	s17 =	sadd.s32 s3, s15;
	[dreg:$0x1c] =	wrdreg s16  }
0x24: {  	s18 =	sadd.s32 s5, s10;
	[dreg:$0x1d] =	wrdreg s17  }
0x25: {  	s20 =	sadd.s32 $0x3800, s4;
	s19 =	sadd.s32 s6, s10;
	[dreg:$0x1e] =	wrdreg s18  }
0x26: {  	s21 =	sadd.s32 s1, s20;
	[dreg:$0x1f] =	wrdreg s19  }
0x27: {  	s22 =	sadd.s32 s3, s20;
	[smem:$0x7C1] =	sst s21  }
0x28: {  	s23 =	sadd.s32 s5, s15;
	[smem:$0x7C2] =	sst s22  }
0x29: {  	[smem:$0x7C3] =	sst s23;
	s24 =	sadd.s32 s6, s15  }
0x2a: {  	s11 =	sadd.s32 s5, s20;
	[smem:$0x7C4] =	sst s24  }
0x2b: {  	s25 =	sadd.s32 $0x3F00, s4;
	s12 =	sadd.s32 s6, s20;
	[smem:$0x7C7] =	sst s11  }
0x2c: {  	s26 =	sadd.s32 s1, s25;
	[smem:$0x7C8] =	sst s12  }
0x2d: {  	s13 =	sadd.s32 $0x4600, s4;
	s10 =	sadd.s32 s3, s25;
	[smem:$0x7C5] =	sst s26  }
0x2e: {  	s14 =	sadd.s32 s1, s13;
	[smem:$0x7C6] =	sst s10  }
0x2f: {  	s15 =	sadd.s32 s3, s13;
	[smem:$0x7C9] =	sst s14  }
0x30: {  	s16 =	sadd.s32 s5, s25;
	[smem:$0x7CA] =	sst s15  }
0x31: {  	s18 =	sadd.s32 $0x4D00, s4;
	s17 =	sadd.s32 s6, s25;
	[smem:$0x7CB] =	sst s16  }
0x32: {  	s19 =	sadd.s32 s1, s18;
	[smem:$0x7CC] =	sst s17  }
0x33: {  	s20 =	sadd.s32 s3, s18;
	[smem:$0x7CD] =	sst s19  }
0x34: {  	s21 =	sadd.s32 s5, s13;
	[smem:$0x7CE] =	sst s20  }
0x35: {  	s23 =	sadd.s32 $0x5400, s4;
	s22 =	sadd.s32 s6, s13;
	[smem:$0x7CF] =	sst s21  }
0x36: {  	s24 =	sadd.s32 s1, s23;
	[smem:$0x7D0] =	sst s22  }
0x37: {  	s25 =	sadd.s32 s3, s23;
	[smem:$0x7D1] =	sst s24  }
0x38: {  	s8 =	sadd.s32 s6, s18;
	[smem:$0x7D2] =	sst s25  }
0x39: {  	s13 =	sadd.s32 s5, s23;
	[smem:$0x7D4] =	sst s8  }
0x3a: {  	s26 =	sadd.s32 s5, s18;
	[smem:$0x7D7] =	sst s13  }
0x3b: {  	s10 =	sadd.s32 $0x5B00, s4;
	s14 =	sadd.s32 s6, s23;
	[smem:$0x7D3] =	sst s26  }
0x3c: {  	s11 =	sadd.s32 s1, s10;
	[smem:$0x7D8] =	sst s14  }
0x3d: {  	s15 =	sadd.s32 $0x6200, s4;
	s12 =	sadd.s32 s3, s10;
	[smem:$0x7D5] =	sst s11  }
0x3e: {  	s16 =	sadd.s32 s1, s15;
	[smem:$0x7D6] =	sst s12  }
0x3f: {  	s17 =	sadd.s32 s3, s15;
	[smem:$0x7D9] =	sst s16  }
0x40: {  	s18 =	sadd.s32 s5, s10;
	[smem:$0x7DA] =	sst s17  }
0x41: {  	s20 =	sadd.s32 $0x6900, s4;
	s19 =	sadd.s32 s6, s10;
	[smem:$0x7DB] =	sst s18  }
0x42: {  	s21 =	sadd.s32 s1, s20;
	[smem:$0x7DC] =	sst s19  }
0x43: {  	s22 =	sadd.s32 s3, s20;
	[smem:$0x7DD] =	sst s21  }
0x44: {  	s23 =	sadd.s32 s5, s15;
	[smem:$0x7DE] =	sst s22  }
0x45: {  	s25 =	sadd.s32 $0x7000, s4;
	s24 =	sadd.s32 s6, s15;
	[smem:$0x7DF] =	sst s23  }
0x46: {  	s26 =	sadd.s32 s1, s25;
	[smem:$0x7E0] =	sst s24  }
0x47: {  	s13 =	sadd.s32 $0x7700, s4;
	s10 =	sadd.s32 s3, s25;
	[smem:$0x7E1] =	sst s26  }
0x48: {  	s14 =	sadd.s32 s1, s13;
	[smem:$0x7E2] =	sst s10  }
0x49: {  	s15 =	sadd.s32 s3, s13;
	[smem:$0x7E5] =	sst s14  }
0x4a: {  	s11 =	sadd.s32 s5, s20;
	[smem:$0x7E6] =	sst s15  }
0x4b: {  	s12 =	sadd.s32 s6, s20;
	[smem:$0x7E3] =	sst s11  }
0x4c: {  	s16 =	sadd.s32 s5, s25;
	[smem:$0x7E4] =	sst s12  }
0x4d: {  	s17 =	sadd.s32 s6, s25;
	[smem:$0x7E7] =	sst s16  }
0x4e: {  	s21 =	sadd.s32 s5, s13;
	[smem:$0x7E8] =	sst s17  }
0x4f: {  	s18 =	sadd.s32 $0x7E00, s4;
	s22 =	sadd.s32 s6, s13;
	[smem:$0x7EB] =	sst s21  }
0x50: {  	s19 =	sadd.s32 s1, s18;
	[smem:$0x7EC] =	sst s22  }
0x51: {  	s23 =	sadd.s32 $0x8500, s4;
	s20 =	sadd.s32 s3, s18;
	[smem:$0x7E9] =	sst s19  }
0x52: {  	s24 =	sadd.s32 s1, s23;
	[smem:$0x7EA] =	sst s20  }
0x53: {  	s25 =	sadd.s32 s3, s23;
	[smem:$0x7ED] =	sst s24  }
0x54: {  	s26 =	sadd.s32 s5, s18;
	[smem:$0x7EE] =	sst s25  }
0x55: {  	s10 =	sadd.s32 $0x8C00, s4;
	s9 =	sadd.s32 s6, s18;
	[smem:$0x7EF] =	sst s26  }
0x56: {  	s11 =	sadd.s32 s1, s10;
	[smem:$0x7F0] =	sst s9  }
0x57: {  	s12 =	sadd.s32 s3, s10;
	[smem:$0x7F1] =	sst s11  }
0x58: {  	s13 =	sadd.s32 s5, s23;
	[smem:$0x7F2] =	sst s12  }
0x59: {  	s15 =	sadd.s32 $0x9300, s4;
	s14 =	sadd.s32 s6, s23;
	[smem:$0x7F3] =	sst s13  }
0x5a: {  	s16 =	sadd.s32 s1, s15;
	[smem:$0x7F4] =	sst s14  }
0x5b: {  	s17 =	sadd.s32 s3, s15;
	[smem:$0x7F5] =	sst s16  }
0x5c: {  	p0 =	por $0x0, $0x0;
	s18 =	sadd.s32 s5, s10;
	[smem:$0x7F6] =	sst s17  }
0x5d: {  	s7 =	ssub.s32 $0x2, s7;
	s23 =	sadd.s32 s5, s15;
	[smem:$0x7F7] =	sst s18  }
0x5e: {  	s19 =	sadd.s32 s6, s10;
	s20 =	sadd.s32 $0x9A00, s4;
	[smem:$0x7FB] =	sst s23  }
0x5f: {  	s24 =	sadd.s32 s6, s15;
	s25 =	sadd.s32 $0xA100, s4;
	s10 =	sshrl.u32 s7, $0x1  }
0x60: {  	s12 =	sadd.s32 $0xA800, s4;
	s13 =	sadd.s32 $0xAF00, s4;
	s15 =	sadd.s32 $0xB600, s4  }
0x61: {  	s9 =	simm.s32 $0x1;
	[smem:$0x7F8] =	sst s19;
	s21 =	sadd.s32 s1, s20  }
0x62: {  	s22 =	sadd.s32 s3, s20;
	[smem:$0x7FC] =	sst s24;
	s11 =	sadd.s32 s1, s25  }
0x63: {  	s14 =	ssub.s32 s7, s10;
	s31 =	sadd.s32 s3, s25;
	s29 =	sadd.s32 s5, s20  }
0x64: {  	s30 =	sadd.s32 s6, s20;
	s26 =	sadd.s32 s1, s12;
	s28 =	sadd.s32 s3, s12  }
0x65: {  	s24 =	sadd.s32 s5, s25;
	s25 =	sadd.s32 s6, s25;
	s23 =	sadd.s32 s3, s13  }
0x66: {  	s18 =	sadd.s32 s5, s12;
	s19 =	sadd.s32 s6, s12;
	s16 =	sadd.s32 s1, s15  }
0x67: {  	s17 =	sadd.s32 s3, s15;
	s12 =	sadd.s32 s5, s13;
	s20 =	sadd.s32 $0xBD00, s4  }
0x68: {  	s7 =	sadd.s32 s5, s15;
	[smem:$0x7F9] =	sst s21;
	s21 =	smax.u32 s14, $0x1  }
0x69: {  	s8 =	sadd.s32 s6, s15;
	[smem:$0x7FA] =	sst s22;
	p1 =	sne.s32 s21, $0x1  }
.Ltmp0:
0x6a: {  	s15 =	simm.s32 $0x11800;
	[smem:$0x7FD] =	sst s11;
	(pc) =	sbr.rel @!p1 .LBB2_3-.Ltmp0, $4  }
0x6b: {  	s22 =	sadd.s32 s1, s13;
	s13 =	sadd.s32 s6, s13;
	s10 =	sadd.s32 s1, s20  }
0x6c: {  	s11 =	sadd.s32 s3, s20;
	s4 =	sadd.s32 s5, s20;
	s5 =	sadd.s32 s6, s20  }
0x6d: {  	s6 =	simm.s32 $0xA800;
	s20 =	simm.s32 $0x3800;
	s14 =	simm.s32 $0x7000  }
0x6e: {  	s3 =	simm.s32 $0x2;
	s1 =	sadd.s32 $0xFFFFFFFF, s21;
	s21 =	simm.s32 $0xE000  }
0x6f: {  	[smem:$0x7BF] =	sst s1  }
0x70: {  	[tilespmem:s2], [sflag:$0x1] =	stream.linear.gather [hbm4b:s0+s2], $0x3800, $0x38;
	[tilespmem:$0x15000] =	vst v63  }
0x71: {  	s1 =	rddreg [dreg:$0x3]  }
0x72: {  	[tilespmem:s6], [sflag:$0x1] =	stream.linear.gather [hbm4b:s1+s2], $0x3800, $0x38;
	[tilespmem:$0x15000] =	vst v63  }
0x73: {  	s0 =	rddreg [dreg:$0x4]  }
0x74: {  	[tilespmem:s20], [sflag:$0x1] =	stream.linear.gather [hbm4b:s0+s2], $0x3800, $0x38;
	[tilespmem:$0x15000] =	vst v63  }
0x75: {  	s1 =	rddreg [dreg:$0x5]  }
0x76: {  	[tilespmem:s21], [sflag:$0x1] =	stream.linear.gather [hbm4b:s1+s2], $0x3800, $0x38;
	[tilespmem:$0x15000] =	vst v63  }
0x77: {  	_ =	swait.ge [sflag:s9], $0x3800  }
0x78: {  	[sflag:s9] =	ssyncset.done $0x0  }
0x79: {  	[sflag:s9] =	ssyncadd.s32 $0xFFFFC800  }
0x7a: {  	_ =	swait.ge [sflag:s9], $0x3800  }
0x7b: {  	[sflag:s9] =	ssyncset.done $0x0  }
0x7c: {  	s0 =	rddreg [dreg:$0x6];
	[sflag:s9] =	ssyncadd.s32 $0xFFFFC800  }
0x7d: {  	[hbm4b:s0+s2] =	stream.linear.scatter [tilespmem:s2], [sflag:$0x2], $0x3800, $0x38;
	[tilespmem:$0x15000] =	vst v63  }
0x7e: {  	s1 =	rddreg [dreg:$0x7]  }
0x7f: {  	[hbm4b:s1+s2] =	stream.linear.scatter [tilespmem:s6], [sflag:$0x2], $0x3800, $0x38;
	[tilespmem:$0x15000] =	vst v63  }
0x80: {  	s0 =	rddreg [dreg:$0x8]  }
0x81: {  	[tilespmem:s14], [sflag:$0x1] =	stream.linear.gather [hbm4b:s0+s2], $0x3800, $0x38;
	[tilespmem:$0x15000] =	vst v63  }
0x82: {  	s1 =	rddreg [dreg:$0x9]  }
0x83: {  	[tilespmem:s15], [sflag:$0x1] =	stream.linear.gather [hbm4b:s1+s2], $0x3800, $0x38;
	[tilespmem:$0x15000] =	vst v63  }
0x84: {  	_ =	swait.ge [sflag:s9], $0x3800  }
0x85: {  	[sflag:s9] =	ssyncset.done $0x0  }
0x86: {  	[sflag:s9] =	ssyncadd.s32 $0xFFFFC800  }
0x87: {  	_ =	swait.ge [sflag:s9], $0x3800  }
0x88: {  	[sflag:s9] =	ssyncset.done $0x0  }
0x89: {  	s0 =	rddreg [dreg:$0xa];
	[sflag:s9] =	ssyncadd.s32 $0xFFFFC800  }
0x8a: {  	[hbm4b:s0+s2] =	stream.linear.scatter [tilespmem:s20], [sflag:$0x2], $0x3800, $0x38;
	[tilespmem:$0x15000] =	vst v63  }
0x8b: {  	s1 =	rddreg [dreg:$0xb]  }
0x8c: {  	[hbm4b:s1+s2] =	stream.linear.scatter [tilespmem:s21], [sflag:$0x2], $0x3800, $0x38;
	[tilespmem:$0x15000] =	vst v63  }
0x8d: {  	_ =	swait.ge [sflag:s3], $0x3800  }
0x8e: {  	[sflag:s3] =	ssyncset.done $0x0  }
0x8f: {  	[sflag:s3] =	ssyncadd.s32 $0xFFFFC800  }
0x90: {  	_ =	swait.ge [sflag:s3], $0x3800  }
0x91: {  	[sflag:s3] =	ssyncset.done $0x0  }
0x92: {  	s0 =	rddreg [dreg:$0xc];
	[sflag:s3] =	ssyncadd.s32 $0xFFFFC800  }
0x93: {  	[tilespmem:s2], [sflag:$0x1] =	stream.linear.gather [hbm4b:s0+s2], $0x3800, $0x38;
	[tilespmem:$0x15000] =	vst v63  }
0x94: {  	s1 =	rddreg [dreg:$0xd]  }
0x95: {  	[tilespmem:s6], [sflag:$0x1] =	stream.linear.gather [hbm4b:s1+s2], $0x3800, $0x38;
	[tilespmem:$0x15000] =	vst v63  }
0x96: {  	_ =	swait.ge [sflag:s9], $0x3800  }
0x97: {  	[sflag:s9] =	ssyncset.done $0x0  }
0x98: {  	[sflag:s9] =	ssyncadd.s32 $0xFFFFC800  }
0x99: {  	_ =	swait.ge [sflag:s9], $0x3800  }
0x9a: {  	[sflag:s9] =	ssyncset.done $0x0  }
0x9b: {  	s0 =	rddreg [dreg:$0xe];
	[sflag:s9] =	ssyncadd.s32 $0xFFFFC800  }
0x9c: {  	[hbm4b:s0+s2] =	stream.linear.scatter [tilespmem:s14], [sflag:$0x2], $0x3800, $0x38;
	[tilespmem:$0x15000] =	vst v63  }
0x9d: {  	s1 =	rddreg [dreg:$0xf]  }
0x9e: {  	[hbm4b:s1+s2] =	stream.linear.scatter [tilespmem:s15], [sflag:$0x2], $0x3800, $0x38;
	[tilespmem:$0x15000] =	vst v63  }
0x9f: {  	_ =	swait.ge [sflag:s3], $0x3800  }
0xa0: {  	[sflag:s3] =	ssyncset.done $0x0  }
0xa1: {  	[sflag:s3] =	ssyncadd.s32 $0xFFFFC800  }
0xa2: {  	_ =	swait.ge [sflag:s3], $0x3800  }
0xa3: {  	[sflag:s3] =	ssyncset.done $0x0  }
0xa4: {  	s0 =	rddreg [dreg:$0x10];
	[sflag:s3] =	ssyncadd.s32 $0xFFFFC800  }
0xa5: {  	[tilespmem:s20], [sflag:$0x1] =	stream.linear.gather [hbm4b:s0+s2], $0x3800, $0x38;
	[tilespmem:$0x15000] =	vst v63  }
0xa6: {  	s1 =	rddreg [dreg:$0x11]  }
0xa7: {  	[tilespmem:s21], [sflag:$0x1] =	stream.linear.gather [hbm4b:s1+s2], $0x3800, $0x38;
	[tilespmem:$0x15000] =	vst v63  }
0xa8: {  	_ =	swait.ge [sflag:s9], $0x3800  }
0xa9: {  	[sflag:s9] =	ssyncset.done $0x0  }
0xaa: {  	[sflag:s9] =	ssyncadd.s32 $0xFFFFC800  }
0xab: {  	_ =	swait.ge [sflag:s9], $0x3800  }
0xac: {  	[sflag:s9] =	ssyncset.done $0x0  }
0xad: {  	s0 =	rddreg [dreg:$0x12];
	[sflag:s9] =	ssyncadd.s32 $0xFFFFC800  }
0xae: {  	[hbm4b:s0+s2] =	stream.linear.scatter [tilespmem:s2], [sflag:$0x2], $0x3800, $0x38;
	[tilespmem:$0x15000] =	vst v63  }
0xaf: {  	s1 =	rddreg [dreg:$0x13]  }
0xb0: {  	[hbm4b:s1+s2] =	stream.linear.scatter [tilespmem:s6], [sflag:$0x2], $0x3800, $0x38;
	[tilespmem:$0x15000] =	vst v63  }
0xb1: {  	_ =	swait.ge [sflag:s3], $0x3800  }
0xb2: {  	[sflag:s3] =	ssyncset.done $0x0  }
0xb3: {  	[sflag:s3] =	ssyncadd.s32 $0xFFFFC800  }
0xb4: {  	_ =	swait.ge [sflag:s3], $0x3800  }
0xb5: {  	[sflag:s3] =	ssyncset.done $0x0  }
0xb6: {  	s0 =	rddreg [dreg:$0x14];
	[sflag:s3] =	ssyncadd.s32 $0xFFFFC800  }
0xb7: {  	[tilespmem:s14], [sflag:$0x1] =	stream.linear.gather [hbm4b:s0+s2], $0x3800, $0x38;
	[tilespmem:$0x15000] =	vst v63  }
0xb8: {  	s1 =	rddreg [dreg:$0x15]  }
0xb9: {  	[tilespmem:s15], [sflag:$0x1] =	stream.linear.gather [hbm4b:s1+s2], $0x3800, $0x38;
	[tilespmem:$0x15000] =	vst v63  }
0xba: {  	_ =	swait.ge [sflag:s9], $0x3800  }
0xbb: {  	[sflag:s9] =	ssyncset.done $0x0  }
0xbc: {  	[sflag:s9] =	ssyncadd.s32 $0xFFFFC800  }
0xbd: {  	_ =	swait.ge [sflag:s9], $0x3800  }
0xbe: {  	[sflag:s9] =	ssyncset.done $0x0  }
0xbf: {  	s0 =	rddreg [dreg:$0x16];
	[sflag:s9] =	ssyncadd.s32 $0xFFFFC800  }
0xc0: {  	[hbm4b:s0+s2] =	stream.linear.scatter [tilespmem:s20], [sflag:$0x2], $0x3800, $0x38;
	[tilespmem:$0x15000] =	vst v63  }
0xc1: {  	s1 =	rddreg [dreg:$0x17]  }
0xc2: {  	[hbm4b:s1+s2] =	stream.linear.scatter [tilespmem:s21], [sflag:$0x2], $0x3800, $0x38;
	[tilespmem:$0x15000] =	vst v63  }
0xc3: {  	_ =	swait.ge [sflag:s3], $0x3800  }
0xc4: {  	[sflag:s3] =	ssyncset.done $0x0  }
0xc5: {  	[sflag:s3] =	ssyncadd.s32 $0xFFFFC800  }
0xc6: {  	_ =	swait.ge [sflag:s3], $0x3800  }
0xc7: {  	[sflag:s3] =	ssyncset.done $0x0  }
0xc8: {  	s0 =	rddreg [dreg:$0x18];
	[sflag:s3] =	ssyncadd.s32 $0xFFFFC800  }
0xc9: {  	[tilespmem:s2], [sflag:$0x1] =	stream.linear.gather [hbm4b:s0+s2], $0x3800, $0x38;
	[tilespmem:$0x15000] =	vst v63  }
0xca: {  	s1 =	rddreg [dreg:$0x19]  }
0xcb: {  	[tilespmem:s6], [sflag:$0x1] =	stream.linear.gather [hbm4b:s1+s2], $0x3800, $0x38;
	[tilespmem:$0x15000] =	vst v63  }
0xcc: {  	_ =	swait.ge [sflag:s9], $0x3800  }
0xcd: {  	[sflag:s9] =	ssyncset.done $0x0  }
0xce: {  	[sflag:s9] =	ssyncadd.s32 $0xFFFFC800  }
0xcf: {  	_ =	swait.ge [sflag:s9], $0x3800  }
0xd0: {  	[sflag:s9] =	ssyncset.done $0x0  }
0xd1: {  	s0 =	rddreg [dreg:$0x1a];
	[sflag:s9] =	ssyncadd.s32 $0xFFFFC800  }
0xd2: {  	[hbm4b:s0+s2] =	stream.linear.scatter [tilespmem:s14], [sflag:$0x2], $0x3800, $0x38;
	[tilespmem:$0x15000] =	vst v63  }
0xd3: {  	s1 =	rddreg [dreg:$0x1b]  }
0xd4: {  	[hbm4b:s1+s2] =	stream.linear.scatter [tilespmem:s15], [sflag:$0x2], $0x3800, $0x38;
	[tilespmem:$0x15000] =	vst v63  }
0xd5: {  	_ =	swait.ge [sflag:s3], $0x3800  }
0xd6: {  	[sflag:s3] =	ssyncset.done $0x0  }
0xd7: {  	[sflag:s3] =	ssyncadd.s32 $0xFFFFC800  }
0xd8: {  	_ =	swait.ge [sflag:s3], $0x3800  }
0xd9: {  	[sflag:s3] =	ssyncset.done $0x0  }
0xda: {  	s0 =	rddreg [dreg:$0x1c];
	[sflag:s3] =	ssyncadd.s32 $0xFFFFC800  }
0xdb: {  	[tilespmem:s20], [sflag:$0x1] =	stream.linear.gather [hbm4b:s0+s2], $0x3800, $0x38;
	[tilespmem:$0x15000] =	vst v63  }
0xdc: {  	s1 =	rddreg [dreg:$0x1d]  }
0xdd: {  	[tilespmem:s21], [sflag:$0x1] =	stream.linear.gather [hbm4b:s1+s2], $0x3800, $0x38;
	[tilespmem:$0x15000] =	vst v63  }
0xde: {  	_ =	swait.ge [sflag:s9], $0x3800  }
0xdf: {  	[sflag:s9] =	ssyncset.done $0x0  }
0xe0: {  	[sflag:s9] =	ssyncadd.s32 $0xFFFFC800  }
0xe1: {  	_ =	swait.ge [sflag:s9], $0x3800  }
0xe2: {  	[sflag:s9] =	ssyncset.done $0x0  }
0xe3: {  	s0 =	rddreg [dreg:$0x1e];
	[sflag:s9] =	ssyncadd.s32 $0xFFFFC800  }
0xe4: {  	[hbm4b:s0+s2] =	stream.linear.scatter [tilespmem:s2], [sflag:$0x2], $0x3800, $0x38;
	[tilespmem:$0x15000] =	vst v63  }
0xe5: {  	s1 =	rddreg [dreg:$0x1f]  }
0xe6: {  	[hbm4b:s1+s2] =	stream.linear.scatter [tilespmem:s6], [sflag:$0x2], $0x3800, $0x38;
	[tilespmem:$0x15000] =	vst v63  }
0xe7: {  	_ =	swait.ge [sflag:s3], $0x3800  }
0xe8: {  	[sflag:s3] =	ssyncset.done $0x0  }
0xe9: {  	[sflag:s3] =	ssyncadd.s32 $0xFFFFC800  }
0xea: {  	_ =	swait.ge [sflag:s3], $0x3800  }
0xeb: {  	s0 =	sld [smem:$0x7C1]  }
0xec: {  	[sflag:s3] =	ssyncset.done $0x0  }
0xed: {  	s1 =	sld [smem:$0x7C2];
	[sflag:s3] =	ssyncadd.s32 $0xFFFFC800  }
0xee: {  	[tilespmem:s14], [sflag:$0x1] =	stream.linear.gather [hbm4b:s0+s2], $0x3800, $0x38;
	[tilespmem:$0x15000] =	vst v63  }
0xef: {  	_ = 	snop  }
0xf0: {  	[tilespmem:s15], [sflag:$0x1] =	stream.linear.gather [hbm4b:s1+s2], $0x3800, $0x38;
	[tilespmem:$0x15000] =	vst v63  }
0xf1: {  	_ =	swait.ge [sflag:s9], $0x3800  }
0xf2: {  	[sflag:s9] =	ssyncset.done $0x0  }
0xf3: {  	[sflag:s9] =	ssyncadd.s32 $0xFFFFC800  }
0xf4: {  	_ =	swait.ge [sflag:s9], $0x3800  }
0xf5: {  	s0 =	sld [smem:$0x7C3]  }
0xf6: {  	[sflag:s9] =	ssyncset.done $0x0  }
0xf7: {  	s1 =	sld [smem:$0x7C4];
	[sflag:s9] =	ssyncadd.s32 $0xFFFFC800  }
0xf8: {  	[hbm4b:s0+s2] =	stream.linear.scatter [tilespmem:s20], [sflag:$0x2], $0x3800, $0x38;
	[tilespmem:$0x15000] =	vst v63  }
0xf9: {  	_ = 	snop  }
0xfa: {  	[hbm4b:s1+s2] =	stream.linear.scatter [tilespmem:s21], [sflag:$0x2], $0x3800, $0x38;
	[tilespmem:$0x15000] =	vst v63  }
0xfb: {  	_ =	swait.ge [sflag:s3], $0x3800  }
0xfc: {  	[sflag:s3] =	ssyncset.done $0x0  }
0xfd: {  	[sflag:s3] =	ssyncadd.s32 $0xFFFFC800  }
0xfe: {  	_ =	swait.ge [sflag:s3], $0x3800  }
0xff: {  	s0 =	sld [smem:$0x7C5]  }
0x100: {  	[sflag:s3] =	ssyncset.done $0x0  }
0x101: {  	s1 =	sld [smem:$0x7C6];
	[sflag:s3] =	ssyncadd.s32 $0xFFFFC800  }
0x102: {  	[tilespmem:s2], [sflag:$0x1] =	stream.linear.gather [hbm4b:s0+s2], $0x3800, $0x38;
	[tilespmem:$0x15000] =	vst v63  }
0x103: {  	_ = 	snop  }
0x104: {  	[tilespmem:s6], [sflag:$0x1] =	stream.linear.gather [hbm4b:s1+s2], $0x3800, $0x38;
	[tilespmem:$0x15000] =	vst v63  }
0x105: {  	_ =	swait.ge [sflag:s9], $0x3800  }
0x106: {  	[sflag:s9] =	ssyncset.done $0x0  }
0x107: {  	[sflag:s9] =	ssyncadd.s32 $0xFFFFC800  }
0x108: {  	_ =	swait.ge [sflag:s9], $0x3800  }
0x109: {  	s0 =	sld [smem:$0x7C7]  }
0x10a: {  	[sflag:s9] =	ssyncset.done $0x0  }
0x10b: {  	s1 =	sld [smem:$0x7C8];
	[sflag:s9] =	ssyncadd.s32 $0xFFFFC800  }
0x10c: {  	[hbm4b:s0+s2] =	stream.linear.scatter [tilespmem:s14], [sflag:$0x2], $0x3800, $0x38;
	[tilespmem:$0x15000] =	vst v63  }
0x10d: {  	_ = 	snop  }
0x10e: {  	[hbm4b:s1+s2] =	stream.linear.scatter [tilespmem:s15], [sflag:$0x2], $0x3800, $0x38;
	[tilespmem:$0x15000] =	vst v63  }
0x10f: {  	_ =	swait.ge [sflag:s3], $0x3800  }
0x110: {  	[sflag:s3] =	ssyncset.done $0x0  }
0x111: {  	[sflag:s3] =	ssyncadd.s32 $0xFFFFC800  }
0x112: {  	_ =	swait.ge [sflag:s3], $0x3800  }
0x113: {  	s0 =	sld [smem:$0x7C9]  }
0x114: {  	[sflag:s3] =	ssyncset.done $0x0  }
0x115: {  	s1 =	sld [smem:$0x7CA];
	[sflag:s3] =	ssyncadd.s32 $0xFFFFC800  }
0x116: {  	[tilespmem:s20], [sflag:$0x1] =	stream.linear.gather [hbm4b:s0+s2], $0x3800, $0x38;
	[tilespmem:$0x15000] =	vst v63  }
0x117: {  	_ = 	snop  }
0x118: {  	[tilespmem:s21], [sflag:$0x1] =	stream.linear.gather [hbm4b:s1+s2], $0x3800, $0x38;
	[tilespmem:$0x15000] =	vst v63  }
0x119: {  	_ =	swait.ge [sflag:s9], $0x3800  }
0x11a: {  	[sflag:s9] =	ssyncset.done $0x0  }
0x11b: {  	[sflag:s9] =	ssyncadd.s32 $0xFFFFC800  }
0x11c: {  	_ =	swait.ge [sflag:s9], $0x3800  }
0x11d: {  	s0 =	sld [smem:$0x7CB]  }
0x11e: {  	[sflag:s9] =	ssyncset.done $0x0  }
0x11f: {  	s1 =	sld [smem:$0x7CC];
	[sflag:s9] =	ssyncadd.s32 $0xFFFFC800  }
0x120: {  	[hbm4b:s0+s2] =	stream.linear.scatter [tilespmem:s2], [sflag:$0x2], $0x3800, $0x38;
	[tilespmem:$0x15000] =	vst v63  }
0x121: {  	_ = 	snop  }
0x122: {  	[hbm4b:s1+s2] =	stream.linear.scatter [tilespmem:s6], [sflag:$0x2], $0x3800, $0x38;
	[tilespmem:$0x15000] =	vst v63  }
0x123: {  	_ =	swait.ge [sflag:s3], $0x3800  }
0x124: {  	[sflag:s3] =	ssyncset.done $0x0  }
0x125: {  	[sflag:s3] =	ssyncadd.s32 $0xFFFFC800  }
0x126: {  	_ =	swait.ge [sflag:s3], $0x3800  }
0x127: {  	s0 =	sld [smem:$0x7CD]  }
0x128: {  	[sflag:s3] =	ssyncset.done $0x0  }
0x129: {  	s1 =	sld [smem:$0x7CE];
	[sflag:s3] =	ssyncadd.s32 $0xFFFFC800  }
0x12a: {  	[tilespmem:s14], [sflag:$0x1] =	stream.linear.gather [hbm4b:s0+s2], $0x3800, $0x38;
	[tilespmem:$0x15000] =	vst v63  }
0x12b: {  	_ = 	snop  }
0x12c: {  	[tilespmem:s15], [sflag:$0x1] =	stream.linear.gather [hbm4b:s1+s2], $0x3800, $0x38;
	[tilespmem:$0x15000] =	vst v63  }
0x12d: {  	_ =	swait.ge [sflag:s9], $0x3800  }
0x12e: {  	[sflag:s9] =	ssyncset.done $0x0  }
0x12f: {  	[sflag:s9] =	ssyncadd.s32 $0xFFFFC800  }
0x130: {  	_ =	swait.ge [sflag:s9], $0x3800  }
0x131: {  	s0 =	sld [smem:$0x7CF]  }
0x132: {  	[sflag:s9] =	ssyncset.done $0x0  }
0x133: {  	s1 =	sld [smem:$0x7D0];
	[sflag:s9] =	ssyncadd.s32 $0xFFFFC800  }
0x134: {  	[hbm4b:s0+s2] =	stream.linear.scatter [tilespmem:s20], [sflag:$0x2], $0x3800, $0x38;
	[tilespmem:$0x15000] =	vst v63  }
0x135: {  	_ = 	snop  }
0x136: {  	[hbm4b:s1+s2] =	stream.linear.scatter [tilespmem:s21], [sflag:$0x2], $0x3800, $0x38;
	[tilespmem:$0x15000] =	vst v63  }
0x137: {  	_ =	swait.ge [sflag:s3], $0x3800  }
0x138: {  	[sflag:s3] =	ssyncset.done $0x0  }
0x139: {  	[sflag:s3] =	ssyncadd.s32 $0xFFFFC800  }
0x13a: {  	_ =	swait.ge [sflag:s3], $0x3800  }
0x13b: {  	s0 =	sld [smem:$0x7D1]  }
0x13c: {  	[sflag:s3] =	ssyncset.done $0x0  }
0x13d: {  	s1 =	sld [smem:$0x7D2];
	[sflag:s3] =	ssyncadd.s32 $0xFFFFC800  }
0x13e: {  	[tilespmem:s2], [sflag:$0x1] =	stream.linear.gather [hbm4b:s0+s2], $0x3800, $0x38;
	[tilespmem:$0x15000] =	vst v63  }
0x13f: {  	_ = 	snop  }
0x140: {  	[tilespmem:s6], [sflag:$0x1] =	stream.linear.gather [hbm4b:s1+s2], $0x3800, $0x38;
	[tilespmem:$0x15000] =	vst v63  }
0x141: {  	_ =	swait.ge [sflag:s9], $0x3800  }
0x142: {  	[sflag:s9] =	ssyncset.done $0x0  }
0x143: {  	[sflag:s9] =	ssyncadd.s32 $0xFFFFC800  }
0x144: {  	_ =	swait.ge [sflag:s9], $0x3800  }
0x145: {  	s0 =	sld [smem:$0x7D3]  }
0x146: {  	[sflag:s9] =	ssyncset.done $0x0  }
0x147: {  	s1 =	sld [smem:$0x7D4];
	[sflag:s9] =	ssyncadd.s32 $0xFFFFC800  }
0x148: {  	[hbm4b:s0+s2] =	stream.linear.scatter [tilespmem:s14], [sflag:$0x2], $0x3800, $0x38;
	[tilespmem:$0x15000] =	vst v63  }
0x149: {  	_ = 	snop  }
0x14a: {  	[hbm4b:s1+s2] =	stream.linear.scatter [tilespmem:s15], [sflag:$0x2], $0x3800, $0x38;
	[tilespmem:$0x15000] =	vst v63  }
0x14b: {  	_ =	swait.ge [sflag:s3], $0x3800  }
0x14c: {  	[sflag:s3] =	ssyncset.done $0x0  }
0x14d: {  	[sflag:s3] =	ssyncadd.s32 $0xFFFFC800  }
0x14e: {  	_ =	swait.ge [sflag:s3], $0x3800  }
0x14f: {  	s0 =	sld [smem:$0x7D5]  }
0x150: {  	[sflag:s3] =	ssyncset.done $0x0  }
0x151: {  	s1 =	sld [smem:$0x7D6];
	[sflag:s3] =	ssyncadd.s32 $0xFFFFC800  }
0x152: {  	[tilespmem:s20], [sflag:$0x1] =	stream.linear.gather [hbm4b:s0+s2], $0x3800, $0x38;
	[tilespmem:$0x15000] =	vst v63  }
0x153: {  	_ = 	snop  }
0x154: {  	[tilespmem:s21], [sflag:$0x1] =	stream.linear.gather [hbm4b:s1+s2], $0x3800, $0x38;
	[tilespmem:$0x15000] =	vst v63  }
0x155: {  	_ =	swait.ge [sflag:s9], $0x3800  }
0x156: {  	[sflag:s9] =	ssyncset.done $0x0  }
0x157: {  	[sflag:s9] =	ssyncadd.s32 $0xFFFFC800  }
0x158: {  	_ =	swait.ge [sflag:s9], $0x3800  }
0x159: {  	s0 =	sld [smem:$0x7D7]  }
0x15a: {  	[sflag:s9] =	ssyncset.done $0x0  }
0x15b: {  	s1 =	sld [smem:$0x7D8];
	[sflag:s9] =	ssyncadd.s32 $0xFFFFC800  }
0x15c: {  	[hbm4b:s0+s2] =	stream.linear.scatter [tilespmem:s2], [sflag:$0x2], $0x3800, $0x38;
	[tilespmem:$0x15000] =	vst v63  }
0x15d: {  	_ = 	snop  }
0x15e: {  	[hbm4b:s1+s2] =	stream.linear.scatter [tilespmem:s6], [sflag:$0x2], $0x3800, $0x38;
	[tilespmem:$0x15000] =	vst v63  }
0x15f: {  	_ =	swait.ge [sflag:s3], $0x3800  }
0x160: {  	[sflag:s3] =	ssyncset.done $0x0  }
0x161: {  	[sflag:s3] =	ssyncadd.s32 $0xFFFFC800  }
0x162: {  	_ =	swait.ge [sflag:s3], $0x3800  }
0x163: {  	s0 =	sld [smem:$0x7D9]  }
0x164: {  	[sflag:s3] =	ssyncset.done $0x0  }
0x165: {  	s1 =	sld [smem:$0x7DA];
	[sflag:s3] =	ssyncadd.s32 $0xFFFFC800  }
0x166: {  	[tilespmem:s14], [sflag:$0x1] =	stream.linear.gather [hbm4b:s0+s2], $0x3800, $0x38;
	[tilespmem:$0x15000] =	vst v63  }
0x167: {  	_ = 	snop  }
0x168: {  	[tilespmem:s15], [sflag:$0x1] =	stream.linear.gather [hbm4b:s1+s2], $0x3800, $0x38;
	[tilespmem:$0x15000] =	vst v63  }
0x169: {  	_ =	swait.ge [sflag:s9], $0x3800  }
0x16a: {  	[sflag:s9] =	ssyncset.done $0x0  }
0x16b: {  	[sflag:s9] =	ssyncadd.s32 $0xFFFFC800  }
0x16c: {  	_ =	swait.ge [sflag:s9], $0x3800  }
0x16d: {  	s0 =	sld [smem:$0x7DB]  }
0x16e: {  	[sflag:s9] =	ssyncset.done $0x0  }
0x16f: {  	s1 =	sld [smem:$0x7DC];
	[sflag:s9] =	ssyncadd.s32 $0xFFFFC800  }
0x170: {  	[hbm4b:s0+s2] =	stream.linear.scatter [tilespmem:s20], [sflag:$0x2], $0x3800, $0x38;
	[tilespmem:$0x15000] =	vst v63  }
0x171: {  	_ = 	snop  }
0x172: {  	[hbm4b:s1+s2] =	stream.linear.scatter [tilespmem:s21], [sflag:$0x2], $0x3800, $0x38;
	[tilespmem:$0x15000] =	vst v63  }
0x173: {  	_ =	swait.ge [sflag:s3], $0x3800  }
0x174: {  	[sflag:s3] =	ssyncset.done $0x0  }
0x175: {  	[sflag:s3] =	ssyncadd.s32 $0xFFFFC800  }
0x176: {  	_ =	swait.ge [sflag:s3], $0x3800  }
0x177: {  	s0 =	sld [smem:$0x7DD]  }
0x178: {  	[sflag:s3] =	ssyncset.done $0x0  }
0x179: {  	s1 =	sld [smem:$0x7DE];
	[sflag:s3] =	ssyncadd.s32 $0xFFFFC800  }
0x17a: {  	[tilespmem:s2], [sflag:$0x1] =	stream.linear.gather [hbm4b:s0+s2], $0x3800, $0x38;
	[tilespmem:$0x15000] =	vst v63  }
0x17b: {  	_ = 	snop  }
0x17c: {  	[tilespmem:s6], [sflag:$0x1] =	stream.linear.gather [hbm4b:s1+s2], $0x3800, $0x38;
	[tilespmem:$0x15000] =	vst v63  }
0x17d: {  	_ =	swait.ge [sflag:s9], $0x3800  }
0x17e: {  	[sflag:s9] =	ssyncset.done $0x0  }
0x17f: {  	[sflag:s9] =	ssyncadd.s32 $0xFFFFC800  }
0x180: {  	_ =	swait.ge [sflag:s9], $0x3800  }
0x181: {  	s0 =	sld [smem:$0x7DF]  }
0x182: {  	[sflag:s9] =	ssyncset.done $0x0  }
0x183: {  	s1 =	sld [smem:$0x7E0];
	[sflag:s9] =	ssyncadd.s32 $0xFFFFC800  }
0x184: {  	[hbm4b:s0+s2] =	stream.linear.scatter [tilespmem:s14], [sflag:$0x2], $0x3800, $0x38;
	[tilespmem:$0x15000] =	vst v63  }
0x185: {  	_ = 	snop  }
0x186: {  	[hbm4b:s1+s2] =	stream.linear.scatter [tilespmem:s15], [sflag:$0x2], $0x3800, $0x38;
	[tilespmem:$0x15000] =	vst v63  }
0x187: {  	_ =	swait.ge [sflag:s3], $0x3800  }
0x188: {  	[sflag:s3] =	ssyncset.done $0x0  }
0x189: {  	[sflag:s3] =	ssyncadd.s32 $0xFFFFC800  }
0x18a: {  	_ =	swait.ge [sflag:s3], $0x3800  }
0x18b: {  	s0 =	sld [smem:$0x7E1]  }
0x18c: {  	[sflag:s3] =	ssyncset.done $0x0  }
0x18d: {  	s1 =	sld [smem:$0x7E2];
	[sflag:s3] =	ssyncadd.s32 $0xFFFFC800  }
0x18e: {  	[tilespmem:s20], [sflag:$0x1] =	stream.linear.gather [hbm4b:s0+s2], $0x3800, $0x38;
	[tilespmem:$0x15000] =	vst v63  }
0x18f: {  	_ = 	snop  }
0x190: {  	[tilespmem:s21], [sflag:$0x1] =	stream.linear.gather [hbm4b:s1+s2], $0x3800, $0x38;
	[tilespmem:$0x15000] =	vst v63  }
0x191: {  	_ =	swait.ge [sflag:s9], $0x3800  }
0x192: {  	[sflag:s9] =	ssyncset.done $0x0  }
0x193: {  	[sflag:s9] =	ssyncadd.s32 $0xFFFFC800  }
0x194: {  	_ =	swait.ge [sflag:s9], $0x3800  }
0x195: {  	s0 =	sld [smem:$0x7E3]  }
0x196: {  	[sflag:s9] =	ssyncset.done $0x0  }
0x197: {  	s1 =	sld [smem:$0x7E4];
	[sflag:s9] =	ssyncadd.s32 $0xFFFFC800  }
0x198: {  	[hbm4b:s0+s2] =	stream.linear.scatter [tilespmem:s2], [sflag:$0x2], $0x3800, $0x38;
	[tilespmem:$0x15000] =	vst v63  }
0x199: {  	_ = 	snop  }
0x19a: {  	[hbm4b:s1+s2] =	stream.linear.scatter [tilespmem:s6], [sflag:$0x2], $0x3800, $0x38;
	[tilespmem:$0x15000] =	vst v63  }
0x19b: {  	_ =	swait.ge [sflag:s3], $0x3800  }
0x19c: {  	[sflag:s3] =	ssyncset.done $0x0  }
0x19d: {  	[sflag:s3] =	ssyncadd.s32 $0xFFFFC800  }
0x19e: {  	_ =	swait.ge [sflag:s3], $0x3800  }
0x19f: {  	s0 =	sld [smem:$0x7E5]  }
0x1a0: {  	[sflag:s3] =	ssyncset.done $0x0  }
0x1a1: {  	s1 =	sld [smem:$0x7E6];
	[sflag:s3] =	ssyncadd.s32 $0xFFFFC800  }
0x1a2: {  	[tilespmem:s14], [sflag:$0x1] =	stream.linear.gather [hbm4b:s0+s2], $0x3800, $0x38;
	[tilespmem:$0x15000] =	vst v63  }
0x1a3: {  	_ = 	snop  }
0x1a4: {  	[tilespmem:s15], [sflag:$0x1] =	stream.linear.gather [hbm4b:s1+s2], $0x3800, $0x38;
	[tilespmem:$0x15000] =	vst v63  }
0x1a5: {  	_ =	swait.ge [sflag:s9], $0x3800  }
0x1a6: {  	[sflag:s9] =	ssyncset.done $0x0  }
0x1a7: {  	[sflag:s9] =	ssyncadd.s32 $0xFFFFC800  }
0x1a8: {  	_ =	swait.ge [sflag:s9], $0x3800  }
0x1a9: {  	s0 =	sld [smem:$0x7E7]  }
0x1aa: {  	[sflag:s9] =	ssyncset.done $0x0  }
0x1ab: {  	s1 =	sld [smem:$0x7E8];
	[sflag:s9] =	ssyncadd.s32 $0xFFFFC800  }
0x1ac: {  	[hbm4b:s0+s2] =	stream.linear.scatter [tilespmem:s20], [sflag:$0x2], $0x3800, $0x38;
	[tilespmem:$0x15000] =	vst v63  }
0x1ad: {  	_ = 	snop  }
0x1ae: {  	[hbm4b:s1+s2] =	stream.linear.scatter [tilespmem:s21], [sflag:$0x2], $0x3800, $0x38;
	[tilespmem:$0x15000] =	vst v63  }
0x1af: {  	_ =	swait.ge [sflag:s3], $0x3800  }
0x1b0: {  	[sflag:s3] =	ssyncset.done $0x0  }
0x1b1: {  	[sflag:s3] =	ssyncadd.s32 $0xFFFFC800  }
0x1b2: {  	_ =	swait.ge [sflag:s3], $0x3800  }
0x1b3: {  	s0 =	sld [smem:$0x7E9]  }
0x1b4: {  	[sflag:s3] =	ssyncset.done $0x0  }
0x1b5: {  	s1 =	sld [smem:$0x7EA];
	[sflag:s3] =	ssyncadd.s32 $0xFFFFC800  }
0x1b6: {  	[tilespmem:s2], [sflag:$0x1] =	stream.linear.gather [hbm4b:s0+s2], $0x3800, $0x38;
	[tilespmem:$0x15000] =	vst v63  }
0x1b7: {  	_ = 	snop  }
0x1b8: {  	[tilespmem:s6], [sflag:$0x1] =	stream.linear.gather [hbm4b:s1+s2], $0x3800, $0x38;
	[tilespmem:$0x15000] =	vst v63  }
0x1b9: {  	_ =	swait.ge [sflag:s9], $0x3800  }
0x1ba: {  	[sflag:s9] =	ssyncset.done $0x0  }
0x1bb: {  	[sflag:s9] =	ssyncadd.s32 $0xFFFFC800  }
0x1bc: {  	_ =	swait.ge [sflag:s9], $0x3800  }
0x1bd: {  	s0 =	sld [smem:$0x7EB]  }
0x1be: {  	[sflag:s9] =	ssyncset.done $0x0  }
0x1bf: {  	s1 =	sld [smem:$0x7EC];
	[sflag:s9] =	ssyncadd.s32 $0xFFFFC800  }
0x1c0: {  	[hbm4b:s0+s2] =	stream.linear.scatter [tilespmem:s14], [sflag:$0x2], $0x3800, $0x38;
	[tilespmem:$0x15000] =	vst v63  }
0x1c1: {  	_ = 	snop  }
0x1c2: {  	[hbm4b:s1+s2] =	stream.linear.scatter [tilespmem:s15], [sflag:$0x2], $0x3800, $0x38;
	[tilespmem:$0x15000] =	vst v63  }
0x1c3: {  	_ =	swait.ge [sflag:s3], $0x3800  }
0x1c4: {  	[sflag:s3] =	ssyncset.done $0x0  }
0x1c5: {  	[sflag:s3] =	ssyncadd.s32 $0xFFFFC800  }
0x1c6: {  	_ =	swait.ge [sflag:s3], $0x3800  }
0x1c7: {  	s0 =	sld [smem:$0x7ED]  }
0x1c8: {  	[sflag:s3] =	ssyncset.done $0x0  }
0x1c9: {  	s1 =	sld [smem:$0x7EE];
	[sflag:s3] =	ssyncadd.s32 $0xFFFFC800  }
0x1ca: {  	[tilespmem:s20], [sflag:$0x1] =	stream.linear.gather [hbm4b:s0+s2], $0x3800, $0x38;
	[tilespmem:$0x15000] =	vst v63  }
0x1cb: {  	_ = 	snop  }
0x1cc: {  	[tilespmem:s21], [sflag:$0x1] =	stream.linear.gather [hbm4b:s1+s2], $0x3800, $0x38;
	[tilespmem:$0x15000] =	vst v63  }
0x1cd: {  	_ =	swait.ge [sflag:s9], $0x3800  }
0x1ce: {  	[sflag:s9] =	ssyncset.done $0x0  }
0x1cf: {  	[sflag:s9] =	ssyncadd.s32 $0xFFFFC800  }
0x1d0: {  	_ =	swait.ge [sflag:s9], $0x3800  }
0x1d1: {  	s0 =	sld [smem:$0x7EF]  }
0x1d2: {  	[sflag:s9] =	ssyncset.done $0x0  }
0x1d3: {  	s1 =	sld [smem:$0x7F0];
	[sflag:s9] =	ssyncadd.s32 $0xFFFFC800  }
0x1d4: {  	[hbm4b:s0+s2] =	stream.linear.scatter [tilespmem:s2], [sflag:$0x2], $0x3800, $0x38;
	[tilespmem:$0x15000] =	vst v63  }
0x1d5: {  	_ = 	snop  }
0x1d6: {  	[hbm4b:s1+s2] =	stream.linear.scatter [tilespmem:s6], [sflag:$0x2], $0x3800, $0x38;
	[tilespmem:$0x15000] =	vst v63  }
0x1d7: {  	_ =	swait.ge [sflag:s3], $0x3800  }
0x1d8: {  	[sflag:s3] =	ssyncset.done $0x0  }
0x1d9: {  	[sflag:s3] =	ssyncadd.s32 $0xFFFFC800  }
0x1da: {  	_ =	swait.ge [sflag:s3], $0x3800  }
0x1db: {  	s0 =	sld [smem:$0x7F1]  }
0x1dc: {  	[sflag:s3] =	ssyncset.done $0x0  }
0x1dd: {  	s1 =	sld [smem:$0x7F2];
	[sflag:s3] =	ssyncadd.s32 $0xFFFFC800  }
0x1de: {  	[tilespmem:s14], [sflag:$0x1] =	stream.linear.gather [hbm4b:s0+s2], $0x3800, $0x38;
	[tilespmem:$0x15000] =	vst v63  }
0x1df: {  	_ = 	snop  }
0x1e0: {  	[tilespmem:s15], [sflag:$0x1] =	stream.linear.gather [hbm4b:s1+s2], $0x3800, $0x38;
	[tilespmem:$0x15000] =	vst v63  }
0x1e1: {  	_ =	swait.ge [sflag:s9], $0x3800  }
0x1e2: {  	[sflag:s9] =	ssyncset.done $0x0  }
0x1e3: {  	[sflag:s9] =	ssyncadd.s32 $0xFFFFC800  }
0x1e4: {  	_ =	swait.ge [sflag:s9], $0x3800  }
0x1e5: {  	s0 =	sld [smem:$0x7F3]  }
0x1e6: {  	[sflag:s9] =	ssyncset.done $0x0  }
0x1e7: {  	s1 =	sld [smem:$0x7F4];
	[sflag:s9] =	ssyncadd.s32 $0xFFFFC800  }
0x1e8: {  	[hbm4b:s0+s2] =	stream.linear.scatter [tilespmem:s20], [sflag:$0x2], $0x3800, $0x38;
	[tilespmem:$0x15000] =	vst v63  }
0x1e9: {  	_ = 	snop  }
0x1ea: {  	[hbm4b:s1+s2] =	stream.linear.scatter [tilespmem:s21], [sflag:$0x2], $0x3800, $0x38;
	[tilespmem:$0x15000] =	vst v63  }
0x1eb: {  	_ =	swait.ge [sflag:s3], $0x3800  }
0x1ec: {  	[sflag:s3] =	ssyncset.done $0x0  }
0x1ed: {  	[sflag:s3] =	ssyncadd.s32 $0xFFFFC800  }
0x1ee: {  	_ =	swait.ge [sflag:s3], $0x3800  }
0x1ef: {  	s0 =	sld [smem:$0x7F5]  }
0x1f0: {  	[sflag:s3] =	ssyncset.done $0x0  }
0x1f1: {  	s1 =	sld [smem:$0x7F6];
	[sflag:s3] =	ssyncadd.s32 $0xFFFFC800  }
0x1f2: {  	[tilespmem:s2], [sflag:$0x1] =	stream.linear.gather [hbm4b:s0+s2], $0x3800, $0x38;
	[tilespmem:$0x15000] =	vst v63  }
0x1f3: {  	_ = 	snop  }
0x1f4: {  	[tilespmem:s6], [sflag:$0x1] =	stream.linear.gather [hbm4b:s1+s2], $0x3800, $0x38;
	[tilespmem:$0x15000] =	vst v63  }
0x1f5: {  	_ =	swait.ge [sflag:s9], $0x3800  }
0x1f6: {  	[sflag:s9] =	ssyncset.done $0x0  }
0x1f7: {  	[sflag:s9] =	ssyncadd.s32 $0xFFFFC800  }
0x1f8: {  	_ =	swait.ge [sflag:s9], $0x3800  }
0x1f9: {  	s0 =	sld [smem:$0x7F7]  }
0x1fa: {  	[sflag:s9] =	ssyncset.done $0x0  }
0x1fb: {  	s1 =	sld [smem:$0x7F8];
	[sflag:s9] =	ssyncadd.s32 $0xFFFFC800  }
0x1fc: {  	[hbm4b:s0+s2] =	stream.linear.scatter [tilespmem:s14], [sflag:$0x2], $0x3800, $0x38;
	[tilespmem:$0x15000] =	vst v63  }
0x1fd: {  	_ = 	snop  }
0x1fe: {  	[hbm4b:s1+s2] =	stream.linear.scatter [tilespmem:s15], [sflag:$0x2], $0x3800, $0x38;
	[tilespmem:$0x15000] =	vst v63  }
0x1ff: {  	_ =	swait.ge [sflag:s3], $0x3800  }
0x200: {  	[sflag:s3] =	ssyncset.done $0x0  }
0x201: {  	[sflag:s3] =	ssyncadd.s32 $0xFFFFC800  }
0x202: {  	_ =	swait.ge [sflag:s3], $0x3800  }
0x203: {  	s0 =	sld [smem:$0x7F9]  }
0x204: {  	[sflag:s3] =	ssyncset.done $0x0  }
0x205: {  	s1 =	sld [smem:$0x7FA];
	[sflag:s3] =	ssyncadd.s32 $0xFFFFC800  }
0x206: {  	[tilespmem:s20], [sflag:$0x1] =	stream.linear.gather [hbm4b:s0+s2], $0x3800, $0x38;
	[tilespmem:$0x15000] =	vst v63  }
0x207: {  	_ = 	snop  }
0x208: {  	[tilespmem:s21], [sflag:$0x1] =	stream.linear.gather [hbm4b:s1+s2], $0x3800, $0x38;
	[tilespmem:$0x15000] =	vst v63  }
0x209: {  	_ =	swait.ge [sflag:s9], $0x3800  }
0x20a: {  	[sflag:s9] =	ssyncset.done $0x0  }
0x20b: {  	[sflag:s9] =	ssyncadd.s32 $0xFFFFC800  }
0x20c: {  	_ =	swait.ge [sflag:s9], $0x3800  }
0x20d: {  	s0 =	sld [smem:$0x7FB]  }
0x20e: {  	[sflag:s9] =	ssyncset.done $0x0  }
0x20f: {  	s1 =	sld [smem:$0x7FC];
	[sflag:s9] =	ssyncadd.s32 $0xFFFFC800  }
0x210: {  	[hbm4b:s0+s2] =	stream.linear.scatter [tilespmem:s2], [sflag:$0x2], $0x3800, $0x38;
	[tilespmem:$0x15000] =	vst v63  }
0x211: {  	_ = 	snop  }
0x212: {  	[hbm4b:s1+s2] =	stream.linear.scatter [tilespmem:s6], [sflag:$0x2], $0x3800, $0x38;
	[tilespmem:$0x15000] =	vst v63  }
0x213: {  	_ =	swait.ge [sflag:s3], $0x3800  }
0x214: {  	[sflag:s3] =	ssyncset.done $0x0  }
0x215: {  	[sflag:s3] =	ssyncadd.s32 $0xFFFFC800  }
0x216: {  	_ =	swait.ge [sflag:s3], $0x3800  }
0x217: {  	s1 =	sld [smem:$0x7FD]  }
0x218: {  	[sflag:s3] =	ssyncset.done $0x0  }
0x219: {  	[sflag:s3] =	ssyncadd.s32 $0xFFFFC800  }
0x21a: {  	[tilespmem:s14], [sflag:$0x1] =	stream.linear.gather [hbm4b:s1+s2], $0x3800, $0x38;
	[tilespmem:$0x15000] =	vst v63  }
0x21b: {  	_ = 	snop  }
0x21c: {  	[tilespmem:s15], [sflag:$0x1] =	stream.linear.gather [hbm4b:s31+s2], $0x3800, $0x38;
	[tilespmem:$0x15000] =	vst v63  }
0x21d: {  	_ =	swait.ge [sflag:s9], $0x3800  }
0x21e: {  	[sflag:s9] =	ssyncset.done $0x0  }
0x21f: {  	[sflag:s9] =	ssyncadd.s32 $0xFFFFC800  }
0x220: {  	_ =	swait.ge [sflag:s9], $0x3800  }
0x221: {  	[sflag:s9] =	ssyncset.done $0x0  }
0x222: {  	[sflag:s9] =	ssyncadd.s32 $0xFFFFC800  }
0x223: {  	[hbm4b:s29+s2] =	stream.linear.scatter [tilespmem:s20], [sflag:$0x2], $0x3800, $0x38;
	[tilespmem:$0x15000] =	vst v63  }
0x224: {  	_ = 	snop  }
0x225: {  	[hbm4b:s30+s2] =	stream.linear.scatter [tilespmem:s21], [sflag:$0x2], $0x3800, $0x38;
	[tilespmem:$0x15000] =	vst v63  }
0x226: {  	_ =	swait.ge [sflag:s3], $0x3800  }
0x227: {  	[sflag:s3] =	ssyncset.done $0x0  }
0x228: {  	[sflag:s3] =	ssyncadd.s32 $0xFFFFC800  }
0x229: {  	_ =	swait.ge [sflag:s3], $0x3800  }
0x22a: {  	[sflag:s3] =	ssyncset.done $0x0  }
0x22b: {  	[sflag:s3] =	ssyncadd.s32 $0xFFFFC800  }
0x22c: {  	[tilespmem:s2], [sflag:$0x1] =	stream.linear.gather [hbm4b:s26+s2], $0x3800, $0x38;
	[tilespmem:$0x15000] =	vst v63  }
0x22d: {  	_ = 	snop  }
0x22e: {  	[tilespmem:s6], [sflag:$0x1] =	stream.linear.gather [hbm4b:s28+s2], $0x3800, $0x38;
	[tilespmem:$0x15000] =	vst v63  }
0x22f: {  	_ =	swait.ge [sflag:s9], $0x3800  }
0x230: {  	[sflag:s9] =	ssyncset.done $0x0  }
0x231: {  	[sflag:s9] =	ssyncadd.s32 $0xFFFFC800  }
0x232: {  	_ =	swait.ge [sflag:s9], $0x3800  }
0x233: {  	[sflag:s9] =	ssyncset.done $0x0  }
0x234: {  	[sflag:s9] =	ssyncadd.s32 $0xFFFFC800  }
0x235: {  	[hbm4b:s24+s2] =	stream.linear.scatter [tilespmem:s14], [sflag:$0x2], $0x3800, $0x38;
	[tilespmem:$0x15000] =	vst v63  }
0x236: {  	_ = 	snop  }
0x237: {  	[hbm4b:s25+s2] =	stream.linear.scatter [tilespmem:s15], [sflag:$0x2], $0x3800, $0x38;
	[tilespmem:$0x15000] =	vst v63  }
0x238: {  	_ =	swait.ge [sflag:s3], $0x3800  }
0x239: {  	[sflag:s3] =	ssyncset.done $0x0  }
0x23a: {  	[sflag:s3] =	ssyncadd.s32 $0xFFFFC800  }
0x23b: {  	_ =	swait.ge [sflag:s3], $0x3800  }
0x23c: {  	[sflag:s3] =	ssyncset.done $0x0  }
0x23d: {  	[sflag:s3] =	ssyncadd.s32 $0xFFFFC800  }
0x23e: {  	[tilespmem:s20], [sflag:$0x1] =	stream.linear.gather [hbm4b:s22+s2], $0x3800, $0x38;
	[tilespmem:$0x15000] =	vst v63  }
0x23f: {  	_ = 	snop  }
0x240: {  	[tilespmem:s21], [sflag:$0x1] =	stream.linear.gather [hbm4b:s23+s2], $0x3800, $0x38;
	[tilespmem:$0x15000] =	vst v63  }
0x241: {  	_ =	swait.ge [sflag:s9], $0x3800  }
0x242: {  	[sflag:s9] =	ssyncset.done $0x0  }
0x243: {  	[sflag:s9] =	ssyncadd.s32 $0xFFFFC800  }
0x244: {  	_ =	swait.ge [sflag:s9], $0x3800  }
0x245: {  	[sflag:s9] =	ssyncset.done $0x0  }
0x246: {  	[sflag:s9] =	ssyncadd.s32 $0xFFFFC800  }
0x247: {  	[hbm4b:s18+s2] =	stream.linear.scatter [tilespmem:s2], [sflag:$0x2], $0x3800, $0x38;
	[tilespmem:$0x15000] =	vst v63  }
0x248: {  	_ = 	snop  }
0x249: {  	[hbm4b:s19+s2] =	stream.linear.scatter [tilespmem:s6], [sflag:$0x2], $0x3800, $0x38;
	[tilespmem:$0x15000] =	vst v63  }
0x24a: {  	_ =	swait.ge [sflag:s3], $0x3800  }
0x24b: {  	[sflag:s3] =	ssyncset.done $0x0  }
0x24c: {  	[sflag:s3] =	ssyncadd.s32 $0xFFFFC800  }
0x24d: {  	_ =	swait.ge [sflag:s3], $0x3800  }
0x24e: {  	[sflag:s3] =	ssyncset.done $0x0  }
0x24f: {  	[sflag:s3] =	ssyncadd.s32 $0xFFFFC800  }
0x250: {  	[tilespmem:s14], [sflag:$0x1] =	stream.linear.gather [hbm4b:s16+s2], $0x3800, $0x38;
	[tilespmem:$0x15000] =	vst v63  }
0x251: {  	_ = 	snop  }
0x252: {  	[tilespmem:s15], [sflag:$0x1] =	stream.linear.gather [hbm4b:s17+s2], $0x3800, $0x38;
	[tilespmem:$0x15000] =	vst v63  }
0x253: {  	_ =	swait.ge [sflag:s9], $0x3800  }
0x254: {  	[sflag:s9] =	ssyncset.done $0x0  }
0x255: {  	[sflag:s9] =	ssyncadd.s32 $0xFFFFC800  }
0x256: {  	_ =	swait.ge [sflag:s9], $0x3800  }
0x257: {  	[sflag:s9] =	ssyncset.done $0x0  }
0x258: {  	[sflag:s9] =	ssyncadd.s32 $0xFFFFC800  }
0x259: {  	[hbm4b:s12+s2] =	stream.linear.scatter [tilespmem:s20], [sflag:$0x2], $0x3800, $0x38;
	[tilespmem:$0x15000] =	vst v63  }
0x25a: {  	_ = 	snop  }
0x25b: {  	[hbm4b:s13+s2] =	stream.linear.scatter [tilespmem:s21], [sflag:$0x2], $0x3800, $0x38;
	[tilespmem:$0x15000] =	vst v63  }
0x25c: {  	_ =	swait.ge [sflag:s3], $0x3800  }
0x25d: {  	[sflag:s3] =	ssyncset.done $0x0  }
0x25e: {  	[sflag:s3] =	ssyncadd.s32 $0xFFFFC800  }
0x25f: {  	_ =	swait.ge [sflag:s3], $0x3800  }
0x260: {  	[sflag:s3] =	ssyncset.done $0x0  }
0x261: {  	[sflag:s3] =	ssyncadd.s32 $0xFFFFC800  }
0x262: {  	[tilespmem:s2], [sflag:$0x1] =	stream.linear.gather [hbm4b:s10+s2], $0x3800, $0x38;
	[tilespmem:$0x15000] =	vst v63  }
0x263: {  	_ = 	snop  }
0x264: {  	[tilespmem:s6], [sflag:$0x1] =	stream.linear.gather [hbm4b:s11+s2], $0x3800, $0x38;
	[tilespmem:$0x15000] =	vst v63  }
0x265: {  	_ =	swait.ge [sflag:s9], $0x3800  }
0x266: {  	[sflag:s9] =	ssyncset.done $0x0  }
0x267: {  	[sflag:s9] =	ssyncadd.s32 $0xFFFFC800  }
0x268: {  	_ =	swait.ge [sflag:s9], $0x3800  }
0x269: {  	[sflag:s9] =	ssyncset.done $0x0  }
0x26a: {  	[sflag:s9] =	ssyncadd.s32 $0xFFFFC800  }
0x26b: {  	[hbm4b:s7+s2] =	stream.linear.scatter [tilespmem:s14], [sflag:$0x2], $0x3800, $0x38;
	[tilespmem:$0x15000] =	vst v63  }
0x26c: {  	_ = 	snop  }
0x26d: {  	[hbm4b:s8+s2] =	stream.linear.scatter [tilespmem:s15], [sflag:$0x2], $0x3800, $0x38;
	[tilespmem:$0x15000] =	vst v63  }
0x26e: {  	_ =	swait.ge [sflag:s9], $0x3800  }
0x26f: {  	[sflag:s9] =	ssyncset.done $0x0  }
0x270: {  	[sflag:s9] =	ssyncadd.s32 $0xFFFFC800  }
0x271: {  	_ =	swait.ge [sflag:s9], $0x3800  }
0x272: {  	[sflag:s9] =	ssyncset.done $0x0  }
0x273: {  	[sflag:s9] =	ssyncadd.s32 $0xFFFFC800  }
0x274: {  	[hbm4b:s4+s2] =	stream.linear.scatter [tilespmem:s2], [sflag:$0x2], $0x3800, $0x38;
	[tilespmem:$0x15000] =	vst v63  }
0x275: {  	_ = 	snop  }
0x276: {  	[hbm4b:s5+s2] =	stream.linear.scatter [tilespmem:s6], [sflag:$0x2], $0x3800, $0x38;
	[tilespmem:$0x15000] =	vst v63  }
0x277: {  	_ =	swait.ge [sflag:s3], $0x3800  }
0x278: {  	[sflag:s3] =	ssyncset.done $0x0  }
0x279: {  	[sflag:s3] =	ssyncadd.s32 $0xFFFFC800  }
0x27a: {  	_ =	swait.ge [sflag:s3], $0x3800  }
0x27b: {  	[sflag:s3] =	ssyncset.done $0x0  }
0x27c: {  	[sflag:s3] =	ssyncadd.s32 $0xFFFFC800  }
0x27d: {  	_ =	swait.ge [sflag:s3], $0x3800  }
0x27e: {  	[sflag:s3] =	ssyncset.done $0x0  }
0x27f: {  	[sflag:s3] =	ssyncadd.s32 $0xFFFFC800  }
0x280: {  	_ =	swait.ge [sflag:s3], $0x3800  }
0x281: {  	[sflag:s3] =	ssyncset.done $0x0  }
0x282: {  	[sflag:s3] =	ssyncadd.s32 $0xFFFFC800  }
0x283: {  	_ =	swait.ge [sflag:s3], $0x3800  }
0x284: {  	s1 =	sld [smem:$0x7BF];
	_ =	sdelay $0x2  }
0x285: {  	p1 =	sne.s32 s1, $0x1  }
.Ltmp1:
0x286: {  	[sflag:s3] =	ssyncset.done $0x0;
	(pc) =	sbr.rel @!p1 .LBB2_3-.Ltmp1, $4  }
0x287: {  	[sflag:s3] =	ssyncadd.s32 $0xFFFFC800  }
0x288: {  	_ =	swait.ge [sflag:s3], $0x3800  }
0x289: {  	p0 =	por $0x1, $0x1;
	s0 =	rddreg [dreg:$0x2]  }
0x28a: {  	s1 =	sadd.s32 $0xFFFFFFFF, s1;
	[sflag:s3] =	ssyncset.done $0x0;
	[smem:$0x7C0] =	sst s31  }
.LBB2_2:
0x28b: {  	[sflag:s3] =	ssyncadd.s32 $0xFFFFC800  }
0x28c: {  	s31 =	smov.u32 s30;
	s30 =	smov.u32 s29;
	s29 =	smov.u32 s28  }
0x28d: {  	s28 =	smov.u32 s26;
	s26 =	smov.u32 s25;
	s25 =	smov.u32 s24  }
0x28e: {  	s24 =	smov.u32 s23;
	s23 =	smov.u32 s22;
	s22 =	smov.u32 s19  }
0x28f: {  	s19 =	smov.u32 s18;
	s18 =	smov.u32 s17;
	s17 =	smov.u32 s16  }
0x290: {  	s16 =	smov.u32 s13;
	s13 =	smov.u32 s12;
	s12 =	smov.u32 s11  }
0x291: {  	s11 =	smov.u32 s10;
	s10 =	smov.u32 s8;
	s8 =	smov.u32 s7  }
0x292: {  	[tilespmem:s2], [sflag:$0x1] =	stream.linear.gather [hbm4b:s0+s2], $0x3800, $0x38;
	[tilespmem:$0x15000] =	vst v63  }
0x293: {  	s7 =	smov.u32 s5;
	s5 =	smov.u32 s4;
	s4 =	rddreg [dreg:$0x3]  }
0x294: {  	[tilespmem:s6], [sflag:$0x1] =	stream.linear.gather [hbm4b:s4+s2], $0x3800, $0x38;
	[tilespmem:$0x15000] =	vst v63  }
0x295: {  	s0 =	rddreg [dreg:$0x4]  }
0x296: {  	[tilespmem:s20], [sflag:$0x1] =	stream.linear.gather [hbm4b:s0+s2], $0x3800, $0x38;
	[tilespmem:$0x15000] =	vst v63  }
0x297: {  	s4 =	rddreg [dreg:$0x5]  }
0x298: {  	[tilespmem:s21], [sflag:$0x1] =	stream.linear.gather [hbm4b:s4+s2], $0x3800, $0x38;
	[tilespmem:$0x15000] =	vst v63  }
0x299: {  	_ =	swait.ge [sflag:s9], $0x3800  }
0x29a: {  	[sflag:s9] =	ssyncset.done $0x0  }
0x29b: {  	[sflag:s9] =	ssyncadd.s32 $0xFFFFC800  }
0x29c: {  	_ =	swait.ge [sflag:s9], $0x3800  }
0x29d: {  	[sflag:s9] =	ssyncset.done $0x0  }
0x29e: {  	s0 =	rddreg [dreg:$0x6];
	[sflag:s9] =	ssyncadd.s32 $0xFFFFC800  }
0x29f: {  	[hbm4b:s0+s2] =	stream.linear.scatter [tilespmem:s2], [sflag:$0x2], $0x3800, $0x38;
	[tilespmem:$0x15000] =	vst v63  }
0x2a0: {  	s4 =	rddreg [dreg:$0x7]  }
0x2a1: {  	[hbm4b:s4+s2] =	stream.linear.scatter [tilespmem:s6], [sflag:$0x2], $0x3800, $0x38;
	[tilespmem:$0x15000] =	vst v63  }
0x2a2: {  	s0 =	rddreg [dreg:$0x8]  }
0x2a3: {  	[tilespmem:s14], [sflag:$0x1] =	stream.linear.gather [hbm4b:s0+s2], $0x3800, $0x38;
	[tilespmem:$0x15000] =	vst v63  }
0x2a4: {  	s4 =	rddreg [dreg:$0x9]  }
0x2a5: {  	[tilespmem:s15], [sflag:$0x1] =	stream.linear.gather [hbm4b:s4+s2], $0x3800, $0x38;
	[tilespmem:$0x15000] =	vst v63  }
0x2a6: {  	_ =	swait.ge [sflag:s9], $0x3800  }
0x2a7: {  	[sflag:s9] =	ssyncset.done $0x0  }
0x2a8: {  	[sflag:s9] =	ssyncadd.s32 $0xFFFFC800  }
0x2a9: {  	_ =	swait.ge [sflag:s9], $0x3800  }
0x2aa: {  	[sflag:s9] =	ssyncset.done $0x0  }
0x2ab: {  	s0 =	rddreg [dreg:$0xa];
	[sflag:s9] =	ssyncadd.s32 $0xFFFFC800  }
0x2ac: {  	[hbm4b:s0+s2] =	stream.linear.scatter [tilespmem:s20], [sflag:$0x2], $0x3800, $0x38;
	[tilespmem:$0x15000] =	vst v63  }
0x2ad: {  	s4 =	rddreg [dreg:$0xb]  }
0x2ae: {  	[hbm4b:s4+s2] =	stream.linear.scatter [tilespmem:s21], [sflag:$0x2], $0x3800, $0x38;
	[tilespmem:$0x15000] =	vst v63  }
0x2af: {  	_ =	swait.ge [sflag:s3], $0x3800  }
0x2b0: {  	[sflag:s3] =	ssyncset.done $0x0  }
0x2b1: {  	[sflag:s3] =	ssyncadd.s32 $0xFFFFC800  }
0x2b2: {  	_ =	swait.ge [sflag:s3], $0x3800  }
0x2b3: {  	[sflag:s3] =	ssyncset.done $0x0  }
0x2b4: {  	s0 =	rddreg [dreg:$0xc];
	[sflag:s3] =	ssyncadd.s32 $0xFFFFC800  }
0x2b5: {  	[tilespmem:s2], [sflag:$0x1] =	stream.linear.gather [hbm4b:s0+s2], $0x3800, $0x38;
	[tilespmem:$0x15000] =	vst v63  }
0x2b6: {  	s4 =	rddreg [dreg:$0xd]  }
0x2b7: {  	[tilespmem:s6], [sflag:$0x1] =	stream.linear.gather [hbm4b:s4+s2], $0x3800, $0x38;
	[tilespmem:$0x15000] =	vst v63  }
0x2b8: {  	_ =	swait.ge [sflag:s9], $0x3800  }
0x2b9: {  	[sflag:s9] =	ssyncset.done $0x0  }
0x2ba: {  	[sflag:s9] =	ssyncadd.s32 $0xFFFFC800  }
0x2bb: {  	_ =	swait.ge [sflag:s9], $0x3800  }
0x2bc: {  	[sflag:s9] =	ssyncset.done $0x0  }
0x2bd: {  	s0 =	rddreg [dreg:$0xe];
	[sflag:s9] =	ssyncadd.s32 $0xFFFFC800  }
0x2be: {  	[hbm4b:s0+s2] =	stream.linear.scatter [tilespmem:s14], [sflag:$0x2], $0x3800, $0x38;
	[tilespmem:$0x15000] =	vst v63  }
0x2bf: {  	s4 =	rddreg [dreg:$0xf]  }
0x2c0: {  	[hbm4b:s4+s2] =	stream.linear.scatter [tilespmem:s15], [sflag:$0x2], $0x3800, $0x38;
	[tilespmem:$0x15000] =	vst v63  }
0x2c1: {  	_ =	swait.ge [sflag:s3], $0x3800  }
0x2c2: {  	[sflag:s3] =	ssyncset.done $0x0  }
0x2c3: {  	[sflag:s3] =	ssyncadd.s32 $0xFFFFC800  }
0x2c4: {  	_ =	swait.ge [sflag:s3], $0x3800  }
0x2c5: {  	[sflag:s3] =	ssyncset.done $0x0  }
0x2c6: {  	s0 =	rddreg [dreg:$0x10];
	[sflag:s3] =	ssyncadd.s32 $0xFFFFC800  }
0x2c7: {  	[tilespmem:s20], [sflag:$0x1] =	stream.linear.gather [hbm4b:s0+s2], $0x3800, $0x38;
	[tilespmem:$0x15000] =	vst v63  }
0x2c8: {  	s4 =	rddreg [dreg:$0x11]  }
0x2c9: {  	[tilespmem:s21], [sflag:$0x1] =	stream.linear.gather [hbm4b:s4+s2], $0x3800, $0x38;
	[tilespmem:$0x15000] =	vst v63  }
0x2ca: {  	_ =	swait.ge [sflag:s9], $0x3800  }
0x2cb: {  	[sflag:s9] =	ssyncset.done $0x0  }
0x2cc: {  	[sflag:s9] =	ssyncadd.s32 $0xFFFFC800  }
0x2cd: {  	_ =	swait.ge [sflag:s9], $0x3800  }
0x2ce: {  	[sflag:s9] =	ssyncset.done $0x0  }
0x2cf: {  	s0 =	rddreg [dreg:$0x12];
	[sflag:s9] =	ssyncadd.s32 $0xFFFFC800  }
0x2d0: {  	[hbm4b:s0+s2] =	stream.linear.scatter [tilespmem:s2], [sflag:$0x2], $0x3800, $0x38;
	[tilespmem:$0x15000] =	vst v63  }
0x2d1: {  	s4 =	rddreg [dreg:$0x13]  }
0x2d2: {  	[hbm4b:s4+s2] =	stream.linear.scatter [tilespmem:s6], [sflag:$0x2], $0x3800, $0x38;
	[tilespmem:$0x15000] =	vst v63  }
0x2d3: {  	_ =	swait.ge [sflag:s3], $0x3800  }
0x2d4: {  	[sflag:s3] =	ssyncset.done $0x0  }
0x2d5: {  	[sflag:s3] =	ssyncadd.s32 $0xFFFFC800  }
0x2d6: {  	_ =	swait.ge [sflag:s3], $0x3800  }
0x2d7: {  	[sflag:s3] =	ssyncset.done $0x0  }
0x2d8: {  	s0 =	rddreg [dreg:$0x14];
	[sflag:s3] =	ssyncadd.s32 $0xFFFFC800  }
0x2d9: {  	[tilespmem:s14], [sflag:$0x1] =	stream.linear.gather [hbm4b:s0+s2], $0x3800, $0x38;
	[tilespmem:$0x15000] =	vst v63  }
0x2da: {  	s4 =	rddreg [dreg:$0x15]  }
0x2db: {  	[tilespmem:s15], [sflag:$0x1] =	stream.linear.gather [hbm4b:s4+s2], $0x3800, $0x38;
	[tilespmem:$0x15000] =	vst v63  }
0x2dc: {  	_ =	swait.ge [sflag:s9], $0x3800  }
0x2dd: {  	[sflag:s9] =	ssyncset.done $0x0  }
0x2de: {  	[sflag:s9] =	ssyncadd.s32 $0xFFFFC800  }
0x2df: {  	_ =	swait.ge [sflag:s9], $0x3800  }
0x2e0: {  	[sflag:s9] =	ssyncset.done $0x0  }
0x2e1: {  	s0 =	rddreg [dreg:$0x16];
	[sflag:s9] =	ssyncadd.s32 $0xFFFFC800  }
0x2e2: {  	[hbm4b:s0+s2] =	stream.linear.scatter [tilespmem:s20], [sflag:$0x2], $0x3800, $0x38;
	[tilespmem:$0x15000] =	vst v63  }
0x2e3: {  	s4 =	rddreg [dreg:$0x17]  }
0x2e4: {  	[hbm4b:s4+s2] =	stream.linear.scatter [tilespmem:s21], [sflag:$0x2], $0x3800, $0x38;
	[tilespmem:$0x15000] =	vst v63  }
0x2e5: {  	_ =	swait.ge [sflag:s3], $0x3800  }
0x2e6: {  	[sflag:s3] =	ssyncset.done $0x0  }
0x2e7: {  	[sflag:s3] =	ssyncadd.s32 $0xFFFFC800  }
0x2e8: {  	_ =	swait.ge [sflag:s3], $0x3800  }
0x2e9: {  	[sflag:s3] =	ssyncset.done $0x0  }
0x2ea: {  	s0 =	rddreg [dreg:$0x18];
	[sflag:s3] =	ssyncadd.s32 $0xFFFFC800  }
0x2eb: {  	[tilespmem:s2], [sflag:$0x1] =	stream.linear.gather [hbm4b:s0+s2], $0x3800, $0x38;
	[tilespmem:$0x15000] =	vst v63  }
0x2ec: {  	s4 =	rddreg [dreg:$0x19]  }
0x2ed: {  	[tilespmem:s6], [sflag:$0x1] =	stream.linear.gather [hbm4b:s4+s2], $0x3800, $0x38;
	[tilespmem:$0x15000] =	vst v63  }
0x2ee: {  	_ =	swait.ge [sflag:s9], $0x3800  }
0x2ef: {  	[sflag:s9] =	ssyncset.done $0x0  }
0x2f0: {  	[sflag:s9] =	ssyncadd.s32 $0xFFFFC800  }
0x2f1: {  	_ =	swait.ge [sflag:s9], $0x3800  }
0x2f2: {  	[sflag:s9] =	ssyncset.done $0x0  }
0x2f3: {  	s0 =	rddreg [dreg:$0x1a];
	[sflag:s9] =	ssyncadd.s32 $0xFFFFC800  }
0x2f4: {  	[hbm4b:s0+s2] =	stream.linear.scatter [tilespmem:s14], [sflag:$0x2], $0x3800, $0x38;
	[tilespmem:$0x15000] =	vst v63  }
0x2f5: {  	s4 =	rddreg [dreg:$0x1b]  }
0x2f6: {  	[hbm4b:s4+s2] =	stream.linear.scatter [tilespmem:s15], [sflag:$0x2], $0x3800, $0x38;
	[tilespmem:$0x15000] =	vst v63  }
0x2f7: {  	_ =	swait.ge [sflag:s3], $0x3800  }
0x2f8: {  	[sflag:s3] =	ssyncset.done $0x0  }
0x2f9: {  	[sflag:s3] =	ssyncadd.s32 $0xFFFFC800  }
0x2fa: {  	_ =	swait.ge [sflag:s3], $0x3800  }
0x2fb: {  	[sflag:s3] =	ssyncset.done $0x0  }
0x2fc: {  	s0 =	rddreg [dreg:$0x1c];
	[sflag:s3] =	ssyncadd.s32 $0xFFFFC800  }
0x2fd: {  	[tilespmem:s20], [sflag:$0x1] =	stream.linear.gather [hbm4b:s0+s2], $0x3800, $0x38;
	[tilespmem:$0x15000] =	vst v63  }
0x2fe: {  	s4 =	rddreg [dreg:$0x1d]  }
0x2ff: {  	[tilespmem:s21], [sflag:$0x1] =	stream.linear.gather [hbm4b:s4+s2], $0x3800, $0x38;
	[tilespmem:$0x15000] =	vst v63  }
0x300: {  	_ =	swait.ge [sflag:s9], $0x3800  }
0x301: {  	[sflag:s9] =	ssyncset.done $0x0  }
0x302: {  	[sflag:s9] =	ssyncadd.s32 $0xFFFFC800  }
0x303: {  	_ =	swait.ge [sflag:s9], $0x3800  }
0x304: {  	[sflag:s9] =	ssyncset.done $0x0  }
0x305: {  	s0 =	rddreg [dreg:$0x1e];
	[sflag:s9] =	ssyncadd.s32 $0xFFFFC800  }
0x306: {  	[hbm4b:s0+s2] =	stream.linear.scatter [tilespmem:s2], [sflag:$0x2], $0x3800, $0x38;
	[tilespmem:$0x15000] =	vst v63  }
0x307: {  	s4 =	rddreg [dreg:$0x1f]  }
0x308: {  	[hbm4b:s4+s2] =	stream.linear.scatter [tilespmem:s6], [sflag:$0x2], $0x3800, $0x38;
	[tilespmem:$0x15000] =	vst v63  }
0x309: {  	_ =	swait.ge [sflag:s3], $0x3800  }
0x30a: {  	[sflag:s3] =	ssyncset.done $0x0  }
0x30b: {  	[sflag:s3] =	ssyncadd.s32 $0xFFFFC800  }
0x30c: {  	_ =	swait.ge [sflag:s3], $0x3800  }
0x30d: {  	s0 =	sld [smem:$0x7C1]  }
0x30e: {  	[sflag:s3] =	ssyncset.done $0x0  }
0x30f: {  	s4 =	sld [smem:$0x7C2];
	[sflag:s3] =	ssyncadd.s32 $0xFFFFC800  }
0x310: {  	[tilespmem:s14], [sflag:$0x1] =	stream.linear.gather [hbm4b:s0+s2], $0x3800, $0x38;
	[tilespmem:$0x15000] =	vst v63  }
0x311: {  	_ = 	snop  }
0x312: {  	[tilespmem:s15], [sflag:$0x1] =	stream.linear.gather [hbm4b:s4+s2], $0x3800, $0x38;
	[tilespmem:$0x15000] =	vst v63  }
0x313: {  	_ =	swait.ge [sflag:s9], $0x3800  }
0x314: {  	[sflag:s9] =	ssyncset.done $0x0  }
0x315: {  	[sflag:s9] =	ssyncadd.s32 $0xFFFFC800  }
0x316: {  	_ =	swait.ge [sflag:s9], $0x3800  }
0x317: {  	s0 =	sld [smem:$0x7C3]  }
0x318: {  	[sflag:s9] =	ssyncset.done $0x0  }
0x319: {  	s4 =	sld [smem:$0x7C4];
	[sflag:s9] =	ssyncadd.s32 $0xFFFFC800  }
0x31a: {  	[hbm4b:s0+s2] =	stream.linear.scatter [tilespmem:s20], [sflag:$0x2], $0x3800, $0x38;
	[tilespmem:$0x15000] =	vst v63  }
0x31b: {  	_ = 	snop  }
0x31c: {  	[hbm4b:s4+s2] =	stream.linear.scatter [tilespmem:s21], [sflag:$0x2], $0x3800, $0x38;
	[tilespmem:$0x15000] =	vst v63  }
0x31d: {  	_ =	swait.ge [sflag:s3], $0x3800  }
0x31e: {  	[sflag:s3] =	ssyncset.done $0x0  }
0x31f: {  	[sflag:s3] =	ssyncadd.s32 $0xFFFFC800  }
0x320: {  	_ =	swait.ge [sflag:s3], $0x3800  }
0x321: {  	s0 =	sld [smem:$0x7C5]  }
0x322: {  	[sflag:s3] =	ssyncset.done $0x0  }
0x323: {  	s4 =	sld [smem:$0x7C6];
	[sflag:s3] =	ssyncadd.s32 $0xFFFFC800  }
0x324: {  	[tilespmem:s2], [sflag:$0x1] =	stream.linear.gather [hbm4b:s0+s2], $0x3800, $0x38;
	[tilespmem:$0x15000] =	vst v63  }
0x325: {  	_ = 	snop  }
0x326: {  	[tilespmem:s6], [sflag:$0x1] =	stream.linear.gather [hbm4b:s4+s2], $0x3800, $0x38;
	[tilespmem:$0x15000] =	vst v63  }
0x327: {  	_ =	swait.ge [sflag:s9], $0x3800  }
0x328: {  	[sflag:s9] =	ssyncset.done $0x0  }
0x329: {  	[sflag:s9] =	ssyncadd.s32 $0xFFFFC800  }
0x32a: {  	_ =	swait.ge [sflag:s9], $0x3800  }
0x32b: {  	s0 =	sld [smem:$0x7C7]  }
0x32c: {  	[sflag:s9] =	ssyncset.done $0x0  }
0x32d: {  	s4 =	sld [smem:$0x7C8];
	[sflag:s9] =	ssyncadd.s32 $0xFFFFC800  }
0x32e: {  	[hbm4b:s0+s2] =	stream.linear.scatter [tilespmem:s14], [sflag:$0x2], $0x3800, $0x38;
	[tilespmem:$0x15000] =	vst v63  }
0x32f: {  	_ = 	snop  }
0x330: {  	[hbm4b:s4+s2] =	stream.linear.scatter [tilespmem:s15], [sflag:$0x2], $0x3800, $0x38;
	[tilespmem:$0x15000] =	vst v63  }
0x331: {  	_ =	swait.ge [sflag:s3], $0x3800  }
0x332: {  	[sflag:s3] =	ssyncset.done $0x0  }
0x333: {  	[sflag:s3] =	ssyncadd.s32 $0xFFFFC800  }
0x334: {  	_ =	swait.ge [sflag:s3], $0x3800  }
0x335: {  	s0 =	sld [smem:$0x7C9]  }
0x336: {  	[sflag:s3] =	ssyncset.done $0x0  }
0x337: {  	s4 =	sld [smem:$0x7CA];
	[sflag:s3] =	ssyncadd.s32 $0xFFFFC800  }
0x338: {  	[tilespmem:s20], [sflag:$0x1] =	stream.linear.gather [hbm4b:s0+s2], $0x3800, $0x38;
	[tilespmem:$0x15000] =	vst v63  }
0x339: {  	_ = 	snop  }
0x33a: {  	[tilespmem:s21], [sflag:$0x1] =	stream.linear.gather [hbm4b:s4+s2], $0x3800, $0x38;
	[tilespmem:$0x15000] =	vst v63  }
0x33b: {  	_ =	swait.ge [sflag:s9], $0x3800  }
0x33c: {  	[sflag:s9] =	ssyncset.done $0x0  }
0x33d: {  	[sflag:s9] =	ssyncadd.s32 $0xFFFFC800  }
0x33e: {  	_ =	swait.ge [sflag:s9], $0x3800  }
0x33f: {  	s0 =	sld [smem:$0x7CB]  }
0x340: {  	[sflag:s9] =	ssyncset.done $0x0  }
0x341: {  	s4 =	sld [smem:$0x7CC];
	[sflag:s9] =	ssyncadd.s32 $0xFFFFC800  }
0x342: {  	[hbm4b:s0+s2] =	stream.linear.scatter [tilespmem:s2], [sflag:$0x2], $0x3800, $0x38;
	[tilespmem:$0x15000] =	vst v63  }
0x343: {  	_ = 	snop  }
0x344: {  	[hbm4b:s4+s2] =	stream.linear.scatter [tilespmem:s6], [sflag:$0x2], $0x3800, $0x38;
	[tilespmem:$0x15000] =	vst v63  }
0x345: {  	_ =	swait.ge [sflag:s3], $0x3800  }
0x346: {  	[sflag:s3] =	ssyncset.done $0x0  }
0x347: {  	[sflag:s3] =	ssyncadd.s32 $0xFFFFC800  }
0x348: {  	_ =	swait.ge [sflag:s3], $0x3800  }
0x349: {  	s0 =	sld [smem:$0x7CD]  }
0x34a: {  	[sflag:s3] =	ssyncset.done $0x0  }
0x34b: {  	s4 =	sld [smem:$0x7CE];
	[sflag:s3] =	ssyncadd.s32 $0xFFFFC800  }
0x34c: {  	[tilespmem:s14], [sflag:$0x1] =	stream.linear.gather [hbm4b:s0+s2], $0x3800, $0x38;
	[tilespmem:$0x15000] =	vst v63  }
0x34d: {  	_ = 	snop  }
0x34e: {  	[tilespmem:s15], [sflag:$0x1] =	stream.linear.gather [hbm4b:s4+s2], $0x3800, $0x38;
	[tilespmem:$0x15000] =	vst v63  }
0x34f: {  	_ =	swait.ge [sflag:s9], $0x3800  }
0x350: {  	[sflag:s9] =	ssyncset.done $0x0  }
0x351: {  	[sflag:s9] =	ssyncadd.s32 $0xFFFFC800  }
0x352: {  	_ =	swait.ge [sflag:s9], $0x3800  }
0x353: {  	s0 =	sld [smem:$0x7CF]  }
0x354: {  	[sflag:s9] =	ssyncset.done $0x0  }
0x355: {  	s4 =	sld [smem:$0x7D0];
	[sflag:s9] =	ssyncadd.s32 $0xFFFFC800  }
0x356: {  	[hbm4b:s0+s2] =	stream.linear.scatter [tilespmem:s20], [sflag:$0x2], $0x3800, $0x38;
	[tilespmem:$0x15000] =	vst v63  }
0x357: {  	_ = 	snop  }
0x358: {  	[hbm4b:s4+s2] =	stream.linear.scatter [tilespmem:s21], [sflag:$0x2], $0x3800, $0x38;
	[tilespmem:$0x15000] =	vst v63  }
0x359: {  	_ =	swait.ge [sflag:s3], $0x3800  }
0x35a: {  	[sflag:s3] =	ssyncset.done $0x0  }
0x35b: {  	[sflag:s3] =	ssyncadd.s32 $0xFFFFC800  }
0x35c: {  	_ =	swait.ge [sflag:s3], $0x3800  }
0x35d: {  	s0 =	sld [smem:$0x7D1]  }
0x35e: {  	[sflag:s3] =	ssyncset.done $0x0  }
0x35f: {  	s4 =	sld [smem:$0x7D2];
	[sflag:s3] =	ssyncadd.s32 $0xFFFFC800  }
0x360: {  	[tilespmem:s2], [sflag:$0x1] =	stream.linear.gather [hbm4b:s0+s2], $0x3800, $0x38;
	[tilespmem:$0x15000] =	vst v63  }
0x361: {  	_ = 	snop  }
0x362: {  	[tilespmem:s6], [sflag:$0x1] =	stream.linear.gather [hbm4b:s4+s2], $0x3800, $0x38;
	[tilespmem:$0x15000] =	vst v63  }
0x363: {  	_ =	swait.ge [sflag:s9], $0x3800  }
0x364: {  	[sflag:s9] =	ssyncset.done $0x0  }
0x365: {  	[sflag:s9] =	ssyncadd.s32 $0xFFFFC800  }
0x366: {  	_ =	swait.ge [sflag:s9], $0x3800  }
0x367: {  	s0 =	sld [smem:$0x7D3]  }
0x368: {  	[sflag:s9] =	ssyncset.done $0x0  }
0x369: {  	s4 =	sld [smem:$0x7D4];
	[sflag:s9] =	ssyncadd.s32 $0xFFFFC800  }
0x36a: {  	[hbm4b:s0+s2] =	stream.linear.scatter [tilespmem:s14], [sflag:$0x2], $0x3800, $0x38;
	[tilespmem:$0x15000] =	vst v63  }
0x36b: {  	_ = 	snop  }
0x36c: {  	[hbm4b:s4+s2] =	stream.linear.scatter [tilespmem:s15], [sflag:$0x2], $0x3800, $0x38;
	[tilespmem:$0x15000] =	vst v63  }
0x36d: {  	_ =	swait.ge [sflag:s3], $0x3800  }
0x36e: {  	[sflag:s3] =	ssyncset.done $0x0  }
0x36f: {  	[sflag:s3] =	ssyncadd.s32 $0xFFFFC800  }
0x370: {  	_ =	swait.ge [sflag:s3], $0x3800  }
0x371: {  	s0 =	sld [smem:$0x7D5]  }
0x372: {  	[sflag:s3] =	ssyncset.done $0x0  }
0x373: {  	s4 =	sld [smem:$0x7D6];
	[sflag:s3] =	ssyncadd.s32 $0xFFFFC800  }
0x374: {  	[tilespmem:s20], [sflag:$0x1] =	stream.linear.gather [hbm4b:s0+s2], $0x3800, $0x38;
	[tilespmem:$0x15000] =	vst v63  }
0x375: {  	_ = 	snop  }
0x376: {  	[tilespmem:s21], [sflag:$0x1] =	stream.linear.gather [hbm4b:s4+s2], $0x3800, $0x38;
	[tilespmem:$0x15000] =	vst v63  }
0x377: {  	_ =	swait.ge [sflag:s9], $0x3800  }
0x378: {  	[sflag:s9] =	ssyncset.done $0x0  }
0x379: {  	[sflag:s9] =	ssyncadd.s32 $0xFFFFC800  }
0x37a: {  	_ =	swait.ge [sflag:s9], $0x3800  }
0x37b: {  	s0 =	sld [smem:$0x7D7]  }
0x37c: {  	[sflag:s9] =	ssyncset.done $0x0  }
0x37d: {  	s4 =	sld [smem:$0x7D8];
	[sflag:s9] =	ssyncadd.s32 $0xFFFFC800  }
0x37e: {  	[hbm4b:s0+s2] =	stream.linear.scatter [tilespmem:s2], [sflag:$0x2], $0x3800, $0x38;
	[tilespmem:$0x15000] =	vst v63  }
0x37f: {  	_ = 	snop  }
0x380: {  	[hbm4b:s4+s2] =	stream.linear.scatter [tilespmem:s6], [sflag:$0x2], $0x3800, $0x38;
	[tilespmem:$0x15000] =	vst v63  }
0x381: {  	_ =	swait.ge [sflag:s3], $0x3800  }
0x382: {  	[sflag:s3] =	ssyncset.done $0x0  }
0x383: {  	[sflag:s3] =	ssyncadd.s32 $0xFFFFC800  }
0x384: {  	_ =	swait.ge [sflag:s3], $0x3800  }
0x385: {  	s0 =	sld [smem:$0x7D9]  }
0x386: {  	[sflag:s3] =	ssyncset.done $0x0  }
0x387: {  	s4 =	sld [smem:$0x7DA];
	[sflag:s3] =	ssyncadd.s32 $0xFFFFC800  }
0x388: {  	[tilespmem:s14], [sflag:$0x1] =	stream.linear.gather [hbm4b:s0+s2], $0x3800, $0x38;
	[tilespmem:$0x15000] =	vst v63  }
0x389: {  	_ = 	snop  }
0x38a: {  	[tilespmem:s15], [sflag:$0x1] =	stream.linear.gather [hbm4b:s4+s2], $0x3800, $0x38;
	[tilespmem:$0x15000] =	vst v63  }
0x38b: {  	_ =	swait.ge [sflag:s9], $0x3800  }
0x38c: {  	[sflag:s9] =	ssyncset.done $0x0  }
0x38d: {  	[sflag:s9] =	ssyncadd.s32 $0xFFFFC800  }
0x38e: {  	_ =	swait.ge [sflag:s9], $0x3800  }
0x38f: {  	s0 =	sld [smem:$0x7DB]  }
0x390: {  	[sflag:s9] =	ssyncset.done $0x0  }
0x391: {  	s4 =	sld [smem:$0x7DC];
	[sflag:s9] =	ssyncadd.s32 $0xFFFFC800  }
0x392: {  	[hbm4b:s0+s2] =	stream.linear.scatter [tilespmem:s20], [sflag:$0x2], $0x3800, $0x38;
	[tilespmem:$0x15000] =	vst v63  }
0x393: {  	_ = 	snop  }
0x394: {  	[hbm4b:s4+s2] =	stream.linear.scatter [tilespmem:s21], [sflag:$0x2], $0x3800, $0x38;
	[tilespmem:$0x15000] =	vst v63  }
0x395: {  	_ =	swait.ge [sflag:s3], $0x3800  }
0x396: {  	[sflag:s3] =	ssyncset.done $0x0  }
0x397: {  	[sflag:s3] =	ssyncadd.s32 $0xFFFFC800  }
0x398: {  	_ =	swait.ge [sflag:s3], $0x3800  }
0x399: {  	s0 =	sld [smem:$0x7DD]  }
0x39a: {  	[sflag:s3] =	ssyncset.done $0x0  }
0x39b: {  	s4 =	sld [smem:$0x7DE];
	[sflag:s3] =	ssyncadd.s32 $0xFFFFC800  }
0x39c: {  	[tilespmem:s2], [sflag:$0x1] =	stream.linear.gather [hbm4b:s0+s2], $0x3800, $0x38;
	[tilespmem:$0x15000] =	vst v63  }
0x39d: {  	_ = 	snop  }
0x39e: {  	[tilespmem:s6], [sflag:$0x1] =	stream.linear.gather [hbm4b:s4+s2], $0x3800, $0x38;
	[tilespmem:$0x15000] =	vst v63  }
0x39f: {  	_ =	swait.ge [sflag:s9], $0x3800  }
0x3a0: {  	[sflag:s9] =	ssyncset.done $0x0  }
0x3a1: {  	[sflag:s9] =	ssyncadd.s32 $0xFFFFC800  }
0x3a2: {  	_ =	swait.ge [sflag:s9], $0x3800  }
0x3a3: {  	s0 =	sld [smem:$0x7DF]  }
0x3a4: {  	[sflag:s9] =	ssyncset.done $0x0  }
0x3a5: {  	s4 =	sld [smem:$0x7E0];
	[sflag:s9] =	ssyncadd.s32 $0xFFFFC800  }
0x3a6: {  	[hbm4b:s0+s2] =	stream.linear.scatter [tilespmem:s14], [sflag:$0x2], $0x3800, $0x38;
	[tilespmem:$0x15000] =	vst v63  }
0x3a7: {  	_ = 	snop  }
0x3a8: {  	[hbm4b:s4+s2] =	stream.linear.scatter [tilespmem:s15], [sflag:$0x2], $0x3800, $0x38;
	[tilespmem:$0x15000] =	vst v63  }
0x3a9: {  	_ =	swait.ge [sflag:s3], $0x3800  }
0x3aa: {  	[sflag:s3] =	ssyncset.done $0x0  }
0x3ab: {  	[sflag:s3] =	ssyncadd.s32 $0xFFFFC800  }
0x3ac: {  	_ =	swait.ge [sflag:s3], $0x3800  }
0x3ad: {  	s0 =	sld [smem:$0x7E1]  }
0x3ae: {  	[sflag:s3] =	ssyncset.done $0x0  }
0x3af: {  	s4 =	sld [smem:$0x7E2];
	[sflag:s3] =	ssyncadd.s32 $0xFFFFC800  }
0x3b0: {  	[tilespmem:s20], [sflag:$0x1] =	stream.linear.gather [hbm4b:s0+s2], $0x3800, $0x38;
	[tilespmem:$0x15000] =	vst v63  }
0x3b1: {  	_ = 	snop  }
0x3b2: {  	[tilespmem:s21], [sflag:$0x1] =	stream.linear.gather [hbm4b:s4+s2], $0x3800, $0x38;
	[tilespmem:$0x15000] =	vst v63  }
0x3b3: {  	_ =	swait.ge [sflag:s9], $0x3800  }
0x3b4: {  	[sflag:s9] =	ssyncset.done $0x0  }
0x3b5: {  	[sflag:s9] =	ssyncadd.s32 $0xFFFFC800  }
0x3b6: {  	_ =	swait.ge [sflag:s9], $0x3800  }
0x3b7: {  	s0 =	sld [smem:$0x7E3]  }
0x3b8: {  	[sflag:s9] =	ssyncset.done $0x0  }
0x3b9: {  	s4 =	sld [smem:$0x7E4];
	[sflag:s9] =	ssyncadd.s32 $0xFFFFC800  }
0x3ba: {  	[hbm4b:s0+s2] =	stream.linear.scatter [tilespmem:s2], [sflag:$0x2], $0x3800, $0x38;
	[tilespmem:$0x15000] =	vst v63  }
0x3bb: {  	_ = 	snop  }
0x3bc: {  	[hbm4b:s4+s2] =	stream.linear.scatter [tilespmem:s6], [sflag:$0x2], $0x3800, $0x38;
	[tilespmem:$0x15000] =	vst v63  }
0x3bd: {  	_ =	swait.ge [sflag:s3], $0x3800  }
0x3be: {  	[sflag:s3] =	ssyncset.done $0x0  }
0x3bf: {  	[sflag:s3] =	ssyncadd.s32 $0xFFFFC800  }
0x3c0: {  	_ =	swait.ge [sflag:s3], $0x3800  }
0x3c1: {  	s0 =	sld [smem:$0x7E5]  }
0x3c2: {  	[sflag:s3] =	ssyncset.done $0x0  }
0x3c3: {  	s4 =	sld [smem:$0x7E6];
	[sflag:s3] =	ssyncadd.s32 $0xFFFFC800  }
0x3c4: {  	[tilespmem:s14], [sflag:$0x1] =	stream.linear.gather [hbm4b:s0+s2], $0x3800, $0x38;
	[tilespmem:$0x15000] =	vst v63  }
0x3c5: {  	_ = 	snop  }
0x3c6: {  	[tilespmem:s15], [sflag:$0x1] =	stream.linear.gather [hbm4b:s4+s2], $0x3800, $0x38;
	[tilespmem:$0x15000] =	vst v63  }
0x3c7: {  	_ =	swait.ge [sflag:s9], $0x3800  }
0x3c8: {  	[sflag:s9] =	ssyncset.done $0x0  }
0x3c9: {  	[sflag:s9] =	ssyncadd.s32 $0xFFFFC800  }
0x3ca: {  	_ =	swait.ge [sflag:s9], $0x3800  }
0x3cb: {  	s0 =	sld [smem:$0x7E7]  }
0x3cc: {  	[sflag:s9] =	ssyncset.done $0x0  }
0x3cd: {  	s4 =	sld [smem:$0x7E8];
	[sflag:s9] =	ssyncadd.s32 $0xFFFFC800  }
0x3ce: {  	[hbm4b:s0+s2] =	stream.linear.scatter [tilespmem:s20], [sflag:$0x2], $0x3800, $0x38;
	[tilespmem:$0x15000] =	vst v63  }
0x3cf: {  	_ = 	snop  }
0x3d0: {  	[hbm4b:s4+s2] =	stream.linear.scatter [tilespmem:s21], [sflag:$0x2], $0x3800, $0x38;
	[tilespmem:$0x15000] =	vst v63  }
0x3d1: {  	_ =	swait.ge [sflag:s3], $0x3800  }
0x3d2: {  	[sflag:s3] =	ssyncset.done $0x0  }
0x3d3: {  	[sflag:s3] =	ssyncadd.s32 $0xFFFFC800  }
0x3d4: {  	_ =	swait.ge [sflag:s3], $0x3800  }
0x3d5: {  	s0 =	sld [smem:$0x7E9]  }
0x3d6: {  	[sflag:s3] =	ssyncset.done $0x0  }
0x3d7: {  	s4 =	sld [smem:$0x7EA];
	[sflag:s3] =	ssyncadd.s32 $0xFFFFC800  }
0x3d8: {  	[tilespmem:s2], [sflag:$0x1] =	stream.linear.gather [hbm4b:s0+s2], $0x3800, $0x38;
	[tilespmem:$0x15000] =	vst v63  }
0x3d9: {  	_ = 	snop  }
0x3da: {  	[tilespmem:s6], [sflag:$0x1] =	stream.linear.gather [hbm4b:s4+s2], $0x3800, $0x38;
	[tilespmem:$0x15000] =	vst v63  }
0x3db: {  	_ =	swait.ge [sflag:s9], $0x3800  }
0x3dc: {  	[sflag:s9] =	ssyncset.done $0x0  }
0x3dd: {  	[sflag:s9] =	ssyncadd.s32 $0xFFFFC800  }
0x3de: {  	_ =	swait.ge [sflag:s9], $0x3800  }
0x3df: {  	s0 =	sld [smem:$0x7EB]  }
0x3e0: {  	[sflag:s9] =	ssyncset.done $0x0  }
0x3e1: {  	s4 =	sld [smem:$0x7EC];
	[sflag:s9] =	ssyncadd.s32 $0xFFFFC800  }
0x3e2: {  	[hbm4b:s0+s2] =	stream.linear.scatter [tilespmem:s14], [sflag:$0x2], $0x3800, $0x38;
	[tilespmem:$0x15000] =	vst v63  }
0x3e3: {  	_ = 	snop  }
0x3e4: {  	[hbm4b:s4+s2] =	stream.linear.scatter [tilespmem:s15], [sflag:$0x2], $0x3800, $0x38;
	[tilespmem:$0x15000] =	vst v63  }
0x3e5: {  	_ =	swait.ge [sflag:s3], $0x3800  }
0x3e6: {  	[sflag:s3] =	ssyncset.done $0x0  }
0x3e7: {  	[sflag:s3] =	ssyncadd.s32 $0xFFFFC800  }
0x3e8: {  	_ =	swait.ge [sflag:s3], $0x3800  }
0x3e9: {  	s0 =	sld [smem:$0x7ED]  }
0x3ea: {  	[sflag:s3] =	ssyncset.done $0x0  }
0x3eb: {  	s4 =	sld [smem:$0x7EE];
	[sflag:s3] =	ssyncadd.s32 $0xFFFFC800  }
0x3ec: {  	[tilespmem:s20], [sflag:$0x1] =	stream.linear.gather [hbm4b:s0+s2], $0x3800, $0x38;
	[tilespmem:$0x15000] =	vst v63  }
0x3ed: {  	_ = 	snop  }
0x3ee: {  	[tilespmem:s21], [sflag:$0x1] =	stream.linear.gather [hbm4b:s4+s2], $0x3800, $0x38;
	[tilespmem:$0x15000] =	vst v63  }
0x3ef: {  	_ =	swait.ge [sflag:s9], $0x3800  }
0x3f0: {  	[sflag:s9] =	ssyncset.done $0x0  }
0x3f1: {  	[sflag:s9] =	ssyncadd.s32 $0xFFFFC800  }
0x3f2: {  	_ =	swait.ge [sflag:s9], $0x3800  }
0x3f3: {  	s0 =	sld [smem:$0x7EF]  }
0x3f4: {  	[sflag:s9] =	ssyncset.done $0x0  }
0x3f5: {  	s4 =	sld [smem:$0x7F0];
	[sflag:s9] =	ssyncadd.s32 $0xFFFFC800  }
0x3f6: {  	[hbm4b:s0+s2] =	stream.linear.scatter [tilespmem:s2], [sflag:$0x2], $0x3800, $0x38;
	[tilespmem:$0x15000] =	vst v63  }
0x3f7: {  	_ = 	snop  }
0x3f8: {  	[hbm4b:s4+s2] =	stream.linear.scatter [tilespmem:s6], [sflag:$0x2], $0x3800, $0x38;
	[tilespmem:$0x15000] =	vst v63  }
0x3f9: {  	_ =	swait.ge [sflag:s3], $0x3800  }
0x3fa: {  	[sflag:s3] =	ssyncset.done $0x0  }
0x3fb: {  	[sflag:s3] =	ssyncadd.s32 $0xFFFFC800  }
0x3fc: {  	_ =	swait.ge [sflag:s3], $0x3800  }
0x3fd: {  	s0 =	sld [smem:$0x7F1]  }
0x3fe: {  	[sflag:s3] =	ssyncset.done $0x0  }
0x3ff: {  	s4 =	sld [smem:$0x7F2];
	[sflag:s3] =	ssyncadd.s32 $0xFFFFC800  }
0x400: {  	[tilespmem:s14], [sflag:$0x1] =	stream.linear.gather [hbm4b:s0+s2], $0x3800, $0x38;
	[tilespmem:$0x15000] =	vst v63  }
0x401: {  	_ = 	snop  }
0x402: {  	[tilespmem:s15], [sflag:$0x1] =	stream.linear.gather [hbm4b:s4+s2], $0x3800, $0x38;
	[tilespmem:$0x15000] =	vst v63  }
0x403: {  	_ =	swait.ge [sflag:s9], $0x3800  }
0x404: {  	[sflag:s9] =	ssyncset.done $0x0  }
0x405: {  	[sflag:s9] =	ssyncadd.s32 $0xFFFFC800  }
0x406: {  	_ =	swait.ge [sflag:s9], $0x3800  }
0x407: {  	s0 =	sld [smem:$0x7F3]  }
0x408: {  	[sflag:s9] =	ssyncset.done $0x0  }
0x409: {  	s4 =	sld [smem:$0x7F4];
	[sflag:s9] =	ssyncadd.s32 $0xFFFFC800  }
0x40a: {  	[hbm4b:s0+s2] =	stream.linear.scatter [tilespmem:s20], [sflag:$0x2], $0x3800, $0x38;
	[tilespmem:$0x15000] =	vst v63  }
0x40b: {  	_ = 	snop  }
0x40c: {  	[hbm4b:s4+s2] =	stream.linear.scatter [tilespmem:s21], [sflag:$0x2], $0x3800, $0x38;
	[tilespmem:$0x15000] =	vst v63  }
0x40d: {  	_ =	swait.ge [sflag:s3], $0x3800  }
0x40e: {  	[sflag:s3] =	ssyncset.done $0x0  }
0x40f: {  	[sflag:s3] =	ssyncadd.s32 $0xFFFFC800  }
0x410: {  	_ =	swait.ge [sflag:s3], $0x3800  }
0x411: {  	s0 =	sld [smem:$0x7F5]  }
0x412: {  	[sflag:s3] =	ssyncset.done $0x0  }
0x413: {  	s4 =	sld [smem:$0x7F6];
	[sflag:s3] =	ssyncadd.s32 $0xFFFFC800  }
0x414: {  	[tilespmem:s2], [sflag:$0x1] =	stream.linear.gather [hbm4b:s0+s2], $0x3800, $0x38;
	[tilespmem:$0x15000] =	vst v63  }
0x415: {  	_ = 	snop  }
0x416: {  	[tilespmem:s6], [sflag:$0x1] =	stream.linear.gather [hbm4b:s4+s2], $0x3800, $0x38;
	[tilespmem:$0x15000] =	vst v63  }
0x417: {  	_ =	swait.ge [sflag:s9], $0x3800  }
0x418: {  	[sflag:s9] =	ssyncset.done $0x0  }
0x419: {  	[sflag:s9] =	ssyncadd.s32 $0xFFFFC800  }
0x41a: {  	_ =	swait.ge [sflag:s9], $0x3800  }
0x41b: {  	s0 =	sld [smem:$0x7F7]  }
0x41c: {  	[sflag:s9] =	ssyncset.done $0x0  }
0x41d: {  	s4 =	sld [smem:$0x7F8];
	[sflag:s9] =	ssyncadd.s32 $0xFFFFC800  }
0x41e: {  	[hbm4b:s0+s2] =	stream.linear.scatter [tilespmem:s14], [sflag:$0x2], $0x3800, $0x38;
	[tilespmem:$0x15000] =	vst v63  }
0x41f: {  	_ = 	snop  }
0x420: {  	[hbm4b:s4+s2] =	stream.linear.scatter [tilespmem:s15], [sflag:$0x2], $0x3800, $0x38;
	[tilespmem:$0x15000] =	vst v63  }
0x421: {  	_ =	swait.ge [sflag:s3], $0x3800  }
0x422: {  	[sflag:s3] =	ssyncset.done $0x0  }
0x423: {  	[sflag:s3] =	ssyncadd.s32 $0xFFFFC800  }
0x424: {  	_ =	swait.ge [sflag:s3], $0x3800  }
0x425: {  	s0 =	sld [smem:$0x7F9]  }
0x426: {  	[sflag:s3] =	ssyncset.done $0x0  }
0x427: {  	s4 =	sld [smem:$0x7FA];
	[sflag:s3] =	ssyncadd.s32 $0xFFFFC800  }
0x428: {  	[tilespmem:s20], [sflag:$0x1] =	stream.linear.gather [hbm4b:s0+s2], $0x3800, $0x38;
	[tilespmem:$0x15000] =	vst v63  }
0x429: {  	_ = 	snop  }
0x42a: {  	[tilespmem:s21], [sflag:$0x1] =	stream.linear.gather [hbm4b:s4+s2], $0x3800, $0x38;
	[tilespmem:$0x15000] =	vst v63  }
0x42b: {  	_ =	swait.ge [sflag:s9], $0x3800  }
0x42c: {  	[sflag:s9] =	ssyncset.done $0x0  }
0x42d: {  	[sflag:s9] =	ssyncadd.s32 $0xFFFFC800  }
0x42e: {  	_ =	swait.ge [sflag:s9], $0x3800  }
0x42f: {  	s0 =	sld [smem:$0x7FB]  }
0x430: {  	[sflag:s9] =	ssyncset.done $0x0  }
0x431: {  	s4 =	sld [smem:$0x7FC];
	[sflag:s9] =	ssyncadd.s32 $0xFFFFC800  }
0x432: {  	[hbm4b:s0+s2] =	stream.linear.scatter [tilespmem:s2], [sflag:$0x2], $0x3800, $0x38;
	[tilespmem:$0x15000] =	vst v63  }
0x433: {  	_ = 	snop  }
0x434: {  	[hbm4b:s4+s2] =	stream.linear.scatter [tilespmem:s6], [sflag:$0x2], $0x3800, $0x38;
	[tilespmem:$0x15000] =	vst v63  }
0x435: {  	s4 =	smov.u32 s5  }
0x436: {  	s5 =	smov.u32 s7;
	s7 =	smov.u32 s8;
	s8 =	smov.u32 s10  }
0x437: {  	s10 =	smov.u32 s11;
	s11 =	smov.u32 s12;
	s12 =	smov.u32 s13  }
0x438: {  	s13 =	smov.u32 s16;
	s16 =	smov.u32 s17;
	s17 =	smov.u32 s18  }
0x439: {  	s18 =	smov.u32 s19;
	s19 =	smov.u32 s22;
	s22 =	smov.u32 s23  }
0x43a: {  	s23 =	smov.u32 s24;
	s24 =	smov.u32 s25;
	s25 =	smov.u32 s26  }
0x43b: {  	s26 =	smov.u32 s28;
	s28 =	smov.u32 s29;
	s29 =	smov.u32 s30  }
0x43c: {  	s30 =	smov.u32 s31;
	s31 =	sld [smem:$0x7C0];
	_ =	swait.ge [sflag:s3], $0x3800  }
0x43d: {  	[sflag:s3] =	ssyncset.done $0x0  }
0x43e: {  	[sflag:s3] =	ssyncadd.s32 $0xFFFFC800  }
0x43f: {  	_ =	swait.ge [sflag:s3], $0x3800  }
0x440: {  	s0 =	sld [smem:$0x7FD]  }
0x441: {  	[sflag:s3] =	ssyncset.done $0x0  }
0x442: {  	[sflag:s3] =	ssyncadd.s32 $0xFFFFC800  }
0x443: {  	[tilespmem:s14], [sflag:$0x1] =	stream.linear.gather [hbm4b:s0+s2], $0x3800, $0x38;
	[tilespmem:$0x15000] =	vst v63  }
0x444: {  	_ = 	snop  }
0x445: {  	[tilespmem:s15], [sflag:$0x1] =	stream.linear.gather [hbm4b:s31+s2], $0x3800, $0x38;
	[tilespmem:$0x15000] =	vst v63  }
0x446: {  	_ =	swait.ge [sflag:s9], $0x3800  }
0x447: {  	[sflag:s9] =	ssyncset.done $0x0  }
0x448: {  	[sflag:s9] =	ssyncadd.s32 $0xFFFFC800  }
0x449: {  	_ =	swait.ge [sflag:s9], $0x3800  }
0x44a: {  	[sflag:s9] =	ssyncset.done $0x0  }
0x44b: {  	[sflag:s9] =	ssyncadd.s32 $0xFFFFC800  }
0x44c: {  	[hbm4b:s29+s2] =	stream.linear.scatter [tilespmem:s20], [sflag:$0x2], $0x3800, $0x38;
	[tilespmem:$0x15000] =	vst v63  }
0x44d: {  	_ = 	snop  }
0x44e: {  	[hbm4b:s30+s2] =	stream.linear.scatter [tilespmem:s21], [sflag:$0x2], $0x3800, $0x38;
	[tilespmem:$0x15000] =	vst v63  }
0x44f: {  	_ =	swait.ge [sflag:s3], $0x3800  }
0x450: {  	[sflag:s3] =	ssyncset.done $0x0  }
0x451: {  	[sflag:s3] =	ssyncadd.s32 $0xFFFFC800  }
0x452: {  	_ =	swait.ge [sflag:s3], $0x3800  }
0x453: {  	[sflag:s3] =	ssyncset.done $0x0  }
0x454: {  	[sflag:s3] =	ssyncadd.s32 $0xFFFFC800  }
0x455: {  	[tilespmem:s2], [sflag:$0x1] =	stream.linear.gather [hbm4b:s26+s2], $0x3800, $0x38;
	[tilespmem:$0x15000] =	vst v63  }
0x456: {  	_ = 	snop  }
0x457: {  	[tilespmem:s6], [sflag:$0x1] =	stream.linear.gather [hbm4b:s28+s2], $0x3800, $0x38;
	[tilespmem:$0x15000] =	vst v63  }
0x458: {  	_ =	swait.ge [sflag:s9], $0x3800  }
0x459: {  	[sflag:s9] =	ssyncset.done $0x0  }
0x45a: {  	[sflag:s9] =	ssyncadd.s32 $0xFFFFC800  }
0x45b: {  	_ =	swait.ge [sflag:s9], $0x3800  }
0x45c: {  	[sflag:s9] =	ssyncset.done $0x0  }
0x45d: {  	[sflag:s9] =	ssyncadd.s32 $0xFFFFC800  }
0x45e: {  	[hbm4b:s24+s2] =	stream.linear.scatter [tilespmem:s14], [sflag:$0x2], $0x3800, $0x38;
	[tilespmem:$0x15000] =	vst v63  }
0x45f: {  	_ = 	snop  }
0x460: {  	[hbm4b:s25+s2] =	stream.linear.scatter [tilespmem:s15], [sflag:$0x2], $0x3800, $0x38;
	[tilespmem:$0x15000] =	vst v63  }
0x461: {  	_ =	swait.ge [sflag:s3], $0x3800  }
0x462: {  	[sflag:s3] =	ssyncset.done $0x0  }
0x463: {  	[sflag:s3] =	ssyncadd.s32 $0xFFFFC800  }
0x464: {  	_ =	swait.ge [sflag:s3], $0x3800  }
0x465: {  	[sflag:s3] =	ssyncset.done $0x0  }
0x466: {  	[sflag:s3] =	ssyncadd.s32 $0xFFFFC800  }
0x467: {  	[tilespmem:s20], [sflag:$0x1] =	stream.linear.gather [hbm4b:s22+s2], $0x3800, $0x38;
	[tilespmem:$0x15000] =	vst v63  }
0x468: {  	_ = 	snop  }
0x469: {  	[tilespmem:s21], [sflag:$0x1] =	stream.linear.gather [hbm4b:s23+s2], $0x3800, $0x38;
	[tilespmem:$0x15000] =	vst v63  }
0x46a: {  	_ =	swait.ge [sflag:s9], $0x3800  }
0x46b: {  	[sflag:s9] =	ssyncset.done $0x0  }
0x46c: {  	[sflag:s9] =	ssyncadd.s32 $0xFFFFC800  }
0x46d: {  	_ =	swait.ge [sflag:s9], $0x3800  }
0x46e: {  	[sflag:s9] =	ssyncset.done $0x0  }
0x46f: {  	[sflag:s9] =	ssyncadd.s32 $0xFFFFC800  }
0x470: {  	[hbm4b:s18+s2] =	stream.linear.scatter [tilespmem:s2], [sflag:$0x2], $0x3800, $0x38;
	[tilespmem:$0x15000] =	vst v63  }
0x471: {  	_ = 	snop  }
0x472: {  	[hbm4b:s19+s2] =	stream.linear.scatter [tilespmem:s6], [sflag:$0x2], $0x3800, $0x38;
	[tilespmem:$0x15000] =	vst v63  }
0x473: {  	_ =	swait.ge [sflag:s3], $0x3800  }
0x474: {  	[sflag:s3] =	ssyncset.done $0x0  }
0x475: {  	[sflag:s3] =	ssyncadd.s32 $0xFFFFC800  }
0x476: {  	_ =	swait.ge [sflag:s3], $0x3800  }
0x477: {  	[sflag:s3] =	ssyncset.done $0x0  }
0x478: {  	[sflag:s3] =	ssyncadd.s32 $0xFFFFC800  }
0x479: {  	[tilespmem:s14], [sflag:$0x1] =	stream.linear.gather [hbm4b:s16+s2], $0x3800, $0x38;
	[tilespmem:$0x15000] =	vst v63  }
0x47a: {  	_ = 	snop  }
0x47b: {  	[tilespmem:s15], [sflag:$0x1] =	stream.linear.gather [hbm4b:s17+s2], $0x3800, $0x38;
	[tilespmem:$0x15000] =	vst v63  }
0x47c: {  	_ =	swait.ge [sflag:s9], $0x3800  }
0x47d: {  	[sflag:s9] =	ssyncset.done $0x0  }
0x47e: {  	[sflag:s9] =	ssyncadd.s32 $0xFFFFC800  }
0x47f: {  	_ =	swait.ge [sflag:s9], $0x3800  }
0x480: {  	[sflag:s9] =	ssyncset.done $0x0  }
0x481: {  	[sflag:s9] =	ssyncadd.s32 $0xFFFFC800  }
0x482: {  	[hbm4b:s12+s2] =	stream.linear.scatter [tilespmem:s20], [sflag:$0x2], $0x3800, $0x38;
	[tilespmem:$0x15000] =	vst v63  }
0x483: {  	_ = 	snop  }
0x484: {  	[hbm4b:s13+s2] =	stream.linear.scatter [tilespmem:s21], [sflag:$0x2], $0x3800, $0x38;
	[tilespmem:$0x15000] =	vst v63  }
0x485: {  	_ =	swait.ge [sflag:s3], $0x3800  }
0x486: {  	[sflag:s3] =	ssyncset.done $0x0  }
0x487: {  	[sflag:s3] =	ssyncadd.s32 $0xFFFFC800  }
0x488: {  	_ =	swait.ge [sflag:s3], $0x3800  }
0x489: {  	[sflag:s3] =	ssyncset.done $0x0  }
0x48a: {  	[sflag:s3] =	ssyncadd.s32 $0xFFFFC800  }
0x48b: {  	[tilespmem:s2], [sflag:$0x1] =	stream.linear.gather [hbm4b:s10+s2], $0x3800, $0x38;
	[tilespmem:$0x15000] =	vst v63  }
0x48c: {  	_ = 	snop  }
0x48d: {  	[tilespmem:s6], [sflag:$0x1] =	stream.linear.gather [hbm4b:s11+s2], $0x3800, $0x38;
	[tilespmem:$0x15000] =	vst v63  }
0x48e: {  	_ =	swait.ge [sflag:s9], $0x3800  }
0x48f: {  	[sflag:s9] =	ssyncset.done $0x0  }
0x490: {  	[sflag:s9] =	ssyncadd.s32 $0xFFFFC800  }
0x491: {  	_ =	swait.ge [sflag:s9], $0x3800  }
0x492: {  	[sflag:s9] =	ssyncset.done $0x0  }
0x493: {  	[sflag:s9] =	ssyncadd.s32 $0xFFFFC800  }
0x494: {  	[hbm4b:s7+s2] =	stream.linear.scatter [tilespmem:s14], [sflag:$0x2], $0x3800, $0x38;
	[tilespmem:$0x15000] =	vst v63  }
0x495: {  	_ = 	snop  }
0x496: {  	[hbm4b:s8+s2] =	stream.linear.scatter [tilespmem:s15], [sflag:$0x2], $0x3800, $0x38;
	[tilespmem:$0x15000] =	vst v63  }
0x497: {  	_ =	swait.ge [sflag:s9], $0x3800  }
0x498: {  	[sflag:s9] =	ssyncset.done $0x0  }
0x499: {  	[sflag:s9] =	ssyncadd.s32 $0xFFFFC800  }
0x49a: {  	_ =	swait.ge [sflag:s9], $0x3800  }
0x49b: {  	[sflag:s9] =	ssyncset.done $0x0  }
0x49c: {  	[sflag:s9] =	ssyncadd.s32 $0xFFFFC800  }
0x49d: {  	[hbm4b:s4+s2] =	stream.linear.scatter [tilespmem:s2], [sflag:$0x2], $0x3800, $0x38;
	[tilespmem:$0x15000] =	vst v63  }
0x49e: {  	_ = 	snop  }
0x49f: {  	[hbm4b:s5+s2] =	stream.linear.scatter [tilespmem:s6], [sflag:$0x2], $0x3800, $0x38;
	[tilespmem:$0x15000] =	vst v63  }
0x4a0: {  	_ =	swait.ge [sflag:s3], $0x3800  }
0x4a1: {  	[sflag:s3] =	ssyncset.done $0x0  }
0x4a2: {  	[sflag:s3] =	ssyncadd.s32 $0xFFFFC800  }
0x4a3: {  	_ =	swait.ge [sflag:s3], $0x3800  }
0x4a4: {  	[sflag:s3] =	ssyncset.done $0x0  }
0x4a5: {  	[sflag:s3] =	ssyncadd.s32 $0xFFFFC800  }
0x4a6: {  	_ =	swait.ge [sflag:s3], $0x3800  }
0x4a7: {  	[sflag:s3] =	ssyncset.done $0x0  }
0x4a8: {  	[sflag:s3] =	ssyncadd.s32 $0xFFFFC800  }
0x4a9: {  	_ =	swait.ge [sflag:s3], $0x3800  }
0x4aa: {  	[sflag:s3] =	ssyncset.done $0x0  }
0x4ab: {  	p1 =	sne.s32 s1, $0x1;
	[sflag:s3] =	ssyncadd.s32 $0xFFFFC800  }
.Ltmp2:
0x4ac: {  	_ =	swait.ge [sflag:s3], $0x3800;
	(pc) =	sbr.rel @p1 .LBB2_2-.Ltmp2, $4  }
0x4ad: {  	[sflag:s3] =	ssyncset.done $0x0  }
0x4ae: {  	[sflag:s3] =	ssyncadd.s32 $0xFFFFC800  }
0x4af: {  	_ =	swait.ge [sflag:s3], $0x3800  }
0x4b0: {  	s1 =	sadd.s32 $0xFFFFFFFF, s1;
	s0 =	rddreg [dreg:$0x2];
	[sflag:s3] =	ssyncset.done $0x0  }
.LBB2_3:
0x4b1: {  	[sflag:s3] =	ssyncadd.s32 @p0 $0xFFFFC800  }
0x4b2: {  	[tilespmem:s2], [sflag:$0x1] =	stream.linear.gather [hbm4b:s0+s2], $0x3800, $0x38;
	[tilespmem:$0x15000] =	vst v63  }
0x4b3: {  	s1 =	rddreg [dreg:$0x3]  }
0x4b4: {  	[tilespmem:s6], [sflag:$0x1] =	stream.linear.gather [hbm4b:s1+s2], $0x3800, $0x38;
	[tilespmem:$0x15000] =	vst v63  }
0x4b5: {  	s0 =	rddreg [dreg:$0x4]  }
0x4b6: {  	[tilespmem:s20], [sflag:$0x1] =	stream.linear.gather [hbm4b:s0+s2], $0x3800, $0x38;
	[tilespmem:$0x15000] =	vst v63  }
0x4b7: {  	s1 =	rddreg [dreg:$0x5]  }
0x4b8: {  	[tilespmem:s21], [sflag:$0x1] =	stream.linear.gather [hbm4b:s1+s2], $0x3800, $0x38;
	[tilespmem:$0x15000] =	vst v63  }
0x4b9: {  	_ =	swait.ge [sflag:s9], $0x3800  }
0x4ba: {  	[sflag:s9] =	ssyncset.done $0x0  }
0x4bb: {  	[sflag:s9] =	ssyncadd.s32 $0xFFFFC800  }
0x4bc: {  	_ =	swait.ge [sflag:s9], $0x3800  }
0x4bd: {  	[sflag:s9] =	ssyncset.done $0x0  }
0x4be: {  	s0 =	rddreg [dreg:$0x6];
	[sflag:s9] =	ssyncadd.s32 $0xFFFFC800  }
0x4bf: {  	[hbm4b:s0+s2] =	stream.linear.scatter [tilespmem:s2], [sflag:$0x2], $0x3800, $0x38;
	[tilespmem:$0x15000] =	vst v63  }
0x4c0: {  	s1 =	rddreg [dreg:$0x7]  }
0x4c1: {  	[hbm4b:s1+s2] =	stream.linear.scatter [tilespmem:s6], [sflag:$0x2], $0x3800, $0x38;
	[tilespmem:$0x15000] =	vst v63  }
0x4c2: {  	s0 =	rddreg [dreg:$0x8]  }
0x4c3: {  	[tilespmem:s14], [sflag:$0x1] =	stream.linear.gather [hbm4b:s0+s2], $0x3800, $0x38;
	[tilespmem:$0x15000] =	vst v63  }
0x4c4: {  	s1 =	rddreg [dreg:$0x9]  }
0x4c5: {  	[tilespmem:s15], [sflag:$0x1] =	stream.linear.gather [hbm4b:s1+s2], $0x3800, $0x38;
	[tilespmem:$0x15000] =	vst v63  }
0x4c6: {  	_ =	swait.ge [sflag:s9], $0x3800  }
0x4c7: {  	[sflag:s9] =	ssyncset.done $0x0  }
0x4c8: {  	[sflag:s9] =	ssyncadd.s32 $0xFFFFC800  }
0x4c9: {  	_ =	swait.ge [sflag:s9], $0x3800  }
0x4ca: {  	[sflag:s9] =	ssyncset.done $0x0  }
0x4cb: {  	s0 =	rddreg [dreg:$0xa];
	[sflag:s9] =	ssyncadd.s32 $0xFFFFC800  }
0x4cc: {  	[hbm4b:s0+s2] =	stream.linear.scatter [tilespmem:s20], [sflag:$0x2], $0x3800, $0x38;
	[tilespmem:$0x15000] =	vst v63  }
0x4cd: {  	s1 =	rddreg [dreg:$0xb]  }
0x4ce: {  	[hbm4b:s1+s2] =	stream.linear.scatter [tilespmem:s21], [sflag:$0x2], $0x3800, $0x38;
	[tilespmem:$0x15000] =	vst v63  }
0x4cf: {  	_ =	swait.ge [sflag:s3], $0x3800  }
0x4d0: {  	[sflag:s3] =	ssyncset.done $0x0  }
0x4d1: {  	[sflag:s3] =	ssyncadd.s32 $0xFFFFC800  }
0x4d2: {  	_ =	swait.ge [sflag:s3], $0x3800  }
0x4d3: {  	[sflag:s3] =	ssyncset.done $0x0  }
0x4d4: {  	s0 =	rddreg [dreg:$0xc];
	[sflag:s3] =	ssyncadd.s32 $0xFFFFC800  }
0x4d5: {  	[tilespmem:s2], [sflag:$0x1] =	stream.linear.gather [hbm4b:s0+s2], $0x3800, $0x38;
	[tilespmem:$0x15000] =	vst v63  }
0x4d6: {  	s1 =	rddreg [dreg:$0xd]  }
0x4d7: {  	[tilespmem:s6], [sflag:$0x1] =	stream.linear.gather [hbm4b:s1+s2], $0x3800, $0x38;
	[tilespmem:$0x15000] =	vst v63  }
0x4d8: {  	_ =	swait.ge [sflag:s9], $0x3800  }
0x4d9: {  	[sflag:s9] =	ssyncset.done $0x0  }
0x4da: {  	[sflag:s9] =	ssyncadd.s32 $0xFFFFC800  }
0x4db: {  	_ =	swait.ge [sflag:s9], $0x3800  }
0x4dc: {  	[sflag:s9] =	ssyncset.done $0x0  }
0x4dd: {  	s0 =	rddreg [dreg:$0xe];
	[sflag:s9] =	ssyncadd.s32 $0xFFFFC800  }
0x4de: {  	[hbm4b:s0+s2] =	stream.linear.scatter [tilespmem:s14], [sflag:$0x2], $0x3800, $0x38;
	[tilespmem:$0x15000] =	vst v63  }
0x4df: {  	s1 =	rddreg [dreg:$0xf]  }
0x4e0: {  	[hbm4b:s1+s2] =	stream.linear.scatter [tilespmem:s15], [sflag:$0x2], $0x3800, $0x38;
	[tilespmem:$0x15000] =	vst v63  }
0x4e1: {  	_ =	swait.ge [sflag:s3], $0x3800  }
0x4e2: {  	[sflag:s3] =	ssyncset.done $0x0  }
0x4e3: {  	[sflag:s3] =	ssyncadd.s32 $0xFFFFC800  }
0x4e4: {  	_ =	swait.ge [sflag:s3], $0x3800  }
0x4e5: {  	[sflag:s3] =	ssyncset.done $0x0  }
0x4e6: {  	s0 =	rddreg [dreg:$0x10];
	[sflag:s3] =	ssyncadd.s32 $0xFFFFC800  }
0x4e7: {  	[tilespmem:s20], [sflag:$0x1] =	stream.linear.gather [hbm4b:s0+s2], $0x3800, $0x38;
	[tilespmem:$0x15000] =	vst v63  }
0x4e8: {  	s1 =	rddreg [dreg:$0x11]  }
0x4e9: {  	[tilespmem:s21], [sflag:$0x1] =	stream.linear.gather [hbm4b:s1+s2], $0x3800, $0x38;
	[tilespmem:$0x15000] =	vst v63  }
0x4ea: {  	_ =	swait.ge [sflag:s9], $0x3800  }
0x4eb: {  	[sflag:s9] =	ssyncset.done $0x0  }
0x4ec: {  	[sflag:s9] =	ssyncadd.s32 $0xFFFFC800  }
0x4ed: {  	_ =	swait.ge [sflag:s9], $0x3800  }
0x4ee: {  	[sflag:s9] =	ssyncset.done $0x0  }
0x4ef: {  	s0 =	rddreg [dreg:$0x12];
	[sflag:s9] =	ssyncadd.s32 $0xFFFFC800  }
0x4f0: {  	[hbm4b:s0+s2] =	stream.linear.scatter [tilespmem:s2], [sflag:$0x2], $0x3800, $0x38;
	[tilespmem:$0x15000] =	vst v63  }
0x4f1: {  	s1 =	rddreg [dreg:$0x13]  }
0x4f2: {  	[hbm4b:s1+s2] =	stream.linear.scatter [tilespmem:s6], [sflag:$0x2], $0x3800, $0x38;
	[tilespmem:$0x15000] =	vst v63  }
0x4f3: {  	_ =	swait.ge [sflag:s3], $0x3800  }
0x4f4: {  	[sflag:s3] =	ssyncset.done $0x0  }
0x4f5: {  	[sflag:s3] =	ssyncadd.s32 $0xFFFFC800  }
0x4f6: {  	_ =	swait.ge [sflag:s3], $0x3800  }
0x4f7: {  	[sflag:s3] =	ssyncset.done $0x0  }
0x4f8: {  	s0 =	rddreg [dreg:$0x14];
	[sflag:s3] =	ssyncadd.s32 $0xFFFFC800  }
0x4f9: {  	[tilespmem:s14], [sflag:$0x1] =	stream.linear.gather [hbm4b:s0+s2], $0x3800, $0x38;
	[tilespmem:$0x15000] =	vst v63  }
0x4fa: {  	s1 =	rddreg [dreg:$0x15]  }
0x4fb: {  	[tilespmem:s15], [sflag:$0x1] =	stream.linear.gather [hbm4b:s1+s2], $0x3800, $0x38;
	[tilespmem:$0x15000] =	vst v63  }
0x4fc: {  	_ =	swait.ge [sflag:s9], $0x3800  }
0x4fd: {  	[sflag:s9] =	ssyncset.done $0x0  }
0x4fe: {  	[sflag:s9] =	ssyncadd.s32 $0xFFFFC800  }
0x4ff: {  	_ =	swait.ge [sflag:s9], $0x3800  }
0x500: {  	[sflag:s9] =	ssyncset.done $0x0  }
0x501: {  	s0 =	rddreg [dreg:$0x16];
	[sflag:s9] =	ssyncadd.s32 $0xFFFFC800  }
0x502: {  	[hbm4b:s0+s2] =	stream.linear.scatter [tilespmem:s20], [sflag:$0x2], $0x3800, $0x38;
	[tilespmem:$0x15000] =	vst v63  }
0x503: {  	s1 =	rddreg [dreg:$0x17]  }
0x504: {  	[hbm4b:s1+s2] =	stream.linear.scatter [tilespmem:s21], [sflag:$0x2], $0x3800, $0x38;
	[tilespmem:$0x15000] =	vst v63  }
0x505: {  	_ =	swait.ge [sflag:s3], $0x3800  }
0x506: {  	[sflag:s3] =	ssyncset.done $0x0  }
0x507: {  	[sflag:s3] =	ssyncadd.s32 $0xFFFFC800  }
0x508: {  	_ =	swait.ge [sflag:s3], $0x3800  }
0x509: {  	[sflag:s3] =	ssyncset.done $0x0  }
0x50a: {  	s0 =	rddreg [dreg:$0x18];
	[sflag:s3] =	ssyncadd.s32 $0xFFFFC800  }
0x50b: {  	[tilespmem:s2], [sflag:$0x1] =	stream.linear.gather [hbm4b:s0+s2], $0x3800, $0x38;
	[tilespmem:$0x15000] =	vst v63  }
0x50c: {  	s1 =	rddreg [dreg:$0x19]  }
0x50d: {  	[tilespmem:s6], [sflag:$0x1] =	stream.linear.gather [hbm4b:s1+s2], $0x3800, $0x38;
	[tilespmem:$0x15000] =	vst v63  }
0x50e: {  	_ =	swait.ge [sflag:s9], $0x3800  }
0x50f: {  	[sflag:s9] =	ssyncset.done $0x0  }
0x510: {  	[sflag:s9] =	ssyncadd.s32 $0xFFFFC800  }
0x511: {  	_ =	swait.ge [sflag:s9], $0x3800  }
0x512: {  	[sflag:s9] =	ssyncset.done $0x0  }
0x513: {  	s0 =	rddreg [dreg:$0x1a];
	[sflag:s9] =	ssyncadd.s32 $0xFFFFC800  }
0x514: {  	[hbm4b:s0+s2] =	stream.linear.scatter [tilespmem:s14], [sflag:$0x2], $0x3800, $0x38;
	[tilespmem:$0x15000] =	vst v63  }
0x515: {  	s1 =	rddreg [dreg:$0x1b]  }
0x516: {  	[hbm4b:s1+s2] =	stream.linear.scatter [tilespmem:s15], [sflag:$0x2], $0x3800, $0x38;
	[tilespmem:$0x15000] =	vst v63  }
0x517: {  	_ =	swait.ge [sflag:s3], $0x3800  }
0x518: {  	[sflag:s3] =	ssyncset.done $0x0  }
0x519: {  	[sflag:s3] =	ssyncadd.s32 $0xFFFFC800  }
0x51a: {  	_ =	swait.ge [sflag:s3], $0x3800  }
0x51b: {  	[sflag:s3] =	ssyncset.done $0x0  }
0x51c: {  	s0 =	rddreg [dreg:$0x1c];
	[sflag:s3] =	ssyncadd.s32 $0xFFFFC800  }
0x51d: {  	[tilespmem:s20], [sflag:$0x1] =	stream.linear.gather [hbm4b:s0+s2], $0x3800, $0x38;
	[tilespmem:$0x15000] =	vst v63  }
0x51e: {  	s1 =	rddreg [dreg:$0x1d]  }
0x51f: {  	[tilespmem:s21], [sflag:$0x1] =	stream.linear.gather [hbm4b:s1+s2], $0x3800, $0x38;
	[tilespmem:$0x15000] =	vst v63  }
0x520: {  	_ =	swait.ge [sflag:s9], $0x3800  }
0x521: {  	[sflag:s9] =	ssyncset.done $0x0  }
0x522: {  	[sflag:s9] =	ssyncadd.s32 $0xFFFFC800  }
0x523: {  	_ =	swait.ge [sflag:s9], $0x3800  }
0x524: {  	[sflag:s9] =	ssyncset.done $0x0  }
0x525: {  	s0 =	rddreg [dreg:$0x1e];
	[sflag:s9] =	ssyncadd.s32 $0xFFFFC800  }
0x526: {  	[hbm4b:s0+s2] =	stream.linear.scatter [tilespmem:s2], [sflag:$0x2], $0x3800, $0x38;
	[tilespmem:$0x15000] =	vst v63  }
0x527: {  	s1 =	rddreg [dreg:$0x1f]  }
0x528: {  	[hbm4b:s1+s2] =	stream.linear.scatter [tilespmem:s6], [sflag:$0x2], $0x3800, $0x38;
	[tilespmem:$0x15000] =	vst v63  }
0x529: {  	_ =	swait.ge [sflag:s3], $0x3800  }
0x52a: {  	[sflag:s3] =	ssyncset.done $0x0  }
0x52b: {  	[sflag:s3] =	ssyncadd.s32 $0xFFFFC800  }
0x52c: {  	_ =	swait.ge [sflag:s3], $0x3800  }
0x52d: {  	s0 =	sld [smem:$0x7C1]  }
0x52e: {  	[sflag:s3] =	ssyncset.done $0x0  }
0x52f: {  	s1 =	sld [smem:$0x7C2];
	[sflag:s3] =	ssyncadd.s32 $0xFFFFC800  }
0x530: {  	[tilespmem:s14], [sflag:$0x1] =	stream.linear.gather [hbm4b:s0+s2], $0x3800, $0x38;
	[tilespmem:$0x15000] =	vst v63  }
0x531: {  	_ = 	snop  }
0x532: {  	[tilespmem:s15], [sflag:$0x1] =	stream.linear.gather [hbm4b:s1+s2], $0x3800, $0x38;
	[tilespmem:$0x15000] =	vst v63  }
0x533: {  	_ =	swait.ge [sflag:s9], $0x3800  }
0x534: {  	[sflag:s9] =	ssyncset.done $0x0  }
0x535: {  	[sflag:s9] =	ssyncadd.s32 $0xFFFFC800  }
0x536: {  	_ =	swait.ge [sflag:s9], $0x3800  }
0x537: {  	s0 =	sld [smem:$0x7C3]  }
0x538: {  	[sflag:s9] =	ssyncset.done $0x0  }
0x539: {  	s1 =	sld [smem:$0x7C4];
	[sflag:s9] =	ssyncadd.s32 $0xFFFFC800  }
0x53a: {  	[hbm4b:s0+s2] =	stream.linear.scatter [tilespmem:s20], [sflag:$0x2], $0x3800, $0x38;
	[tilespmem:$0x15000] =	vst v63  }
0x53b: {  	_ = 	snop  }
0x53c: {  	[hbm4b:s1+s2] =	stream.linear.scatter [tilespmem:s21], [sflag:$0x2], $0x3800, $0x38;
	[tilespmem:$0x15000] =	vst v63  }
0x53d: {  	_ =	swait.ge [sflag:s3], $0x3800  }
0x53e: {  	[sflag:s3] =	ssyncset.done $0x0  }
0x53f: {  	[sflag:s3] =	ssyncadd.s32 $0xFFFFC800  }
0x540: {  	_ =	swait.ge [sflag:s3], $0x3800  }
0x541: {  	s0 =	sld [smem:$0x7C5]  }
0x542: {  	[sflag:s3] =	ssyncset.done $0x0  }
0x543: {  	s1 =	sld [smem:$0x7C6];
	[sflag:s3] =	ssyncadd.s32 $0xFFFFC800  }
0x544: {  	[tilespmem:s2], [sflag:$0x1] =	stream.linear.gather [hbm4b:s0+s2], $0x3800, $0x38;
	[tilespmem:$0x15000] =	vst v63  }
0x545: {  	_ = 	snop  }
0x546: {  	[tilespmem:s6], [sflag:$0x1] =	stream.linear.gather [hbm4b:s1+s2], $0x3800, $0x38;
	[tilespmem:$0x15000] =	vst v63  }
0x547: {  	_ =	swait.ge [sflag:s9], $0x3800  }
0x548: {  	[sflag:s9] =	ssyncset.done $0x0  }
0x549: {  	[sflag:s9] =	ssyncadd.s32 $0xFFFFC800  }
0x54a: {  	_ =	swait.ge [sflag:s9], $0x3800  }
0x54b: {  	s0 =	sld [smem:$0x7C7]  }
0x54c: {  	[sflag:s9] =	ssyncset.done $0x0  }
0x54d: {  	s1 =	sld [smem:$0x7C8];
	[sflag:s9] =	ssyncadd.s32 $0xFFFFC800  }
0x54e: {  	[hbm4b:s0+s2] =	stream.linear.scatter [tilespmem:s14], [sflag:$0x2], $0x3800, $0x38;
	[tilespmem:$0x15000] =	vst v63  }
0x54f: {  	_ = 	snop  }
0x550: {  	[hbm4b:s1+s2] =	stream.linear.scatter [tilespmem:s15], [sflag:$0x2], $0x3800, $0x38;
	[tilespmem:$0x15000] =	vst v63  }
0x551: {  	_ =	swait.ge [sflag:s3], $0x3800  }
0x552: {  	[sflag:s3] =	ssyncset.done $0x0  }
0x553: {  	[sflag:s3] =	ssyncadd.s32 $0xFFFFC800  }
0x554: {  	_ =	swait.ge [sflag:s3], $0x3800  }
0x555: {  	s0 =	sld [smem:$0x7C9]  }
0x556: {  	[sflag:s3] =	ssyncset.done $0x0  }
0x557: {  	s1 =	sld [smem:$0x7CA];
	[sflag:s3] =	ssyncadd.s32 $0xFFFFC800  }
0x558: {  	[tilespmem:s20], [sflag:$0x1] =	stream.linear.gather [hbm4b:s0+s2], $0x3800, $0x38;
	[tilespmem:$0x15000] =	vst v63  }
0x559: {  	_ = 	snop  }
0x55a: {  	[tilespmem:s21], [sflag:$0x1] =	stream.linear.gather [hbm4b:s1+s2], $0x3800, $0x38;
	[tilespmem:$0x15000] =	vst v63  }
0x55b: {  	_ =	swait.ge [sflag:s9], $0x3800  }
0x55c: {  	[sflag:s9] =	ssyncset.done $0x0  }
0x55d: {  	[sflag:s9] =	ssyncadd.s32 $0xFFFFC800  }
0x55e: {  	_ =	swait.ge [sflag:s9], $0x3800  }
0x55f: {  	s0 =	sld [smem:$0x7CB]  }
0x560: {  	[sflag:s9] =	ssyncset.done $0x0  }
0x561: {  	s1 =	sld [smem:$0x7CC];
	[sflag:s9] =	ssyncadd.s32 $0xFFFFC800  }
0x562: {  	[hbm4b:s0+s2] =	stream.linear.scatter [tilespmem:s2], [sflag:$0x2], $0x3800, $0x38;
	[tilespmem:$0x15000] =	vst v63  }
0x563: {  	_ = 	snop  }
0x564: {  	[hbm4b:s1+s2] =	stream.linear.scatter [tilespmem:s6], [sflag:$0x2], $0x3800, $0x38;
	[tilespmem:$0x15000] =	vst v63  }
0x565: {  	_ =	swait.ge [sflag:s3], $0x3800  }
0x566: {  	[sflag:s3] =	ssyncset.done $0x0  }
0x567: {  	[sflag:s3] =	ssyncadd.s32 $0xFFFFC800  }
0x568: {  	_ =	swait.ge [sflag:s3], $0x3800  }
0x569: {  	s0 =	sld [smem:$0x7CD]  }
0x56a: {  	[sflag:s3] =	ssyncset.done $0x0  }
0x56b: {  	s1 =	sld [smem:$0x7CE];
	[sflag:s3] =	ssyncadd.s32 $0xFFFFC800  }
0x56c: {  	[tilespmem:s14], [sflag:$0x1] =	stream.linear.gather [hbm4b:s0+s2], $0x3800, $0x38;
	[tilespmem:$0x15000] =	vst v63  }
0x56d: {  	_ = 	snop  }
0x56e: {  	[tilespmem:s15], [sflag:$0x1] =	stream.linear.gather [hbm4b:s1+s2], $0x3800, $0x38;
	[tilespmem:$0x15000] =	vst v63  }
0x56f: {  	_ =	swait.ge [sflag:s9], $0x3800  }
0x570: {  	[sflag:s9] =	ssyncset.done $0x0  }
0x571: {  	[sflag:s9] =	ssyncadd.s32 $0xFFFFC800  }
0x572: {  	_ =	swait.ge [sflag:s9], $0x3800  }
0x573: {  	s0 =	sld [smem:$0x7CF]  }
0x574: {  	[sflag:s9] =	ssyncset.done $0x0  }
0x575: {  	s1 =	sld [smem:$0x7D0];
	[sflag:s9] =	ssyncadd.s32 $0xFFFFC800  }
0x576: {  	[hbm4b:s0+s2] =	stream.linear.scatter [tilespmem:s20], [sflag:$0x2], $0x3800, $0x38;
	[tilespmem:$0x15000] =	vst v63  }
0x577: {  	_ = 	snop  }
0x578: {  	[hbm4b:s1+s2] =	stream.linear.scatter [tilespmem:s21], [sflag:$0x2], $0x3800, $0x38;
	[tilespmem:$0x15000] =	vst v63  }
0x579: {  	_ =	swait.ge [sflag:s3], $0x3800  }
0x57a: {  	[sflag:s3] =	ssyncset.done $0x0  }
0x57b: {  	[sflag:s3] =	ssyncadd.s32 $0xFFFFC800  }
0x57c: {  	_ =	swait.ge [sflag:s3], $0x3800  }
0x57d: {  	s0 =	sld [smem:$0x7D1]  }
0x57e: {  	[sflag:s3] =	ssyncset.done $0x0  }
0x57f: {  	s1 =	sld [smem:$0x7D2];
	[sflag:s3] =	ssyncadd.s32 $0xFFFFC800  }
0x580: {  	[tilespmem:s2], [sflag:$0x1] =	stream.linear.gather [hbm4b:s0+s2], $0x3800, $0x38;
	[tilespmem:$0x15000] =	vst v63  }
0x581: {  	_ = 	snop  }
0x582: {  	[tilespmem:s6], [sflag:$0x1] =	stream.linear.gather [hbm4b:s1+s2], $0x3800, $0x38;
	[tilespmem:$0x15000] =	vst v63  }
0x583: {  	_ =	swait.ge [sflag:s9], $0x3800  }
0x584: {  	[sflag:s9] =	ssyncset.done $0x0  }
0x585: {  	[sflag:s9] =	ssyncadd.s32 $0xFFFFC800  }
0x586: {  	_ =	swait.ge [sflag:s9], $0x3800  }
0x587: {  	s0 =	sld [smem:$0x7D3]  }
0x588: {  	[sflag:s9] =	ssyncset.done $0x0  }
0x589: {  	s1 =	sld [smem:$0x7D4];
	[sflag:s9] =	ssyncadd.s32 $0xFFFFC800  }
0x58a: {  	[hbm4b:s0+s2] =	stream.linear.scatter [tilespmem:s14], [sflag:$0x2], $0x3800, $0x38;
	[tilespmem:$0x15000] =	vst v63  }
0x58b: {  	_ = 	snop  }
0x58c: {  	[hbm4b:s1+s2] =	stream.linear.scatter [tilespmem:s15], [sflag:$0x2], $0x3800, $0x38;
	[tilespmem:$0x15000] =	vst v63  }
0x58d: {  	_ =	swait.ge [sflag:s3], $0x3800  }
0x58e: {  	[sflag:s3] =	ssyncset.done $0x0  }
0x58f: {  	[sflag:s3] =	ssyncadd.s32 $0xFFFFC800  }
0x590: {  	_ =	swait.ge [sflag:s3], $0x3800  }
0x591: {  	s0 =	sld [smem:$0x7D5]  }
0x592: {  	[sflag:s3] =	ssyncset.done $0x0  }
0x593: {  	s1 =	sld [smem:$0x7D6];
	[sflag:s3] =	ssyncadd.s32 $0xFFFFC800  }
0x594: {  	[tilespmem:s20], [sflag:$0x1] =	stream.linear.gather [hbm4b:s0+s2], $0x3800, $0x38;
	[tilespmem:$0x15000] =	vst v63  }
0x595: {  	_ = 	snop  }
0x596: {  	[tilespmem:s21], [sflag:$0x1] =	stream.linear.gather [hbm4b:s1+s2], $0x3800, $0x38;
	[tilespmem:$0x15000] =	vst v63  }
0x597: {  	_ =	swait.ge [sflag:s9], $0x3800  }
0x598: {  	[sflag:s9] =	ssyncset.done $0x0  }
0x599: {  	[sflag:s9] =	ssyncadd.s32 $0xFFFFC800  }
0x59a: {  	_ =	swait.ge [sflag:s9], $0x3800  }
0x59b: {  	s0 =	sld [smem:$0x7D7]  }
0x59c: {  	[sflag:s9] =	ssyncset.done $0x0  }
0x59d: {  	s1 =	sld [smem:$0x7D8];
	[sflag:s9] =	ssyncadd.s32 $0xFFFFC800  }
0x59e: {  	[hbm4b:s0+s2] =	stream.linear.scatter [tilespmem:s2], [sflag:$0x2], $0x3800, $0x38;
	[tilespmem:$0x15000] =	vst v63  }
0x59f: {  	_ = 	snop  }
0x5a0: {  	[hbm4b:s1+s2] =	stream.linear.scatter [tilespmem:s6], [sflag:$0x2], $0x3800, $0x38;
	[tilespmem:$0x15000] =	vst v63  }
0x5a1: {  	_ =	swait.ge [sflag:s3], $0x3800  }
0x5a2: {  	[sflag:s3] =	ssyncset.done $0x0  }
0x5a3: {  	[sflag:s3] =	ssyncadd.s32 $0xFFFFC800  }
0x5a4: {  	_ =	swait.ge [sflag:s3], $0x3800  }
0x5a5: {  	s0 =	sld [smem:$0x7D9]  }
0x5a6: {  	[sflag:s3] =	ssyncset.done $0x0  }
0x5a7: {  	s1 =	sld [smem:$0x7DA];
	[sflag:s3] =	ssyncadd.s32 $0xFFFFC800  }
0x5a8: {  	[tilespmem:s14], [sflag:$0x1] =	stream.linear.gather [hbm4b:s0+s2], $0x3800, $0x38;
	[tilespmem:$0x15000] =	vst v63  }
0x5a9: {  	_ = 	snop  }
0x5aa: {  	[tilespmem:s15], [sflag:$0x1] =	stream.linear.gather [hbm4b:s1+s2], $0x3800, $0x38;
	[tilespmem:$0x15000] =	vst v63  }
0x5ab: {  	_ =	swait.ge [sflag:s9], $0x3800  }
0x5ac: {  	[sflag:s9] =	ssyncset.done $0x0  }
0x5ad: {  	[sflag:s9] =	ssyncadd.s32 $0xFFFFC800  }
0x5ae: {  	_ =	swait.ge [sflag:s9], $0x3800  }
0x5af: {  	s0 =	sld [smem:$0x7DB]  }
0x5b0: {  	[sflag:s9] =	ssyncset.done $0x0  }
0x5b1: {  	s1 =	sld [smem:$0x7DC];
	[sflag:s9] =	ssyncadd.s32 $0xFFFFC800  }
0x5b2: {  	[hbm4b:s0+s2] =	stream.linear.scatter [tilespmem:s20], [sflag:$0x2], $0x3800, $0x38;
	[tilespmem:$0x15000] =	vst v63  }
0x5b3: {  	_ = 	snop  }
0x5b4: {  	[hbm4b:s1+s2] =	stream.linear.scatter [tilespmem:s21], [sflag:$0x2], $0x3800, $0x38;
	[tilespmem:$0x15000] =	vst v63  }
0x5b5: {  	_ =	swait.ge [sflag:s3], $0x3800  }
0x5b6: {  	[sflag:s3] =	ssyncset.done $0x0  }
0x5b7: {  	[sflag:s3] =	ssyncadd.s32 $0xFFFFC800  }
0x5b8: {  	_ =	swait.ge [sflag:s3], $0x3800  }
0x5b9: {  	s0 =	sld [smem:$0x7DD]  }
0x5ba: {  	[sflag:s3] =	ssyncset.done $0x0  }
0x5bb: {  	s1 =	sld [smem:$0x7DE];
	[sflag:s3] =	ssyncadd.s32 $0xFFFFC800  }
0x5bc: {  	[tilespmem:s2], [sflag:$0x1] =	stream.linear.gather [hbm4b:s0+s2], $0x3800, $0x38;
	[tilespmem:$0x15000] =	vst v63  }
0x5bd: {  	_ = 	snop  }
0x5be: {  	[tilespmem:s6], [sflag:$0x1] =	stream.linear.gather [hbm4b:s1+s2], $0x3800, $0x38;
	[tilespmem:$0x15000] =	vst v63  }
0x5bf: {  	_ =	swait.ge [sflag:s9], $0x3800  }
0x5c0: {  	[sflag:s9] =	ssyncset.done $0x0  }
0x5c1: {  	[sflag:s9] =	ssyncadd.s32 $0xFFFFC800  }
0x5c2: {  	_ =	swait.ge [sflag:s9], $0x3800  }
0x5c3: {  	s0 =	sld [smem:$0x7DF]  }
0x5c4: {  	[sflag:s9] =	ssyncset.done $0x0  }
0x5c5: {  	s1 =	sld [smem:$0x7E0];
	[sflag:s9] =	ssyncadd.s32 $0xFFFFC800  }
0x5c6: {  	[hbm4b:s0+s2] =	stream.linear.scatter [tilespmem:s14], [sflag:$0x2], $0x3800, $0x38;
	[tilespmem:$0x15000] =	vst v63  }
0x5c7: {  	_ = 	snop  }
0x5c8: {  	[hbm4b:s1+s2] =	stream.linear.scatter [tilespmem:s15], [sflag:$0x2], $0x3800, $0x38;
	[tilespmem:$0x15000] =	vst v63  }
0x5c9: {  	_ =	swait.ge [sflag:s3], $0x3800  }
0x5ca: {  	[sflag:s3] =	ssyncset.done $0x0  }
0x5cb: {  	[sflag:s3] =	ssyncadd.s32 $0xFFFFC800  }
0x5cc: {  	_ =	swait.ge [sflag:s3], $0x3800  }
0x5cd: {  	s0 =	sld [smem:$0x7E1]  }
0x5ce: {  	[sflag:s3] =	ssyncset.done $0x0  }
0x5cf: {  	s1 =	sld [smem:$0x7E2];
	[sflag:s3] =	ssyncadd.s32 $0xFFFFC800  }
0x5d0: {  	[tilespmem:s20], [sflag:$0x1] =	stream.linear.gather [hbm4b:s0+s2], $0x3800, $0x38;
	[tilespmem:$0x15000] =	vst v63  }
0x5d1: {  	_ = 	snop  }
0x5d2: {  	[tilespmem:s21], [sflag:$0x1] =	stream.linear.gather [hbm4b:s1+s2], $0x3800, $0x38;
	[tilespmem:$0x15000] =	vst v63  }
0x5d3: {  	_ =	swait.ge [sflag:s9], $0x3800  }
0x5d4: {  	[sflag:s9] =	ssyncset.done $0x0  }
0x5d5: {  	[sflag:s9] =	ssyncadd.s32 $0xFFFFC800  }
0x5d6: {  	_ =	swait.ge [sflag:s9], $0x3800  }
0x5d7: {  	s0 =	sld [smem:$0x7E3]  }
0x5d8: {  	[sflag:s9] =	ssyncset.done $0x0  }
0x5d9: {  	s1 =	sld [smem:$0x7E4];
	[sflag:s9] =	ssyncadd.s32 $0xFFFFC800  }
0x5da: {  	[hbm4b:s0+s2] =	stream.linear.scatter [tilespmem:s2], [sflag:$0x2], $0x3800, $0x38;
	[tilespmem:$0x15000] =	vst v63  }
0x5db: {  	_ = 	snop  }
0x5dc: {  	[hbm4b:s1+s2] =	stream.linear.scatter [tilespmem:s6], [sflag:$0x2], $0x3800, $0x38;
	[tilespmem:$0x15000] =	vst v63  }
0x5dd: {  	_ =	swait.ge [sflag:s3], $0x3800  }
0x5de: {  	[sflag:s3] =	ssyncset.done $0x0  }
0x5df: {  	[sflag:s3] =	ssyncadd.s32 $0xFFFFC800  }
0x5e0: {  	_ =	swait.ge [sflag:s3], $0x3800  }
0x5e1: {  	s0 =	sld [smem:$0x7E5]  }
0x5e2: {  	[sflag:s3] =	ssyncset.done $0x0  }
0x5e3: {  	s1 =	sld [smem:$0x7E6];
	[sflag:s3] =	ssyncadd.s32 $0xFFFFC800  }
0x5e4: {  	[tilespmem:s14], [sflag:$0x1] =	stream.linear.gather [hbm4b:s0+s2], $0x3800, $0x38;
	[tilespmem:$0x15000] =	vst v63  }
0x5e5: {  	_ = 	snop  }
0x5e6: {  	[tilespmem:s15], [sflag:$0x1] =	stream.linear.gather [hbm4b:s1+s2], $0x3800, $0x38;
	[tilespmem:$0x15000] =	vst v63  }
0x5e7: {  	_ =	swait.ge [sflag:s9], $0x3800  }
0x5e8: {  	[sflag:s9] =	ssyncset.done $0x0  }
0x5e9: {  	[sflag:s9] =	ssyncadd.s32 $0xFFFFC800  }
0x5ea: {  	_ =	swait.ge [sflag:s9], $0x3800  }
0x5eb: {  	s0 =	sld [smem:$0x7E7]  }
0x5ec: {  	[sflag:s9] =	ssyncset.done $0x0  }
0x5ed: {  	s1 =	sld [smem:$0x7E8];
	[sflag:s9] =	ssyncadd.s32 $0xFFFFC800  }
0x5ee: {  	[hbm4b:s0+s2] =	stream.linear.scatter [tilespmem:s20], [sflag:$0x2], $0x3800, $0x38;
	[tilespmem:$0x15000] =	vst v63  }
0x5ef: {  	_ = 	snop  }
0x5f0: {  	[hbm4b:s1+s2] =	stream.linear.scatter [tilespmem:s21], [sflag:$0x2], $0x3800, $0x38;
	[tilespmem:$0x15000] =	vst v63  }
0x5f1: {  	_ =	swait.ge [sflag:s3], $0x3800  }
0x5f2: {  	[sflag:s3] =	ssyncset.done $0x0  }
0x5f3: {  	[sflag:s3] =	ssyncadd.s32 $0xFFFFC800  }
0x5f4: {  	_ =	swait.ge [sflag:s3], $0x3800  }
0x5f5: {  	s0 =	sld [smem:$0x7E9]  }
0x5f6: {  	[sflag:s3] =	ssyncset.done $0x0  }
0x5f7: {  	s1 =	sld [smem:$0x7EA];
	[sflag:s3] =	ssyncadd.s32 $0xFFFFC800  }
0x5f8: {  	[tilespmem:s2], [sflag:$0x1] =	stream.linear.gather [hbm4b:s0+s2], $0x3800, $0x38;
	[tilespmem:$0x15000] =	vst v63  }
0x5f9: {  	_ = 	snop  }
0x5fa: {  	[tilespmem:s6], [sflag:$0x1] =	stream.linear.gather [hbm4b:s1+s2], $0x3800, $0x38;
	[tilespmem:$0x15000] =	vst v63  }
0x5fb: {  	_ =	swait.ge [sflag:s9], $0x3800  }
0x5fc: {  	[sflag:s9] =	ssyncset.done $0x0  }
0x5fd: {  	[sflag:s9] =	ssyncadd.s32 $0xFFFFC800  }
0x5fe: {  	_ =	swait.ge [sflag:s9], $0x3800  }
0x5ff: {  	s0 =	sld [smem:$0x7EB]  }
0x600: {  	[sflag:s9] =	ssyncset.done $0x0  }
0x601: {  	s1 =	sld [smem:$0x7EC];
	[sflag:s9] =	ssyncadd.s32 $0xFFFFC800  }
0x602: {  	[hbm4b:s0+s2] =	stream.linear.scatter [tilespmem:s14], [sflag:$0x2], $0x3800, $0x38;
	[tilespmem:$0x15000] =	vst v63  }
0x603: {  	_ = 	snop  }
0x604: {  	[hbm4b:s1+s2] =	stream.linear.scatter [tilespmem:s15], [sflag:$0x2], $0x3800, $0x38;
	[tilespmem:$0x15000] =	vst v63  }
0x605: {  	_ =	swait.ge [sflag:s3], $0x3800  }
0x606: {  	[sflag:s3] =	ssyncset.done $0x0  }
0x607: {  	[sflag:s3] =	ssyncadd.s32 $0xFFFFC800  }
0x608: {  	_ =	swait.ge [sflag:s3], $0x3800  }
0x609: {  	s0 =	sld [smem:$0x7ED]  }
0x60a: {  	[sflag:s3] =	ssyncset.done $0x0  }
0x60b: {  	s1 =	sld [smem:$0x7EE];
	[sflag:s3] =	ssyncadd.s32 $0xFFFFC800  }
0x60c: {  	[tilespmem:s20], [sflag:$0x1] =	stream.linear.gather [hbm4b:s0+s2], $0x3800, $0x38;
	[tilespmem:$0x15000] =	vst v63  }
0x60d: {  	_ = 	snop  }
0x60e: {  	[tilespmem:s21], [sflag:$0x1] =	stream.linear.gather [hbm4b:s1+s2], $0x3800, $0x38;
	[tilespmem:$0x15000] =	vst v63  }
0x60f: {  	_ =	swait.ge [sflag:s9], $0x3800  }
0x610: {  	[sflag:s9] =	ssyncset.done $0x0  }
0x611: {  	[sflag:s9] =	ssyncadd.s32 $0xFFFFC800  }
0x612: {  	_ =	swait.ge [sflag:s9], $0x3800  }
0x613: {  	s0 =	sld [smem:$0x7EF]  }
0x614: {  	[sflag:s9] =	ssyncset.done $0x0  }
0x615: {  	s1 =	sld [smem:$0x7F0];
	[sflag:s9] =	ssyncadd.s32 $0xFFFFC800  }
0x616: {  	[hbm4b:s0+s2] =	stream.linear.scatter [tilespmem:s2], [sflag:$0x2], $0x3800, $0x38;
	[tilespmem:$0x15000] =	vst v63  }
0x617: {  	_ = 	snop  }
0x618: {  	[hbm4b:s1+s2] =	stream.linear.scatter [tilespmem:s6], [sflag:$0x2], $0x3800, $0x38;
	[tilespmem:$0x15000] =	vst v63  }
0x619: {  	_ =	swait.ge [sflag:s3], $0x3800  }
0x61a: {  	[sflag:s3] =	ssyncset.done $0x0  }
0x61b: {  	[sflag:s3] =	ssyncadd.s32 $0xFFFFC800  }
0x61c: {  	_ =	swait.ge [sflag:s3], $0x3800  }
0x61d: {  	s0 =	sld [smem:$0x7F1]  }
0x61e: {  	[sflag:s3] =	ssyncset.done $0x0  }
0x61f: {  	s1 =	sld [smem:$0x7F2];
	[sflag:s3] =	ssyncadd.s32 $0xFFFFC800  }
0x620: {  	[tilespmem:s14], [sflag:$0x1] =	stream.linear.gather [hbm4b:s0+s2], $0x3800, $0x38;
	[tilespmem:$0x15000] =	vst v63  }
0x621: {  	_ = 	snop  }
0x622: {  	[tilespmem:s15], [sflag:$0x1] =	stream.linear.gather [hbm4b:s1+s2], $0x3800, $0x38;
	[tilespmem:$0x15000] =	vst v63  }
0x623: {  	_ =	swait.ge [sflag:s9], $0x3800  }
0x624: {  	[sflag:s9] =	ssyncset.done $0x0  }
0x625: {  	[sflag:s9] =	ssyncadd.s32 $0xFFFFC800  }
0x626: {  	_ =	swait.ge [sflag:s9], $0x3800  }
0x627: {  	s0 =	sld [smem:$0x7F3]  }
0x628: {  	[sflag:s9] =	ssyncset.done $0x0  }
0x629: {  	s1 =	sld [smem:$0x7F4];
	[sflag:s9] =	ssyncadd.s32 $0xFFFFC800  }
0x62a: {  	[hbm4b:s0+s2] =	stream.linear.scatter [tilespmem:s20], [sflag:$0x2], $0x3800, $0x38;
	[tilespmem:$0x15000] =	vst v63  }
0x62b: {  	_ = 	snop  }
0x62c: {  	[hbm4b:s1+s2] =	stream.linear.scatter [tilespmem:s21], [sflag:$0x2], $0x3800, $0x38;
	[tilespmem:$0x15000] =	vst v63  }
0x62d: {  	_ =	swait.ge [sflag:s3], $0x3800  }
0x62e: {  	[sflag:s3] =	ssyncset.done $0x0  }
0x62f: {  	[sflag:s3] =	ssyncadd.s32 $0xFFFFC800  }
0x630: {  	_ =	swait.ge [sflag:s3], $0x3800  }
0x631: {  	s0 =	sld [smem:$0x7F5]  }
0x632: {  	[sflag:s3] =	ssyncset.done $0x0  }
0x633: {  	s1 =	sld [smem:$0x7F6];
	[sflag:s3] =	ssyncadd.s32 $0xFFFFC800  }
0x634: {  	[tilespmem:s2], [sflag:$0x1] =	stream.linear.gather [hbm4b:s0+s2], $0x3800, $0x38;
	[tilespmem:$0x15000] =	vst v63  }
0x635: {  	_ = 	snop  }
0x636: {  	[tilespmem:s6], [sflag:$0x1] =	stream.linear.gather [hbm4b:s1+s2], $0x3800, $0x38;
	[tilespmem:$0x15000] =	vst v63  }
0x637: {  	_ =	swait.ge [sflag:s9], $0x3800  }
0x638: {  	[sflag:s9] =	ssyncset.done $0x0  }
0x639: {  	[sflag:s9] =	ssyncadd.s32 $0xFFFFC800  }
0x63a: {  	_ =	swait.ge [sflag:s9], $0x3800  }
0x63b: {  	s0 =	sld [smem:$0x7F7]  }
0x63c: {  	[sflag:s9] =	ssyncset.done $0x0  }
0x63d: {  	s1 =	sld [smem:$0x7F8];
	[sflag:s9] =	ssyncadd.s32 $0xFFFFC800  }
0x63e: {  	[hbm4b:s0+s2] =	stream.linear.scatter [tilespmem:s14], [sflag:$0x2], $0x3800, $0x38;
	[tilespmem:$0x15000] =	vst v63  }
0x63f: {  	_ = 	snop  }
0x640: {  	[hbm4b:s1+s2] =	stream.linear.scatter [tilespmem:s15], [sflag:$0x2], $0x3800, $0x38;
	[tilespmem:$0x15000] =	vst v63  }
0x641: {  	_ =	swait.ge [sflag:s3], $0x3800  }
0x642: {  	[sflag:s3] =	ssyncset.done $0x0  }
0x643: {  	[sflag:s3] =	ssyncadd.s32 $0xFFFFC800  }
0x644: {  	_ =	swait.ge [sflag:s3], $0x3800  }
0x645: {  	s0 =	sld [smem:$0x7F9]  }
0x646: {  	[sflag:s3] =	ssyncset.done $0x0  }
0x647: {  	s1 =	sld [smem:$0x7FA];
	[sflag:s3] =	ssyncadd.s32 $0xFFFFC800  }
0x648: {  	[tilespmem:s20], [sflag:$0x1] =	stream.linear.gather [hbm4b:s0+s2], $0x3800, $0x38;
	[tilespmem:$0x15000] =	vst v63  }
0x649: {  	_ = 	snop  }
0x64a: {  	[tilespmem:s21], [sflag:$0x1] =	stream.linear.gather [hbm4b:s1+s2], $0x3800, $0x38;
	[tilespmem:$0x15000] =	vst v63  }
0x64b: {  	_ =	swait.ge [sflag:s9], $0x3800  }
0x64c: {  	[sflag:s9] =	ssyncset.done $0x0  }
0x64d: {  	[sflag:s9] =	ssyncadd.s32 $0xFFFFC800  }
0x64e: {  	_ =	swait.ge [sflag:s9], $0x3800  }
0x64f: {  	s0 =	sld [smem:$0x7FB]  }
0x650: {  	[sflag:s9] =	ssyncset.done $0x0  }
0x651: {  	s1 =	sld [smem:$0x7FC];
	[sflag:s9] =	ssyncadd.s32 $0xFFFFC800  }
0x652: {  	[hbm4b:s0+s2] =	stream.linear.scatter [tilespmem:s2], [sflag:$0x2], $0x3800, $0x38;
	[tilespmem:$0x15000] =	vst v63  }
0x653: {  	_ = 	snop  }
0x654: {  	[hbm4b:s1+s2] =	stream.linear.scatter [tilespmem:s6], [sflag:$0x2], $0x3800, $0x38;
	[tilespmem:$0x15000] =	vst v63  }
0x655: {  	_ =	swait.ge [sflag:s3], $0x3800  }
0x656: {  	[sflag:s3] =	ssyncset.done $0x0  }
0x657: {  	[sflag:s3] =	ssyncadd.s32 $0xFFFFC800  }
0x658: {  	_ =	swait.ge [sflag:s3], $0x3800  }
0x659: {  	s1 =	sld [smem:$0x7FD]  }
0x65a: {  	[sflag:s3] =	ssyncset.done $0x0  }
0x65b: {  	[sflag:s3] =	ssyncadd.s32 $0xFFFFC800  }
0x65c: {  	[tilespmem:s14], [sflag:$0x1] =	stream.linear.gather [hbm4b:s1+s2], $0x3800, $0x38;
	[tilespmem:$0x15000] =	vst v63  }
0x65d: {  	_ = 	snop  }
0x65e: {  	[tilespmem:s15], [sflag:$0x1] =	stream.linear.gather [hbm4b:s31+s2], $0x3800, $0x38;
	[tilespmem:$0x15000] =	vst v63  }
0x65f: {  	_ =	swait.ge [sflag:s9], $0x3800  }
0x660: {  	[sflag:s9] =	ssyncset.done $0x0  }
0x661: {  	[sflag:s9] =	ssyncadd.s32 $0xFFFFC800  }
0x662: {  	_ =	swait.ge [sflag:s9], $0x3800  }
0x663: {  	[sflag:s9] =	ssyncset.done $0x0  }
0x664: {  	[sflag:s9] =	ssyncadd.s32 $0xFFFFC800  }
0x665: {  	[hbm4b:s29+s2] =	stream.linear.scatter [tilespmem:s20], [sflag:$0x2], $0x3800, $0x38;
	[tilespmem:$0x15000] =	vst v63  }
0x666: {  	_ = 	snop  }
0x667: {  	[hbm4b:s30+s2] =	stream.linear.scatter [tilespmem:s21], [sflag:$0x2], $0x3800, $0x38;
	[tilespmem:$0x15000] =	vst v63  }
0x668: {  	_ =	swait.ge [sflag:s3], $0x3800  }
0x669: {  	[sflag:s3] =	ssyncset.done $0x0  }
0x66a: {  	[sflag:s3] =	ssyncadd.s32 $0xFFFFC800  }
0x66b: {  	_ =	swait.ge [sflag:s3], $0x3800  }
0x66c: {  	[sflag:s3] =	ssyncset.done $0x0  }
0x66d: {  	[sflag:s3] =	ssyncadd.s32 $0xFFFFC800  }
0x66e: {  	[tilespmem:s2], [sflag:$0x1] =	stream.linear.gather [hbm4b:s26+s2], $0x3800, $0x38;
	[tilespmem:$0x15000] =	vst v63  }
0x66f: {  	_ = 	snop  }
0x670: {  	[tilespmem:s6], [sflag:$0x1] =	stream.linear.gather [hbm4b:s28+s2], $0x3800, $0x38;
	[tilespmem:$0x15000] =	vst v63  }
0x671: {  	_ =	swait.ge [sflag:s9], $0x3800  }
0x672: {  	[sflag:s9] =	ssyncset.done $0x0  }
0x673: {  	[sflag:s9] =	ssyncadd.s32 $0xFFFFC800  }
0x674: {  	_ =	swait.ge [sflag:s9], $0x3800  }
0x675: {  	[sflag:s9] =	ssyncset.done $0x0  }
0x676: {  	[sflag:s9] =	ssyncadd.s32 $0xFFFFC800  }
0x677: {  	[hbm4b:s24+s2] =	stream.linear.scatter [tilespmem:s14], [sflag:$0x2], $0x3800, $0x38;
	[tilespmem:$0x15000] =	vst v63  }
0x678: {  	_ = 	snop  }
0x679: {  	[hbm4b:s25+s2] =	stream.linear.scatter [tilespmem:s15], [sflag:$0x2], $0x3800, $0x38;
	[tilespmem:$0x15000] =	vst v63  }
0x67a: {  	_ =	swait.ge [sflag:s3], $0x3800  }
0x67b: {  	[sflag:s3] =	ssyncset.done $0x0  }
0x67c: {  	[sflag:s3] =	ssyncadd.s32 $0xFFFFC800  }
0x67d: {  	_ =	swait.ge [sflag:s3], $0x3800  }
0x67e: {  	[sflag:s3] =	ssyncset.done $0x0  }
0x67f: {  	[sflag:s3] =	ssyncadd.s32 $0xFFFFC800  }
0x680: {  	[tilespmem:s20], [sflag:$0x1] =	stream.linear.gather [hbm4b:s22+s2], $0x3800, $0x38;
	[tilespmem:$0x15000] =	vst v63  }
0x681: {  	_ = 	snop  }
0x682: {  	[tilespmem:s21], [sflag:$0x1] =	stream.linear.gather [hbm4b:s23+s2], $0x3800, $0x38;
	[tilespmem:$0x15000] =	vst v63  }
0x683: {  	_ =	swait.ge [sflag:s9], $0x3800  }
0x684: {  	[sflag:s9] =	ssyncset.done $0x0  }
0x685: {  	[sflag:s9] =	ssyncadd.s32 $0xFFFFC800  }
0x686: {  	_ =	swait.ge [sflag:s9], $0x3800  }
0x687: {  	[sflag:s9] =	ssyncset.done $0x0  }
0x688: {  	[sflag:s9] =	ssyncadd.s32 $0xFFFFC800  }
0x689: {  	[hbm4b:s18+s2] =	stream.linear.scatter [tilespmem:s2], [sflag:$0x2], $0x3800, $0x38;
	[tilespmem:$0x15000] =	vst v63  }
0x68a: {  	_ = 	snop  }
0x68b: {  	[hbm4b:s19+s2] =	stream.linear.scatter [tilespmem:s6], [sflag:$0x2], $0x3800, $0x38;
	[tilespmem:$0x15000] =	vst v63  }
0x68c: {  	_ =	swait.ge [sflag:s3], $0x3800  }
0x68d: {  	[sflag:s3] =	ssyncset.done $0x0  }
0x68e: {  	[sflag:s3] =	ssyncadd.s32 $0xFFFFC800  }
0x68f: {  	_ =	swait.ge [sflag:s3], $0x3800  }
0x690: {  	[sflag:s3] =	ssyncset.done $0x0  }
0x691: {  	[sflag:s3] =	ssyncadd.s32 $0xFFFFC800  }
0x692: {  	[tilespmem:s14], [sflag:$0x1] =	stream.linear.gather [hbm4b:s16+s2], $0x3800, $0x38;
	[tilespmem:$0x15000] =	vst v63  }
0x693: {  	_ = 	snop  }
0x694: {  	[tilespmem:s15], [sflag:$0x1] =	stream.linear.gather [hbm4b:s17+s2], $0x3800, $0x38;
	[tilespmem:$0x15000] =	vst v63  }
0x695: {  	_ =	swait.ge [sflag:s9], $0x3800  }
0x696: {  	[sflag:s9] =	ssyncset.done $0x0  }
0x697: {  	[sflag:s9] =	ssyncadd.s32 $0xFFFFC800  }
0x698: {  	_ =	swait.ge [sflag:s9], $0x3800  }
0x699: {  	[sflag:s9] =	ssyncset.done $0x0  }
0x69a: {  	[sflag:s9] =	ssyncadd.s32 $0xFFFFC800  }
0x69b: {  	[hbm4b:s12+s2] =	stream.linear.scatter [tilespmem:s20], [sflag:$0x2], $0x3800, $0x38;
	[tilespmem:$0x15000] =	vst v63  }
0x69c: {  	_ = 	snop  }
0x69d: {  	[hbm4b:s13+s2] =	stream.linear.scatter [tilespmem:s21], [sflag:$0x2], $0x3800, $0x38;
	[tilespmem:$0x15000] =	vst v63  }
0x69e: {  	_ =	swait.ge [sflag:s3], $0x3800  }
0x69f: {  	[sflag:s3] =	ssyncset.done $0x0  }
0x6a0: {  	[sflag:s3] =	ssyncadd.s32 $0xFFFFC800  }
0x6a1: {  	_ =	swait.ge [sflag:s3], $0x3800  }
0x6a2: {  	[sflag:s3] =	ssyncset.done $0x0  }
0x6a3: {  	[sflag:s3] =	ssyncadd.s32 $0xFFFFC800  }
0x6a4: {  	[tilespmem:s2], [sflag:$0x1] =	stream.linear.gather [hbm4b:s10+s2], $0x3800, $0x38;
	[tilespmem:$0x15000] =	vst v63  }
0x6a5: {  	_ = 	snop  }
0x6a6: {  	[tilespmem:s6], [sflag:$0x1] =	stream.linear.gather [hbm4b:s11+s2], $0x3800, $0x38;
	[tilespmem:$0x15000] =	vst v63  }
0x6a7: {  	_ =	swait.ge [sflag:s9], $0x3800  }
0x6a8: {  	[sflag:s9] =	ssyncset.done $0x0  }
0x6a9: {  	[sflag:s9] =	ssyncadd.s32 $0xFFFFC800  }
0x6aa: {  	_ =	swait.ge [sflag:s9], $0x3800  }
0x6ab: {  	[sflag:s9] =	ssyncset.done $0x0  }
0x6ac: {  	[sflag:s9] =	ssyncadd.s32 $0xFFFFC800  }
0x6ad: {  	[hbm4b:s7+s2] =	stream.linear.scatter [tilespmem:s14], [sflag:$0x2], $0x3800, $0x38;
	[tilespmem:$0x15000] =	vst v63  }
0x6ae: {  	_ = 	snop  }
0x6af: {  	[hbm4b:s8+s2] =	stream.linear.scatter [tilespmem:s15], [sflag:$0x2], $0x3800, $0x38;
	[tilespmem:$0x15000] =	vst v63  }
0x6b0: {  	_ =	swait.ge [sflag:s9], $0x3800  }
0x6b1: {  	[sflag:s9] =	ssyncset.done $0x0  }
0x6b2: {  	[sflag:s9] =	ssyncadd.s32 $0xFFFFC800  }
0x6b3: {  	_ =	swait.ge [sflag:s9], $0x3800  }
0x6b4: {  	[sflag:s9] =	ssyncset.done $0x0  }
0x6b5: {  	[sflag:s9] =	ssyncadd.s32 $0xFFFFC800  }
0x6b6: {  	[hbm4b:s4+s2] =	stream.linear.scatter [tilespmem:s2], [sflag:$0x2], $0x3800, $0x38;
	[tilespmem:$0x15000] =	vst v63  }
0x6b7: {  	_ = 	snop  }
0x6b8: {  	[hbm4b:s5+s2] =	stream.linear.scatter [tilespmem:s6], [sflag:$0x2], $0x3800, $0x38;
	[tilespmem:$0x15000] =	vst v63  }
0x6b9: {  	_ =	swait.ge [sflag:s3], $0x3800  }
0x6ba: {  	[sflag:s3] =	ssyncset.done $0x0  }
0x6bb: {  	[sflag:s3] =	ssyncadd.s32 $0xFFFFC800  }
0x6bc: {  	_ =	swait.ge [sflag:s3], $0x3800  }
0x6bd: {  	[sflag:s3] =	ssyncset.done $0x0  }
0x6be: {  	[sflag:s3] =	ssyncadd.s32 $0xFFFFC800  }
0x6bf: {  	_ =	swait.ge [sflag:s3], $0x3800  }
0x6c0: {  	[sflag:s3] =	ssyncset.done $0x0  }
0x6c1: {  	[sflag:s3] =	ssyncadd.s32 $0xFFFFC800  }
0x6c2: {  	_ =	swait.ge [sflag:s3], $0x3800  }
0x6c3: {  	[sflag:s3] =	ssyncset.done $0x0  }
0x6c4: {  	[sflag:s3] =	ssyncadd.s32 $0xFFFFC800  }
0x6c5: {  	_ =	swait.ge [sflag:s3], $0x3800  }
0x6c6: {  	[sflag:s3] =	ssyncset.done $0x0  }
0x6c7: {  	[sflag:s3] =	ssyncadd.s32 $0xFFFFC800  }
0x6c8: {  	_ =	swait.ge [sflag:s3], $0x3800  }
0x6c9: {  	[sflag:s3] =	ssyncset.done $0x0  }
0x6ca: {  	[sflag:s3] =	ssyncadd.s32 $0xFFFFC800  }
0x6cb: {  	_ =	sfence.sel $0x180000  }
0x6cc: {  	[bflag:$0x0] =	sbarrier.arrive $0xFFFF  }
0x6cd: {  	_ =	strace $0x90000047  }
0x6ce: {  	s31 =	stileid.u32;
	[bflag:$0x2] =	sbarrier.arrive $0xFFFF  }
0x6cf: {  	p0 =	sne.s32 s31, $0x0;
	s0 =	rddreg [dreg:$0x1]  }
0x6d0: {  	s0 =	sadd.s32 @!p0 $0x100000, s0  }
0x6d1: {  	[sflag:s0] =	ssyncadd.tile.s32 @!p0 $0x1;
	_ =	shalt  }
.Lfunc_end2:
_tile_overlayer_lowered:
.L_overlay_start_2:
0x6d2: {  	(tag) =	ssettag $0x2  }
0x6d3: {  	s0 =	rddreg [dreg:$0x0];
	s2 =	stileid.u32  }
0x6d4: {  	s1 =	rddreg [dreg:$0x1];
	p0 =	sne.s32 s2, $0x0  }
0x6d5: {  	s3 =	rddreg [dreg:$0x2];
	[bflag:$0x3] =	sbarrier.arrive $0xFFFF;
	s2 =	simm.s32 @!p0 $0x1C03  }
0x6d6: {  	[timem:s3], [sflag:s2] =	dma.local @!p0 [hbm:s0], s1  }
0x6d7: {  	s0 =	simm.s32 @!p0 $0x3  }
0x6d8: {  	_ =	swait.ge @!p0 [sflag:s0], s1  }
0x6d9: {  	s1 =	ssub.s32 @!p0 $0x0, s1;
	[sflag:s0] =	ssyncset.done @!p0 $0x0  }
0x6da: {  	[sflag:s0] =	ssyncadd.s32 @!p0 s1  }
0x6db: {  	[bflag:$0x3] =	sbarrier.arrive $0xFFFF  }
0x6dc: {  	_ =	shalt  }

</sc_bundles>
